<compile_context>
chip_gen: v7x
topology: tpu7x:2x2x1
jax: 0.10.2.dev20260603
libtpu: 0.0.44.dev20260713+nightly
codegen_flags: <defaults>
</compile_context>

<pallas_src>
import functools
import math

import jax
import jax.numpy as jnp
from jax import lax
from jax.experimental import pallas as pl
from jax.experimental.pallas import tpu as pltpu
from jax.experimental.pallas import tpu_sc as plsc

DMODEL = 64
SCALE = math.sqrt(DMODEL)

_NC = 2
_NS = 16
_NW = _NC * _NS

_LANES = 128
_B0 = 4096
_B1 = 200
_CTILES = _B0 // _LANES
_NBLK = _B1 * _CTILES
_BPW = _NBLK // _NW
_IDX_PER_W = _BPW * _LANES
_NBUF = 2


def _make_lookup():
    mesh = plsc.VectorSubcoreMesh(core_axis_name="c", subcore_axis_name="s")

    @functools.partial(
        pl.kernel,
        out_type=jax.ShapeDtypeStruct((_B1, 8, _CTILES, 8, _LANES),
                                      jnp.float32),
        mesh=mesh,
        scratch_types=(
            [pltpu.VMEM((_IDX_PER_W,), jnp.int32)]
            + [pltpu.VMEM((_LANES, DMODEL), jnp.float32)] * _NBUF
            + [pltpu.VMEM((8, 8, _LANES), jnp.float32)] * _NBUF
            + [pltpu.SemaphoreType.DMA] * (2 * _NBUF)
        ),
        compiler_params=pltpu.CompilerParams(use_tc_tiling_on_sc=False,
                                             needs_layout_passes=False),
    )
    def lookup(idx_hbm, table_hbm, out_hbm, idx_v, *bufs):
        rows = bufs[:_NBUF]
        tbuf = bufs[_NBUF:2 * _NBUF]
        gsem = bufs[2 * _NBUF:3 * _NBUF]
        ssem = bufs[3 * _NBUF:]
        wid = lax.axis_index("s") * _NC + lax.axis_index("c")
        jbase = wid * _BPW
        pltpu.sync_copy(idx_hbm.at[pl.ds(jbase * _LANES, _IDX_PER_W)], idx_v)

        iotas = [lax.iota(jnp.int32, 16) + 16 * k for k in range(8)]

        def start_gather(t, b):
            pltpu.async_copy(
                table_hbm.at[idx_v.at[pl.ds(t * _LANES, _LANES)]],
                rows[b], gsem[b])

        def wait_gather(b):
            pltpu.make_async_copy(
                table_hbm.at[idx_v.at[pl.ds(0, _LANES)]],
                rows[b], gsem[b]).wait()

        def start_store(t, b):
            j = jbase + t
            b1 = j // _CTILES
            c = j % _CTILES
            pltpu.async_copy(tbuf[b], out_hbm.at[b1, :, c], ssem[b])

        def wait_store(b):
            pltpu.make_async_copy(tbuf[b], out_hbm.at[0, :, 0],
                                  ssem[b]).wait()

        def transpose_scale(b):
            rb, tb = rows[b], tbuf[b]

            def body_j(j, carry):
                dloc = (iotas[0] + j) & 15
                s_idx = dloc & 7
                rloc = dloc >> 3
                for m in range(DMODEL // 16):
                    d_vec = dloc + 16 * m
                    r_idx = rloc + 2 * m
                    for k in range(8):
                        v = plsc.load_gather(rb, [iotas[k], d_vec])
                        plsc.store_scatter(tb, [r_idx, s_idx, iotas[k]],
                                           v * SCALE)
                return carry

            lax.fori_loop(0, 16, body_j, 0, unroll=False)

        def step(t, b, wait_st, prefetch):
            wait_gather(b)
            if wait_st:
                wait_store(b)
            transpose_scale(b)
            start_store(t, b)
            if prefetch:
                start_gather(t + _NBUF, b)

        for b in range(_NBUF):
            start_gather(b, b)
        for b in range(_NBUF):
            step(b, b, wait_st=False, prefetch=True)

        def round_body(i, carry):
            for b in range(_NBUF):
                step(_NBUF * i + b, b, wait_st=True, prefetch=True)
            return carry

        lax.fori_loop(1, _BPW // _NBUF - 1, round_body, 0, unroll=False)

        for b in range(_NBUF):
            step(_BPW - _NBUF + b, b, wait_st=True, prefetch=False)
        for b in range(_NBUF):
            wait_store(b)

    return lookup


def kernel(x, table):
    idx = x.T.reshape(-1).astype(jnp.int32)
    out5 = _make_lookup()(idx, table)
    return out5.transpose(2, 4, 0, 1, 3).reshape(_B0, _B1, DMODEL)

# --- scband reference (transcript-rebuilt; emitter-appended) ---
"""Pipeline reference for scband-embeddings-2568390443415 (READ-ONLY COPY).

The authoritative reference and input builder live on the scoring server;
editing this copy changes nothing except your own understanding.
"""

import jax, jax.numpy as jnp
import numpy as np
import math

DMODEL = 64
VOCAB = 1000000

def setup_inputs(seed: int = 0) -> dict:
    key = jax.random.key(seed)
    k1, k2 = jax.random.split(key)
    x = jax.random.randint(k1, (4096, 200), 0, VOCAB, dtype=jnp.int64)
    table = jax.random.normal(k2, (VOCAB, DMODEL), dtype=jnp.float32)
    return {"x": x, "table": table}

def reference(x, table):
    # Embeddings.forward: lut(x) * sqrt(dModel)
    emb = jnp.take(table, x, axis=0)
    return emb * math.sqrt(DMODEL)

if __name__ == "__main__":
    import jax
    _d = setup_inputs()
    print(jax.jit(kernel)(*tuple(_d.values())))

</pallas_src>

<mosaic_0001>
#map = affine_map<(d0, d1) -> (0)>
#map1 = affine_map<(d0, d1) -> (0, 0)>
#map2 = affine_map<(d0, d1) -> (0, 0, 0, 0, 0)>
module attributes {stable_mosaic.version = 14 : i64} {
  func.func @lookup(%arg0: i32, %arg1: i32, %arg2: memref<819200xi32, #tpu.memory_space<hbm>>, %arg3: memref<1000000x64xf32, #tpu.memory_space<hbm>>, %arg4: memref<200x8x32x8x128xf32, #tpu.memory_space<hbm>>, %arg5: memref<25600xi32, #tpu.memory_space<vmem>>, %arg6: memref<128x64xf32, #tpu.memory_space<vmem>>, %arg7: memref<128x64xf32, #tpu.memory_space<vmem>>, %arg8: memref<8x8x128xf32, #tpu.memory_space<vmem>>, %arg9: memref<8x8x128xf32, #tpu.memory_space<vmem>>, %arg10: memref<!tpu.dma_semaphore, #tpu.memory_space<semaphore_mem>>, %arg11: memref<!tpu.dma_semaphore, #tpu.memory_space<semaphore_mem>>, %arg12: memref<!tpu.dma_semaphore, #tpu.memory_space<semaphore_mem>>, %arg13: memref<!tpu.dma_semaphore, #tpu.memory_space<semaphore_mem>>) attributes {dimension_semantics = [#tpu.dimension_semantics<core_parallel>, #tpu.dimension_semantics<subcore_parallel>], iteration_bounds = array<i64: 2, 16>, scalar_prefetch = 0 : i64, scratch_operands = 9 : i64, tpu.core_type = #tpu.core_type<sc_vector_subcore>, window_params = [{transform_indices = #map}, {transform_indices = #map1}, {transform_indices = #map2}]} {
    %mul3A = arith.constant 2 : i32
    %mul3A_0 = arith.muli %arg1, %mul3A : i32
    %add3A = arith.addi %mul3A_0, %arg0 : i32
    %mul3A_1 = arith.constant 200 : i32
    %mul3A_2 = arith.muli %add3A, %mul3A_1 : i32
    %mul3A_3 = arith.constant 128 : i32
    %mul3A_4 = arith.muli %mul3A_2, %mul3A_3 : i32
    "tpu.region"() ({
      %run_scoped3A = tpu.sem_alloc : memref<!tpu.dma_semaphore, #tpu.memory_space<semaphore_mem>>
      %dma_start3A_349 = tpu.memref_slice %arg2[%mul3A_4] : memref<819200xi32, #tpu.memory_space<hbm>> -> memref<25600xi32, #tpu.memory_space<hbm>>
      %dma_start3A_350 = tpu.memref_slice %arg2[%mul3A_4] : memref<819200xi32, #tpu.memory_space<hbm>> -> memref<25600xi32, #tpu.memory_space<hbm>>
      tpu.enqueue_dma source(%dma_start3A_350 : memref<25600xi32, #tpu.memory_space<hbm>>) target(%arg5 : memref<25600xi32, #tpu.memory_space<vmem>>) target_semaphore(%run_scoped3A : memref<!tpu.dma_semaphore, #tpu.memory_space<semaphore_mem>>)
      %dma_wait3A_351 = tpu.memref_slice %arg2[%mul3A_4] : memref<819200xi32, #tpu.memory_space<hbm>> -> memref<25600xi32, #tpu.memory_space<hbm>>
      %dma_wait3A_352 = tpu.memref_slice %arg2[%mul3A_4] : memref<819200xi32, #tpu.memory_space<hbm>> -> memref<25600xi32, #tpu.memory_space<hbm>>
      tpu.wait_dma2 semaphore(%run_scoped3A : memref<!tpu.dma_semaphore, #tpu.memory_space<semaphore_mem>>) src(%dma_wait3A_352 : memref<25600xi32, #tpu.memory_space<hbm>>) dst(%arg5 : memref<25600xi32, #tpu.memory_space<vmem>>)
      tpu.yield
    }) : () -> ()
    %iota3A = tpu.iota {dimensions = array<i32: 0>} : vector<16xi32>
    %add3A_5 = arith.constant 0 : i32
    %add3A_6 = vector.broadcast %add3A_5 : i32 to vector<16xi32>
    %add3A_7 = arith.addi %iota3A, %add3A_6 : vector<16xi32>
    %iota3A_8 = tpu.iota {dimensions = array<i32: 0>} : vector<16xi32>
    %add3A_9 = arith.constant 16 : i32
    %add3A_10 = vector.broadcast %add3A_9 : i32 to vector<16xi32>
    %add3A_11 = arith.addi %iota3A_8, %add3A_10 : vector<16xi32>
    %iota3A_12 = tpu.iota {dimensions = array<i32: 0>} : vector<16xi32>
    %add3A_13 = arith.constant 32 : i32
    %add3A_14 = vector.broadcast %add3A_13 : i32 to vector<16xi32>
    %add3A_15 = arith.addi %iota3A_12, %add3A_14 : vector<16xi32>
    %iota3A_16 = tpu.iota {dimensions = array<i32: 0>} : vector<16xi32>
    %add3A_17 = arith.constant 48 : i32
    %add3A_18 = vector.broadcast %add3A_17 : i32 to vector<16xi32>
    %add3A_19 = arith.addi %iota3A_16, %add3A_18 : vector<16xi32>
    %iota3A_20 = tpu.iota {dimensions = array<i32: 0>} : vector<16xi32>
    %add3A_21 = arith.constant 64 : i32
    %add3A_22 = vector.broadcast %add3A_21 : i32 to vector<16xi32>
    %add3A_23 = arith.addi %iota3A_20, %add3A_22 : vector<16xi32>
    %iota3A_24 = tpu.iota {dimensions = array<i32: 0>} : vector<16xi32>
    %add3A_25 = arith.constant 80 : i32
    %add3A_26 = vector.broadcast %add3A_25 : i32 to vector<16xi32>
    %add3A_27 = arith.addi %iota3A_24, %add3A_26 : vector<16xi32>
    %iota3A_28 = tpu.iota {dimensions = array<i32: 0>} : vector<16xi32>
    %add3A_29 = arith.constant 96 : i32
    %add3A_30 = vector.broadcast %add3A_29 : i32 to vector<16xi32>
    %add3A_31 = arith.addi %iota3A_28, %add3A_30 : vector<16xi32>
    %iota3A_32 = tpu.iota {dimensions = array<i32: 0>} : vector<16xi32>
    %add3A_33 = arith.constant 112 : i32
    %add3A_34 = vector.broadcast %add3A_33 : i32 to vector<16xi32>
    %add3A_35 = arith.addi %iota3A_32, %add3A_34 : vector<16xi32>
    %dma_start3A = arith.constant 0 : i32
    %dma_start3A_36 = tpu.memref_slice %arg5[%dma_start3A] : memref<25600xi32, #tpu.memory_space<vmem>> -> memref<128xi32, #tpu.memory_space<vmem>>
    %dma_start3A_37 = arith.constant 0 : i32
    %dma_start3A_38 = arith.constant 0 : i32
    %dma_start3A_39 = tpu.memref_slice %arg3[%dma_start3A_37, %dma_start3A_38] : memref<1000000x64xf32, #tpu.memory_space<hbm>> -> memref<1000000x64xf32, #tpu.memory_space<hbm>>
    tpu.enqueue_indirect_dma source(%dma_start3A_39 : memref<1000000x64xf32, #tpu.memory_space<hbm>>) target(%arg6 : memref<128x64xf32, #tpu.memory_space<vmem>>) offsets(%dma_start3A_36 : memref<128xi32, #tpu.memory_space<vmem>>) semaphore(%arg10 : memref<!tpu.dma_semaphore, #tpu.memory_space<semaphore_mem>>)
    %dma_start3A_40 = arith.constant 128 : i32
    %dma_start3A_41 = tpu.memref_slice %arg5[%dma_start3A_40] : memref<25600xi32, #tpu.memory_space<vmem>> -> memref<128xi32, #tpu.memory_space<vmem>>
    %dma_start3A_42 = arith.constant 0 : i32
    %dma_start3A_43 = arith.constant 0 : i32
    %dma_start3A_44 = tpu.memref_slice %arg3[%dma_start3A_42, %dma_start3A_43] : memref<1000000x64xf32, #tpu.memory_space<hbm>> -> memref<1000000x64xf32, #tpu.memory_space<hbm>>
    tpu.enqueue_indirect_dma source(%dma_start3A_44 : memref<1000000x64xf32, #tpu.memory_space<hbm>>) target(%arg7 : memref<128x64xf32, #tpu.memory_space<vmem>>) offsets(%dma_start3A_41 : memref<128xi32, #tpu.memory_space<vmem>>) semaphore(%arg11 : memref<!tpu.dma_semaphore, #tpu.memory_space<semaphore_mem>>)
    %dma_wait3A = arith.constant 0 : i32
    %dma_wait3A_45 = tpu.memref_slice %arg5[%dma_wait3A] : memref<25600xi32, #tpu.memory_space<vmem>> -> memref<128xi32, #tpu.memory_space<vmem>>
    %dma_wait3A_46 = arith.constant 0 : i32
    %dma_wait3A_47 = arith.constant 0 : i32
    %dma_wait3A_48 = tpu.memref_slice %arg3[%dma_wait3A_46, %dma_wait3A_47] : memref<1000000x64xf32, #tpu.memory_space<hbm>> -> memref<1000000x64xf32, #tpu.memory_space<hbm>>
    tpu.wait_indirect_dma semaphore(%arg10 : memref<!tpu.dma_semaphore, #tpu.memory_space<semaphore_mem>>) src(%dma_wait3A_48 : memref<1000000x64xf32, #tpu.memory_space<hbm>>) dst(%arg6 : memref<128x64xf32, #tpu.memory_space<vmem>>)
    %scan3A = arith.constant 0 : i32
    %scan3A_49 = arith.constant 0 : i32
    %scan3A_50 = arith.constant 16 : i32
    %scan3A_51 = arith.addi %scan3A_49, %scan3A_50 : i32
    %scan3A_52 = arith.constant 1 : i32
    scf.for %scan3A_349 = %scan3A_49 to %scan3A_51 step %scan3A_52  : i32 {
      %add3A_350 = vector.broadcast %scan3A_349 : i32 to vector<16xi32>
      %add3A_351 = arith.addi %add3A_7, %add3A_350 : vector<16xi32>
      %and3A_352 = arith.constant 15 : i32
      %and3A_353 = vector.broadcast %and3A_352 : i32 to vector<16xi32>
      %and3A_354 = arith.andi %add3A_351, %and3A_353 : vector<16xi32>
      %and3A_355 = arith.constant 7 : i32
      %and3A_356 = vector.broadcast %and3A_355 : i32 to vector<16xi32>
      %and3A_357 = arith.andi %and3A_354, %and3A_356 : vector<16xi32>
      %shift_right_arithmetic3A = arith.constant 3 : i32
      %shift_right_arithmetic3A_358 = vector.broadcast %shift_right_arithmetic3A : i32 to vector<16xi32>
      %shift_right_arithmetic3A_359 = arith.shrsi %and3A_354, %shift_right_arithmetic3A_358 : vector<16xi32>
      %add3A_360 = arith.constant 0 : i32
      %add3A_361 = vector.broadcast %add3A_360 : i32 to vector<16xi32>
      %add3A_362 = arith.addi %and3A_354, %add3A_361 : vector<16xi32>
      %add3A_363 = arith.constant 0 : i32
      %add3A_364 = vector.broadcast %add3A_363 : i32 to vector<16xi32>
      %add3A_365 = arith.addi %shift_right_arithmetic3A_359, %add3A_364 : vector<16xi32>
      %gather3A = tpu.vector_load_idx %arg6[%add3A_7, %add3A_362] : memref<128x64xf32, #tpu.memory_space<vmem>>[vector<16xi32>, vector<16xi32>], vector<16xf32>,
      %mul3A_366 = arith.constant 8.000000e+00 : f32
      %mul3A_367 = vector.broadcast %mul3A_366 : f32 to vector<16xf32>
      %mul3A_368 = arith.mulf %gather3A, %mul3A_367 : vector<16xf32>
      tpu.vector_store_idx %arg8[%add3A_365, %and3A_357, %add3A_7], %mul3A_368 : memref<8x8x128xf32, #tpu.memory_space<vmem>>[vector<16xi32>, vector<16xi32>, vector<16xi32>], vector<16xf32>,
      %gather3A_369 = tpu.vector_load_idx %arg6[%add3A_11, %add3A_362] : memref<128x64xf32, #tpu.memory_space<vmem>>[vector<16xi32>, vector<16xi32>], vector<16xf32>,
      %mul3A_370 = arith.constant 8.000000e+00 : f32
      %mul3A_371 = vector.broadcast %mul3A_370 : f32 to vector<16xf32>
      %mul3A_372 = arith.mulf %gather3A_369, %mul3A_371 : vector<16xf32>
      tpu.vector_store_idx %arg8[%add3A_365, %and3A_357, %add3A_11], %mul3A_372 : memref<8x8x128xf32, #tpu.memory_space<vmem>>[vector<16xi32>, vector<16xi32>, vector<16xi32>], vector<16xf32>,
      %gather3A_373 = tpu.vector_load_idx %arg6[%add3A_15, %add3A_362] : memref<128x64xf32, #tpu.memory_space<vmem>>[vector<16xi32>, vector<16xi32>], vector<16xf32>,
      %mul3A_374 = arith.constant 8.000000e+00 : f32
      %mul3A_375 = vector.broadcast %mul3A_374 : f32 to vector<16xf32>
      %mul3A_376 = arith.mulf %gather3A_373, %mul3A_375 : vector<16xf32>
      tpu.vector_store_idx %arg8[%add3A_365, %and3A_357, %add3A_15], %mul3A_376 : memref<8x8x128xf32, #tpu.memory_space<vmem>>[vector<16xi32>, vector<16xi32>, vector<16xi32>], vector<16xf32>,
      %gather3A_377 = tpu.vector_load_idx %arg6[%add3A_19, %add3A_362] : memref<128x64xf32, #tpu.memory_space<vmem>>[vector<16xi32>, vector<16xi32>], vector<16xf32>,
      %mul3A_378 = arith.constant 8.000000e+00 : f32
      %mul3A_379 = vector.broadcast %mul3A_378 : f32 to vector<16xf32>
      %mul3A_380 = arith.mulf %gather3A_377, %mul3A_379 : vector<16xf32>
      tpu.vector_store_idx %arg8[%add3A_365, %and3A_357, %add3A_19], %mul3A_380 : memref<8x8x128xf32, #tpu.memory_space<vmem>>[vector<16xi32>, vector<16xi32>, vector<16xi32>], vector<16xf32>,
      %gather3A_381 = tpu.vector_load_idx %arg6[%add3A_23, %add3A_362] : memref<128x64xf32, #tpu.memory_space<vmem>>[vector<16xi32>, vector<16xi32>], vector<16xf32>,
      %mul3A_382 = arith.constant 8.000000e+00 : f32
      %mul3A_383 = vector.broadcast %mul3A_382 : f32 to vector<16xf32>
      %mul3A_384 = arith.mulf %gather3A_381, %mul3A_383 : vector<16xf32>
      tpu.vector_store_idx %arg8[%add3A_365, %and3A_357, %add3A_23], %mul3A_384 : memref<8x8x128xf32, #tpu.memory_space<vmem>>[vector<16xi32>, vector<16xi32>, vector<16xi32>], vector<16xf32>,
      %gather3A_385 = tpu.vector_load_idx %arg6[%add3A_27, %add3A_362] : memref<128x64xf32, #tpu.memory_space<vmem>>[vector<16xi32>, vector<16xi32>], vector<16xf32>,
      %mul3A_386 = arith.constant 8.000000e+00 : f32
      %mul3A_387 = vector.broadcast %mul3A_386 : f32 to vector<16xf32>
      %mul3A_388 = arith.mulf %gather3A_385, %mul3A_387 : vector<16xf32>
      tpu.vector_store_idx %arg8[%add3A_365, %and3A_357, %add3A_27], %mul3A_388 : memref<8x8x128xf32, #tpu.memory_space<vmem>>[vector<16xi32>, vector<16xi32>, vector<16xi32>], vector<16xf32>,
      %gather3A_389 = tpu.vector_load_idx %arg6[%add3A_31, %add3A_362] : memref<128x64xf32, #tpu.memory_space<vmem>>[vector<16xi32>, vector<16xi32>], vector<16xf32>,
      %mul3A_390 = arith.constant 8.000000e+00 : f32
      %mul3A_391 = vector.broadcast %mul3A_390 : f32 to vector<16xf32>
      %mul3A_392 = arith.mulf %gather3A_389, %mul3A_391 : vector<16xf32>
      tpu.vector_store_idx %arg8[%add3A_365, %and3A_357, %add3A_31], %mul3A_392 : memref<8x8x128xf32, #tpu.memory_space<vmem>>[vector<16xi32>, vector<16xi32>, vector<16xi32>], vector<16xf32>,
      %gather3A_393 = tpu.vector_load_idx %arg6[%add3A_35, %add3A_362] : memref<128x64xf32, #tpu.memory_space<vmem>>[vector<16xi32>, vector<16xi32>], vector<16xf32>,
      %mul3A_394 = arith.constant 8.000000e+00 : f32
      %mul3A_395 = vector.broadcast %mul3A_394 : f32 to vector<16xf32>
      %mul3A_396 = arith.mulf %gather3A_393, %mul3A_395 : vector<16xf32>
      tpu.vector_store_idx %arg8[%add3A_365, %and3A_357, %add3A_35], %mul3A_396 : memref<8x8x128xf32, #tpu.memory_space<vmem>>[vector<16xi32>, vector<16xi32>, vector<16xi32>], vector<16xf32>,
      %add3A_397 = arith.constant 16 : i32
      %add3A_398 = vector.broadcast %add3A_397 : i32 to vector<16xi32>
      %add3A_399 = arith.addi %and3A_354, %add3A_398 : vector<16xi32>
      %add3A_400 = arith.constant 2 : i32
      %add3A_401 = vector.broadcast %add3A_400 : i32 to vector<16xi32>
      %add3A_402 = arith.addi %shift_right_arithmetic3A_359, %add3A_401 : vector<16xi32>
      %gather3A_403 = tpu.vector_load_idx %arg6[%add3A_7, %add3A_399] : memref<128x64xf32, #tpu.memory_space<vmem>>[vector<16xi32>, vector<16xi32>], vector<16xf32>,
      %mul3A_404 = arith.constant 8.000000e+00 : f32
      %mul3A_405 = vector.broadcast %mul3A_404 : f32 to vector<16xf32>
      %mul3A_406 = arith.mulf %gather3A_403, %mul3A_405 : vector<16xf32>
      tpu.vector_store_idx %arg8[%add3A_402, %and3A_357, %add3A_7], %mul3A_406 : memref<8x8x128xf32, #tpu.memory_space<vmem>>[vector<16xi32>, vector<16xi32>, vector<16xi32>], vector<16xf32>,
      %gather3A_407 = tpu.vector_load_idx %arg6[%add3A_11, %add3A_399] : memref<128x64xf32, #tpu.memory_space<vmem>>[vector<16xi32>, vector<16xi32>], vector<16xf32>,
      %mul3A_408 = arith.constant 8.000000e+00 : f32
      %mul3A_409 = vector.broadcast %mul3A_408 : f32 to vector<16xf32>
      %mul3A_410 = arith.mulf %gather3A_407, %mul3A_409 : vector<16xf32>
      tpu.vector_store_idx %arg8[%add3A_402, %and3A_357, %add3A_11], %mul3A_410 : memref<8x8x128xf32, #tpu.memory_space<vmem>>[vector<16xi32>, vector<16xi32>, vector<16xi32>], vector<16xf32>,
      %gather3A_411 = tpu.vector_load_idx %arg6[%add3A_15, %add3A_399] : memref<128x64xf32, #tpu.memory_space<vmem>>[vector<16xi32>, vector<16xi32>], vector<16xf32>,
      %mul3A_412 = arith.constant 8.000000e+00 : f32
      %mul3A_413 = vector.broadcast %mul3A_412 : f32 to vector<16xf32>
      %mul3A_414 = arith.mulf %gather3A_411, %mul3A_413 : vector<16xf32>
      tpu.vector_store_idx %arg8[%add3A_402, %and3A_357, %add3A_15], %mul3A_414 : memref<8x8x128xf32, #tpu.memory_space<vmem>>[vector<16xi32>, vector<16xi32>, vector<16xi32>], vector<16xf32>,
      %gather3A_415 = tpu.vector_load_idx %arg6[%add3A_19, %add3A_399] : memref<128x64xf32, #tpu.memory_space<vmem>>[vector<16xi32>, vector<16xi32>], vector<16xf32>,
      %mul3A_416 = arith.constant 8.000000e+00 : f32
      %mul3A_417 = vector.broadcast %mul3A_416 : f32 to vector<16xf32>
      %mul3A_418 = arith.mulf %gather3A_415, %mul3A_417 : vector<16xf32>
      tpu.vector_store_idx %arg8[%add3A_402, %and3A_357, %add3A_19], %mul3A_418 : memref<8x8x128xf32, #tpu.memory_space<vmem>>[vector<16xi32>, vector<16xi32>, vector<16xi32>], vector<16xf32>,
      %gather3A_419 = tpu.vector_load_idx %arg6[%add3A_23, %add3A_399] : memref<128x64xf32, #tpu.memory_space<vmem>>[vector<16xi32>, vector<16xi32>], vector<16xf32>,
      %mul3A_420 = arith.constant 8.000000e+00 : f32
      %mul3A_421 = vector.broadcast %mul3A_420 : f32 to vector<16xf32>
      %mul3A_422 = arith.mulf %gather3A_419, %mul3A_421 : vector<16xf32>
      tpu.vector_store_idx %arg8[%add3A_402, %and3A_357, %add3A_23], %mul3A_422 : memref<8x8x128xf32, #tpu.memory_space<vmem>>[vector<16xi32>, vector<16xi32>, vector<16xi32>], vector<16xf32>,
      %gather3A_423 = tpu.vector_load_idx %arg6[%add3A_27, %add3A_399] : memref<128x64xf32, #tpu.memory_space<vmem>>[vector<16xi32>, vector<16xi32>], vector<16xf32>,
      %mul3A_424 = arith.constant 8.000000e+00 : f32
      %mul3A_425 = vector.broadcast %mul3A_424 : f32 to vector<16xf32>
      %mul3A_426 = arith.mulf %gather3A_423, %mul3A_425 : vector<16xf32>
      tpu.vector_store_idx %arg8[%add3A_402, %and3A_357, %add3A_27], %mul3A_426 : memref<8x8x128xf32, #tpu.memory_space<vmem>>[vector<16xi32>, vector<16xi32>, vector<16xi32>], vector<16xf32>,
      %gather3A_427 = tpu.vector_load_idx %arg6[%add3A_31, %add3A_399] : memref<128x64xf32, #tpu.memory_space<vmem>>[vector<16xi32>, vector<16xi32>], vector<16xf32>,
      %mul3A_428 = arith.constant 8.000000e+00 : f32
      %mul3A_429 = vector.broadcast %mul3A_428 : f32 to vector<16xf32>
      %mul3A_430 = arith.mulf %gather3A_427, %mul3A_429 : vector<16xf32>
      tpu.vector_store_idx %arg8[%add3A_402, %and3A_357, %add3A_31], %mul3A_430 : memref<8x8x128xf32, #tpu.memory_space<vmem>>[vector<16xi32>, vector<16xi32>, vector<16xi32>], vector<16xf32>,
      %gather3A_431 = tpu.vector_load_idx %arg6[%add3A_35, %add3A_399] : memref<128x64xf32, #tpu.memory_space<vmem>>[vector<16xi32>, vector<16xi32>], vector<16xf32>,
      %mul3A_432 = arith.constant 8.000000e+00 : f32
      %mul3A_433 = vector.broadcast %mul3A_432 : f32 to vector<16xf32>
      %mul3A_434 = arith.mulf %gather3A_431, %mul3A_433 : vector<16xf32>
      tpu.vector_store_idx %arg8[%add3A_402, %and3A_357, %add3A_35], %mul3A_434 : memref<8x8x128xf32, #tpu.memory_space<vmem>>[vector<16xi32>, vector<16xi32>, vector<16xi32>], vector<16xf32>,
      %add3A_435 = arith.constant 32 : i32
      %add3A_436 = vector.broadcast %add3A_435 : i32 to vector<16xi32>
      %add3A_437 = arith.addi %and3A_354, %add3A_436 : vector<16xi32>
      %add3A_438 = arith.constant 4 : i32
      %add3A_439 = vector.broadcast %add3A_438 : i32 to vector<16xi32>
      %add3A_440 = arith.addi %shift_right_arithmetic3A_359, %add3A_439 : vector<16xi32>
      %gather3A_441 = tpu.vector_load_idx %arg6[%add3A_7, %add3A_437] : memref<128x64xf32, #tpu.memory_space<vmem>>[vector<16xi32>, vector<16xi32>], vector<16xf32>,
      %mul3A_442 = arith.constant 8.000000e+00 : f32
      %mul3A_443 = vector.broadcast %mul3A_442 : f32 to vector<16xf32>
      %mul3A_444 = arith.mulf %gather3A_441, %mul3A_443 : vector<16xf32>
      tpu.vector_store_idx %arg8[%add3A_440, %and3A_357, %add3A_7], %mul3A_444 : memref<8x8x128xf32, #tpu.memory_space<vmem>>[vector<16xi32>, vector<16xi32>, vector<16xi32>], vector<16xf32>,
      %gather3A_445 = tpu.vector_load_idx %arg6[%add3A_11, %add3A_437] : memref<128x64xf32, #tpu.memory_space<vmem>>[vector<16xi32>, vector<16xi32>], vector<16xf32>,
      %mul3A_446 = arith.constant 8.000000e+00 : f32
      %mul3A_447 = vector.broadcast %mul3A_446 : f32 to vector<16xf32>
      %mul3A_448 = arith.mulf %gather3A_445, %mul3A_447 : vector<16xf32>
      tpu.vector_store_idx %arg8[%add3A_440, %and3A_357, %add3A_11], %mul3A_448 : memref<8x8x128xf32, #tpu.memory_space<vmem>>[vector<16xi32>, vector<16xi32>, vector<16xi32>], vector<16xf32>,
      %gather3A_449 = tpu.vector_load_idx %arg6[%add3A_15, %add3A_437] : memref<128x64xf32, #tpu.memory_space<vmem>>[vector<16xi32>, vector<16xi32>], vector<16xf32>,
      %mul3A_450 = arith.constant 8.000000e+00 : f32
      %mul3A_451 = vector.broadcast %mul3A_450 : f32 to vector<16xf32>
      %mul3A_452 = arith.mulf %gather3A_449, %mul3A_451 : vector<16xf32>
      tpu.vector_store_idx %arg8[%add3A_440, %and3A_357, %add3A_15], %mul3A_452 : memref<8x8x128xf32, #tpu.memory_space<vmem>>[vector<16xi32>, vector<16xi32>, vector<16xi32>], vector<16xf32>,
      %gather3A_453 = tpu.vector_load_idx %arg6[%add3A_19, %add3A_437] : memref<128x64xf32, #tpu.memory_space<vmem>>[vector<16xi32>, vector<16xi32>], vector<16xf32>,
      %mul3A_454 = arith.constant 8.000000e+00 : f32
      %mul3A_455 = vector.broadcast %mul3A_454 : f32 to vector<16xf32>
      %mul3A_456 = arith.mulf %gather3A_453, %mul3A_455 : vector<16xf32>
      tpu.vector_store_idx %arg8[%add3A_440, %and3A_357, %add3A_19], %mul3A_456 : memref<8x8x128xf32, #tpu.memory_space<vmem>>[vector<16xi32>, vector<16xi32>, vector<16xi32>], vector<16xf32>,
      %gather3A_457 = tpu.vector_load_idx %arg6[%add3A_23, %add3A_437] : memref<128x64xf32, #tpu.memory_space<vmem>>[vector<16xi32>, vector<16xi32>], vector<16xf32>,
      %mul3A_458 = arith.constant 8.000000e+00 : f32
      %mul3A_459 = vector.broadcast %mul3A_458 : f32 to vector<16xf32>
      %mul3A_460 = arith.mulf %gather3A_457, %mul3A_459 : vector<16xf32>
      tpu.vector_store_idx %arg8[%add3A_440, %and3A_357, %add3A_23], %mul3A_460 : memref<8x8x128xf32, #tpu.memory_space<vmem>>[vector<16xi32>, vector<16xi32>, vector<16xi32>], vector<16xf32>,
      %gather3A_461 = tpu.vector_load_idx %arg6[%add3A_27, %add3A_437] : memref<128x64xf32, #tpu.memory_space<vmem>>[vector<16xi32>, vector<16xi32>], vector<16xf32>,
      %mul3A_462 = arith.constant 8.000000e+00 : f32
      %mul3A_463 = vector.broadcast %mul3A_462 : f32 to vector<16xf32>
      %mul3A_464 = arith.mulf %gather3A_461, %mul3A_463 : vector<16xf32>
      tpu.vector_store_idx %arg8[%add3A_440, %and3A_357, %add3A_27], %mul3A_464 : memref<8x8x128xf32, #tpu.memory_space<vmem>>[vector<16xi32>, vector<16xi32>, vector<16xi32>], vector<16xf32>,
      %gather3A_465 = tpu.vector_load_idx %arg6[%add3A_31, %add3A_437] : memref<128x64xf32, #tpu.memory_space<vmem>>[vector<16xi32>, vector<16xi32>], vector<16xf32>,
      %mul3A_466 = arith.constant 8.000000e+00 : f32
      %mul3A_467 = vector.broadcast %mul3A_466 : f32 to vector<16xf32>
      %mul3A_468 = arith.mulf %gather3A_465, %mul3A_467 : vector<16xf32>
      tpu.vector_store_idx %arg8[%add3A_440, %and3A_357, %add3A_31], %mul3A_468 : memref<8x8x128xf32, #tpu.memory_space<vmem>>[vector<16xi32>, vector<16xi32>, vector<16xi32>], vector<16xf32>,
      %gather3A_469 = tpu.vector_load_idx %arg6[%add3A_35, %add3A_437] : memref<128x64xf32, #tpu.memory_space<vmem>>[vector<16xi32>, vector<16xi32>], vector<16xf32>,
      %mul3A_470 = arith.constant 8.000000e+00 : f32
      %mul3A_471 = vector.broadcast %mul3A_470 : f32 to vector<16xf32>
      %mul3A_472 = arith.mulf %gather3A_469, %mul3A_471 : vector<16xf32>
      tpu.vector_store_idx %arg8[%add3A_440, %and3A_357, %add3A_35], %mul3A_472 : memref<8x8x128xf32, #tpu.memory_space<vmem>>[vector<16xi32>, vector<16xi32>, vector<16xi32>], vector<16xf32>,
      %add3A_473 = arith.constant 48 : i32
      %add3A_474 = vector.broadcast %add3A_473 : i32 to vector<16xi32>
      %add3A_475 = arith.addi %and3A_354, %add3A_474 : vector<16xi32>
      %add3A_476 = arith.constant 6 : i32
      %add3A_477 = vector.broadcast %add3A_476 : i32 to vector<16xi32>
      %add3A_478 = arith.addi %shift_right_arithmetic3A_359, %add3A_477 : vector<16xi32>
      %gather3A_479 = tpu.vector_load_idx %arg6[%add3A_7, %add3A_475] : memref<128x64xf32, #tpu.memory_space<vmem>>[vector<16xi32>, vector<16xi32>], vector<16xf32>,
      %mul3A_480 = arith.constant 8.000000e+00 : f32
      %mul3A_481 = vector.broadcast %mul3A_480 : f32 to vector<16xf32>
      %mul3A_482 = arith.mulf %gather3A_479, %mul3A_481 : vector<16xf32>
      tpu.vector_store_idx %arg8[%add3A_478, %and3A_357, %add3A_7], %mul3A_482 : memref<8x8x128xf32, #tpu.memory_space<vmem>>[vector<16xi32>, vector<16xi32>, vector<16xi32>], vector<16xf32>,
      %gather3A_483 = tpu.vector_load_idx %arg6[%add3A_11, %add3A_475] : memref<128x64xf32, #tpu.memory_space<vmem>>[vector<16xi32>, vector<16xi32>], vector<16xf32>,
      %mul3A_484 = arith.constant 8.000000e+00 : f32
      %mul3A_485 = vector.broadcast %mul3A_484 : f32 to vector<16xf32>
      %mul3A_486 = arith.mulf %gather3A_483, %mul3A_485 : vector<16xf32>
      tpu.vector_store_idx %arg8[%add3A_478, %and3A_357, %add3A_11], %mul3A_486 : memref<8x8x128xf32, #tpu.memory_space<vmem>>[vector<16xi32>, vector<16xi32>, vector<16xi32>], vector<16xf32>,
      %gather3A_487 = tpu.vector_load_idx %arg6[%add3A_15, %add3A_475] : memref<128x64xf32, #tpu.memory_space<vmem>>[vector<16xi32>, vector<16xi32>], vector<16xf32>,
      %mul3A_488 = arith.constant 8.000000e+00 : f32
      %mul3A_489 = vector.broadcast %mul3A_488 : f32 to vector<16xf32>
      %mul3A_490 = arith.mulf %gather3A_487, %mul3A_489 : vector<16xf32>
      tpu.vector_store_idx %arg8[%add3A_478, %and3A_357, %add3A_15], %mul3A_490 : memref<8x8x128xf32, #tpu.memory_space<vmem>>[vector<16xi32>, vector<16xi32>, vector<16xi32>], vector<16xf32>,
      %gather3A_491 = tpu.vector_load_idx %arg6[%add3A_19, %add3A_475] : memref<128x64xf32, #tpu.memory_space<vmem>>[vector<16xi32>, vector<16xi32>], vector<16xf32>,
      %mul3A_492 = arith.constant 8.000000e+00 : f32
      %mul3A_493 = vector.broadcast %mul3A_492 : f32 to vector<16xf32>
      %mul3A_494 = arith.mulf %gather3A_491, %mul3A_493 : vector<16xf32>
      tpu.vector_store_idx %arg8[%add3A_478, %and3A_357, %add3A_19], %mul3A_494 : memref<8x8x128xf32, #tpu.memory_space<vmem>>[vector<16xi32>, vector<16xi32>, vector<16xi32>], vector<16xf32>,
      %gather3A_495 = tpu.vector_load_idx %arg6[%add3A_23, %add3A_475] : memref<128x64xf32, #tpu.memory_space<vmem>>[vector<16xi32>, vector<16xi32>], vector<16xf32>,
      %mul3A_496 = arith.constant 8.000000e+00 : f32
      %mul3A_497 = vector.broadcast %mul3A_496 : f32 to vector<16xf32>
      %mul3A_498 = arith.mulf %gather3A_495, %mul3A_497 : vector<16xf32>
      tpu.vector_store_idx %arg8[%add3A_478, %and3A_357, %add3A_23], %mul3A_498 : memref<8x8x128xf32, #tpu.memory_space<vmem>>[vector<16xi32>, vector<16xi32>, vector<16xi32>], vector<16xf32>,
      %gather3A_499 = tpu.vector_load_idx %arg6[%add3A_27, %add3A_475] : memref<128x64xf32, #tpu.memory_space<vmem>>[vector<16xi32>, vector<16xi32>], vector<16xf32>,
      %mul3A_500 = arith.constant 8.000000e+00 : f32
      %mul3A_501 = vector.broadcast %mul3A_500 : f32 to vector<16xf32>
      %mul3A_502 = arith.mulf %gather3A_499, %mul3A_501 : vector<16xf32>
      tpu.vector_store_idx %arg8[%add3A_478, %and3A_357, %add3A_27], %mul3A_502 : memref<8x8x128xf32, #tpu.memory_space<vmem>>[vector<16xi32>, vector<16xi32>, vector<16xi32>], vector<16xf32>,
      %gather3A_503 = tpu.vector_load_idx %arg6[%add3A_31, %add3A_475] : memref<128x64xf32, #tpu.memory_space<vmem>>[vector<16xi32>, vector<16xi32>], vector<16xf32>,
      %mul3A_504 = arith.constant 8.000000e+00 : f32
      %mul3A_505 = vector.broadcast %mul3A_504 : f32 to vector<16xf32>
      %mul3A_506 = arith.mulf %gather3A_503, %mul3A_505 : vector<16xf32>
      tpu.vector_store_idx %arg8[%add3A_478, %and3A_357, %add3A_31], %mul3A_506 : memref<8x8x128xf32, #tpu.memory_space<vmem>>[vector<16xi32>, vector<16xi32>, vector<16xi32>], vector<16xf32>,
      %gather3A_507 = tpu.vector_load_idx %arg6[%add3A_35, %add3A_475] : memref<128x64xf32, #tpu.memory_space<vmem>>[vector<16xi32>, vector<16xi32>], vector<16xf32>,
      %mul3A_508 = arith.constant 8.000000e+00 : f32
      %mul3A_509 = vector.broadcast %mul3A_508 : f32 to vector<16xf32>
      %mul3A_510 = arith.mulf %gather3A_507, %mul3A_509 : vector<16xf32>
      tpu.vector_store_idx %arg8[%add3A_478, %and3A_357, %add3A_35], %mul3A_510 : memref<8x8x128xf32, #tpu.memory_space<vmem>>[vector<16xi32>, vector<16xi32>, vector<16xi32>], vector<16xf32>,
    }
    %scan3A_53 = arith.constant 16 : i32
    %add3A_54 = arith.constant 0 : i32
    %add3A_55 = arith.addi %mul3A_2, %add3A_54 : i32
    %jit3A = arith.constant 32 : i32
    %div3A = arith.divsi %add3A_55, %jit3A : i32
    %sign3A = arith.constant 0 : i32
    %sign3A_56 = arith.cmpi sgt, %add3A_55, %sign3A : i32
    %sign3A_57 = arith.extui %sign3A_56 : i1 to i32
    %sign3A_58 = arith.constant 0 : i32
    %sign3A_59 = arith.cmpi slt, %add3A_55, %sign3A_58 : i32
    %sign3A_60 = arith.extui %sign3A_59 : i1 to i32
    %sign3A_61 = arith.subi %sign3A_57, %sign3A_60 : i32
    %sign3A_62 = arith.constant 0 : i32
    %sign3A_63 = arith.cmpi sgt, %jit3A, %sign3A_62 : i32
    %sign3A_64 = arith.extui %sign3A_63 : i1 to i32
    %sign3A_65 = arith.constant 0 : i32
    %sign3A_66 = arith.cmpi slt, %jit3A, %sign3A_65 : i32
    %sign3A_67 = arith.extui %sign3A_66 : i1 to i32
    %sign3A_68 = arith.subi %sign3A_64, %sign3A_67 : i32
    %ne3A = arith.cmpi ne, %sign3A_61, %sign3A_68 : i32
    %rem3A = arith.remsi %add3A_55, %jit3A : i32
    %ne3A_69 = arith.constant 0 : i32
    %ne3A_70 = arith.cmpi ne, %rem3A, %ne3A_69 : i32
    %and3A = arith.andi %ne3A, %ne3A_70 : i1
    %sub3A = arith.constant 1 : i32
    %sub3A_71 = arith.subi %div3A, %sub3A : i32
    %select_n3A = arith.select %and3A, %sub3A_71, %div3A : i32
    %jit3A_72 = arith.constant 32 : i32
    %eq3A = arith.constant 0 : i32
    %eq3A_73 = arith.cmpi eq, %jit3A_72, %eq3A : i32
    %jit3A_74 = arith.constant 1 : i32
    %select_n3A_75 = arith.select %eq3A_73, %jit3A_74, %jit3A_72 : i32
    %rem3A_76 = arith.remsi %add3A_55, %select_n3A_75 : i32
    %ne3A_77 = arith.constant 0 : i32
    %ne3A_78 = arith.cmpi ne, %rem3A_76, %ne3A_77 : i32
    %lt3A = arith.constant 0 : i32
    %lt3A_79 = arith.cmpi slt, %rem3A_76, %lt3A : i32
    %lt3A_80 = arith.constant 0 : i32
    %lt3A_81 = arith.cmpi slt, %select_n3A_75, %lt3A_80 : i32
    %ne3A_82 = arith.xori %lt3A_79, %lt3A_81 : i1
    %and3A_83 = arith.andi %ne3A_82, %ne3A_78 : i1
    %add3A_84 = arith.addi %rem3A_76, %select_n3A_75 : i32
    %select_n3A_85 = arith.select %and3A_83, %add3A_84, %rem3A_76 : i32
    %dma_start3A_86 = arith.constant 0 : i32
    %dma_start3A_87 = arith.constant 0 : i32
    %dma_start3A_88 = arith.constant 0 : i32
    %dma_start3A_89 = tpu.memref_slice %arg4[%select_n3A, %dma_start3A_86, %select_n3A_85, %dma_start3A_87, %dma_start3A_88] : memref<200x8x32x8x128xf32, #tpu.memory_space<hbm>> -> memref<1x8x1x8x128xf32, #tpu.memory_space<hbm>>
    %dma_start3A_90 = tpu.memref_squeeze %dma_start3A_89 : memref<1x8x1x8x128xf32, #tpu.memory_space<hbm>> -> memref<8x8x128xf32, #tpu.memory_space<hbm>>
    %dma_start3A_91 = arith.constant 0 : i32
    %dma_start3A_92 = arith.constant 0 : i32
    %dma_start3A_93 = arith.constant 0 : i32
    %dma_start3A_94 = tpu.memref_slice %arg4[%select_n3A, %dma_start3A_91, %select_n3A_85, %dma_start3A_92, %dma_start3A_93] : memref<200x8x32x8x128xf32, #tpu.memory_space<hbm>> -> memref<1x8x1x8x128xf32, #tpu.memory_space<hbm>>
    %dma_start3A_95 = tpu.memref_squeeze %dma_start3A_94 : memref<1x8x1x8x128xf32, #tpu.memory_space<hbm>> -> memref<8x8x128xf32, #tpu.memory_space<hbm>>
    tpu.enqueue_dma source(%arg8 : memref<8x8x128xf32, #tpu.memory_space<vmem>>) target(%dma_start3A_95 : memref<8x8x128xf32, #tpu.memory_space<hbm>>) target_semaphore(%arg12 : memref<!tpu.dma_semaphore, #tpu.memory_space<semaphore_mem>>)
    %dma_start3A_96 = arith.constant 256 : i32
    %dma_start3A_97 = tpu.memref_slice %arg5[%dma_start3A_96] : memref<25600xi32, #tpu.memory_space<vmem>> -> memref<128xi32, #tpu.memory_space<vmem>>
    %dma_start3A_98 = arith.constant 0 : i32
    %dma_start3A_99 = arith.constant 0 : i32
    %dma_start3A_100 = tpu.memref_slice %arg3[%dma_start3A_98, %dma_start3A_99] : memref<1000000x64xf32, #tpu.memory_space<hbm>> -> memref<1000000x64xf32, #tpu.memory_space<hbm>>
    tpu.enqueue_indirect_dma source(%dma_start3A_100 : memref<1000000x64xf32, #tpu.memory_space<hbm>>) target(%arg6 : memref<128x64xf32, #tpu.memory_space<vmem>>) offsets(%dma_start3A_97 : memref<128xi32, #tpu.memory_space<vmem>>) semaphore(%arg10 : memref<!tpu.dma_semaphore, #tpu.memory_space<semaphore_mem>>)
    %dma_wait3A_101 = arith.constant 0 : i32
    %dma_wait3A_102 = tpu.memref_slice %arg5[%dma_wait3A_101] : memref<25600xi32, #tpu.memory_space<vmem>> -> memref<128xi32, #tpu.memory_space<vmem>>
    %dma_wait3A_103 = arith.constant 0 : i32
    %dma_wait3A_104 = arith.constant 0 : i32
    %dma_wait3A_105 = tpu.memref_slice %arg3[%dma_wait3A_103, %dma_wait3A_104] : memref<1000000x64xf32, #tpu.memory_space<hbm>> -> memref<1000000x64xf32, #tpu.memory_space<hbm>>
    tpu.wait_indirect_dma semaphore(%arg11 : memref<!tpu.dma_semaphore, #tpu.memory_space<semaphore_mem>>) src(%dma_wait3A_105 : memref<1000000x64xf32, #tpu.memory_space<hbm>>) dst(%arg7 : memref<128x64xf32, #tpu.memory_space<vmem>>)
    %scan3A_106 = arith.constant 0 : i32
    %scan3A_107 = arith.constant 0 : i32
    %scan3A_108 = arith.constant 16 : i32
    %scan3A_109 = arith.addi %scan3A_107, %scan3A_108 : i32
    %scan3A_110 = arith.constant 1 : i32
    scf.for %scan3A_349 = %scan3A_107 to %scan3A_109 step %scan3A_110  : i32 {
      %add3A_350 = vector.broadcast %scan3A_349 : i32 to vector<16xi32>
      %add3A_351 = arith.addi %add3A_7, %add3A_350 : vector<16xi32>
      %and3A_352 = arith.constant 15 : i32
      %and3A_353 = vector.broadcast %and3A_352 : i32 to vector<16xi32>
      %and3A_354 = arith.andi %add3A_351, %and3A_353 : vector<16xi32>
      %and3A_355 = arith.constant 7 : i32
      %and3A_356 = vector.broadcast %and3A_355 : i32 to vector<16xi32>
      %and3A_357 = arith.andi %and3A_354, %and3A_356 : vector<16xi32>
      %shift_right_arithmetic3A = arith.constant 3 : i32
      %shift_right_arithmetic3A_358 = vector.broadcast %shift_right_arithmetic3A : i32 to vector<16xi32>
      %shift_right_arithmetic3A_359 = arith.shrsi %and3A_354, %shift_right_arithmetic3A_358 : vector<16xi32>
      %add3A_360 = arith.constant 0 : i32
      %add3A_361 = vector.broadcast %add3A_360 : i32 to vector<16xi32>
      %add3A_362 = arith.addi %and3A_354, %add3A_361 : vector<16xi32>
      %add3A_363 = arith.constant 0 : i32
      %add3A_364 = vector.broadcast %add3A_363 : i32 to vector<16xi32>
      %add3A_365 = arith.addi %shift_right_arithmetic3A_359, %add3A_364 : vector<16xi32>
      %gather3A = tpu.vector_load_idx %arg7[%add3A_7, %add3A_362] : memref<128x64xf32, #tpu.memory_space<vmem>>[vector<16xi32>, vector<16xi32>], vector<16xf32>,
      %mul3A_366 = arith.constant 8.000000e+00 : f32
      %mul3A_367 = vector.broadcast %mul3A_366 : f32 to vector<16xf32>
      %mul3A_368 = arith.mulf %gather3A, %mul3A_367 : vector<16xf32>
      tpu.vector_store_idx %arg9[%add3A_365, %and3A_357, %add3A_7], %mul3A_368 : memref<8x8x128xf32, #tpu.memory_space<vmem>>[vector<16xi32>, vector<16xi32>, vector<16xi32>], vector<16xf32>,
      %gather3A_369 = tpu.vector_load_idx %arg7[%add3A_11, %add3A_362] : memref<128x64xf32, #tpu.memory_space<vmem>>[vector<16xi32>, vector<16xi32>], vector<16xf32>,
      %mul3A_370 = arith.constant 8.000000e+00 : f32
      %mul3A_371 = vector.broadcast %mul3A_370 : f32 to vector<16xf32>
      %mul3A_372 = arith.mulf %gather3A_369, %mul3A_371 : vector<16xf32>
      tpu.vector_store_idx %arg9[%add3A_365, %and3A_357, %add3A_11], %mul3A_372 : memref<8x8x128xf32, #tpu.memory_space<vmem>>[vector<16xi32>, vector<16xi32>, vector<16xi32>], vector<16xf32>,
      %gather3A_373 = tpu.vector_load_idx %arg7[%add3A_15, %add3A_362] : memref<128x64xf32, #tpu.memory_space<vmem>>[vector<16xi32>, vector<16xi32>], vector<16xf32>,
      %mul3A_374 = arith.constant 8.000000e+00 : f32
      %mul3A_375 = vector.broadcast %mul3A_374 : f32 to vector<16xf32>
      %mul3A_376 = arith.mulf %gather3A_373, %mul3A_375 : vector<16xf32>
      tpu.vector_store_idx %arg9[%add3A_365, %and3A_357, %add3A_15], %mul3A_376 : memref<8x8x128xf32, #tpu.memory_space<vmem>>[vector<16xi32>, vector<16xi32>, vector<16xi32>], vector<16xf32>,
      %gather3A_377 = tpu.vector_load_idx %arg7[%add3A_19, %add3A_362] : memref<128x64xf32, #tpu.memory_space<vmem>>[vector<16xi32>, vector<16xi32>], vector<16xf32>,
      %mul3A_378 = arith.constant 8.000000e+00 : f32
      %mul3A_379 = vector.broadcast %mul3A_378 : f32 to vector<16xf32>
      %mul3A_380 = arith.mulf %gather3A_377, %mul3A_379 : vector<16xf32>
      tpu.vector_store_idx %arg9[%add3A_365, %and3A_357, %add3A_19], %mul3A_380 : memref<8x8x128xf32, #tpu.memory_space<vmem>>[vector<16xi32>, vector<16xi32>, vector<16xi32>], vector<16xf32>,
      %gather3A_381 = tpu.vector_load_idx %arg7[%add3A_23, %add3A_362] : memref<128x64xf32, #tpu.memory_space<vmem>>[vector<16xi32>, vector<16xi32>], vector<16xf32>,
      %mul3A_382 = arith.constant 8.000000e+00 : f32
      %mul3A_383 = vector.broadcast %mul3A_382 : f32 to vector<16xf32>
      %mul3A_384 = arith.mulf %gather3A_381, %mul3A_383 : vector<16xf32>
      tpu.vector_store_idx %arg9[%add3A_365, %and3A_357, %add3A_23], %mul3A_384 : memref<8x8x128xf32, #tpu.memory_space<vmem>>[vector<16xi32>, vector<16xi32>, vector<16xi32>], vector<16xf32>,
      %gather3A_385 = tpu.vector_load_idx %arg7[%add3A_27, %add3A_362] : memref<128x64xf32, #tpu.memory_space<vmem>>[vector<16xi32>, vector<16xi32>], vector<16xf32>,
      %mul3A_386 = arith.constant 8.000000e+00 : f32
      %mul3A_387 = vector.broadcast %mul3A_386 : f32 to vector<16xf32>
      %mul3A_388 = arith.mulf %gather3A_385, %mul3A_387 : vector<16xf32>
      tpu.vector_store_idx %arg9[%add3A_365, %and3A_357, %add3A_27], %mul3A_388 : memref<8x8x128xf32, #tpu.memory_space<vmem>>[vector<16xi32>, vector<16xi32>, vector<16xi32>], vector<16xf32>,
      %gather3A_389 = tpu.vector_load_idx %arg7[%add3A_31, %add3A_362] : memref<128x64xf32, #tpu.memory_space<vmem>>[vector<16xi32>, vector<16xi32>], vector<16xf32>,
      %mul3A_390 = arith.constant 8.000000e+00 : f32
      %mul3A_391 = vector.broadcast %mul3A_390 : f32 to vector<16xf32>
      %mul3A_392 = arith.mulf %gather3A_389, %mul3A_391 : vector<16xf32>
      tpu.vector_store_idx %arg9[%add3A_365, %and3A_357, %add3A_31], %mul3A_392 : memref<8x8x128xf32, #tpu.memory_space<vmem>>[vector<16xi32>, vector<16xi32>, vector<16xi32>], vector<16xf32>,
      %gather3A_393 = tpu.vector_load_idx %arg7[%add3A_35, %add3A_362] : memref<128x64xf32, #tpu.memory_space<vmem>>[vector<16xi32>, vector<16xi32>], vector<16xf32>,
      %mul3A_394 = arith.constant 8.000000e+00 : f32
      %mul3A_395 = vector.broadcast %mul3A_394 : f32 to vector<16xf32>
      %mul3A_396 = arith.mulf %gather3A_393, %mul3A_395 : vector<16xf32>
      tpu.vector_store_idx %arg9[%add3A_365, %and3A_357, %add3A_35], %mul3A_396 : memref<8x8x128xf32, #tpu.memory_space<vmem>>[vector<16xi32>, vector<16xi32>, vector<16xi32>], vector<16xf32>,
      %add3A_397 = arith.constant 16 : i32
      %add3A_398 = vector.broadcast %add3A_397 : i32 to vector<16xi32>
      %add3A_399 = arith.addi %and3A_354, %add3A_398 : vector<16xi32>
      %add3A_400 = arith.constant 2 : i32
      %add3A_401 = vector.broadcast %add3A_400 : i32 to vector<16xi32>
      %add3A_402 = arith.addi %shift_right_arithmetic3A_359, %add3A_401 : vector<16xi32>
      %gather3A_403 = tpu.vector_load_idx %arg7[%add3A_7, %add3A_399] : memref<128x64xf32, #tpu.memory_space<vmem>>[vector<16xi32>, vector<16xi32>], vector<16xf32>,
      %mul3A_404 = arith.constant 8.000000e+00 : f32
      %mul3A_405 = vector.broadcast %mul3A_404 : f32 to vector<16xf32>
      %mul3A_406 = arith.mulf %gather3A_403, %mul3A_405 : vector<16xf32>
      tpu.vector_store_idx %arg9[%add3A_402, %and3A_357, %add3A_7], %mul3A_406 : memref<8x8x128xf32, #tpu.memory_space<vmem>>[vector<16xi32>, vector<16xi32>, vector<16xi32>], vector<16xf32>,
      %gather3A_407 = tpu.vector_load_idx %arg7[%add3A_11, %add3A_399] : memref<128x64xf32, #tpu.memory_space<vmem>>[vector<16xi32>, vector<16xi32>], vector<16xf32>,
      %mul3A_408 = arith.constant 8.000000e+00 : f32
      %mul3A_409 = vector.broadcast %mul3A_408 : f32 to vector<16xf32>
      %mul3A_410 = arith.mulf %gather3A_407, %mul3A_409 : vector<16xf32>
      tpu.vector_store_idx %arg9[%add3A_402, %and3A_357, %add3A_11], %mul3A_410 : memref<8x8x128xf32, #tpu.memory_space<vmem>>[vector<16xi32>, vector<16xi32>, vector<16xi32>], vector<16xf32>,
      %gather3A_411 = tpu.vector_load_idx %arg7[%add3A_15, %add3A_399] : memref<128x64xf32, #tpu.memory_space<vmem>>[vector<16xi32>, vector<16xi32>], vector<16xf32>,
      %mul3A_412 = arith.constant 8.000000e+00 : f32
      %mul3A_413 = vector.broadcast %mul3A_412 : f32 to vector<16xf32>
      %mul3A_414 = arith.mulf %gather3A_411, %mul3A_413 : vector<16xf32>
      tpu.vector_store_idx %arg9[%add3A_402, %and3A_357, %add3A_15], %mul3A_414 : memref<8x8x128xf32, #tpu.memory_space<vmem>>[vector<16xi32>, vector<16xi32>, vector<16xi32>], vector<16xf32>,
      %gather3A_415 = tpu.vector_load_idx %arg7[%add3A_19, %add3A_399] : memref<128x64xf32, #tpu.memory_space<vmem>>[vector<16xi32>, vector<16xi32>], vector<16xf32>,
      %mul3A_416 = arith.constant 8.000000e+00 : f32
      %mul3A_417 = vector.broadcast %mul3A_416 : f32 to vector<16xf32>
      %mul3A_418 = arith.mulf %gather3A_415, %mul3A_417 : vector<16xf32>
      tpu.vector_store_idx %arg9[%add3A_402, %and3A_357, %add3A_19], %mul3A_418 : memref<8x8x128xf32, #tpu.memory_space<vmem>>[vector<16xi32>, vector<16xi32>, vector<16xi32>], vector<16xf32>,
      %gather3A_419 = tpu.vector_load_idx %arg7[%add3A_23, %add3A_399] : memref<128x64xf32, #tpu.memory_space<vmem>>[vector<16xi32>, vector<16xi32>], vector<16xf32>,
      %mul3A_420 = arith.constant 8.000000e+00 : f32
      %mul3A_421 = vector.broadcast %mul3A_420 : f32 to vector<16xf32>
      %mul3A_422 = arith.mulf %gather3A_419, %mul3A_421 : vector<16xf32>
      tpu.vector_store_idx %arg9[%add3A_402, %and3A_357, %add3A_23], %mul3A_422 : memref<8x8x128xf32, #tpu.memory_space<vmem>>[vector<16xi32>, vector<16xi32>, vector<16xi32>], vector<16xf32>,
      %gather3A_423 = tpu.vector_load_idx %arg7[%add3A_27, %add3A_399] : memref<128x64xf32, #tpu.memory_space<vmem>>[vector<16xi32>, vector<16xi32>], vector<16xf32>,
      %mul3A_424 = arith.constant 8.000000e+00 : f32
      %mul3A_425 = vector.broadcast %mul3A_424 : f32 to vector<16xf32>
      %mul3A_426 = arith.mulf %gather3A_423, %mul3A_425 : vector<16xf32>
      tpu.vector_store_idx %arg9[%add3A_402, %and3A_357, %add3A_27], %mul3A_426 : memref<8x8x128xf32, #tpu.memory_space<vmem>>[vector<16xi32>, vector<16xi32>, vector<16xi32>], vector<16xf32>,
      %gather3A_427 = tpu.vector_load_idx %arg7[%add3A_31, %add3A_399] : memref<128x64xf32, #tpu.memory_space<vmem>>[vector<16xi32>, vector<16xi32>], vector<16xf32>,
      %mul3A_428 = arith.constant 8.000000e+00 : f32
      %mul3A_429 = vector.broadcast %mul3A_428 : f32 to vector<16xf32>
      %mul3A_430 = arith.mulf %gather3A_427, %mul3A_429 : vector<16xf32>
      tpu.vector_store_idx %arg9[%add3A_402, %and3A_357, %add3A_31], %mul3A_430 : memref<8x8x128xf32, #tpu.memory_space<vmem>>[vector<16xi32>, vector<16xi32>, vector<16xi32>], vector<16xf32>,
      %gather3A_431 = tpu.vector_load_idx %arg7[%add3A_35, %add3A_399] : memref<128x64xf32, #tpu.memory_space<vmem>>[vector<16xi32>, vector<16xi32>], vector<16xf32>,
      %mul3A_432 = arith.constant 8.000000e+00 : f32
      %mul3A_433 = vector.broadcast %mul3A_432 : f32 to vector<16xf32>
      %mul3A_434 = arith.mulf %gather3A_431, %mul3A_433 : vector<16xf32>
      tpu.vector_store_idx %arg9[%add3A_402, %and3A_357, %add3A_35], %mul3A_434 : memref<8x8x128xf32, #tpu.memory_space<vmem>>[vector<16xi32>, vector<16xi32>, vector<16xi32>], vector<16xf32>,
      %add3A_435 = arith.constant 32 : i32
      %add3A_436 = vector.broadcast %add3A_435 : i32 to vector<16xi32>
      %add3A_437 = arith.addi %and3A_354, %add3A_436 : vector<16xi32>
      %add3A_438 = arith.constant 4 : i32
      %add3A_439 = vector.broadcast %add3A_438 : i32 to vector<16xi32>
      %add3A_440 = arith.addi %shift_right_arithmetic3A_359, %add3A_439 : vector<16xi32>
      %gather3A_441 = tpu.vector_load_idx %arg7[%add3A_7, %add3A_437] : memref<128x64xf32, #tpu.memory_space<vmem>>[vector<16xi32>, vector<16xi32>], vector<16xf32>,
      %mul3A_442 = arith.constant 8.000000e+00 : f32
      %mul3A_443 = vector.broadcast %mul3A_442 : f32 to vector<16xf32>
      %mul3A_444 = arith.mulf %gather3A_441, %mul3A_443 : vector<16xf32>
      tpu.vector_store_idx %arg9[%add3A_440, %and3A_357, %add3A_7], %mul3A_444 : memref<8x8x128xf32, #tpu.memory_space<vmem>>[vector<16xi32>, vector<16xi32>, vector<16xi32>], vector<16xf32>,
      %gather3A_445 = tpu.vector_load_idx %arg7[%add3A_11, %add3A_437] : memref<128x64xf32, #tpu.memory_space<vmem>>[vector<16xi32>, vector<16xi32>], vector<16xf32>,
      %mul3A_446 = arith.constant 8.000000e+00 : f32
      %mul3A_447 = vector.broadcast %mul3A_446 : f32 to vector<16xf32>
      %mul3A_448 = arith.mulf %gather3A_445, %mul3A_447 : vector<16xf32>
      tpu.vector_store_idx %arg9[%add3A_440, %and3A_357, %add3A_11], %mul3A_448 : memref<8x8x128xf32, #tpu.memory_space<vmem>>[vector<16xi32>, vector<16xi32>, vector<16xi32>], vector<16xf32>,
      %gather3A_449 = tpu.vector_load_idx %arg7[%add3A_15, %add3A_437] : memref<128x64xf32, #tpu.memory_space<vmem>>[vector<16xi32>, vector<16xi32>], vector<16xf32>,
      %mul3A_450 = arith.constant 8.000000e+00 : f32
      %mul3A_451 = vector.broadcast %mul3A_450 : f32 to vector<16xf32>
      %mul3A_452 = arith.mulf %gather3A_449, %mul3A_451 : vector<16xf32>
      tpu.vector_store_idx %arg9[%add3A_440, %and3A_357, %add3A_15], %mul3A_452 : memref<8x8x128xf32, #tpu.memory_space<vmem>>[vector<16xi32>, vector<16xi32>, vector<16xi32>], vector<16xf32>,
      %gather3A_453 = tpu.vector_load_idx %arg7[%add3A_19, %add3A_437] : memref<128x64xf32, #tpu.memory_space<vmem>>[vector<16xi32>, vector<16xi32>], vector<16xf32>,
      %mul3A_454 = arith.constant 8.000000e+00 : f32
      %mul3A_455 = vector.broadcast %mul3A_454 : f32 to vector<16xf32>
      %mul3A_456 = arith.mulf %gather3A_453, %mul3A_455 : vector<16xf32>
      tpu.vector_store_idx %arg9[%add3A_440, %and3A_357, %add3A_19], %mul3A_456 : memref<8x8x128xf32, #tpu.memory_space<vmem>>[vector<16xi32>, vector<16xi32>, vector<16xi32>], vector<16xf32>,
      %gather3A_457 = tpu.vector_load_idx %arg7[%add3A_23, %add3A_437] : memref<128x64xf32, #tpu.memory_space<vmem>>[vector<16xi32>, vector<16xi32>], vector<16xf32>,
      %mul3A_458 = arith.constant 8.000000e+00 : f32
      %mul3A_459 = vector.broadcast %mul3A_458 : f32 to vector<16xf32>
      %mul3A_460 = arith.mulf %gather3A_457, %mul3A_459 : vector<16xf32>
      tpu.vector_store_idx %arg9[%add3A_440, %and3A_357, %add3A_23], %mul3A_460 : memref<8x8x128xf32, #tpu.memory_space<vmem>>[vector<16xi32>, vector<16xi32>, vector<16xi32>], vector<16xf32>,
      %gather3A_461 = tpu.vector_load_idx %arg7[%add3A_27, %add3A_437] : memref<128x64xf32, #tpu.memory_space<vmem>>[vector<16xi32>, vector<16xi32>], vector<16xf32>,
      %mul3A_462 = arith.constant 8.000000e+00 : f32
      %mul3A_463 = vector.broadcast %mul3A_462 : f32 to vector<16xf32>
      %mul3A_464 = arith.mulf %gather3A_461, %mul3A_463 : vector<16xf32>
      tpu.vector_store_idx %arg9[%add3A_440, %and3A_357, %add3A_27], %mul3A_464 : memref<8x8x128xf32, #tpu.memory_space<vmem>>[vector<16xi32>, vector<16xi32>, vector<16xi32>], vector<16xf32>,
      %gather3A_465 = tpu.vector_load_idx %arg7[%add3A_31, %add3A_437] : memref<128x64xf32, #tpu.memory_space<vmem>>[vector<16xi32>, vector<16xi32>], vector<16xf32>,
      %mul3A_466 = arith.constant 8.000000e+00 : f32
      %mul3A_467 = vector.broadcast %mul3A_466 : f32 to vector<16xf32>
      %mul3A_468 = arith.mulf %gather3A_465, %mul3A_467 : vector<16xf32>
      tpu.vector_store_idx %arg9[%add3A_440, %and3A_357, %add3A_31], %mul3A_468 : memref<8x8x128xf32, #tpu.memory_space<vmem>>[vector<16xi32>, vector<16xi32>, vector<16xi32>], vector<16xf32>,
      %gather3A_469 = tpu.vector_load_idx %arg7[%add3A_35, %add3A_437] : memref<128x64xf32, #tpu.memory_space<vmem>>[vector<16xi32>, vector<16xi32>], vector<16xf32>,
      %mul3A_470 = arith.constant 8.000000e+00 : f32
      %mul3A_471 = vector.broadcast %mul3A_470 : f32 to vector<16xf32>
      %mul3A_472 = arith.mulf %gather3A_469, %mul3A_471 : vector<16xf32>
      tpu.vector_store_idx %arg9[%add3A_440, %and3A_357, %add3A_35], %mul3A_472 : memref<8x8x128xf32, #tpu.memory_space<vmem>>[vector<16xi32>, vector<16xi32>, vector<16xi32>], vector<16xf32>,
      %add3A_473 = arith.constant 48 : i32
      %add3A_474 = vector.broadcast %add3A_473 : i32 to vector<16xi32>
      %add3A_475 = arith.addi %and3A_354, %add3A_474 : vector<16xi32>
      %add3A_476 = arith.constant 6 : i32
      %add3A_477 = vector.broadcast %add3A_476 : i32 to vector<16xi32>
      %add3A_478 = arith.addi %shift_right_arithmetic3A_359, %add3A_477 : vector<16xi32>
      %gather3A_479 = tpu.vector_load_idx %arg7[%add3A_7, %add3A_475] : memref<128x64xf32, #tpu.memory_space<vmem>>[vector<16xi32>, vector<16xi32>], vector<16xf32>,
      %mul3A_480 = arith.constant 8.000000e+00 : f32
      %mul3A_481 = vector.broadcast %mul3A_480 : f32 to vector<16xf32>
      %mul3A_482 = arith.mulf %gather3A_479, %mul3A_481 : vector<16xf32>
      tpu.vector_store_idx %arg9[%add3A_478, %and3A_357, %add3A_7], %mul3A_482 : memref<8x8x128xf32, #tpu.memory_space<vmem>>[vector<16xi32>, vector<16xi32>, vector<16xi32>], vector<16xf32>,
      %gather3A_483 = tpu.vector_load_idx %arg7[%add3A_11, %add3A_475] : memref<128x64xf32, #tpu.memory_space<vmem>>[vector<16xi32>, vector<16xi32>], vector<16xf32>,
      %mul3A_484 = arith.constant 8.000000e+00 : f32
      %mul3A_485 = vector.broadcast %mul3A_484 : f32 to vector<16xf32>
      %mul3A_486 = arith.mulf %gather3A_483, %mul3A_485 : vector<16xf32>
      tpu.vector_store_idx %arg9[%add3A_478, %and3A_357, %add3A_11], %mul3A_486 : memref<8x8x128xf32, #tpu.memory_space<vmem>>[vector<16xi32>, vector<16xi32>, vector<16xi32>], vector<16xf32>,
      %gather3A_487 = tpu.vector_load_idx %arg7[%add3A_15, %add3A_475] : memref<128x64xf32, #tpu.memory_space<vmem>>[vector<16xi32>, vector<16xi32>], vector<16xf32>,
      %mul3A_488 = arith.constant 8.000000e+00 : f32
      %mul3A_489 = vector.broadcast %mul3A_488 : f32 to vector<16xf32>
      %mul3A_490 = arith.mulf %gather3A_487, %mul3A_489 : vector<16xf32>
      tpu.vector_store_idx %arg9[%add3A_478, %and3A_357, %add3A_15], %mul3A_490 : memref<8x8x128xf32, #tpu.memory_space<vmem>>[vector<16xi32>, vector<16xi32>, vector<16xi32>], vector<16xf32>,
      %gather3A_491 = tpu.vector_load_idx %arg7[%add3A_19, %add3A_475] : memref<128x64xf32, #tpu.memory_space<vmem>>[vector<16xi32>, vector<16xi32>], vector<16xf32>,
      %mul3A_492 = arith.constant 8.000000e+00 : f32
      %mul3A_493 = vector.broadcast %mul3A_492 : f32 to vector<16xf32>
      %mul3A_494 = arith.mulf %gather3A_491, %mul3A_493 : vector<16xf32>
      tpu.vector_store_idx %arg9[%add3A_478, %and3A_357, %add3A_19], %mul3A_494 : memref<8x8x128xf32, #tpu.memory_space<vmem>>[vector<16xi32>, vector<16xi32>, vector<16xi32>], vector<16xf32>,
      %gather3A_495 = tpu.vector_load_idx %arg7[%add3A_23, %add3A_475] : memref<128x64xf32, #tpu.memory_space<vmem>>[vector<16xi32>, vector<16xi32>], vector<16xf32>,
      %mul3A_496 = arith.constant 8.000000e+00 : f32
      %mul3A_497 = vector.broadcast %mul3A_496 : f32 to vector<16xf32>
      %mul3A_498 = arith.mulf %gather3A_495, %mul3A_497 : vector<16xf32>
      tpu.vector_store_idx %arg9[%add3A_478, %and3A_357, %add3A_23], %mul3A_498 : memref<8x8x128xf32, #tpu.memory_space<vmem>>[vector<16xi32>, vector<16xi32>, vector<16xi32>], vector<16xf32>,
      %gather3A_499 = tpu.vector_load_idx %arg7[%add3A_27, %add3A_475] : memref<128x64xf32, #tpu.memory_space<vmem>>[vector<16xi32>, vector<16xi32>], vector<16xf32>,
      %mul3A_500 = arith.constant 8.000000e+00 : f32
      %mul3A_501 = vector.broadcast %mul3A_500 : f32 to vector<16xf32>
      %mul3A_502 = arith.mulf %gather3A_499, %mul3A_501 : vector<16xf32>
      tpu.vector_store_idx %arg9[%add3A_478, %and3A_357, %add3A_27], %mul3A_502 : memref<8x8x128xf32, #tpu.memory_space<vmem>>[vector<16xi32>, vector<16xi32>, vector<16xi32>], vector<16xf32>,
      %gather3A_503 = tpu.vector_load_idx %arg7[%add3A_31, %add3A_475] : memref<128x64xf32, #tpu.memory_space<vmem>>[vector<16xi32>, vector<16xi32>], vector<16xf32>,
      %mul3A_504 = arith.constant 8.000000e+00 : f32
      %mul3A_505 = vector.broadcast %mul3A_504 : f32 to vector<16xf32>
      %mul3A_506 = arith.mulf %gather3A_503, %mul3A_505 : vector<16xf32>
      tpu.vector_store_idx %arg9[%add3A_478, %and3A_357, %add3A_31], %mul3A_506 : memref<8x8x128xf32, #tpu.memory_space<vmem>>[vector<16xi32>, vector<16xi32>, vector<16xi32>], vector<16xf32>,
      %gather3A_507 = tpu.vector_load_idx %arg7[%add3A_35, %add3A_475] : memref<128x64xf32, #tpu.memory_space<vmem>>[vector<16xi32>, vector<16xi32>], vector<16xf32>,
      %mul3A_508 = arith.constant 8.000000e+00 : f32
      %mul3A_509 = vector.broadcast %mul3A_508 : f32 to vector<16xf32>
      %mul3A_510 = arith.mulf %gather3A_507, %mul3A_509 : vector<16xf32>
      tpu.vector_store_idx %arg9[%add3A_478, %and3A_357, %add3A_35], %mul3A_510 : memref<8x8x128xf32, #tpu.memory_space<vmem>>[vector<16xi32>, vector<16xi32>, vector<16xi32>], vector<16xf32>,
    }
    %scan3A_111 = arith.constant 16 : i32
    %add3A_112 = arith.constant 1 : i32
    %add3A_113 = arith.addi %mul3A_2, %add3A_112 : i32
    %jit3A_114 = arith.constant 32 : i32
    %div3A_115 = arith.divsi %add3A_113, %jit3A_114 : i32
    %sign3A_116 = arith.constant 0 : i32
    %sign3A_117 = arith.cmpi sgt, %add3A_113, %sign3A_116 : i32
    %sign3A_118 = arith.extui %sign3A_117 : i1 to i32
    %sign3A_119 = arith.constant 0 : i32
    %sign3A_120 = arith.cmpi slt, %add3A_113, %sign3A_119 : i32
    %sign3A_121 = arith.extui %sign3A_120 : i1 to i32
    %sign3A_122 = arith.subi %sign3A_118, %sign3A_121 : i32
    %sign3A_123 = arith.constant 0 : i32
    %sign3A_124 = arith.cmpi sgt, %jit3A_114, %sign3A_123 : i32
    %sign3A_125 = arith.extui %sign3A_124 : i1 to i32
    %sign3A_126 = arith.constant 0 : i32
    %sign3A_127 = arith.cmpi slt, %jit3A_114, %sign3A_126 : i32
    %sign3A_128 = arith.extui %sign3A_127 : i1 to i32
    %sign3A_129 = arith.subi %sign3A_125, %sign3A_128 : i32
    %ne3A_130 = arith.cmpi ne, %sign3A_122, %sign3A_129 : i32
    %rem3A_131 = arith.remsi %add3A_113, %jit3A_114 : i32
    %ne3A_132 = arith.constant 0 : i32
    %ne3A_133 = arith.cmpi ne, %rem3A_131, %ne3A_132 : i32
    %and3A_134 = arith.andi %ne3A_130, %ne3A_133 : i1
    %sub3A_135 = arith.constant 1 : i32
    %sub3A_136 = arith.subi %div3A_115, %sub3A_135 : i32
    %select_n3A_137 = arith.select %and3A_134, %sub3A_136, %div3A_115 : i32
    %jit3A_138 = arith.constant 32 : i32
    %eq3A_139 = arith.constant 0 : i32
    %eq3A_140 = arith.cmpi eq, %jit3A_138, %eq3A_139 : i32
    %jit3A_141 = arith.constant 1 : i32
    %select_n3A_142 = arith.select %eq3A_140, %jit3A_141, %jit3A_138 : i32
    %rem3A_143 = arith.remsi %add3A_113, %select_n3A_142 : i32
    %ne3A_144 = arith.constant 0 : i32
    %ne3A_145 = arith.cmpi ne, %rem3A_143, %ne3A_144 : i32
    %lt3A_146 = arith.constant 0 : i32
    %lt3A_147 = arith.cmpi slt, %rem3A_143, %lt3A_146 : i32
    %lt3A_148 = arith.constant 0 : i32
    %lt3A_149 = arith.cmpi slt, %select_n3A_142, %lt3A_148 : i32
    %ne3A_150 = arith.xori %lt3A_147, %lt3A_149 : i1
    %and3A_151 = arith.andi %ne3A_150, %ne3A_145 : i1
    %add3A_152 = arith.addi %rem3A_143, %select_n3A_142 : i32
    %select_n3A_153 = arith.select %and3A_151, %add3A_152, %rem3A_143 : i32
    %dma_start3A_154 = arith.constant 0 : i32
    %dma_start3A_155 = arith.constant 0 : i32
    %dma_start3A_156 = arith.constant 0 : i32
    %dma_start3A_157 = tpu.memref_slice %arg4[%select_n3A_137, %dma_start3A_154, %select_n3A_153, %dma_start3A_155, %dma_start3A_156] : memref<200x8x32x8x128xf32, #tpu.memory_space<hbm>> -> memref<1x8x1x8x128xf32, #tpu.memory_space<hbm>>
    %dma_start3A_158 = tpu.memref_squeeze %dma_start3A_157 : memref<1x8x1x8x128xf32, #tpu.memory_space<hbm>> -> memref<8x8x128xf32, #tpu.memory_space<hbm>>
    %dma_start3A_159 = arith.constant 0 : i32
    %dma_start3A_160 = arith.constant 0 : i32
    %dma_start3A_161 = arith.constant 0 : i32
    %dma_start3A_162 = tpu.memref_slice %arg4[%select_n3A_137, %dma_start3A_159, %select_n3A_153, %dma_start3A_160, %dma_start3A_161] : memref<200x8x32x8x128xf32, #tpu.memory_space<hbm>> -> memref<1x8x1x8x128xf32, #tpu.memory_space<hbm>>
    %dma_start3A_163 = tpu.memref_squeeze %dma_start3A_162 : memref<1x8x1x8x128xf32, #tpu.memory_space<hbm>> -> memref<8x8x128xf32, #tpu.memory_space<hbm>>
    tpu.enqueue_dma source(%arg9 : memref<8x8x128xf32, #tpu.memory_space<vmem>>) target(%dma_start3A_163 : memref<8x8x128xf32, #tpu.memory_space<hbm>>) target_semaphore(%arg13 : memref<!tpu.dma_semaphore, #tpu.memory_space<semaphore_mem>>)
    %dma_start3A_164 = arith.constant 384 : i32
    %dma_start3A_165 = tpu.memref_slice %arg5[%dma_start3A_164] : memref<25600xi32, #tpu.memory_space<vmem>> -> memref<128xi32, #tpu.memory_space<vmem>>
    %dma_start3A_166 = arith.constant 0 : i32
    %dma_start3A_167 = arith.constant 0 : i32
    %dma_start3A_168 = tpu.memref_slice %arg3[%dma_start3A_166, %dma_start3A_167] : memref<1000000x64xf32, #tpu.memory_space<hbm>> -> memref<1000000x64xf32, #tpu.memory_space<hbm>>
    tpu.enqueue_indirect_dma source(%dma_start3A_168 : memref<1000000x64xf32, #tpu.memory_space<hbm>>) target(%arg7 : memref<128x64xf32, #tpu.memory_space<vmem>>) offsets(%dma_start3A_165 : memref<128xi32, #tpu.memory_space<vmem>>) semaphore(%arg11 : memref<!tpu.dma_semaphore, #tpu.memory_space<semaphore_mem>>)
    %scan3A_169 = arith.constant 0 : i32
    %scan3A_170 = arith.constant 1 : i32
    %scan3A_171 = arith.constant 98 : i32
    %scan3A_172 = arith.addi %scan3A_170, %scan3A_171 : i32
    %scan3A_173 = arith.constant 1 : i32
    scf.for %scan3A_349 = %scan3A_170 to %scan3A_172 step %scan3A_173  : i32 {
      %mul3A_350 = arith.constant 2 : i32
      %mul3A_351 = arith.muli %mul3A_350, %scan3A_349 : i32
      %add3A_352 = arith.constant 0 : i32
      %add3A_353 = arith.addi %mul3A_351, %add3A_352 : i32
      %dma_wait3A_354 = arith.constant 0 : i32
      %dma_wait3A_355 = tpu.memref_slice %arg5[%dma_wait3A_354] : memref<25600xi32, #tpu.memory_space<vmem>> -> memref<128xi32, #tpu.memory_space<vmem>>
      %dma_wait3A_356 = arith.constant 0 : i32
      %dma_wait3A_357 = arith.constant 0 : i32
      %dma_wait3A_358 = tpu.memref_slice %arg3[%dma_wait3A_356, %dma_wait3A_357] : memref<1000000x64xf32, #tpu.memory_space<hbm>> -> memref<1000000x64xf32, #tpu.memory_space<hbm>>
      tpu.wait_indirect_dma semaphore(%arg10 : memref<!tpu.dma_semaphore, #tpu.memory_space<semaphore_mem>>) src(%dma_wait3A_358 : memref<1000000x64xf32, #tpu.memory_space<hbm>>) dst(%arg6 : memref<128x64xf32, #tpu.memory_space<vmem>>)
      %dma_wait3A_359 = arith.constant 0 : i32
      %dma_wait3A_360 = arith.constant 0 : i32
      %dma_wait3A_361 = arith.constant 0 : i32
      %dma_wait3A_362 = arith.constant 0 : i32
      %dma_wait3A_363 = arith.constant 0 : i32
      %dma_wait3A_364 = tpu.memref_slice %arg4[%dma_wait3A_359, %dma_wait3A_361, %dma_wait3A_360, %dma_wait3A_362, %dma_wait3A_363] : memref<200x8x32x8x128xf32, #tpu.memory_space<hbm>> -> memref<1x8x1x8x128xf32, #tpu.memory_space<hbm>>
      %dma_wait3A_365 = tpu.memref_squeeze %dma_wait3A_364 : memref<1x8x1x8x128xf32, #tpu.memory_space<hbm>> -> memref<8x8x128xf32, #tpu.memory_space<hbm>>
      %dma_wait3A_366 = arith.constant 0 : i32
      %dma_wait3A_367 = arith.constant 0 : i32
      %dma_wait3A_368 = arith.constant 0 : i32
      %dma_wait3A_369 = tpu.memref_slice %arg4[%dma_wait3A_359, %dma_wait3A_366, %dma_wait3A_360, %dma_wait3A_367, %dma_wait3A_368] : memref<200x8x32x8x128xf32, #tpu.memory_space<hbm>> -> memref<1x8x1x8x128xf32, #tpu.memory_space<hbm>>
      %dma_wait3A_370 = tpu.memref_squeeze %dma_wait3A_369 : memref<1x8x1x8x128xf32, #tpu.memory_space<hbm>> -> memref<8x8x128xf32, #tpu.memory_space<hbm>>
      tpu.wait_dma2 semaphore(%arg12 : memref<!tpu.dma_semaphore, #tpu.memory_space<semaphore_mem>>) src(%arg8 : memref<8x8x128xf32, #tpu.memory_space<vmem>>) dst(%dma_wait3A_370 : memref<8x8x128xf32, #tpu.memory_space<hbm>>)
      %scan3A_371 = arith.constant 0 : i32
      %scan3A_372 = arith.constant 0 : i32
      %scan3A_373 = arith.constant 16 : i32
      %scan3A_374 = arith.addi %scan3A_372, %scan3A_373 : i32
      %scan3A_375 = arith.constant 1 : i32
      scf.for %scan3A_522 = %scan3A_372 to %scan3A_374 step %scan3A_375  : i32 {
        %add3A_523 = vector.broadcast %scan3A_522 : i32 to vector<16xi32>
        %add3A_524 = arith.addi %add3A_7, %add3A_523 : vector<16xi32>
        %and3A_525 = arith.constant 15 : i32
        %and3A_526 = vector.broadcast %and3A_525 : i32 to vector<16xi32>
        %and3A_527 = arith.andi %add3A_524, %and3A_526 : vector<16xi32>
        %and3A_528 = arith.constant 7 : i32
        %and3A_529 = vector.broadcast %and3A_528 : i32 to vector<16xi32>
        %and3A_530 = arith.andi %and3A_527, %and3A_529 : vector<16xi32>
        %shift_right_arithmetic3A = arith.constant 3 : i32
        %shift_right_arithmetic3A_531 = vector.broadcast %shift_right_arithmetic3A : i32 to vector<16xi32>
        %shift_right_arithmetic3A_532 = arith.shrsi %and3A_527, %shift_right_arithmetic3A_531 : vector<16xi32>
        %add3A_533 = arith.constant 0 : i32
        %add3A_534 = vector.broadcast %add3A_533 : i32 to vector<16xi32>
        %add3A_535 = arith.addi %and3A_527, %add3A_534 : vector<16xi32>
        %add3A_536 = arith.constant 0 : i32
        %add3A_537 = vector.broadcast %add3A_536 : i32 to vector<16xi32>
        %add3A_538 = arith.addi %shift_right_arithmetic3A_532, %add3A_537 : vector<16xi32>
        %gather3A = tpu.vector_load_idx %arg6[%add3A_7, %add3A_535] : memref<128x64xf32, #tpu.memory_space<vmem>>[vector<16xi32>, vector<16xi32>], vector<16xf32>,
        %mul3A_539 = arith.constant 8.000000e+00 : f32
        %mul3A_540 = vector.broadcast %mul3A_539 : f32 to vector<16xf32>
        %mul3A_541 = arith.mulf %gather3A, %mul3A_540 : vector<16xf32>
        tpu.vector_store_idx %arg8[%add3A_538, %and3A_530, %add3A_7], %mul3A_541 : memref<8x8x128xf32, #tpu.memory_space<vmem>>[vector<16xi32>, vector<16xi32>, vector<16xi32>], vector<16xf32>,
        %gather3A_542 = tpu.vector_load_idx %arg6[%add3A_11, %add3A_535] : memref<128x64xf32, #tpu.memory_space<vmem>>[vector<16xi32>, vector<16xi32>], vector<16xf32>,
        %mul3A_543 = arith.constant 8.000000e+00 : f32
        %mul3A_544 = vector.broadcast %mul3A_543 : f32 to vector<16xf32>
        %mul3A_545 = arith.mulf %gather3A_542, %mul3A_544 : vector<16xf32>
        tpu.vector_store_idx %arg8[%add3A_538, %and3A_530, %add3A_11], %mul3A_545 : memref<8x8x128xf32, #tpu.memory_space<vmem>>[vector<16xi32>, vector<16xi32>, vector<16xi32>], vector<16xf32>,
        %gather3A_546 = tpu.vector_load_idx %arg6[%add3A_15, %add3A_535] : memref<128x64xf32, #tpu.memory_space<vmem>>[vector<16xi32>, vector<16xi32>], vector<16xf32>,
        %mul3A_547 = arith.constant 8.000000e+00 : f32
        %mul3A_548 = vector.broadcast %mul3A_547 : f32 to vector<16xf32>
        %mul3A_549 = arith.mulf %gather3A_546, %mul3A_548 : vector<16xf32>
        tpu.vector_store_idx %arg8[%add3A_538, %and3A_530, %add3A_15], %mul3A_549 : memref<8x8x128xf32, #tpu.memory_space<vmem>>[vector<16xi32>, vector<16xi32>, vector<16xi32>], vector<16xf32>,
        %gather3A_550 = tpu.vector_load_idx %arg6[%add3A_19, %add3A_535] : memref<128x64xf32, #tpu.memory_space<vmem>>[vector<16xi32>, vector<16xi32>], vector<16xf32>,
        %mul3A_551 = arith.constant 8.000000e+00 : f32
        %mul3A_552 = vector.broadcast %mul3A_551 : f32 to vector<16xf32>
        %mul3A_553 = arith.mulf %gather3A_550, %mul3A_552 : vector<16xf32>
        tpu.vector_store_idx %arg8[%add3A_538, %and3A_530, %add3A_19], %mul3A_553 : memref<8x8x128xf32, #tpu.memory_space<vmem>>[vector<16xi32>, vector<16xi32>, vector<16xi32>], vector<16xf32>,
        %gather3A_554 = tpu.vector_load_idx %arg6[%add3A_23, %add3A_535] : memref<128x64xf32, #tpu.memory_space<vmem>>[vector<16xi32>, vector<16xi32>], vector<16xf32>,
        %mul3A_555 = arith.constant 8.000000e+00 : f32
        %mul3A_556 = vector.broadcast %mul3A_555 : f32 to vector<16xf32>
        %mul3A_557 = arith.mulf %gather3A_554, %mul3A_556 : vector<16xf32>
        tpu.vector_store_idx %arg8[%add3A_538, %and3A_530, %add3A_23], %mul3A_557 : memref<8x8x128xf32, #tpu.memory_space<vmem>>[vector<16xi32>, vector<16xi32>, vector<16xi32>], vector<16xf32>,
        %gather3A_558 = tpu.vector_load_idx %arg6[%add3A_27, %add3A_535] : memref<128x64xf32, #tpu.memory_space<vmem>>[vector<16xi32>, vector<16xi32>], vector<16xf32>,
        %mul3A_559 = arith.constant 8.000000e+00 : f32
        %mul3A_560 = vector.broadcast %mul3A_559 : f32 to vector<16xf32>
        %mul3A_561 = arith.mulf %gather3A_558, %mul3A_560 : vector<16xf32>
        tpu.vector_store_idx %arg8[%add3A_538, %and3A_530, %add3A_27], %mul3A_561 : memref<8x8x128xf32, #tpu.memory_space<vmem>>[vector<16xi32>, vector<16xi32>, vector<16xi32>], vector<16xf32>,
        %gather3A_562 = tpu.vector_load_idx %arg6[%add3A_31, %add3A_535] : memref<128x64xf32, #tpu.memory_space<vmem>>[vector<16xi32>, vector<16xi32>], vector<16xf32>,
        %mul3A_563 = arith.constant 8.000000e+00 : f32
        %mul3A_564 = vector.broadcast %mul3A_563 : f32 to vector<16xf32>
        %mul3A_565 = arith.mulf %gather3A_562, %mul3A_564 : vector<16xf32>
        tpu.vector_store_idx %arg8[%add3A_538, %and3A_530, %add3A_31], %mul3A_565 : memref<8x8x128xf32, #tpu.memory_space<vmem>>[vector<16xi32>, vector<16xi32>, vector<16xi32>], vector<16xf32>,
        %gather3A_566 = tpu.vector_load_idx %arg6[%add3A_35, %add3A_535] : memref<128x64xf32, #tpu.memory_space<vmem>>[vector<16xi32>, vector<16xi32>], vector<16xf32>,
        %mul3A_567 = arith.constant 8.000000e+00 : f32
        %mul3A_568 = vector.broadcast %mul3A_567 : f32 to vector<16xf32>
        %mul3A_569 = arith.mulf %gather3A_566, %mul3A_568 : vector<16xf32>
        tpu.vector_store_idx %arg8[%add3A_538, %and3A_530, %add3A_35], %mul3A_569 : memref<8x8x128xf32, #tpu.memory_space<vmem>>[vector<16xi32>, vector<16xi32>, vector<16xi32>], vector<16xf32>,
        %add3A_570 = arith.constant 16 : i32
        %add3A_571 = vector.broadcast %add3A_570 : i32 to vector<16xi32>
        %add3A_572 = arith.addi %and3A_527, %add3A_571 : vector<16xi32>
        %add3A_573 = arith.constant 2 : i32
        %add3A_574 = vector.broadcast %add3A_573 : i32 to vector<16xi32>
        %add3A_575 = arith.addi %shift_right_arithmetic3A_532, %add3A_574 : vector<16xi32>
        %gather3A_576 = tpu.vector_load_idx %arg6[%add3A_7, %add3A_572] : memref<128x64xf32, #tpu.memory_space<vmem>>[vector<16xi32>, vector<16xi32>], vector<16xf32>,
        %mul3A_577 = arith.constant 8.000000e+00 : f32
        %mul3A_578 = vector.broadcast %mul3A_577 : f32 to vector<16xf32>
        %mul3A_579 = arith.mulf %gather3A_576, %mul3A_578 : vector<16xf32>
        tpu.vector_store_idx %arg8[%add3A_575, %and3A_530, %add3A_7], %mul3A_579 : memref<8x8x128xf32, #tpu.memory_space<vmem>>[vector<16xi32>, vector<16xi32>, vector<16xi32>], vector<16xf32>,
        %gather3A_580 = tpu.vector_load_idx %arg6[%add3A_11, %add3A_572] : memref<128x64xf32, #tpu.memory_space<vmem>>[vector<16xi32>, vector<16xi32>], vector<16xf32>,
        %mul3A_581 = arith.constant 8.000000e+00 : f32
        %mul3A_582 = vector.broadcast %mul3A_581 : f32 to vector<16xf32>
        %mul3A_583 = arith.mulf %gather3A_580, %mul3A_582 : vector<16xf32>
        tpu.vector_store_idx %arg8[%add3A_575, %and3A_530, %add3A_11], %mul3A_583 : memref<8x8x128xf32, #tpu.memory_space<vmem>>[vector<16xi32>, vector<16xi32>, vector<16xi32>], vector<16xf32>,
        %gather3A_584 = tpu.vector_load_idx %arg6[%add3A_15, %add3A_572] : memref<128x64xf32, #tpu.memory_space<vmem>>[vector<16xi32>, vector<16xi32>], vector<16xf32>,
        %mul3A_585 = arith.constant 8.000000e+00 : f32
        %mul3A_586 = vector.broadcast %mul3A_585 : f32 to vector<16xf32>
        %mul3A_587 = arith.mulf %gather3A_584, %mul3A_586 : vector<16xf32>
        tpu.vector_store_idx %arg8[%add3A_575, %and3A_530, %add3A_15], %mul3A_587 : memref<8x8x128xf32, #tpu.memory_space<vmem>>[vector<16xi32>, vector<16xi32>, vector<16xi32>], vector<16xf32>,
        %gather3A_588 = tpu.vector_load_idx %arg6[%add3A_19, %add3A_572] : memref<128x64xf32, #tpu.memory_space<vmem>>[vector<16xi32>, vector<16xi32>], vector<16xf32>,
        %mul3A_589 = arith.constant 8.000000e+00 : f32
        %mul3A_590 = vector.broadcast %mul3A_589 : f32 to vector<16xf32>
        %mul3A_591 = arith.mulf %gather3A_588, %mul3A_590 : vector<16xf32>
        tpu.vector_store_idx %arg8[%add3A_575, %and3A_530, %add3A_19], %mul3A_591 : memref<8x8x128xf32, #tpu.memory_space<vmem>>[vector<16xi32>, vector<16xi32>, vector<16xi32>], vector<16xf32>,
        %gather3A_592 = tpu.vector_load_idx %arg6[%add3A_23, %add3A_572] : memref<128x64xf32, #tpu.memory_space<vmem>>[vector<16xi32>, vector<16xi32>], vector<16xf32>,
        %mul3A_593 = arith.constant 8.000000e+00 : f32
        %mul3A_594 = vector.broadcast %mul3A_593 : f32 to vector<16xf32>
        %mul3A_595 = arith.mulf %gather3A_592, %mul3A_594 : vector<16xf32>
        tpu.vector_store_idx %arg8[%add3A_575, %and3A_530, %add3A_23], %mul3A_595 : memref<8x8x128xf32, #tpu.memory_space<vmem>>[vector<16xi32>, vector<16xi32>, vector<16xi32>], vector<16xf32>,
        %gather3A_596 = tpu.vector_load_idx %arg6[%add3A_27, %add3A_572] : memref<128x64xf32, #tpu.memory_space<vmem>>[vector<16xi32>, vector<16xi32>], vector<16xf32>,
        %mul3A_597 = arith.constant 8.000000e+00 : f32
        %mul3A_598 = vector.broadcast %mul3A_597 : f32 to vector<16xf32>
        %mul3A_599 = arith.mulf %gather3A_596, %mul3A_598 : vector<16xf32>
        tpu.vector_store_idx %arg8[%add3A_575, %and3A_530, %add3A_27], %mul3A_599 : memref<8x8x128xf32, #tpu.memory_space<vmem>>[vector<16xi32>, vector<16xi32>, vector<16xi32>], vector<16xf32>,
        %gather3A_600 = tpu.vector_load_idx %arg6[%add3A_31, %add3A_572] : memref<128x64xf32, #tpu.memory_space<vmem>>[vector<16xi32>, vector<16xi32>], vector<16xf32>,
        %mul3A_601 = arith.constant 8.000000e+00 : f32
        %mul3A_602 = vector.broadcast %mul3A_601 : f32 to vector<16xf32>
        %mul3A_603 = arith.mulf %gather3A_600, %mul3A_602 : vector<16xf32>
        tpu.vector_store_idx %arg8[%add3A_575, %and3A_530, %add3A_31], %mul3A_603 : memref<8x8x128xf32, #tpu.memory_space<vmem>>[vector<16xi32>, vector<16xi32>, vector<16xi32>], vector<16xf32>,
        %gather3A_604 = tpu.vector_load_idx %arg6[%add3A_35, %add3A_572] : memref<128x64xf32, #tpu.memory_space<vmem>>[vector<16xi32>, vector<16xi32>], vector<16xf32>,
        %mul3A_605 = arith.constant 8.000000e+00 : f32
        %mul3A_606 = vector.broadcast %mul3A_605 : f32 to vector<16xf32>
        %mul3A_607 = arith.mulf %gather3A_604, %mul3A_606 : vector<16xf32>
        tpu.vector_store_idx %arg8[%add3A_575, %and3A_530, %add3A_35], %mul3A_607 : memref<8x8x128xf32, #tpu.memory_space<vmem>>[vector<16xi32>, vector<16xi32>, vector<16xi32>], vector<16xf32>,
        %add3A_608 = arith.constant 32 : i32
        %add3A_609 = vector.broadcast %add3A_608 : i32 to vector<16xi32>
        %add3A_610 = arith.addi %and3A_527, %add3A_609 : vector<16xi32>
        %add3A_611 = arith.constant 4 : i32
        %add3A_612 = vector.broadcast %add3A_611 : i32 to vector<16xi32>
        %add3A_613 = arith.addi %shift_right_arithmetic3A_532, %add3A_612 : vector<16xi32>
        %gather3A_614 = tpu.vector_load_idx %arg6[%add3A_7, %add3A_610] : memref<128x64xf32, #tpu.memory_space<vmem>>[vector<16xi32>, vector<16xi32>], vector<16xf32>,
        %mul3A_615 = arith.constant 8.000000e+00 : f32
        %mul3A_616 = vector.broadcast %mul3A_615 : f32 to vector<16xf32>
        %mul3A_617 = arith.mulf %gather3A_614, %mul3A_616 : vector<16xf32>
        tpu.vector_store_idx %arg8[%add3A_613, %and3A_530, %add3A_7], %mul3A_617 : memref<8x8x128xf32, #tpu.memory_space<vmem>>[vector<16xi32>, vector<16xi32>, vector<16xi32>], vector<16xf32>,
        %gather3A_618 = tpu.vector_load_idx %arg6[%add3A_11, %add3A_610] : memref<128x64xf32, #tpu.memory_space<vmem>>[vector<16xi32>, vector<16xi32>], vector<16xf32>,
        %mul3A_619 = arith.constant 8.000000e+00 : f32
        %mul3A_620 = vector.broadcast %mul3A_619 : f32 to vector<16xf32>
        %mul3A_621 = arith.mulf %gather3A_618, %mul3A_620 : vector<16xf32>
        tpu.vector_store_idx %arg8[%add3A_613, %and3A_530, %add3A_11], %mul3A_621 : memref<8x8x128xf32, #tpu.memory_space<vmem>>[vector<16xi32>, vector<16xi32>, vector<16xi32>], vector<16xf32>,
        %gather3A_622 = tpu.vector_load_idx %arg6[%add3A_15, %add3A_610] : memref<128x64xf32, #tpu.memory_space<vmem>>[vector<16xi32>, vector<16xi32>], vector<16xf32>,
        %mul3A_623 = arith.constant 8.000000e+00 : f32
        %mul3A_624 = vector.broadcast %mul3A_623 : f32 to vector<16xf32>
        %mul3A_625 = arith.mulf %gather3A_622, %mul3A_624 : vector<16xf32>
        tpu.vector_store_idx %arg8[%add3A_613, %and3A_530, %add3A_15], %mul3A_625 : memref<8x8x128xf32, #tpu.memory_space<vmem>>[vector<16xi32>, vector<16xi32>, vector<16xi32>], vector<16xf32>,
        %gather3A_626 = tpu.vector_load_idx %arg6[%add3A_19, %add3A_610] : memref<128x64xf32, #tpu.memory_space<vmem>>[vector<16xi32>, vector<16xi32>], vector<16xf32>,
        %mul3A_627 = arith.constant 8.000000e+00 : f32
        %mul3A_628 = vector.broadcast %mul3A_627 : f32 to vector<16xf32>
        %mul3A_629 = arith.mulf %gather3A_626, %mul3A_628 : vector<16xf32>
        tpu.vector_store_idx %arg8[%add3A_613, %and3A_530, %add3A_19], %mul3A_629 : memref<8x8x128xf32, #tpu.memory_space<vmem>>[vector<16xi32>, vector<16xi32>, vector<16xi32>], vector<16xf32>,
        %gather3A_630 = tpu.vector_load_idx %arg6[%add3A_23, %add3A_610] : memref<128x64xf32, #tpu.memory_space<vmem>>[vector<16xi32>, vector<16xi32>], vector<16xf32>,
        %mul3A_631 = arith.constant 8.000000e+00 : f32
        %mul3A_632 = vector.broadcast %mul3A_631 : f32 to vector<16xf32>
        %mul3A_633 = arith.mulf %gather3A_630, %mul3A_632 : vector<16xf32>
        tpu.vector_store_idx %arg8[%add3A_613, %and3A_530, %add3A_23], %mul3A_633 : memref<8x8x128xf32, #tpu.memory_space<vmem>>[vector<16xi32>, vector<16xi32>, vector<16xi32>], vector<16xf32>,
        %gather3A_634 = tpu.vector_load_idx %arg6[%add3A_27, %add3A_610] : memref<128x64xf32, #tpu.memory_space<vmem>>[vector<16xi32>, vector<16xi32>], vector<16xf32>,
        %mul3A_635 = arith.constant 8.000000e+00 : f32
        %mul3A_636 = vector.broadcast %mul3A_635 : f32 to vector<16xf32>
        %mul3A_637 = arith.mulf %gather3A_634, %mul3A_636 : vector<16xf32>
        tpu.vector_store_idx %arg8[%add3A_613, %and3A_530, %add3A_27], %mul3A_637 : memref<8x8x128xf32, #tpu.memory_space<vmem>>[vector<16xi32>, vector<16xi32>, vector<16xi32>], vector<16xf32>,
        %gather3A_638 = tpu.vector_load_idx %arg6[%add3A_31, %add3A_610] : memref<128x64xf32, #tpu.memory_space<vmem>>[vector<16xi32>, vector<16xi32>], vector<16xf32>,
        %mul3A_639 = arith.constant 8.000000e+00 : f32
        %mul3A_640 = vector.broadcast %mul3A_639 : f32 to vector<16xf32>
        %mul3A_641 = arith.mulf %gather3A_638, %mul3A_640 : vector<16xf32>
        tpu.vector_store_idx %arg8[%add3A_613, %and3A_530, %add3A_31], %mul3A_641 : memref<8x8x128xf32, #tpu.memory_space<vmem>>[vector<16xi32>, vector<16xi32>, vector<16xi32>], vector<16xf32>,
        %gather3A_642 = tpu.vector_load_idx %arg6[%add3A_35, %add3A_610] : memref<128x64xf32, #tpu.memory_space<vmem>>[vector<16xi32>, vector<16xi32>], vector<16xf32>,
        %mul3A_643 = arith.constant 8.000000e+00 : f32
        %mul3A_644 = vector.broadcast %mul3A_643 : f32 to vector<16xf32>
        %mul3A_645 = arith.mulf %gather3A_642, %mul3A_644 : vector<16xf32>
        tpu.vector_store_idx %arg8[%add3A_613, %and3A_530, %add3A_35], %mul3A_645 : memref<8x8x128xf32, #tpu.memory_space<vmem>>[vector<16xi32>, vector<16xi32>, vector<16xi32>], vector<16xf32>,
        %add3A_646 = arith.constant 48 : i32
        %add3A_647 = vector.broadcast %add3A_646 : i32 to vector<16xi32>
        %add3A_648 = arith.addi %and3A_527, %add3A_647 : vector<16xi32>
        %add3A_649 = arith.constant 6 : i32
        %add3A_650 = vector.broadcast %add3A_649 : i32 to vector<16xi32>
        %add3A_651 = arith.addi %shift_right_arithmetic3A_532, %add3A_650 : vector<16xi32>
        %gather3A_652 = tpu.vector_load_idx %arg6[%add3A_7, %add3A_648] : memref<128x64xf32, #tpu.memory_space<vmem>>[vector<16xi32>, vector<16xi32>], vector<16xf32>,
        %mul3A_653 = arith.constant 8.000000e+00 : f32
        %mul3A_654 = vector.broadcast %mul3A_653 : f32 to vector<16xf32>
        %mul3A_655 = arith.mulf %gather3A_652, %mul3A_654 : vector<16xf32>
        tpu.vector_store_idx %arg8[%add3A_651, %and3A_530, %add3A_7], %mul3A_655 : memref<8x8x128xf32, #tpu.memory_space<vmem>>[vector<16xi32>, vector<16xi32>, vector<16xi32>], vector<16xf32>,
        %gather3A_656 = tpu.vector_load_idx %arg6[%add3A_11, %add3A_648] : memref<128x64xf32, #tpu.memory_space<vmem>>[vector<16xi32>, vector<16xi32>], vector<16xf32>,
        %mul3A_657 = arith.constant 8.000000e+00 : f32
        %mul3A_658 = vector.broadcast %mul3A_657 : f32 to vector<16xf32>
        %mul3A_659 = arith.mulf %gather3A_656, %mul3A_658 : vector<16xf32>
        tpu.vector_store_idx %arg8[%add3A_651, %and3A_530, %add3A_11], %mul3A_659 : memref<8x8x128xf32, #tpu.memory_space<vmem>>[vector<16xi32>, vector<16xi32>, vector<16xi32>], vector<16xf32>,
        %gather3A_660 = tpu.vector_load_idx %arg6[%add3A_15, %add3A_648] : memref<128x64xf32, #tpu.memory_space<vmem>>[vector<16xi32>, vector<16xi32>], vector<16xf32>,
        %mul3A_661 = arith.constant 8.000000e+00 : f32
        %mul3A_662 = vector.broadcast %mul3A_661 : f32 to vector<16xf32>
        %mul3A_663 = arith.mulf %gather3A_660, %mul3A_662 : vector<16xf32>
        tpu.vector_store_idx %arg8[%add3A_651, %and3A_530, %add3A_15], %mul3A_663 : memref<8x8x128xf32, #tpu.memory_space<vmem>>[vector<16xi32>, vector<16xi32>, vector<16xi32>], vector<16xf32>,
        %gather3A_664 = tpu.vector_load_idx %arg6[%add3A_19, %add3A_648] : memref<128x64xf32, #tpu.memory_space<vmem>>[vector<16xi32>, vector<16xi32>], vector<16xf32>,
        %mul3A_665 = arith.constant 8.000000e+00 : f32
        %mul3A_666 = vector.broadcast %mul3A_665 : f32 to vector<16xf32>
        %mul3A_667 = arith.mulf %gather3A_664, %mul3A_666 : vector<16xf32>
        tpu.vector_store_idx %arg8[%add3A_651, %and3A_530, %add3A_19], %mul3A_667 : memref<8x8x128xf32, #tpu.memory_space<vmem>>[vector<16xi32>, vector<16xi32>, vector<16xi32>], vector<16xf32>,
        %gather3A_668 = tpu.vector_load_idx %arg6[%add3A_23, %add3A_648] : memref<128x64xf32, #tpu.memory_space<vmem>>[vector<16xi32>, vector<16xi32>], vector<16xf32>,
        %mul3A_669 = arith.constant 8.000000e+00 : f32
        %mul3A_670 = vector.broadcast %mul3A_669 : f32 to vector<16xf32>
        %mul3A_671 = arith.mulf %gather3A_668, %mul3A_670 : vector<16xf32>
        tpu.vector_store_idx %arg8[%add3A_651, %and3A_530, %add3A_23], %mul3A_671 : memref<8x8x128xf32, #tpu.memory_space<vmem>>[vector<16xi32>, vector<16xi32>, vector<16xi32>], vector<16xf32>,
        %gather3A_672 = tpu.vector_load_idx %arg6[%add3A_27, %add3A_648] : memref<128x64xf32, #tpu.memory_space<vmem>>[vector<16xi32>, vector<16xi32>], vector<16xf32>,
        %mul3A_673 = arith.constant 8.000000e+00 : f32
        %mul3A_674 = vector.broadcast %mul3A_673 : f32 to vector<16xf32>
        %mul3A_675 = arith.mulf %gather3A_672, %mul3A_674 : vector<16xf32>
        tpu.vector_store_idx %arg8[%add3A_651, %and3A_530, %add3A_27], %mul3A_675 : memref<8x8x128xf32, #tpu.memory_space<vmem>>[vector<16xi32>, vector<16xi32>, vector<16xi32>], vector<16xf32>,
        %gather3A_676 = tpu.vector_load_idx %arg6[%add3A_31, %add3A_648] : memref<128x64xf32, #tpu.memory_space<vmem>>[vector<16xi32>, vector<16xi32>], vector<16xf32>,
        %mul3A_677 = arith.constant 8.000000e+00 : f32
        %mul3A_678 = vector.broadcast %mul3A_677 : f32 to vector<16xf32>
        %mul3A_679 = arith.mulf %gather3A_676, %mul3A_678 : vector<16xf32>
        tpu.vector_store_idx %arg8[%add3A_651, %and3A_530, %add3A_31], %mul3A_679 : memref<8x8x128xf32, #tpu.memory_space<vmem>>[vector<16xi32>, vector<16xi32>, vector<16xi32>], vector<16xf32>,
        %gather3A_680 = tpu.vector_load_idx %arg6[%add3A_35, %add3A_648] : memref<128x64xf32, #tpu.memory_space<vmem>>[vector<16xi32>, vector<16xi32>], vector<16xf32>,
        %mul3A_681 = arith.constant 8.000000e+00 : f32
        %mul3A_682 = vector.broadcast %mul3A_681 : f32 to vector<16xf32>
        %mul3A_683 = arith.mulf %gather3A_680, %mul3A_682 : vector<16xf32>
        tpu.vector_store_idx %arg8[%add3A_651, %and3A_530, %add3A_35], %mul3A_683 : memref<8x8x128xf32, #tpu.memory_space<vmem>>[vector<16xi32>, vector<16xi32>, vector<16xi32>], vector<16xf32>,
      }
      %scan3A_376 = arith.constant 16 : i32
      %add3A_377 = arith.addi %mul3A_2, %add3A_353 : i32
      %jit3A_378 = arith.constant 32 : i32
      %div3A_379 = arith.divsi %add3A_377, %jit3A_378 : i32
      %sign3A_380 = arith.constant 0 : i32
      %sign3A_381 = arith.cmpi sgt, %add3A_377, %sign3A_380 : i32
      %sign3A_382 = arith.extui %sign3A_381 : i1 to i32
      %sign3A_383 = arith.constant 0 : i32
      %sign3A_384 = arith.cmpi slt, %add3A_377, %sign3A_383 : i32
      %sign3A_385 = arith.extui %sign3A_384 : i1 to i32
      %sign3A_386 = arith.subi %sign3A_382, %sign3A_385 : i32
      %sign3A_387 = arith.constant 0 : i32
      %sign3A_388 = arith.cmpi sgt, %jit3A_378, %sign3A_387 : i32
      %sign3A_389 = arith.extui %sign3A_388 : i1 to i32
      %sign3A_390 = arith.constant 0 : i32
      %sign3A_391 = arith.cmpi slt, %jit3A_378, %sign3A_390 : i32
      %sign3A_392 = arith.extui %sign3A_391 : i1 to i32
      %sign3A_393 = arith.subi %sign3A_389, %sign3A_392 : i32
      %ne3A_394 = arith.cmpi ne, %sign3A_386, %sign3A_393 : i32
      %rem3A_395 = arith.remsi %add3A_377, %jit3A_378 : i32
      %ne3A_396 = arith.constant 0 : i32
      %ne3A_397 = arith.cmpi ne, %rem3A_395, %ne3A_396 : i32
      %and3A_398 = arith.andi %ne3A_394, %ne3A_397 : i1
      %sub3A_399 = arith.constant 1 : i32
      %sub3A_400 = arith.subi %div3A_379, %sub3A_399 : i32
      %select_n3A_401 = arith.select %and3A_398, %sub3A_400, %div3A_379 : i32
      %jit3A_402 = arith.constant 32 : i32
      %eq3A_403 = arith.constant 0 : i32
      %eq3A_404 = arith.cmpi eq, %jit3A_402, %eq3A_403 : i32
      %jit3A_405 = arith.constant 1 : i32
      %select_n3A_406 = arith.select %eq3A_404, %jit3A_405, %jit3A_402 : i32
      %rem3A_407 = arith.remsi %add3A_377, %select_n3A_406 : i32
      %ne3A_408 = arith.constant 0 : i32
      %ne3A_409 = arith.cmpi ne, %rem3A_407, %ne3A_408 : i32
      %lt3A_410 = arith.constant 0 : i32
      %lt3A_411 = arith.cmpi slt, %rem3A_407, %lt3A_410 : i32
      %lt3A_412 = arith.constant 0 : i32
      %lt3A_413 = arith.cmpi slt, %select_n3A_406, %lt3A_412 : i32
      %ne3A_414 = arith.xori %lt3A_411, %lt3A_413 : i1
      %and3A_415 = arith.andi %ne3A_414, %ne3A_409 : i1
      %add3A_416 = arith.addi %rem3A_407, %select_n3A_406 : i32
      %select_n3A_417 = arith.select %and3A_415, %add3A_416, %rem3A_407 : i32
      %dma_start3A_418 = arith.constant 0 : i32
      %dma_start3A_419 = arith.constant 0 : i32
      %dma_start3A_420 = arith.constant 0 : i32
      %dma_start3A_421 = tpu.memref_slice %arg4[%select_n3A_401, %dma_start3A_418, %select_n3A_417, %dma_start3A_419, %dma_start3A_420] : memref<200x8x32x8x128xf32, #tpu.memory_space<hbm>> -> memref<1x8x1x8x128xf32, #tpu.memory_space<hbm>>
      %dma_start3A_422 = tpu.memref_squeeze %dma_start3A_421 : memref<1x8x1x8x128xf32, #tpu.memory_space<hbm>> -> memref<8x8x128xf32, #tpu.memory_space<hbm>>
      %dma_start3A_423 = arith.constant 0 : i32
      %dma_start3A_424 = arith.constant 0 : i32
      %dma_start3A_425 = arith.constant 0 : i32
      %dma_start3A_426 = tpu.memref_slice %arg4[%select_n3A_401, %dma_start3A_423, %select_n3A_417, %dma_start3A_424, %dma_start3A_425] : memref<200x8x32x8x128xf32, #tpu.memory_space<hbm>> -> memref<1x8x1x8x128xf32, #tpu.memory_space<hbm>>
      %dma_start3A_427 = tpu.memref_squeeze %dma_start3A_426 : memref<1x8x1x8x128xf32, #tpu.memory_space<hbm>> -> memref<8x8x128xf32, #tpu.memory_space<hbm>>
      tpu.enqueue_dma source(%arg8 : memref<8x8x128xf32, #tpu.memory_space<vmem>>) target(%dma_start3A_427 : memref<8x8x128xf32, #tpu.memory_space<hbm>>) target_semaphore(%arg12 : memref<!tpu.dma_semaphore, #tpu.memory_space<semaphore_mem>>)
      %add3A_428 = arith.constant 2 : i32
      %add3A_429 = arith.addi %add3A_353, %add3A_428 : i32
      %mul3A_430 = arith.constant 128 : i32
      %mul3A_431 = arith.muli %add3A_429, %mul3A_430 : i32
      %dma_start3A_432 = tpu.memref_slice %arg5[%mul3A_431] : memref<25600xi32, #tpu.memory_space<vmem>> -> memref<128xi32, #tpu.memory_space<vmem>>
      %dma_start3A_433 = arith.constant 0 : i32
      %dma_start3A_434 = arith.constant 0 : i32
      %dma_start3A_435 = tpu.memref_slice %arg3[%dma_start3A_433, %dma_start3A_434] : memref<1000000x64xf32, #tpu.memory_space<hbm>> -> memref<1000000x64xf32, #tpu.memory_space<hbm>>
      tpu.enqueue_indirect_dma source(%dma_start3A_435 : memref<1000000x64xf32, #tpu.memory_space<hbm>>) target(%arg6 : memref<128x64xf32, #tpu.memory_space<vmem>>) offsets(%dma_start3A_432 : memref<128xi32, #tpu.memory_space<vmem>>) semaphore(%arg10 : memref<!tpu.dma_semaphore, #tpu.memory_space<semaphore_mem>>)
      %mul3A_436 = arith.constant 2 : i32
      %mul3A_437 = arith.muli %mul3A_436, %scan3A_349 : i32
      %add3A_438 = arith.constant 1 : i32
      %add3A_439 = arith.addi %mul3A_437, %add3A_438 : i32
      %dma_wait3A_440 = arith.constant 0 : i32
      %dma_wait3A_441 = tpu.memref_slice %arg5[%dma_wait3A_440] : memref<25600xi32, #tpu.memory_space<vmem>> -> memref<128xi32, #tpu.memory_space<vmem>>
      %dma_wait3A_442 = arith.constant 0 : i32
      %dma_wait3A_443 = arith.constant 0 : i32
      %dma_wait3A_444 = tpu.memref_slice %arg3[%dma_wait3A_442, %dma_wait3A_443] : memref<1000000x64xf32, #tpu.memory_space<hbm>> -> memref<1000000x64xf32, #tpu.memory_space<hbm>>
      tpu.wait_indirect_dma semaphore(%arg11 : memref<!tpu.dma_semaphore, #tpu.memory_space<semaphore_mem>>) src(%dma_wait3A_444 : memref<1000000x64xf32, #tpu.memory_space<hbm>>) dst(%arg7 : memref<128x64xf32, #tpu.memory_space<vmem>>)
      %dma_wait3A_445 = arith.constant 0 : i32
      %dma_wait3A_446 = arith.constant 0 : i32
      %dma_wait3A_447 = arith.constant 0 : i32
      %dma_wait3A_448 = arith.constant 0 : i32
      %dma_wait3A_449 = arith.constant 0 : i32
      %dma_wait3A_450 = tpu.memref_slice %arg4[%dma_wait3A_445, %dma_wait3A_447, %dma_wait3A_446, %dma_wait3A_448, %dma_wait3A_449] : memref<200x8x32x8x128xf32, #tpu.memory_space<hbm>> -> memref<1x8x1x8x128xf32, #tpu.memory_space<hbm>>
      %dma_wait3A_451 = tpu.memref_squeeze %dma_wait3A_450 : memref<1x8x1x8x128xf32, #tpu.memory_space<hbm>> -> memref<8x8x128xf32, #tpu.memory_space<hbm>>
      %dma_wait3A_452 = arith.constant 0 : i32
      %dma_wait3A_453 = arith.constant 0 : i32
      %dma_wait3A_454 = arith.constant 0 : i32
      %dma_wait3A_455 = tpu.memref_slice %arg4[%dma_wait3A_445, %dma_wait3A_452, %dma_wait3A_446, %dma_wait3A_453, %dma_wait3A_454] : memref<200x8x32x8x128xf32, #tpu.memory_space<hbm>> -> memref<1x8x1x8x128xf32, #tpu.memory_space<hbm>>
      %dma_wait3A_456 = tpu.memref_squeeze %dma_wait3A_455 : memref<1x8x1x8x128xf32, #tpu.memory_space<hbm>> -> memref<8x8x128xf32, #tpu.memory_space<hbm>>
      tpu.wait_dma2 semaphore(%arg13 : memref<!tpu.dma_semaphore, #tpu.memory_space<semaphore_mem>>) src(%arg9 : memref<8x8x128xf32, #tpu.memory_space<vmem>>) dst(%dma_wait3A_456 : memref<8x8x128xf32, #tpu.memory_space<hbm>>)
      %scan3A_457 = arith.constant 0 : i32
      %scan3A_458 = arith.constant 0 : i32
      %scan3A_459 = arith.constant 16 : i32
      %scan3A_460 = arith.addi %scan3A_458, %scan3A_459 : i32
      %scan3A_461 = arith.constant 1 : i32
      scf.for %scan3A_522 = %scan3A_458 to %scan3A_460 step %scan3A_461  : i32 {
        %add3A_523 = vector.broadcast %scan3A_522 : i32 to vector<16xi32>
        %add3A_524 = arith.addi %add3A_7, %add3A_523 : vector<16xi32>
        %and3A_525 = arith.constant 15 : i32
        %and3A_526 = vector.broadcast %and3A_525 : i32 to vector<16xi32>
        %and3A_527 = arith.andi %add3A_524, %and3A_526 : vector<16xi32>
        %and3A_528 = arith.constant 7 : i32
        %and3A_529 = vector.broadcast %and3A_528 : i32 to vector<16xi32>
        %and3A_530 = arith.andi %and3A_527, %and3A_529 : vector<16xi32>
        %shift_right_arithmetic3A = arith.constant 3 : i32
        %shift_right_arithmetic3A_531 = vector.broadcast %shift_right_arithmetic3A : i32 to vector<16xi32>
        %shift_right_arithmetic3A_532 = arith.shrsi %and3A_527, %shift_right_arithmetic3A_531 : vector<16xi32>
        %add3A_533 = arith.constant 0 : i32
        %add3A_534 = vector.broadcast %add3A_533 : i32 to vector<16xi32>
        %add3A_535 = arith.addi %and3A_527, %add3A_534 : vector<16xi32>
        %add3A_536 = arith.constant 0 : i32
        %add3A_537 = vector.broadcast %add3A_536 : i32 to vector<16xi32>
        %add3A_538 = arith.addi %shift_right_arithmetic3A_532, %add3A_537 : vector<16xi32>
        %gather3A = tpu.vector_load_idx %arg7[%add3A_7, %add3A_535] : memref<128x64xf32, #tpu.memory_space<vmem>>[vector<16xi32>, vector<16xi32>], vector<16xf32>,
        %mul3A_539 = arith.constant 8.000000e+00 : f32
        %mul3A_540 = vector.broadcast %mul3A_539 : f32 to vector<16xf32>
        %mul3A_541 = arith.mulf %gather3A, %mul3A_540 : vector<16xf32>
        tpu.vector_store_idx %arg9[%add3A_538, %and3A_530, %add3A_7], %mul3A_541 : memref<8x8x128xf32, #tpu.memory_space<vmem>>[vector<16xi32>, vector<16xi32>, vector<16xi32>], vector<16xf32>,
        %gather3A_542 = tpu.vector_load_idx %arg7[%add3A_11, %add3A_535] : memref<128x64xf32, #tpu.memory_space<vmem>>[vector<16xi32>, vector<16xi32>], vector<16xf32>,
        %mul3A_543 = arith.constant 8.000000e+00 : f32
        %mul3A_544 = vector.broadcast %mul3A_543 : f32 to vector<16xf32>
        %mul3A_545 = arith.mulf %gather3A_542, %mul3A_544 : vector<16xf32>
        tpu.vector_store_idx %arg9[%add3A_538, %and3A_530, %add3A_11], %mul3A_545 : memref<8x8x128xf32, #tpu.memory_space<vmem>>[vector<16xi32>, vector<16xi32>, vector<16xi32>], vector<16xf32>,
        %gather3A_546 = tpu.vector_load_idx %arg7[%add3A_15, %add3A_535] : memref<128x64xf32, #tpu.memory_space<vmem>>[vector<16xi32>, vector<16xi32>], vector<16xf32>,
        %mul3A_547 = arith.constant 8.000000e+00 : f32
        %mul3A_548 = vector.broadcast %mul3A_547 : f32 to vector<16xf32>
        %mul3A_549 = arith.mulf %gather3A_546, %mul3A_548 : vector<16xf32>
        tpu.vector_store_idx %arg9[%add3A_538, %and3A_530, %add3A_15], %mul3A_549 : memref<8x8x128xf32, #tpu.memory_space<vmem>>[vector<16xi32>, vector<16xi32>, vector<16xi32>], vector<16xf32>,
        %gather3A_550 = tpu.vector_load_idx %arg7[%add3A_19, %add3A_535] : memref<128x64xf32, #tpu.memory_space<vmem>>[vector<16xi32>, vector<16xi32>], vector<16xf32>,
        %mul3A_551 = arith.constant 8.000000e+00 : f32
        %mul3A_552 = vector.broadcast %mul3A_551 : f32 to vector<16xf32>
        %mul3A_553 = arith.mulf %gather3A_550, %mul3A_552 : vector<16xf32>
        tpu.vector_store_idx %arg9[%add3A_538, %and3A_530, %add3A_19], %mul3A_553 : memref<8x8x128xf32, #tpu.memory_space<vmem>>[vector<16xi32>, vector<16xi32>, vector<16xi32>], vector<16xf32>,
        %gather3A_554 = tpu.vector_load_idx %arg7[%add3A_23, %add3A_535] : memref<128x64xf32, #tpu.memory_space<vmem>>[vector<16xi32>, vector<16xi32>], vector<16xf32>,
        %mul3A_555 = arith.constant 8.000000e+00 : f32
        %mul3A_556 = vector.broadcast %mul3A_555 : f32 to vector<16xf32>
        %mul3A_557 = arith.mulf %gather3A_554, %mul3A_556 : vector<16xf32>
        tpu.vector_store_idx %arg9[%add3A_538, %and3A_530, %add3A_23], %mul3A_557 : memref<8x8x128xf32, #tpu.memory_space<vmem>>[vector<16xi32>, vector<16xi32>, vector<16xi32>], vector<16xf32>,
        %gather3A_558 = tpu.vector_load_idx %arg7[%add3A_27, %add3A_535] : memref<128x64xf32, #tpu.memory_space<vmem>>[vector<16xi32>, vector<16xi32>], vector<16xf32>,
        %mul3A_559 = arith.constant 8.000000e+00 : f32
        %mul3A_560 = vector.broadcast %mul3A_559 : f32 to vector<16xf32>
        %mul3A_561 = arith.mulf %gather3A_558, %mul3A_560 : vector<16xf32>
        tpu.vector_store_idx %arg9[%add3A_538, %and3A_530, %add3A_27], %mul3A_561 : memref<8x8x128xf32, #tpu.memory_space<vmem>>[vector<16xi32>, vector<16xi32>, vector<16xi32>], vector<16xf32>,
        %gather3A_562 = tpu.vector_load_idx %arg7[%add3A_31, %add3A_535] : memref<128x64xf32, #tpu.memory_space<vmem>>[vector<16xi32>, vector<16xi32>], vector<16xf32>,
        %mul3A_563 = arith.constant 8.000000e+00 : f32
        %mul3A_564 = vector.broadcast %mul3A_563 : f32 to vector<16xf32>
        %mul3A_565 = arith.mulf %gather3A_562, %mul3A_564 : vector<16xf32>
        tpu.vector_store_idx %arg9[%add3A_538, %and3A_530, %add3A_31], %mul3A_565 : memref<8x8x128xf32, #tpu.memory_space<vmem>>[vector<16xi32>, vector<16xi32>, vector<16xi32>], vector<16xf32>,
        %gather3A_566 = tpu.vector_load_idx %arg7[%add3A_35, %add3A_535] : memref<128x64xf32, #tpu.memory_space<vmem>>[vector<16xi32>, vector<16xi32>], vector<16xf32>,
        %mul3A_567 = arith.constant 8.000000e+00 : f32
        %mul3A_568 = vector.broadcast %mul3A_567 : f32 to vector<16xf32>
        %mul3A_569 = arith.mulf %gather3A_566, %mul3A_568 : vector<16xf32>
        tpu.vector_store_idx %arg9[%add3A_538, %and3A_530, %add3A_35], %mul3A_569 : memref<8x8x128xf32, #tpu.memory_space<vmem>>[vector<16xi32>, vector<16xi32>, vector<16xi32>], vector<16xf32>,
        %add3A_570 = arith.constant 16 : i32
        %add3A_571 = vector.broadcast %add3A_570 : i32 to vector<16xi32>
        %add3A_572 = arith.addi %and3A_527, %add3A_571 : vector<16xi32>
        %add3A_573 = arith.constant 2 : i32
        %add3A_574 = vector.broadcast %add3A_573 : i32 to vector<16xi32>
        %add3A_575 = arith.addi %shift_right_arithmetic3A_532, %add3A_574 : vector<16xi32>
        %gather3A_576 = tpu.vector_load_idx %arg7[%add3A_7, %add3A_572] : memref<128x64xf32, #tpu.memory_space<vmem>>[vector<16xi32>, vector<16xi32>], vector<16xf32>,
        %mul3A_577 = arith.constant 8.000000e+00 : f32
        %mul3A_578 = vector.broadcast %mul3A_577 : f32 to vector<16xf32>
        %mul3A_579 = arith.mulf %gather3A_576, %mul3A_578 : vector<16xf32>
        tpu.vector_store_idx %arg9[%add3A_575, %and3A_530, %add3A_7], %mul3A_579 : memref<8x8x128xf32, #tpu.memory_space<vmem>>[vector<16xi32>, vector<16xi32>, vector<16xi32>], vector<16xf32>,
        %gather3A_580 = tpu.vector_load_idx %arg7[%add3A_11, %add3A_572] : memref<128x64xf32, #tpu.memory_space<vmem>>[vector<16xi32>, vector<16xi32>], vector<16xf32>,
        %mul3A_581 = arith.constant 8.000000e+00 : f32
        %mul3A_582 = vector.broadcast %mul3A_581 : f32 to vector<16xf32>
        %mul3A_583 = arith.mulf %gather3A_580, %mul3A_582 : vector<16xf32>
        tpu.vector_store_idx %arg9[%add3A_575, %and3A_530, %add3A_11], %mul3A_583 : memref<8x8x128xf32, #tpu.memory_space<vmem>>[vector<16xi32>, vector<16xi32>, vector<16xi32>], vector<16xf32>,
        %gather3A_584 = tpu.vector_load_idx %arg7[%add3A_15, %add3A_572] : memref<128x64xf32, #tpu.memory_space<vmem>>[vector<16xi32>, vector<16xi32>], vector<16xf32>,
        %mul3A_585 = arith.constant 8.000000e+00 : f32
        %mul3A_586 = vector.broadcast %mul3A_585 : f32 to vector<16xf32>
        %mul3A_587 = arith.mulf %gather3A_584, %mul3A_586 : vector<16xf32>
        tpu.vector_store_idx %arg9[%add3A_575, %and3A_530, %add3A_15], %mul3A_587 : memref<8x8x128xf32, #tpu.memory_space<vmem>>[vector<16xi32>, vector<16xi32>, vector<16xi32>], vector<16xf32>,
        %gather3A_588 = tpu.vector_load_idx %arg7[%add3A_19, %add3A_572] : memref<128x64xf32, #tpu.memory_space<vmem>>[vector<16xi32>, vector<16xi32>], vector<16xf32>,
        %mul3A_589 = arith.constant 8.000000e+00 : f32
        %mul3A_590 = vector.broadcast %mul3A_589 : f32 to vector<16xf32>
        %mul3A_591 = arith.mulf %gather3A_588, %mul3A_590 : vector<16xf32>
        tpu.vector_store_idx %arg9[%add3A_575, %and3A_530, %add3A_19], %mul3A_591 : memref<8x8x128xf32, #tpu.memory_space<vmem>>[vector<16xi32>, vector<16xi32>, vector<16xi32>], vector<16xf32>,
        %gather3A_592 = tpu.vector_load_idx %arg7[%add3A_23, %add3A_572] : memref<128x64xf32, #tpu.memory_space<vmem>>[vector<16xi32>, vector<16xi32>], vector<16xf32>,
        %mul3A_593 = arith.constant 8.000000e+00 : f32
        %mul3A_594 = vector.broadcast %mul3A_593 : f32 to vector<16xf32>
        %mul3A_595 = arith.mulf %gather3A_592, %mul3A_594 : vector<16xf32>
        tpu.vector_store_idx %arg9[%add3A_575, %and3A_530, %add3A_23], %mul3A_595 : memref<8x8x128xf32, #tpu.memory_space<vmem>>[vector<16xi32>, vector<16xi32>, vector<16xi32>], vector<16xf32>,
        %gather3A_596 = tpu.vector_load_idx %arg7[%add3A_27, %add3A_572] : memref<128x64xf32, #tpu.memory_space<vmem>>[vector<16xi32>, vector<16xi32>], vector<16xf32>,
        %mul3A_597 = arith.constant 8.000000e+00 : f32
        %mul3A_598 = vector.broadcast %mul3A_597 : f32 to vector<16xf32>
        %mul3A_599 = arith.mulf %gather3A_596, %mul3A_598 : vector<16xf32>
        tpu.vector_store_idx %arg9[%add3A_575, %and3A_530, %add3A_27], %mul3A_599 : memref<8x8x128xf32, #tpu.memory_space<vmem>>[vector<16xi32>, vector<16xi32>, vector<16xi32>], vector<16xf32>,
        %gather3A_600 = tpu.vector_load_idx %arg7[%add3A_31, %add3A_572] : memref<128x64xf32, #tpu.memory_space<vmem>>[vector<16xi32>, vector<16xi32>], vector<16xf32>,
        %mul3A_601 = arith.constant 8.000000e+00 : f32
        %mul3A_602 = vector.broadcast %mul3A_601 : f32 to vector<16xf32>
        %mul3A_603 = arith.mulf %gather3A_600, %mul3A_602 : vector<16xf32>
        tpu.vector_store_idx %arg9[%add3A_575, %and3A_530, %add3A_31], %mul3A_603 : memref<8x8x128xf32, #tpu.memory_space<vmem>>[vector<16xi32>, vector<16xi32>, vector<16xi32>], vector<16xf32>,
        %gather3A_604 = tpu.vector_load_idx %arg7[%add3A_35, %add3A_572] : memref<128x64xf32, #tpu.memory_space<vmem>>[vector<16xi32>, vector<16xi32>], vector<16xf32>,
        %mul3A_605 = arith.constant 8.000000e+00 : f32
        %mul3A_606 = vector.broadcast %mul3A_605 : f32 to vector<16xf32>
        %mul3A_607 = arith.mulf %gather3A_604, %mul3A_606 : vector<16xf32>
        tpu.vector_store_idx %arg9[%add3A_575, %and3A_530, %add3A_35], %mul3A_607 : memref<8x8x128xf32, #tpu.memory_space<vmem>>[vector<16xi32>, vector<16xi32>, vector<16xi32>], vector<16xf32>,
        %add3A_608 = arith.constant 32 : i32
        %add3A_609 = vector.broadcast %add3A_608 : i32 to vector<16xi32>
        %add3A_610 = arith.addi %and3A_527, %add3A_609 : vector<16xi32>
        %add3A_611 = arith.constant 4 : i32
        %add3A_612 = vector.broadcast %add3A_611 : i32 to vector<16xi32>
        %add3A_613 = arith.addi %shift_right_arithmetic3A_532, %add3A_612 : vector<16xi32>
        %gather3A_614 = tpu.vector_load_idx %arg7[%add3A_7, %add3A_610] : memref<128x64xf32, #tpu.memory_space<vmem>>[vector<16xi32>, vector<16xi32>], vector<16xf32>,
        %mul3A_615 = arith.constant 8.000000e+00 : f32
        %mul3A_616 = vector.broadcast %mul3A_615 : f32 to vector<16xf32>
        %mul3A_617 = arith.mulf %gather3A_614, %mul3A_616 : vector<16xf32>
        tpu.vector_store_idx %arg9[%add3A_613, %and3A_530, %add3A_7], %mul3A_617 : memref<8x8x128xf32, #tpu.memory_space<vmem>>[vector<16xi32>, vector<16xi32>, vector<16xi32>], vector<16xf32>,
        %gather3A_618 = tpu.vector_load_idx %arg7[%add3A_11, %add3A_610] : memref<128x64xf32, #tpu.memory_space<vmem>>[vector<16xi32>, vector<16xi32>], vector<16xf32>,
        %mul3A_619 = arith.constant 8.000000e+00 : f32
        %mul3A_620 = vector.broadcast %mul3A_619 : f32 to vector<16xf32>
        %mul3A_621 = arith.mulf %gather3A_618, %mul3A_620 : vector<16xf32>
        tpu.vector_store_idx %arg9[%add3A_613, %and3A_530, %add3A_11], %mul3A_621 : memref<8x8x128xf32, #tpu.memory_space<vmem>>[vector<16xi32>, vector<16xi32>, vector<16xi32>], vector<16xf32>,
        %gather3A_622 = tpu.vector_load_idx %arg7[%add3A_15, %add3A_610] : memref<128x64xf32, #tpu.memory_space<vmem>>[vector<16xi32>, vector<16xi32>], vector<16xf32>,
        %mul3A_623 = arith.constant 8.000000e+00 : f32
        %mul3A_624 = vector.broadcast %mul3A_623 : f32 to vector<16xf32>
        %mul3A_625 = arith.mulf %gather3A_622, %mul3A_624 : vector<16xf32>
        tpu.vector_store_idx %arg9[%add3A_613, %and3A_530, %add3A_15], %mul3A_625 : memref<8x8x128xf32, #tpu.memory_space<vmem>>[vector<16xi32>, vector<16xi32>, vector<16xi32>], vector<16xf32>,
        %gather3A_626 = tpu.vector_load_idx %arg7[%add3A_19, %add3A_610] : memref<128x64xf32, #tpu.memory_space<vmem>>[vector<16xi32>, vector<16xi32>], vector<16xf32>,
        %mul3A_627 = arith.constant 8.000000e+00 : f32
        %mul3A_628 = vector.broadcast %mul3A_627 : f32 to vector<16xf32>
        %mul3A_629 = arith.mulf %gather3A_626, %mul3A_628 : vector<16xf32>
        tpu.vector_store_idx %arg9[%add3A_613, %and3A_530, %add3A_19], %mul3A_629 : memref<8x8x128xf32, #tpu.memory_space<vmem>>[vector<16xi32>, vector<16xi32>, vector<16xi32>], vector<16xf32>,
        %gather3A_630 = tpu.vector_load_idx %arg7[%add3A_23, %add3A_610] : memref<128x64xf32, #tpu.memory_space<vmem>>[vector<16xi32>, vector<16xi32>], vector<16xf32>,
        %mul3A_631 = arith.constant 8.000000e+00 : f32
        %mul3A_632 = vector.broadcast %mul3A_631 : f32 to vector<16xf32>
        %mul3A_633 = arith.mulf %gather3A_630, %mul3A_632 : vector<16xf32>
        tpu.vector_store_idx %arg9[%add3A_613, %and3A_530, %add3A_23], %mul3A_633 : memref<8x8x128xf32, #tpu.memory_space<vmem>>[vector<16xi32>, vector<16xi32>, vector<16xi32>], vector<16xf32>,
        %gather3A_634 = tpu.vector_load_idx %arg7[%add3A_27, %add3A_610] : memref<128x64xf32, #tpu.memory_space<vmem>>[vector<16xi32>, vector<16xi32>], vector<16xf32>,
        %mul3A_635 = arith.constant 8.000000e+00 : f32
        %mul3A_636 = vector.broadcast %mul3A_635 : f32 to vector<16xf32>
        %mul3A_637 = arith.mulf %gather3A_634, %mul3A_636 : vector<16xf32>
        tpu.vector_store_idx %arg9[%add3A_613, %and3A_530, %add3A_27], %mul3A_637 : memref<8x8x128xf32, #tpu.memory_space<vmem>>[vector<16xi32>, vector<16xi32>, vector<16xi32>], vector<16xf32>,
        %gather3A_638 = tpu.vector_load_idx %arg7[%add3A_31, %add3A_610] : memref<128x64xf32, #tpu.memory_space<vmem>>[vector<16xi32>, vector<16xi32>], vector<16xf32>,
        %mul3A_639 = arith.constant 8.000000e+00 : f32
        %mul3A_640 = vector.broadcast %mul3A_639 : f32 to vector<16xf32>
        %mul3A_641 = arith.mulf %gather3A_638, %mul3A_640 : vector<16xf32>
        tpu.vector_store_idx %arg9[%add3A_613, %and3A_530, %add3A_31], %mul3A_641 : memref<8x8x128xf32, #tpu.memory_space<vmem>>[vector<16xi32>, vector<16xi32>, vector<16xi32>], vector<16xf32>,
        %gather3A_642 = tpu.vector_load_idx %arg7[%add3A_35, %add3A_610] : memref<128x64xf32, #tpu.memory_space<vmem>>[vector<16xi32>, vector<16xi32>], vector<16xf32>,
        %mul3A_643 = arith.constant 8.000000e+00 : f32
        %mul3A_644 = vector.broadcast %mul3A_643 : f32 to vector<16xf32>
        %mul3A_645 = arith.mulf %gather3A_642, %mul3A_644 : vector<16xf32>
        tpu.vector_store_idx %arg9[%add3A_613, %and3A_530, %add3A_35], %mul3A_645 : memref<8x8x128xf32, #tpu.memory_space<vmem>>[vector<16xi32>, vector<16xi32>, vector<16xi32>], vector<16xf32>,
        %add3A_646 = arith.constant 48 : i32
        %add3A_647 = vector.broadcast %add3A_646 : i32 to vector<16xi32>
        %add3A_648 = arith.addi %and3A_527, %add3A_647 : vector<16xi32>
        %add3A_649 = arith.constant 6 : i32
        %add3A_650 = vector.broadcast %add3A_649 : i32 to vector<16xi32>
        %add3A_651 = arith.addi %shift_right_arithmetic3A_532, %add3A_650 : vector<16xi32>
        %gather3A_652 = tpu.vector_load_idx %arg7[%add3A_7, %add3A_648] : memref<128x64xf32, #tpu.memory_space<vmem>>[vector<16xi32>, vector<16xi32>], vector<16xf32>,
        %mul3A_653 = arith.constant 8.000000e+00 : f32
        %mul3A_654 = vector.broadcast %mul3A_653 : f32 to vector<16xf32>
        %mul3A_655 = arith.mulf %gather3A_652, %mul3A_654 : vector<16xf32>
        tpu.vector_store_idx %arg9[%add3A_651, %and3A_530, %add3A_7], %mul3A_655 : memref<8x8x128xf32, #tpu.memory_space<vmem>>[vector<16xi32>, vector<16xi32>, vector<16xi32>], vector<16xf32>,
        %gather3A_656 = tpu.vector_load_idx %arg7[%add3A_11, %add3A_648] : memref<128x64xf32, #tpu.memory_space<vmem>>[vector<16xi32>, vector<16xi32>], vector<16xf32>,
        %mul3A_657 = arith.constant 8.000000e+00 : f32
        %mul3A_658 = vector.broadcast %mul3A_657 : f32 to vector<16xf32>
        %mul3A_659 = arith.mulf %gather3A_656, %mul3A_658 : vector<16xf32>
        tpu.vector_store_idx %arg9[%add3A_651, %and3A_530, %add3A_11], %mul3A_659 : memref<8x8x128xf32, #tpu.memory_space<vmem>>[vector<16xi32>, vector<16xi32>, vector<16xi32>], vector<16xf32>,
        %gather3A_660 = tpu.vector_load_idx %arg7[%add3A_15, %add3A_648] : memref<128x64xf32, #tpu.memory_space<vmem>>[vector<16xi32>, vector<16xi32>], vector<16xf32>,
        %mul3A_661 = arith.constant 8.000000e+00 : f32
        %mul3A_662 = vector.broadcast %mul3A_661 : f32 to vector<16xf32>
        %mul3A_663 = arith.mulf %gather3A_660, %mul3A_662 : vector<16xf32>
        tpu.vector_store_idx %arg9[%add3A_651, %and3A_530, %add3A_15], %mul3A_663 : memref<8x8x128xf32, #tpu.memory_space<vmem>>[vector<16xi32>, vector<16xi32>, vector<16xi32>], vector<16xf32>,
        %gather3A_664 = tpu.vector_load_idx %arg7[%add3A_19, %add3A_648] : memref<128x64xf32, #tpu.memory_space<vmem>>[vector<16xi32>, vector<16xi32>], vector<16xf32>,
        %mul3A_665 = arith.constant 8.000000e+00 : f32
        %mul3A_666 = vector.broadcast %mul3A_665 : f32 to vector<16xf32>
        %mul3A_667 = arith.mulf %gather3A_664, %mul3A_666 : vector<16xf32>
        tpu.vector_store_idx %arg9[%add3A_651, %and3A_530, %add3A_19], %mul3A_667 : memref<8x8x128xf32, #tpu.memory_space<vmem>>[vector<16xi32>, vector<16xi32>, vector<16xi32>], vector<16xf32>,
        %gather3A_668 = tpu.vector_load_idx %arg7[%add3A_23, %add3A_648] : memref<128x64xf32, #tpu.memory_space<vmem>>[vector<16xi32>, vector<16xi32>], vector<16xf32>,
        %mul3A_669 = arith.constant 8.000000e+00 : f32
        %mul3A_670 = vector.broadcast %mul3A_669 : f32 to vector<16xf32>
        %mul3A_671 = arith.mulf %gather3A_668, %mul3A_670 : vector<16xf32>
        tpu.vector_store_idx %arg9[%add3A_651, %and3A_530, %add3A_23], %mul3A_671 : memref<8x8x128xf32, #tpu.memory_space<vmem>>[vector<16xi32>, vector<16xi32>, vector<16xi32>], vector<16xf32>,
        %gather3A_672 = tpu.vector_load_idx %arg7[%add3A_27, %add3A_648] : memref<128x64xf32, #tpu.memory_space<vmem>>[vector<16xi32>, vector<16xi32>], vector<16xf32>,
        %mul3A_673 = arith.constant 8.000000e+00 : f32
        %mul3A_674 = vector.broadcast %mul3A_673 : f32 to vector<16xf32>
        %mul3A_675 = arith.mulf %gather3A_672, %mul3A_674 : vector<16xf32>
        tpu.vector_store_idx %arg9[%add3A_651, %and3A_530, %add3A_27], %mul3A_675 : memref<8x8x128xf32, #tpu.memory_space<vmem>>[vector<16xi32>, vector<16xi32>, vector<16xi32>], vector<16xf32>,
        %gather3A_676 = tpu.vector_load_idx %arg7[%add3A_31, %add3A_648] : memref<128x64xf32, #tpu.memory_space<vmem>>[vector<16xi32>, vector<16xi32>], vector<16xf32>,
        %mul3A_677 = arith.constant 8.000000e+00 : f32
        %mul3A_678 = vector.broadcast %mul3A_677 : f32 to vector<16xf32>
        %mul3A_679 = arith.mulf %gather3A_676, %mul3A_678 : vector<16xf32>
        tpu.vector_store_idx %arg9[%add3A_651, %and3A_530, %add3A_31], %mul3A_679 : memref<8x8x128xf32, #tpu.memory_space<vmem>>[vector<16xi32>, vector<16xi32>, vector<16xi32>], vector<16xf32>,
        %gather3A_680 = tpu.vector_load_idx %arg7[%add3A_35, %add3A_648] : memref<128x64xf32, #tpu.memory_space<vmem>>[vector<16xi32>, vector<16xi32>], vector<16xf32>,
        %mul3A_681 = arith.constant 8.000000e+00 : f32
        %mul3A_682 = vector.broadcast %mul3A_681 : f32 to vector<16xf32>
        %mul3A_683 = arith.mulf %gather3A_680, %mul3A_682 : vector<16xf32>
        tpu.vector_store_idx %arg9[%add3A_651, %and3A_530, %add3A_35], %mul3A_683 : memref<8x8x128xf32, #tpu.memory_space<vmem>>[vector<16xi32>, vector<16xi32>, vector<16xi32>], vector<16xf32>,
      }
      %scan3A_462 = arith.constant 16 : i32
      %add3A_463 = arith.addi %mul3A_2, %add3A_439 : i32
      %jit3A_464 = arith.constant 32 : i32
      %div3A_465 = arith.divsi %add3A_463, %jit3A_464 : i32
      %sign3A_466 = arith.constant 0 : i32
      %sign3A_467 = arith.cmpi sgt, %add3A_463, %sign3A_466 : i32
      %sign3A_468 = arith.extui %sign3A_467 : i1 to i32
      %sign3A_469 = arith.constant 0 : i32
      %sign3A_470 = arith.cmpi slt, %add3A_463, %sign3A_469 : i32
      %sign3A_471 = arith.extui %sign3A_470 : i1 to i32
      %sign3A_472 = arith.subi %sign3A_468, %sign3A_471 : i32
      %sign3A_473 = arith.constant 0 : i32
      %sign3A_474 = arith.cmpi sgt, %jit3A_464, %sign3A_473 : i32
      %sign3A_475 = arith.extui %sign3A_474 : i1 to i32
      %sign3A_476 = arith.constant 0 : i32
      %sign3A_477 = arith.cmpi slt, %jit3A_464, %sign3A_476 : i32
      %sign3A_478 = arith.extui %sign3A_477 : i1 to i32
      %sign3A_479 = arith.subi %sign3A_475, %sign3A_478 : i32
      %ne3A_480 = arith.cmpi ne, %sign3A_472, %sign3A_479 : i32
      %rem3A_481 = arith.remsi %add3A_463, %jit3A_464 : i32
      %ne3A_482 = arith.constant 0 : i32
      %ne3A_483 = arith.cmpi ne, %rem3A_481, %ne3A_482 : i32
      %and3A_484 = arith.andi %ne3A_480, %ne3A_483 : i1
      %sub3A_485 = arith.constant 1 : i32
      %sub3A_486 = arith.subi %div3A_465, %sub3A_485 : i32
      %select_n3A_487 = arith.select %and3A_484, %sub3A_486, %div3A_465 : i32
      %jit3A_488 = arith.constant 32 : i32
      %eq3A_489 = arith.constant 0 : i32
      %eq3A_490 = arith.cmpi eq, %jit3A_488, %eq3A_489 : i32
      %jit3A_491 = arith.constant 1 : i32
      %select_n3A_492 = arith.select %eq3A_490, %jit3A_491, %jit3A_488 : i32
      %rem3A_493 = arith.remsi %add3A_463, %select_n3A_492 : i32
      %ne3A_494 = arith.constant 0 : i32
      %ne3A_495 = arith.cmpi ne, %rem3A_493, %ne3A_494 : i32
      %lt3A_496 = arith.constant 0 : i32
      %lt3A_497 = arith.cmpi slt, %rem3A_493, %lt3A_496 : i32
      %lt3A_498 = arith.constant 0 : i32
      %lt3A_499 = arith.cmpi slt, %select_n3A_492, %lt3A_498 : i32
      %ne3A_500 = arith.xori %lt3A_497, %lt3A_499 : i1
      %and3A_501 = arith.andi %ne3A_500, %ne3A_495 : i1
      %add3A_502 = arith.addi %rem3A_493, %select_n3A_492 : i32
      %select_n3A_503 = arith.select %and3A_501, %add3A_502, %rem3A_493 : i32
      %dma_start3A_504 = arith.constant 0 : i32
      %dma_start3A_505 = arith.constant 0 : i32
      %dma_start3A_506 = arith.constant 0 : i32
      %dma_start3A_507 = tpu.memref_slice %arg4[%select_n3A_487, %dma_start3A_504, %select_n3A_503, %dma_start3A_505, %dma_start3A_506] : memref<200x8x32x8x128xf32, #tpu.memory_space<hbm>> -> memref<1x8x1x8x128xf32, #tpu.memory_space<hbm>>
      %dma_start3A_508 = tpu.memref_squeeze %dma_start3A_507 : memref<1x8x1x8x128xf32, #tpu.memory_space<hbm>> -> memref<8x8x128xf32, #tpu.memory_space<hbm>>
      %dma_start3A_509 = arith.constant 0 : i32
      %dma_start3A_510 = arith.constant 0 : i32
      %dma_start3A_511 = arith.constant 0 : i32
      %dma_start3A_512 = tpu.memref_slice %arg4[%select_n3A_487, %dma_start3A_509, %select_n3A_503, %dma_start3A_510, %dma_start3A_511] : memref<200x8x32x8x128xf32, #tpu.memory_space<hbm>> -> memref<1x8x1x8x128xf32, #tpu.memory_space<hbm>>
      %dma_start3A_513 = tpu.memref_squeeze %dma_start3A_512 : memref<1x8x1x8x128xf32, #tpu.memory_space<hbm>> -> memref<8x8x128xf32, #tpu.memory_space<hbm>>
      tpu.enqueue_dma source(%arg9 : memref<8x8x128xf32, #tpu.memory_space<vmem>>) target(%dma_start3A_513 : memref<8x8x128xf32, #tpu.memory_space<hbm>>) target_semaphore(%arg13 : memref<!tpu.dma_semaphore, #tpu.memory_space<semaphore_mem>>)
      %add3A_514 = arith.constant 2 : i32
      %add3A_515 = arith.addi %add3A_439, %add3A_514 : i32
      %mul3A_516 = arith.constant 128 : i32
      %mul3A_517 = arith.muli %add3A_515, %mul3A_516 : i32
      %dma_start3A_518 = tpu.memref_slice %arg5[%mul3A_517] : memref<25600xi32, #tpu.memory_space<vmem>> -> memref<128xi32, #tpu.memory_space<vmem>>
      %dma_start3A_519 = arith.constant 0 : i32
      %dma_start3A_520 = arith.constant 0 : i32
      %dma_start3A_521 = tpu.memref_slice %arg3[%dma_start3A_519, %dma_start3A_520] : memref<1000000x64xf32, #tpu.memory_space<hbm>> -> memref<1000000x64xf32, #tpu.memory_space<hbm>>
      tpu.enqueue_indirect_dma source(%dma_start3A_521 : memref<1000000x64xf32, #tpu.memory_space<hbm>>) target(%arg7 : memref<128x64xf32, #tpu.memory_space<vmem>>) offsets(%dma_start3A_518 : memref<128xi32, #tpu.memory_space<vmem>>) semaphore(%arg11 : memref<!tpu.dma_semaphore, #tpu.memory_space<semaphore_mem>>)
    }
    %scan3A_174 = arith.constant 98 : i32
    %dma_wait3A_175 = arith.constant 0 : i32
    %dma_wait3A_176 = tpu.memref_slice %arg5[%dma_wait3A_175] : memref<25600xi32, #tpu.memory_space<vmem>> -> memref<128xi32, #tpu.memory_space<vmem>>
    %dma_wait3A_177 = arith.constant 0 : i32
    %dma_wait3A_178 = arith.constant 0 : i32
    %dma_wait3A_179 = tpu.memref_slice %arg3[%dma_wait3A_177, %dma_wait3A_178] : memref<1000000x64xf32, #tpu.memory_space<hbm>> -> memref<1000000x64xf32, #tpu.memory_space<hbm>>
    tpu.wait_indirect_dma semaphore(%arg10 : memref<!tpu.dma_semaphore, #tpu.memory_space<semaphore_mem>>) src(%dma_wait3A_179 : memref<1000000x64xf32, #tpu.memory_space<hbm>>) dst(%arg6 : memref<128x64xf32, #tpu.memory_space<vmem>>)
    %dma_wait3A_180 = arith.constant 0 : i32
    %dma_wait3A_181 = arith.constant 0 : i32
    %dma_wait3A_182 = arith.constant 0 : i32
    %dma_wait3A_183 = arith.constant 0 : i32
    %dma_wait3A_184 = arith.constant 0 : i32
    %dma_wait3A_185 = tpu.memref_slice %arg4[%dma_wait3A_180, %dma_wait3A_182, %dma_wait3A_181, %dma_wait3A_183, %dma_wait3A_184] : memref<200x8x32x8x128xf32, #tpu.memory_space<hbm>> -> memref<1x8x1x8x128xf32, #tpu.memory_space<hbm>>
    %dma_wait3A_186 = tpu.memref_squeeze %dma_wait3A_185 : memref<1x8x1x8x128xf32, #tpu.memory_space<hbm>> -> memref<8x8x128xf32, #tpu.memory_space<hbm>>
    %dma_wait3A_187 = arith.constant 0 : i32
    %dma_wait3A_188 = arith.constant 0 : i32
    %dma_wait3A_189 = arith.constant 0 : i32
    %dma_wait3A_190 = tpu.memref_slice %arg4[%dma_wait3A_180, %dma_wait3A_187, %dma_wait3A_181, %dma_wait3A_188, %dma_wait3A_189] : memref<200x8x32x8x128xf32, #tpu.memory_space<hbm>> -> memref<1x8x1x8x128xf32, #tpu.memory_space<hbm>>
    %dma_wait3A_191 = tpu.memref_squeeze %dma_wait3A_190 : memref<1x8x1x8x128xf32, #tpu.memory_space<hbm>> -> memref<8x8x128xf32, #tpu.memory_space<hbm>>
    tpu.wait_dma2 semaphore(%arg12 : memref<!tpu.dma_semaphore, #tpu.memory_space<semaphore_mem>>) src(%arg8 : memref<8x8x128xf32, #tpu.memory_space<vmem>>) dst(%dma_wait3A_191 : memref<8x8x128xf32, #tpu.memory_space<hbm>>)
    %scan3A_192 = arith.constant 0 : i32
    %scan3A_193 = arith.constant 0 : i32
    %scan3A_194 = arith.constant 16 : i32
    %scan3A_195 = arith.addi %scan3A_193, %scan3A_194 : i32
    %scan3A_196 = arith.constant 1 : i32
    scf.for %scan3A_349 = %scan3A_193 to %scan3A_195 step %scan3A_196  : i32 {
      %add3A_350 = vector.broadcast %scan3A_349 : i32 to vector<16xi32>
      %add3A_351 = arith.addi %add3A_7, %add3A_350 : vector<16xi32>
      %and3A_352 = arith.constant 15 : i32
      %and3A_353 = vector.broadcast %and3A_352 : i32 to vector<16xi32>
      %and3A_354 = arith.andi %add3A_351, %and3A_353 : vector<16xi32>
      %and3A_355 = arith.constant 7 : i32
      %and3A_356 = vector.broadcast %and3A_355 : i32 to vector<16xi32>
      %and3A_357 = arith.andi %and3A_354, %and3A_356 : vector<16xi32>
      %shift_right_arithmetic3A = arith.constant 3 : i32
      %shift_right_arithmetic3A_358 = vector.broadcast %shift_right_arithmetic3A : i32 to vector<16xi32>
      %shift_right_arithmetic3A_359 = arith.shrsi %and3A_354, %shift_right_arithmetic3A_358 : vector<16xi32>
      %add3A_360 = arith.constant 0 : i32
      %add3A_361 = vector.broadcast %add3A_360 : i32 to vector<16xi32>
      %add3A_362 = arith.addi %and3A_354, %add3A_361 : vector<16xi32>
      %add3A_363 = arith.constant 0 : i32
      %add3A_364 = vector.broadcast %add3A_363 : i32 to vector<16xi32>
      %add3A_365 = arith.addi %shift_right_arithmetic3A_359, %add3A_364 : vector<16xi32>
      %gather3A = tpu.vector_load_idx %arg6[%add3A_7, %add3A_362] : memref<128x64xf32, #tpu.memory_space<vmem>>[vector<16xi32>, vector<16xi32>], vector<16xf32>,
      %mul3A_366 = arith.constant 8.000000e+00 : f32
      %mul3A_367 = vector.broadcast %mul3A_366 : f32 to vector<16xf32>
      %mul3A_368 = arith.mulf %gather3A, %mul3A_367 : vector<16xf32>
      tpu.vector_store_idx %arg8[%add3A_365, %and3A_357, %add3A_7], %mul3A_368 : memref<8x8x128xf32, #tpu.memory_space<vmem>>[vector<16xi32>, vector<16xi32>, vector<16xi32>], vector<16xf32>,
      %gather3A_369 = tpu.vector_load_idx %arg6[%add3A_11, %add3A_362] : memref<128x64xf32, #tpu.memory_space<vmem>>[vector<16xi32>, vector<16xi32>], vector<16xf32>,
      %mul3A_370 = arith.constant 8.000000e+00 : f32
      %mul3A_371 = vector.broadcast %mul3A_370 : f32 to vector<16xf32>
      %mul3A_372 = arith.mulf %gather3A_369, %mul3A_371 : vector<16xf32>
      tpu.vector_store_idx %arg8[%add3A_365, %and3A_357, %add3A_11], %mul3A_372 : memref<8x8x128xf32, #tpu.memory_space<vmem>>[vector<16xi32>, vector<16xi32>, vector<16xi32>], vector<16xf32>,
      %gather3A_373 = tpu.vector_load_idx %arg6[%add3A_15, %add3A_362] : memref<128x64xf32, #tpu.memory_space<vmem>>[vector<16xi32>, vector<16xi32>], vector<16xf32>,
      %mul3A_374 = arith.constant 8.000000e+00 : f32
      %mul3A_375 = vector.broadcast %mul3A_374 : f32 to vector<16xf32>
      %mul3A_376 = arith.mulf %gather3A_373, %mul3A_375 : vector<16xf32>
      tpu.vector_store_idx %arg8[%add3A_365, %and3A_357, %add3A_15], %mul3A_376 : memref<8x8x128xf32, #tpu.memory_space<vmem>>[vector<16xi32>, vector<16xi32>, vector<16xi32>], vector<16xf32>,
      %gather3A_377 = tpu.vector_load_idx %arg6[%add3A_19, %add3A_362] : memref<128x64xf32, #tpu.memory_space<vmem>>[vector<16xi32>, vector<16xi32>], vector<16xf32>,
      %mul3A_378 = arith.constant 8.000000e+00 : f32
      %mul3A_379 = vector.broadcast %mul3A_378 : f32 to vector<16xf32>
      %mul3A_380 = arith.mulf %gather3A_377, %mul3A_379 : vector<16xf32>
      tpu.vector_store_idx %arg8[%add3A_365, %and3A_357, %add3A_19], %mul3A_380 : memref<8x8x128xf32, #tpu.memory_space<vmem>>[vector<16xi32>, vector<16xi32>, vector<16xi32>], vector<16xf32>,
      %gather3A_381 = tpu.vector_load_idx %arg6[%add3A_23, %add3A_362] : memref<128x64xf32, #tpu.memory_space<vmem>>[vector<16xi32>, vector<16xi32>], vector<16xf32>,
      %mul3A_382 = arith.constant 8.000000e+00 : f32
      %mul3A_383 = vector.broadcast %mul3A_382 : f32 to vector<16xf32>
      %mul3A_384 = arith.mulf %gather3A_381, %mul3A_383 : vector<16xf32>
      tpu.vector_store_idx %arg8[%add3A_365, %and3A_357, %add3A_23], %mul3A_384 : memref<8x8x128xf32, #tpu.memory_space<vmem>>[vector<16xi32>, vector<16xi32>, vector<16xi32>], vector<16xf32>,
      %gather3A_385 = tpu.vector_load_idx %arg6[%add3A_27, %add3A_362] : memref<128x64xf32, #tpu.memory_space<vmem>>[vector<16xi32>, vector<16xi32>], vector<16xf32>,
      %mul3A_386 = arith.constant 8.000000e+00 : f32
      %mul3A_387 = vector.broadcast %mul3A_386 : f32 to vector<16xf32>
      %mul3A_388 = arith.mulf %gather3A_385, %mul3A_387 : vector<16xf32>
      tpu.vector_store_idx %arg8[%add3A_365, %and3A_357, %add3A_27], %mul3A_388 : memref<8x8x128xf32, #tpu.memory_space<vmem>>[vector<16xi32>, vector<16xi32>, vector<16xi32>], vector<16xf32>,
      %gather3A_389 = tpu.vector_load_idx %arg6[%add3A_31, %add3A_362] : memref<128x64xf32, #tpu.memory_space<vmem>>[vector<16xi32>, vector<16xi32>], vector<16xf32>,
      %mul3A_390 = arith.constant 8.000000e+00 : f32
      %mul3A_391 = vector.broadcast %mul3A_390 : f32 to vector<16xf32>
      %mul3A_392 = arith.mulf %gather3A_389, %mul3A_391 : vector<16xf32>
      tpu.vector_store_idx %arg8[%add3A_365, %and3A_357, %add3A_31], %mul3A_392 : memref<8x8x128xf32, #tpu.memory_space<vmem>>[vector<16xi32>, vector<16xi32>, vector<16xi32>], vector<16xf32>,
      %gather3A_393 = tpu.vector_load_idx %arg6[%add3A_35, %add3A_362] : memref<128x64xf32, #tpu.memory_space<vmem>>[vector<16xi32>, vector<16xi32>], vector<16xf32>,
      %mul3A_394 = arith.constant 8.000000e+00 : f32
      %mul3A_395 = vector.broadcast %mul3A_394 : f32 to vector<16xf32>
      %mul3A_396 = arith.mulf %gather3A_393, %mul3A_395 : vector<16xf32>
      tpu.vector_store_idx %arg8[%add3A_365, %and3A_357, %add3A_35], %mul3A_396 : memref<8x8x128xf32, #tpu.memory_space<vmem>>[vector<16xi32>, vector<16xi32>, vector<16xi32>], vector<16xf32>,
      %add3A_397 = arith.constant 16 : i32
      %add3A_398 = vector.broadcast %add3A_397 : i32 to vector<16xi32>
      %add3A_399 = arith.addi %and3A_354, %add3A_398 : vector<16xi32>
      %add3A_400 = arith.constant 2 : i32
      %add3A_401 = vector.broadcast %add3A_400 : i32 to vector<16xi32>
      %add3A_402 = arith.addi %shift_right_arithmetic3A_359, %add3A_401 : vector<16xi32>
      %gather3A_403 = tpu.vector_load_idx %arg6[%add3A_7, %add3A_399] : memref<128x64xf32, #tpu.memory_space<vmem>>[vector<16xi32>, vector<16xi32>], vector<16xf32>,
      %mul3A_404 = arith.constant 8.000000e+00 : f32
      %mul3A_405 = vector.broadcast %mul3A_404 : f32 to vector<16xf32>
      %mul3A_406 = arith.mulf %gather3A_403, %mul3A_405 : vector<16xf32>
      tpu.vector_store_idx %arg8[%add3A_402, %and3A_357, %add3A_7], %mul3A_406 : memref<8x8x128xf32, #tpu.memory_space<vmem>>[vector<16xi32>, vector<16xi32>, vector<16xi32>], vector<16xf32>,
      %gather3A_407 = tpu.vector_load_idx %arg6[%add3A_11, %add3A_399] : memref<128x64xf32, #tpu.memory_space<vmem>>[vector<16xi32>, vector<16xi32>], vector<16xf32>,
      %mul3A_408 = arith.constant 8.000000e+00 : f32
      %mul3A_409 = vector.broadcast %mul3A_408 : f32 to vector<16xf32>
      %mul3A_410 = arith.mulf %gather3A_407, %mul3A_409 : vector<16xf32>
      tpu.vector_store_idx %arg8[%add3A_402, %and3A_357, %add3A_11], %mul3A_410 : memref<8x8x128xf32, #tpu.memory_space<vmem>>[vector<16xi32>, vector<16xi32>, vector<16xi32>], vector<16xf32>,
      %gather3A_411 = tpu.vector_load_idx %arg6[%add3A_15, %add3A_399] : memref<128x64xf32, #tpu.memory_space<vmem>>[vector<16xi32>, vector<16xi32>], vector<16xf32>,
      %mul3A_412 = arith.constant 8.000000e+00 : f32
      %mul3A_413 = vector.broadcast %mul3A_412 : f32 to vector<16xf32>
      %mul3A_414 = arith.mulf %gather3A_411, %mul3A_413 : vector<16xf32>
      tpu.vector_store_idx %arg8[%add3A_402, %and3A_357, %add3A_15], %mul3A_414 : memref<8x8x128xf32, #tpu.memory_space<vmem>>[vector<16xi32>, vector<16xi32>, vector<16xi32>], vector<16xf32>,
      %gather3A_415 = tpu.vector_load_idx %arg6[%add3A_19, %add3A_399] : memref<128x64xf32, #tpu.memory_space<vmem>>[vector<16xi32>, vector<16xi32>], vector<16xf32>,
      %mul3A_416 = arith.constant 8.000000e+00 : f32
      %mul3A_417 = vector.broadcast %mul3A_416 : f32 to vector<16xf32>
      %mul3A_418 = arith.mulf %gather3A_415, %mul3A_417 : vector<16xf32>
      tpu.vector_store_idx %arg8[%add3A_402, %and3A_357, %add3A_19], %mul3A_418 : memref<8x8x128xf32, #tpu.memory_space<vmem>>[vector<16xi32>, vector<16xi32>, vector<16xi32>], vector<16xf32>,
      %gather3A_419 = tpu.vector_load_idx %arg6[%add3A_23, %add3A_399] : memref<128x64xf32, #tpu.memory_space<vmem>>[vector<16xi32>, vector<16xi32>], vector<16xf32>,
      %mul3A_420 = arith.constant 8.000000e+00 : f32
      %mul3A_421 = vector.broadcast %mul3A_420 : f32 to vector<16xf32>
      %mul3A_422 = arith.mulf %gather3A_419, %mul3A_421 : vector<16xf32>
      tpu.vector_store_idx %arg8[%add3A_402, %and3A_357, %add3A_23], %mul3A_422 : memref<8x8x128xf32, #tpu.memory_space<vmem>>[vector<16xi32>, vector<16xi32>, vector<16xi32>], vector<16xf32>,
      %gather3A_423 = tpu.vector_load_idx %arg6[%add3A_27, %add3A_399] : memref<128x64xf32, #tpu.memory_space<vmem>>[vector<16xi32>, vector<16xi32>], vector<16xf32>,
      %mul3A_424 = arith.constant 8.000000e+00 : f32
      %mul3A_425 = vector.broadcast %mul3A_424 : f32 to vector<16xf32>
      %mul3A_426 = arith.mulf %gather3A_423, %mul3A_425 : vector<16xf32>
      tpu.vector_store_idx %arg8[%add3A_402, %and3A_357, %add3A_27], %mul3A_426 : memref<8x8x128xf32, #tpu.memory_space<vmem>>[vector<16xi32>, vector<16xi32>, vector<16xi32>], vector<16xf32>,
      %gather3A_427 = tpu.vector_load_idx %arg6[%add3A_31, %add3A_399] : memref<128x64xf32, #tpu.memory_space<vmem>>[vector<16xi32>, vector<16xi32>], vector<16xf32>,
      %mul3A_428 = arith.constant 8.000000e+00 : f32
      %mul3A_429 = vector.broadcast %mul3A_428 : f32 to vector<16xf32>
      %mul3A_430 = arith.mulf %gather3A_427, %mul3A_429 : vector<16xf32>
      tpu.vector_store_idx %arg8[%add3A_402, %and3A_357, %add3A_31], %mul3A_430 : memref<8x8x128xf32, #tpu.memory_space<vmem>>[vector<16xi32>, vector<16xi32>, vector<16xi32>], vector<16xf32>,
      %gather3A_431 = tpu.vector_load_idx %arg6[%add3A_35, %add3A_399] : memref<128x64xf32, #tpu.memory_space<vmem>>[vector<16xi32>, vector<16xi32>], vector<16xf32>,
      %mul3A_432 = arith.constant 8.000000e+00 : f32
      %mul3A_433 = vector.broadcast %mul3A_432 : f32 to vector<16xf32>
      %mul3A_434 = arith.mulf %gather3A_431, %mul3A_433 : vector<16xf32>
      tpu.vector_store_idx %arg8[%add3A_402, %and3A_357, %add3A_35], %mul3A_434 : memref<8x8x128xf32, #tpu.memory_space<vmem>>[vector<16xi32>, vector<16xi32>, vector<16xi32>], vector<16xf32>,
      %add3A_435 = arith.constant 32 : i32
      %add3A_436 = vector.broadcast %add3A_435 : i32 to vector<16xi32>
      %add3A_437 = arith.addi %and3A_354, %add3A_436 : vector<16xi32>
      %add3A_438 = arith.constant 4 : i32
      %add3A_439 = vector.broadcast %add3A_438 : i32 to vector<16xi32>
      %add3A_440 = arith.addi %shift_right_arithmetic3A_359, %add3A_439 : vector<16xi32>
      %gather3A_441 = tpu.vector_load_idx %arg6[%add3A_7, %add3A_437] : memref<128x64xf32, #tpu.memory_space<vmem>>[vector<16xi32>, vector<16xi32>], vector<16xf32>,
      %mul3A_442 = arith.constant 8.000000e+00 : f32
      %mul3A_443 = vector.broadcast %mul3A_442 : f32 to vector<16xf32>
      %mul3A_444 = arith.mulf %gather3A_441, %mul3A_443 : vector<16xf32>
      tpu.vector_store_idx %arg8[%add3A_440, %and3A_357, %add3A_7], %mul3A_444 : memref<8x8x128xf32, #tpu.memory_space<vmem>>[vector<16xi32>, vector<16xi32>, vector<16xi32>], vector<16xf32>,
      %gather3A_445 = tpu.vector_load_idx %arg6[%add3A_11, %add3A_437] : memref<128x64xf32, #tpu.memory_space<vmem>>[vector<16xi32>, vector<16xi32>], vector<16xf32>,
      %mul3A_446 = arith.constant 8.000000e+00 : f32
      %mul3A_447 = vector.broadcast %mul3A_446 : f32 to vector<16xf32>
      %mul3A_448 = arith.mulf %gather3A_445, %mul3A_447 : vector<16xf32>
      tpu.vector_store_idx %arg8[%add3A_440, %and3A_357, %add3A_11], %mul3A_448 : memref<8x8x128xf32, #tpu.memory_space<vmem>>[vector<16xi32>, vector<16xi32>, vector<16xi32>], vector<16xf32>,
      %gather3A_449 = tpu.vector_load_idx %arg6[%add3A_15, %add3A_437] : memref<128x64xf32, #tpu.memory_space<vmem>>[vector<16xi32>, vector<16xi32>], vector<16xf32>,
      %mul3A_450 = arith.constant 8.000000e+00 : f32
      %mul3A_451 = vector.broadcast %mul3A_450 : f32 to vector<16xf32>
      %mul3A_452 = arith.mulf %gather3A_449, %mul3A_451 : vector<16xf32>
      tpu.vector_store_idx %arg8[%add3A_440, %and3A_357, %add3A_15], %mul3A_452 : memref<8x8x128xf32, #tpu.memory_space<vmem>>[vector<16xi32>, vector<16xi32>, vector<16xi32>], vector<16xf32>,
      %gather3A_453 = tpu.vector_load_idx %arg6[%add3A_19, %add3A_437] : memref<128x64xf32, #tpu.memory_space<vmem>>[vector<16xi32>, vector<16xi32>], vector<16xf32>,
      %mul3A_454 = arith.constant 8.000000e+00 : f32
      %mul3A_455 = vector.broadcast %mul3A_454 : f32 to vector<16xf32>
      %mul3A_456 = arith.mulf %gather3A_453, %mul3A_455 : vector<16xf32>
      tpu.vector_store_idx %arg8[%add3A_440, %and3A_357, %add3A_19], %mul3A_456 : memref<8x8x128xf32, #tpu.memory_space<vmem>>[vector<16xi32>, vector<16xi32>, vector<16xi32>], vector<16xf32>,
      %gather3A_457 = tpu.vector_load_idx %arg6[%add3A_23, %add3A_437] : memref<128x64xf32, #tpu.memory_space<vmem>>[vector<16xi32>, vector<16xi32>], vector<16xf32>,
      %mul3A_458 = arith.constant 8.000000e+00 : f32
      %mul3A_459 = vector.broadcast %mul3A_458 : f32 to vector<16xf32>
      %mul3A_460 = arith.mulf %gather3A_457, %mul3A_459 : vector<16xf32>
      tpu.vector_store_idx %arg8[%add3A_440, %and3A_357, %add3A_23], %mul3A_460 : memref<8x8x128xf32, #tpu.memory_space<vmem>>[vector<16xi32>, vector<16xi32>, vector<16xi32>], vector<16xf32>,
      %gather3A_461 = tpu.vector_load_idx %arg6[%add3A_27, %add3A_437] : memref<128x64xf32, #tpu.memory_space<vmem>>[vector<16xi32>, vector<16xi32>], vector<16xf32>,
      %mul3A_462 = arith.constant 8.000000e+00 : f32
      %mul3A_463 = vector.broadcast %mul3A_462 : f32 to vector<16xf32>
      %mul3A_464 = arith.mulf %gather3A_461, %mul3A_463 : vector<16xf32>
      tpu.vector_store_idx %arg8[%add3A_440, %and3A_357, %add3A_27], %mul3A_464 : memref<8x8x128xf32, #tpu.memory_space<vmem>>[vector<16xi32>, vector<16xi32>, vector<16xi32>], vector<16xf32>,
      %gather3A_465 = tpu.vector_load_idx %arg6[%add3A_31, %add3A_437] : memref<128x64xf32, #tpu.memory_space<vmem>>[vector<16xi32>, vector<16xi32>], vector<16xf32>,
      %mul3A_466 = arith.constant 8.000000e+00 : f32
      %mul3A_467 = vector.broadcast %mul3A_466 : f32 to vector<16xf32>
      %mul3A_468 = arith.mulf %gather3A_465, %mul3A_467 : vector<16xf32>
      tpu.vector_store_idx %arg8[%add3A_440, %and3A_357, %add3A_31], %mul3A_468 : memref<8x8x128xf32, #tpu.memory_space<vmem>>[vector<16xi32>, vector<16xi32>, vector<16xi32>], vector<16xf32>,
      %gather3A_469 = tpu.vector_load_idx %arg6[%add3A_35, %add3A_437] : memref<128x64xf32, #tpu.memory_space<vmem>>[vector<16xi32>, vector<16xi32>], vector<16xf32>,
      %mul3A_470 = arith.constant 8.000000e+00 : f32
      %mul3A_471 = vector.broadcast %mul3A_470 : f32 to vector<16xf32>
      %mul3A_472 = arith.mulf %gather3A_469, %mul3A_471 : vector<16xf32>
      tpu.vector_store_idx %arg8[%add3A_440, %and3A_357, %add3A_35], %mul3A_472 : memref<8x8x128xf32, #tpu.memory_space<vmem>>[vector<16xi32>, vector<16xi32>, vector<16xi32>], vector<16xf32>,
      %add3A_473 = arith.constant 48 : i32
      %add3A_474 = vector.broadcast %add3A_473 : i32 to vector<16xi32>
      %add3A_475 = arith.addi %and3A_354, %add3A_474 : vector<16xi32>
      %add3A_476 = arith.constant 6 : i32
      %add3A_477 = vector.broadcast %add3A_476 : i32 to vector<16xi32>
      %add3A_478 = arith.addi %shift_right_arithmetic3A_359, %add3A_477 : vector<16xi32>
      %gather3A_479 = tpu.vector_load_idx %arg6[%add3A_7, %add3A_475] : memref<128x64xf32, #tpu.memory_space<vmem>>[vector<16xi32>, vector<16xi32>], vector<16xf32>,
      %mul3A_480 = arith.constant 8.000000e+00 : f32
      %mul3A_481 = vector.broadcast %mul3A_480 : f32 to vector<16xf32>
      %mul3A_482 = arith.mulf %gather3A_479, %mul3A_481 : vector<16xf32>
      tpu.vector_store_idx %arg8[%add3A_478, %and3A_357, %add3A_7], %mul3A_482 : memref<8x8x128xf32, #tpu.memory_space<vmem>>[vector<16xi32>, vector<16xi32>, vector<16xi32>], vector<16xf32>,
      %gather3A_483 = tpu.vector_load_idx %arg6[%add3A_11, %add3A_475] : memref<128x64xf32, #tpu.memory_space<vmem>>[vector<16xi32>, vector<16xi32>], vector<16xf32>,
      %mul3A_484 = arith.constant 8.000000e+00 : f32
      %mul3A_485 = vector.broadcast %mul3A_484 : f32 to vector<16xf32>
      %mul3A_486 = arith.mulf %gather3A_483, %mul3A_485 : vector<16xf32>
      tpu.vector_store_idx %arg8[%add3A_478, %and3A_357, %add3A_11], %mul3A_486 : memref<8x8x128xf32, #tpu.memory_space<vmem>>[vector<16xi32>, vector<16xi32>, vector<16xi32>], vector<16xf32>,
      %gather3A_487 = tpu.vector_load_idx %arg6[%add3A_15, %add3A_475] : memref<128x64xf32, #tpu.memory_space<vmem>>[vector<16xi32>, vector<16xi32>], vector<16xf32>,
      %mul3A_488 = arith.constant 8.000000e+00 : f32
      %mul3A_489 = vector.broadcast %mul3A_488 : f32 to vector<16xf32>
      %mul3A_490 = arith.mulf %gather3A_487, %mul3A_489 : vector<16xf32>
      tpu.vector_store_idx %arg8[%add3A_478, %and3A_357, %add3A_15], %mul3A_490 : memref<8x8x128xf32, #tpu.memory_space<vmem>>[vector<16xi32>, vector<16xi32>, vector<16xi32>], vector<16xf32>,
      %gather3A_491 = tpu.vector_load_idx %arg6[%add3A_19, %add3A_475] : memref<128x64xf32, #tpu.memory_space<vmem>>[vector<16xi32>, vector<16xi32>], vector<16xf32>,
      %mul3A_492 = arith.constant 8.000000e+00 : f32
      %mul3A_493 = vector.broadcast %mul3A_492 : f32 to vector<16xf32>
      %mul3A_494 = arith.mulf %gather3A_491, %mul3A_493 : vector<16xf32>
      tpu.vector_store_idx %arg8[%add3A_478, %and3A_357, %add3A_19], %mul3A_494 : memref<8x8x128xf32, #tpu.memory_space<vmem>>[vector<16xi32>, vector<16xi32>, vector<16xi32>], vector<16xf32>,
      %gather3A_495 = tpu.vector_load_idx %arg6[%add3A_23, %add3A_475] : memref<128x64xf32, #tpu.memory_space<vmem>>[vector<16xi32>, vector<16xi32>], vector<16xf32>,
      %mul3A_496 = arith.constant 8.000000e+00 : f32
      %mul3A_497 = vector.broadcast %mul3A_496 : f32 to vector<16xf32>
      %mul3A_498 = arith.mulf %gather3A_495, %mul3A_497 : vector<16xf32>
      tpu.vector_store_idx %arg8[%add3A_478, %and3A_357, %add3A_23], %mul3A_498 : memref<8x8x128xf32, #tpu.memory_space<vmem>>[vector<16xi32>, vector<16xi32>, vector<16xi32>], vector<16xf32>,
      %gather3A_499 = tpu.vector_load_idx %arg6[%add3A_27, %add3A_475] : memref<128x64xf32, #tpu.memory_space<vmem>>[vector<16xi32>, vector<16xi32>], vector<16xf32>,
      %mul3A_500 = arith.constant 8.000000e+00 : f32
      %mul3A_501 = vector.broadcast %mul3A_500 : f32 to vector<16xf32>
      %mul3A_502 = arith.mulf %gather3A_499, %mul3A_501 : vector<16xf32>
      tpu.vector_store_idx %arg8[%add3A_478, %and3A_357, %add3A_27], %mul3A_502 : memref<8x8x128xf32, #tpu.memory_space<vmem>>[vector<16xi32>, vector<16xi32>, vector<16xi32>], vector<16xf32>,
      %gather3A_503 = tpu.vector_load_idx %arg6[%add3A_31, %add3A_475] : memref<128x64xf32, #tpu.memory_space<vmem>>[vector<16xi32>, vector<16xi32>], vector<16xf32>,
      %mul3A_504 = arith.constant 8.000000e+00 : f32
      %mul3A_505 = vector.broadcast %mul3A_504 : f32 to vector<16xf32>
      %mul3A_506 = arith.mulf %gather3A_503, %mul3A_505 : vector<16xf32>
      tpu.vector_store_idx %arg8[%add3A_478, %and3A_357, %add3A_31], %mul3A_506 : memref<8x8x128xf32, #tpu.memory_space<vmem>>[vector<16xi32>, vector<16xi32>, vector<16xi32>], vector<16xf32>,
      %gather3A_507 = tpu.vector_load_idx %arg6[%add3A_35, %add3A_475] : memref<128x64xf32, #tpu.memory_space<vmem>>[vector<16xi32>, vector<16xi32>], vector<16xf32>,
      %mul3A_508 = arith.constant 8.000000e+00 : f32
      %mul3A_509 = vector.broadcast %mul3A_508 : f32 to vector<16xf32>
      %mul3A_510 = arith.mulf %gather3A_507, %mul3A_509 : vector<16xf32>
      tpu.vector_store_idx %arg8[%add3A_478, %and3A_357, %add3A_35], %mul3A_510 : memref<8x8x128xf32, #tpu.memory_space<vmem>>[vector<16xi32>, vector<16xi32>, vector<16xi32>], vector<16xf32>,
    }
    %scan3A_197 = arith.constant 16 : i32
    %add3A_198 = arith.constant 198 : i32
    %add3A_199 = arith.addi %mul3A_2, %add3A_198 : i32
    %jit3A_200 = arith.constant 32 : i32
    %div3A_201 = arith.divsi %add3A_199, %jit3A_200 : i32
    %sign3A_202 = arith.constant 0 : i32
    %sign3A_203 = arith.cmpi sgt, %add3A_199, %sign3A_202 : i32
    %sign3A_204 = arith.extui %sign3A_203 : i1 to i32
    %sign3A_205 = arith.constant 0 : i32
    %sign3A_206 = arith.cmpi slt, %add3A_199, %sign3A_205 : i32
    %sign3A_207 = arith.extui %sign3A_206 : i1 to i32
    %sign3A_208 = arith.subi %sign3A_204, %sign3A_207 : i32
    %sign3A_209 = arith.constant 0 : i32
    %sign3A_210 = arith.cmpi sgt, %jit3A_200, %sign3A_209 : i32
    %sign3A_211 = arith.extui %sign3A_210 : i1 to i32
    %sign3A_212 = arith.constant 0 : i32
    %sign3A_213 = arith.cmpi slt, %jit3A_200, %sign3A_212 : i32
    %sign3A_214 = arith.extui %sign3A_213 : i1 to i32
    %sign3A_215 = arith.subi %sign3A_211, %sign3A_214 : i32
    %ne3A_216 = arith.cmpi ne, %sign3A_208, %sign3A_215 : i32
    %rem3A_217 = arith.remsi %add3A_199, %jit3A_200 : i32
    %ne3A_218 = arith.constant 0 : i32
    %ne3A_219 = arith.cmpi ne, %rem3A_217, %ne3A_218 : i32
    %and3A_220 = arith.andi %ne3A_216, %ne3A_219 : i1
    %sub3A_221 = arith.constant 1 : i32
    %sub3A_222 = arith.subi %div3A_201, %sub3A_221 : i32
    %select_n3A_223 = arith.select %and3A_220, %sub3A_222, %div3A_201 : i32
    %jit3A_224 = arith.constant 32 : i32
    %eq3A_225 = arith.constant 0 : i32
    %eq3A_226 = arith.cmpi eq, %jit3A_224, %eq3A_225 : i32
    %jit3A_227 = arith.constant 1 : i32
    %select_n3A_228 = arith.select %eq3A_226, %jit3A_227, %jit3A_224 : i32
    %rem3A_229 = arith.remsi %add3A_199, %select_n3A_228 : i32
    %ne3A_230 = arith.constant 0 : i32
    %ne3A_231 = arith.cmpi ne, %rem3A_229, %ne3A_230 : i32
    %lt3A_232 = arith.constant 0 : i32
    %lt3A_233 = arith.cmpi slt, %rem3A_229, %lt3A_232 : i32
    %lt3A_234 = arith.constant 0 : i32
    %lt3A_235 = arith.cmpi slt, %select_n3A_228, %lt3A_234 : i32
    %ne3A_236 = arith.xori %lt3A_233, %lt3A_235 : i1
    %and3A_237 = arith.andi %ne3A_236, %ne3A_231 : i1
    %add3A_238 = arith.addi %rem3A_229, %select_n3A_228 : i32
    %select_n3A_239 = arith.select %and3A_237, %add3A_238, %rem3A_229 : i32
    %dma_start3A_240 = arith.constant 0 : i32
    %dma_start3A_241 = arith.constant 0 : i32
    %dma_start3A_242 = arith.constant 0 : i32
    %dma_start3A_243 = tpu.memref_slice %arg4[%select_n3A_223, %dma_start3A_240, %select_n3A_239, %dma_start3A_241, %dma_start3A_242] : memref<200x8x32x8x128xf32, #tpu.memory_space<hbm>> -> memref<1x8x1x8x128xf32, #tpu.memory_space<hbm>>
    %dma_start3A_244 = tpu.memref_squeeze %dma_start3A_243 : memref<1x8x1x8x128xf32, #tpu.memory_space<hbm>> -> memref<8x8x128xf32, #tpu.memory_space<hbm>>
    %dma_start3A_245 = arith.constant 0 : i32
    %dma_start3A_246 = arith.constant 0 : i32
    %dma_start3A_247 = arith.constant 0 : i32
    %dma_start3A_248 = tpu.memref_slice %arg4[%select_n3A_223, %dma_start3A_245, %select_n3A_239, %dma_start3A_246, %dma_start3A_247] : memref<200x8x32x8x128xf32, #tpu.memory_space<hbm>> -> memref<1x8x1x8x128xf32, #tpu.memory_space<hbm>>
    %dma_start3A_249 = tpu.memref_squeeze %dma_start3A_248 : memref<1x8x1x8x128xf32, #tpu.memory_space<hbm>> -> memref<8x8x128xf32, #tpu.memory_space<hbm>>
    tpu.enqueue_dma source(%arg8 : memref<8x8x128xf32, #tpu.memory_space<vmem>>) target(%dma_start3A_249 : memref<8x8x128xf32, #tpu.memory_space<hbm>>) target_semaphore(%arg12 : memref<!tpu.dma_semaphore, #tpu.memory_space<semaphore_mem>>)
    %dma_wait3A_250 = arith.constant 0 : i32
    %dma_wait3A_251 = tpu.memref_slice %arg5[%dma_wait3A_250] : memref<25600xi32, #tpu.memory_space<vmem>> -> memref<128xi32, #tpu.memory_space<vmem>>
    %dma_wait3A_252 = arith.constant 0 : i32
    %dma_wait3A_253 = arith.constant 0 : i32
    %dma_wait3A_254 = tpu.memref_slice %arg3[%dma_wait3A_252, %dma_wait3A_253] : memref<1000000x64xf32, #tpu.memory_space<hbm>> -> memref<1000000x64xf32, #tpu.memory_space<hbm>>
    tpu.wait_indirect_dma semaphore(%arg11 : memref<!tpu.dma_semaphore, #tpu.memory_space<semaphore_mem>>) src(%dma_wait3A_254 : memref<1000000x64xf32, #tpu.memory_space<hbm>>) dst(%arg7 : memref<128x64xf32, #tpu.memory_space<vmem>>)
    %dma_wait3A_255 = arith.constant 0 : i32
    %dma_wait3A_256 = arith.constant 0 : i32
    %dma_wait3A_257 = arith.constant 0 : i32
    %dma_wait3A_258 = arith.constant 0 : i32
    %dma_wait3A_259 = arith.constant 0 : i32
    %dma_wait3A_260 = tpu.memref_slice %arg4[%dma_wait3A_255, %dma_wait3A_257, %dma_wait3A_256, %dma_wait3A_258, %dma_wait3A_259] : memref<200x8x32x8x128xf32, #tpu.memory_space<hbm>> -> memref<1x8x1x8x128xf32, #tpu.memory_space<hbm>>
    %dma_wait3A_261 = tpu.memref_squeeze %dma_wait3A_260 : memref<1x8x1x8x128xf32, #tpu.memory_space<hbm>> -> memref<8x8x128xf32, #tpu.memory_space<hbm>>
    %dma_wait3A_262 = arith.constant 0 : i32
    %dma_wait3A_263 = arith.constant 0 : i32
    %dma_wait3A_264 = arith.constant 0 : i32
    %dma_wait3A_265 = tpu.memref_slice %arg4[%dma_wait3A_255, %dma_wait3A_262, %dma_wait3A_256, %dma_wait3A_263, %dma_wait3A_264] : memref<200x8x32x8x128xf32, #tpu.memory_space<hbm>> -> memref<1x8x1x8x128xf32, #tpu.memory_space<hbm>>
    %dma_wait3A_266 = tpu.memref_squeeze %dma_wait3A_265 : memref<1x8x1x8x128xf32, #tpu.memory_space<hbm>> -> memref<8x8x128xf32, #tpu.memory_space<hbm>>
    tpu.wait_dma2 semaphore(%arg13 : memref<!tpu.dma_semaphore, #tpu.memory_space<semaphore_mem>>) src(%arg9 : memref<8x8x128xf32, #tpu.memory_space<vmem>>) dst(%dma_wait3A_266 : memref<8x8x128xf32, #tpu.memory_space<hbm>>)
    %scan3A_267 = arith.constant 0 : i32
    %scan3A_268 = arith.constant 0 : i32
    %scan3A_269 = arith.constant 16 : i32
    %scan3A_270 = arith.addi %scan3A_268, %scan3A_269 : i32
    %scan3A_271 = arith.constant 1 : i32
    scf.for %scan3A_349 = %scan3A_268 to %scan3A_270 step %scan3A_271  : i32 {
      %add3A_350 = vector.broadcast %scan3A_349 : i32 to vector<16xi32>
      %add3A_351 = arith.addi %add3A_7, %add3A_350 : vector<16xi32>
      %and3A_352 = arith.constant 15 : i32
      %and3A_353 = vector.broadcast %and3A_352 : i32 to vector<16xi32>
      %and3A_354 = arith.andi %add3A_351, %and3A_353 : vector<16xi32>
      %and3A_355 = arith.constant 7 : i32
      %and3A_356 = vector.broadcast %and3A_355 : i32 to vector<16xi32>
      %and3A_357 = arith.andi %and3A_354, %and3A_356 : vector<16xi32>
      %shift_right_arithmetic3A = arith.constant 3 : i32
      %shift_right_arithmetic3A_358 = vector.broadcast %shift_right_arithmetic3A : i32 to vector<16xi32>
      %shift_right_arithmetic3A_359 = arith.shrsi %and3A_354, %shift_right_arithmetic3A_358 : vector<16xi32>
      %add3A_360 = arith.constant 0 : i32
      %add3A_361 = vector.broadcast %add3A_360 : i32 to vector<16xi32>
      %add3A_362 = arith.addi %and3A_354, %add3A_361 : vector<16xi32>
      %add3A_363 = arith.constant 0 : i32
      %add3A_364 = vector.broadcast %add3A_363 : i32 to vector<16xi32>
      %add3A_365 = arith.addi %shift_right_arithmetic3A_359, %add3A_364 : vector<16xi32>
      %gather3A = tpu.vector_load_idx %arg7[%add3A_7, %add3A_362] : memref<128x64xf32, #tpu.memory_space<vmem>>[vector<16xi32>, vector<16xi32>], vector<16xf32>,
      %mul3A_366 = arith.constant 8.000000e+00 : f32
      %mul3A_367 = vector.broadcast %mul3A_366 : f32 to vector<16xf32>
      %mul3A_368 = arith.mulf %gather3A, %mul3A_367 : vector<16xf32>
      tpu.vector_store_idx %arg9[%add3A_365, %and3A_357, %add3A_7], %mul3A_368 : memref<8x8x128xf32, #tpu.memory_space<vmem>>[vector<16xi32>, vector<16xi32>, vector<16xi32>], vector<16xf32>,
      %gather3A_369 = tpu.vector_load_idx %arg7[%add3A_11, %add3A_362] : memref<128x64xf32, #tpu.memory_space<vmem>>[vector<16xi32>, vector<16xi32>], vector<16xf32>,
      %mul3A_370 = arith.constant 8.000000e+00 : f32
      %mul3A_371 = vector.broadcast %mul3A_370 : f32 to vector<16xf32>
      %mul3A_372 = arith.mulf %gather3A_369, %mul3A_371 : vector<16xf32>
      tpu.vector_store_idx %arg9[%add3A_365, %and3A_357, %add3A_11], %mul3A_372 : memref<8x8x128xf32, #tpu.memory_space<vmem>>[vector<16xi32>, vector<16xi32>, vector<16xi32>], vector<16xf32>,
      %gather3A_373 = tpu.vector_load_idx %arg7[%add3A_15, %add3A_362] : memref<128x64xf32, #tpu.memory_space<vmem>>[vector<16xi32>, vector<16xi32>], vector<16xf32>,
      %mul3A_374 = arith.constant 8.000000e+00 : f32
      %mul3A_375 = vector.broadcast %mul3A_374 : f32 to vector<16xf32>
      %mul3A_376 = arith.mulf %gather3A_373, %mul3A_375 : vector<16xf32>
      tpu.vector_store_idx %arg9[%add3A_365, %and3A_357, %add3A_15], %mul3A_376 : memref<8x8x128xf32, #tpu.memory_space<vmem>>[vector<16xi32>, vector<16xi32>, vector<16xi32>], vector<16xf32>,
      %gather3A_377 = tpu.vector_load_idx %arg7[%add3A_19, %add3A_362] : memref<128x64xf32, #tpu.memory_space<vmem>>[vector<16xi32>, vector<16xi32>], vector<16xf32>,
      %mul3A_378 = arith.constant 8.000000e+00 : f32
      %mul3A_379 = vector.broadcast %mul3A_378 : f32 to vector<16xf32>
      %mul3A_380 = arith.mulf %gather3A_377, %mul3A_379 : vector<16xf32>
      tpu.vector_store_idx %arg9[%add3A_365, %and3A_357, %add3A_19], %mul3A_380 : memref<8x8x128xf32, #tpu.memory_space<vmem>>[vector<16xi32>, vector<16xi32>, vector<16xi32>], vector<16xf32>,
      %gather3A_381 = tpu.vector_load_idx %arg7[%add3A_23, %add3A_362] : memref<128x64xf32, #tpu.memory_space<vmem>>[vector<16xi32>, vector<16xi32>], vector<16xf32>,
      %mul3A_382 = arith.constant 8.000000e+00 : f32
      %mul3A_383 = vector.broadcast %mul3A_382 : f32 to vector<16xf32>
      %mul3A_384 = arith.mulf %gather3A_381, %mul3A_383 : vector<16xf32>
      tpu.vector_store_idx %arg9[%add3A_365, %and3A_357, %add3A_23], %mul3A_384 : memref<8x8x128xf32, #tpu.memory_space<vmem>>[vector<16xi32>, vector<16xi32>, vector<16xi32>], vector<16xf32>,
      %gather3A_385 = tpu.vector_load_idx %arg7[%add3A_27, %add3A_362] : memref<128x64xf32, #tpu.memory_space<vmem>>[vector<16xi32>, vector<16xi32>], vector<16xf32>,
      %mul3A_386 = arith.constant 8.000000e+00 : f32
      %mul3A_387 = vector.broadcast %mul3A_386 : f32 to vector<16xf32>
      %mul3A_388 = arith.mulf %gather3A_385, %mul3A_387 : vector<16xf32>
      tpu.vector_store_idx %arg9[%add3A_365, %and3A_357, %add3A_27], %mul3A_388 : memref<8x8x128xf32, #tpu.memory_space<vmem>>[vector<16xi32>, vector<16xi32>, vector<16xi32>], vector<16xf32>,
      %gather3A_389 = tpu.vector_load_idx %arg7[%add3A_31, %add3A_362] : memref<128x64xf32, #tpu.memory_space<vmem>>[vector<16xi32>, vector<16xi32>], vector<16xf32>,
      %mul3A_390 = arith.constant 8.000000e+00 : f32
      %mul3A_391 = vector.broadcast %mul3A_390 : f32 to vector<16xf32>
      %mul3A_392 = arith.mulf %gather3A_389, %mul3A_391 : vector<16xf32>
      tpu.vector_store_idx %arg9[%add3A_365, %and3A_357, %add3A_31], %mul3A_392 : memref<8x8x128xf32, #tpu.memory_space<vmem>>[vector<16xi32>, vector<16xi32>, vector<16xi32>], vector<16xf32>,
      %gather3A_393 = tpu.vector_load_idx %arg7[%add3A_35, %add3A_362] : memref<128x64xf32, #tpu.memory_space<vmem>>[vector<16xi32>, vector<16xi32>], vector<16xf32>,
      %mul3A_394 = arith.constant 8.000000e+00 : f32
      %mul3A_395 = vector.broadcast %mul3A_394 : f32 to vector<16xf32>
      %mul3A_396 = arith.mulf %gather3A_393, %mul3A_395 : vector<16xf32>
      tpu.vector_store_idx %arg9[%add3A_365, %and3A_357, %add3A_35], %mul3A_396 : memref<8x8x128xf32, #tpu.memory_space<vmem>>[vector<16xi32>, vector<16xi32>, vector<16xi32>], vector<16xf32>,
      %add3A_397 = arith.constant 16 : i32
      %add3A_398 = vector.broadcast %add3A_397 : i32 to vector<16xi32>
      %add3A_399 = arith.addi %and3A_354, %add3A_398 : vector<16xi32>
      %add3A_400 = arith.constant 2 : i32
      %add3A_401 = vector.broadcast %add3A_400 : i32 to vector<16xi32>
      %add3A_402 = arith.addi %shift_right_arithmetic3A_359, %add3A_401 : vector<16xi32>
      %gather3A_403 = tpu.vector_load_idx %arg7[%add3A_7, %add3A_399] : memref<128x64xf32, #tpu.memory_space<vmem>>[vector<16xi32>, vector<16xi32>], vector<16xf32>,
      %mul3A_404 = arith.constant 8.000000e+00 : f32
      %mul3A_405 = vector.broadcast %mul3A_404 : f32 to vector<16xf32>
      %mul3A_406 = arith.mulf %gather3A_403, %mul3A_405 : vector<16xf32>
      tpu.vector_store_idx %arg9[%add3A_402, %and3A_357, %add3A_7], %mul3A_406 : memref<8x8x128xf32, #tpu.memory_space<vmem>>[vector<16xi32>, vector<16xi32>, vector<16xi32>], vector<16xf32>,
      %gather3A_407 = tpu.vector_load_idx %arg7[%add3A_11, %add3A_399] : memref<128x64xf32, #tpu.memory_space<vmem>>[vector<16xi32>, vector<16xi32>], vector<16xf32>,
      %mul3A_408 = arith.constant 8.000000e+00 : f32
      %mul3A_409 = vector.broadcast %mul3A_408 : f32 to vector<16xf32>
      %mul3A_410 = arith.mulf %gather3A_407, %mul3A_409 : vector<16xf32>
      tpu.vector_store_idx %arg9[%add3A_402, %and3A_357, %add3A_11], %mul3A_410 : memref<8x8x128xf32, #tpu.memory_space<vmem>>[vector<16xi32>, vector<16xi32>, vector<16xi32>], vector<16xf32>,
      %gather3A_411 = tpu.vector_load_idx %arg7[%add3A_15, %add3A_399] : memref<128x64xf32, #tpu.memory_space<vmem>>[vector<16xi32>, vector<16xi32>], vector<16xf32>,
      %mul3A_412 = arith.constant 8.000000e+00 : f32
      %mul3A_413 = vector.broadcast %mul3A_412 : f32 to vector<16xf32>
      %mul3A_414 = arith.mulf %gather3A_411, %mul3A_413 : vector<16xf32>
      tpu.vector_store_idx %arg9[%add3A_402, %and3A_357, %add3A_15], %mul3A_414 : memref<8x8x128xf32, #tpu.memory_space<vmem>>[vector<16xi32>, vector<16xi32>, vector<16xi32>], vector<16xf32>,
      %gather3A_415 = tpu.vector_load_idx %arg7[%add3A_19, %add3A_399] : memref<128x64xf32, #tpu.memory_space<vmem>>[vector<16xi32>, vector<16xi32>], vector<16xf32>,
      %mul3A_416 = arith.constant 8.000000e+00 : f32
      %mul3A_417 = vector.broadcast %mul3A_416 : f32 to vector<16xf32>
      %mul3A_418 = arith.mulf %gather3A_415, %mul3A_417 : vector<16xf32>
      tpu.vector_store_idx %arg9[%add3A_402, %and3A_357, %add3A_19], %mul3A_418 : memref<8x8x128xf32, #tpu.memory_space<vmem>>[vector<16xi32>, vector<16xi32>, vector<16xi32>], vector<16xf32>,
      %gather3A_419 = tpu.vector_load_idx %arg7[%add3A_23, %add3A_399] : memref<128x64xf32, #tpu.memory_space<vmem>>[vector<16xi32>, vector<16xi32>], vector<16xf32>,
      %mul3A_420 = arith.constant 8.000000e+00 : f32
      %mul3A_421 = vector.broadcast %mul3A_420 : f32 to vector<16xf32>
      %mul3A_422 = arith.mulf %gather3A_419, %mul3A_421 : vector<16xf32>
      tpu.vector_store_idx %arg9[%add3A_402, %and3A_357, %add3A_23], %mul3A_422 : memref<8x8x128xf32, #tpu.memory_space<vmem>>[vector<16xi32>, vector<16xi32>, vector<16xi32>], vector<16xf32>,
      %gather3A_423 = tpu.vector_load_idx %arg7[%add3A_27, %add3A_399] : memref<128x64xf32, #tpu.memory_space<vmem>>[vector<16xi32>, vector<16xi32>], vector<16xf32>,
      %mul3A_424 = arith.constant 8.000000e+00 : f32
      %mul3A_425 = vector.broadcast %mul3A_424 : f32 to vector<16xf32>
      %mul3A_426 = arith.mulf %gather3A_423, %mul3A_425 : vector<16xf32>
      tpu.vector_store_idx %arg9[%add3A_402, %and3A_357, %add3A_27], %mul3A_426 : memref<8x8x128xf32, #tpu.memory_space<vmem>>[vector<16xi32>, vector<16xi32>, vector<16xi32>], vector<16xf32>,
      %gather3A_427 = tpu.vector_load_idx %arg7[%add3A_31, %add3A_399] : memref<128x64xf32, #tpu.memory_space<vmem>>[vector<16xi32>, vector<16xi32>], vector<16xf32>,
      %mul3A_428 = arith.constant 8.000000e+00 : f32
      %mul3A_429 = vector.broadcast %mul3A_428 : f32 to vector<16xf32>
      %mul3A_430 = arith.mulf %gather3A_427, %mul3A_429 : vector<16xf32>
      tpu.vector_store_idx %arg9[%add3A_402, %and3A_357, %add3A_31], %mul3A_430 : memref<8x8x128xf32, #tpu.memory_space<vmem>>[vector<16xi32>, vector<16xi32>, vector<16xi32>], vector<16xf32>,
      %gather3A_431 = tpu.vector_load_idx %arg7[%add3A_35, %add3A_399] : memref<128x64xf32, #tpu.memory_space<vmem>>[vector<16xi32>, vector<16xi32>], vector<16xf32>,
      %mul3A_432 = arith.constant 8.000000e+00 : f32
      %mul3A_433 = vector.broadcast %mul3A_432 : f32 to vector<16xf32>
      %mul3A_434 = arith.mulf %gather3A_431, %mul3A_433 : vector<16xf32>
      tpu.vector_store_idx %arg9[%add3A_402, %and3A_357, %add3A_35], %mul3A_434 : memref<8x8x128xf32, #tpu.memory_space<vmem>>[vector<16xi32>, vector<16xi32>, vector<16xi32>], vector<16xf32>,
      %add3A_435 = arith.constant 32 : i32
      %add3A_436 = vector.broadcast %add3A_435 : i32 to vector<16xi32>
      %add3A_437 = arith.addi %and3A_354, %add3A_436 : vector<16xi32>
      %add3A_438 = arith.constant 4 : i32
      %add3A_439 = vector.broadcast %add3A_438 : i32 to vector<16xi32>
      %add3A_440 = arith.addi %shift_right_arithmetic3A_359, %add3A_439 : vector<16xi32>
      %gather3A_441 = tpu.vector_load_idx %arg7[%add3A_7, %add3A_437] : memref<128x64xf32, #tpu.memory_space<vmem>>[vector<16xi32>, vector<16xi32>], vector<16xf32>,
      %mul3A_442 = arith.constant 8.000000e+00 : f32
      %mul3A_443 = vector.broadcast %mul3A_442 : f32 to vector<16xf32>
      %mul3A_444 = arith.mulf %gather3A_441, %mul3A_443 : vector<16xf32>
      tpu.vector_store_idx %arg9[%add3A_440, %and3A_357, %add3A_7], %mul3A_444 : memref<8x8x128xf32, #tpu.memory_space<vmem>>[vector<16xi32>, vector<16xi32>, vector<16xi32>], vector<16xf32>,
      %gather3A_445 = tpu.vector_load_idx %arg7[%add3A_11, %add3A_437] : memref<128x64xf32, #tpu.memory_space<vmem>>[vector<16xi32>, vector<16xi32>], vector<16xf32>,
      %mul3A_446 = arith.constant 8.000000e+00 : f32
      %mul3A_447 = vector.broadcast %mul3A_446 : f32 to vector<16xf32>
      %mul3A_448 = arith.mulf %gather3A_445, %mul3A_447 : vector<16xf32>
      tpu.vector_store_idx %arg9[%add3A_440, %and3A_357, %add3A_11], %mul3A_448 : memref<8x8x128xf32, #tpu.memory_space<vmem>>[vector<16xi32>, vector<16xi32>, vector<16xi32>], vector<16xf32>,
      %gather3A_449 = tpu.vector_load_idx %arg7[%add3A_15, %add3A_437] : memref<128x64xf32, #tpu.memory_space<vmem>>[vector<16xi32>, vector<16xi32>], vector<16xf32>,
      %mul3A_450 = arith.constant 8.000000e+00 : f32
      %mul3A_451 = vector.broadcast %mul3A_450 : f32 to vector<16xf32>
      %mul3A_452 = arith.mulf %gather3A_449, %mul3A_451 : vector<16xf32>
      tpu.vector_store_idx %arg9[%add3A_440, %and3A_357, %add3A_15], %mul3A_452 : memref<8x8x128xf32, #tpu.memory_space<vmem>>[vector<16xi32>, vector<16xi32>, vector<16xi32>], vector<16xf32>,
      %gather3A_453 = tpu.vector_load_idx %arg7[%add3A_19, %add3A_437] : memref<128x64xf32, #tpu.memory_space<vmem>>[vector<16xi32>, vector<16xi32>], vector<16xf32>,
      %mul3A_454 = arith.constant 8.000000e+00 : f32
      %mul3A_455 = vector.broadcast %mul3A_454 : f32 to vector<16xf32>
      %mul3A_456 = arith.mulf %gather3A_453, %mul3A_455 : vector<16xf32>
      tpu.vector_store_idx %arg9[%add3A_440, %and3A_357, %add3A_19], %mul3A_456 : memref<8x8x128xf32, #tpu.memory_space<vmem>>[vector<16xi32>, vector<16xi32>, vector<16xi32>], vector<16xf32>,
      %gather3A_457 = tpu.vector_load_idx %arg7[%add3A_23, %add3A_437] : memref<128x64xf32, #tpu.memory_space<vmem>>[vector<16xi32>, vector<16xi32>], vector<16xf32>,
      %mul3A_458 = arith.constant 8.000000e+00 : f32
      %mul3A_459 = vector.broadcast %mul3A_458 : f32 to vector<16xf32>
      %mul3A_460 = arith.mulf %gather3A_457, %mul3A_459 : vector<16xf32>
      tpu.vector_store_idx %arg9[%add3A_440, %and3A_357, %add3A_23], %mul3A_460 : memref<8x8x128xf32, #tpu.memory_space<vmem>>[vector<16xi32>, vector<16xi32>, vector<16xi32>], vector<16xf32>,
      %gather3A_461 = tpu.vector_load_idx %arg7[%add3A_27, %add3A_437] : memref<128x64xf32, #tpu.memory_space<vmem>>[vector<16xi32>, vector<16xi32>], vector<16xf32>,
      %mul3A_462 = arith.constant 8.000000e+00 : f32
      %mul3A_463 = vector.broadcast %mul3A_462 : f32 to vector<16xf32>
      %mul3A_464 = arith.mulf %gather3A_461, %mul3A_463 : vector<16xf32>
      tpu.vector_store_idx %arg9[%add3A_440, %and3A_357, %add3A_27], %mul3A_464 : memref<8x8x128xf32, #tpu.memory_space<vmem>>[vector<16xi32>, vector<16xi32>, vector<16xi32>], vector<16xf32>,
      %gather3A_465 = tpu.vector_load_idx %arg7[%add3A_31, %add3A_437] : memref<128x64xf32, #tpu.memory_space<vmem>>[vector<16xi32>, vector<16xi32>], vector<16xf32>,
      %mul3A_466 = arith.constant 8.000000e+00 : f32
      %mul3A_467 = vector.broadcast %mul3A_466 : f32 to vector<16xf32>
      %mul3A_468 = arith.mulf %gather3A_465, %mul3A_467 : vector<16xf32>
      tpu.vector_store_idx %arg9[%add3A_440, %and3A_357, %add3A_31], %mul3A_468 : memref<8x8x128xf32, #tpu.memory_space<vmem>>[vector<16xi32>, vector<16xi32>, vector<16xi32>], vector<16xf32>,
      %gather3A_469 = tpu.vector_load_idx %arg7[%add3A_35, %add3A_437] : memref<128x64xf32, #tpu.memory_space<vmem>>[vector<16xi32>, vector<16xi32>], vector<16xf32>,
      %mul3A_470 = arith.constant 8.000000e+00 : f32
      %mul3A_471 = vector.broadcast %mul3A_470 : f32 to vector<16xf32>
      %mul3A_472 = arith.mulf %gather3A_469, %mul3A_471 : vector<16xf32>
      tpu.vector_store_idx %arg9[%add3A_440, %and3A_357, %add3A_35], %mul3A_472 : memref<8x8x128xf32, #tpu.memory_space<vmem>>[vector<16xi32>, vector<16xi32>, vector<16xi32>], vector<16xf32>,
      %add3A_473 = arith.constant 48 : i32
      %add3A_474 = vector.broadcast %add3A_473 : i32 to vector<16xi32>
      %add3A_475 = arith.addi %and3A_354, %add3A_474 : vector<16xi32>
      %add3A_476 = arith.constant 6 : i32
      %add3A_477 = vector.broadcast %add3A_476 : i32 to vector<16xi32>
      %add3A_478 = arith.addi %shift_right_arithmetic3A_359, %add3A_477 : vector<16xi32>
      %gather3A_479 = tpu.vector_load_idx %arg7[%add3A_7, %add3A_475] : memref<128x64xf32, #tpu.memory_space<vmem>>[vector<16xi32>, vector<16xi32>], vector<16xf32>,
      %mul3A_480 = arith.constant 8.000000e+00 : f32
      %mul3A_481 = vector.broadcast %mul3A_480 : f32 to vector<16xf32>
      %mul3A_482 = arith.mulf %gather3A_479, %mul3A_481 : vector<16xf32>
      tpu.vector_store_idx %arg9[%add3A_478, %and3A_357, %add3A_7], %mul3A_482 : memref<8x8x128xf32, #tpu.memory_space<vmem>>[vector<16xi32>, vector<16xi32>, vector<16xi32>], vector<16xf32>,
      %gather3A_483 = tpu.vector_load_idx %arg7[%add3A_11, %add3A_475] : memref<128x64xf32, #tpu.memory_space<vmem>>[vector<16xi32>, vector<16xi32>], vector<16xf32>,
      %mul3A_484 = arith.constant 8.000000e+00 : f32
      %mul3A_485 = vector.broadcast %mul3A_484 : f32 to vector<16xf32>
      %mul3A_486 = arith.mulf %gather3A_483, %mul3A_485 : vector<16xf32>
      tpu.vector_store_idx %arg9[%add3A_478, %and3A_357, %add3A_11], %mul3A_486 : memref<8x8x128xf32, #tpu.memory_space<vmem>>[vector<16xi32>, vector<16xi32>, vector<16xi32>], vector<16xf32>,
      %gather3A_487 = tpu.vector_load_idx %arg7[%add3A_15, %add3A_475] : memref<128x64xf32, #tpu.memory_space<vmem>>[vector<16xi32>, vector<16xi32>], vector<16xf32>,
      %mul3A_488 = arith.constant 8.000000e+00 : f32
      %mul3A_489 = vector.broadcast %mul3A_488 : f32 to vector<16xf32>
      %mul3A_490 = arith.mulf %gather3A_487, %mul3A_489 : vector<16xf32>
      tpu.vector_store_idx %arg9[%add3A_478, %and3A_357, %add3A_15], %mul3A_490 : memref<8x8x128xf32, #tpu.memory_space<vmem>>[vector<16xi32>, vector<16xi32>, vector<16xi32>], vector<16xf32>,
      %gather3A_491 = tpu.vector_load_idx %arg7[%add3A_19, %add3A_475] : memref<128x64xf32, #tpu.memory_space<vmem>>[vector<16xi32>, vector<16xi32>], vector<16xf32>,
      %mul3A_492 = arith.constant 8.000000e+00 : f32
      %mul3A_493 = vector.broadcast %mul3A_492 : f32 to vector<16xf32>
      %mul3A_494 = arith.mulf %gather3A_491, %mul3A_493 : vector<16xf32>
      tpu.vector_store_idx %arg9[%add3A_478, %and3A_357, %add3A_19], %mul3A_494 : memref<8x8x128xf32, #tpu.memory_space<vmem>>[vector<16xi32>, vector<16xi32>, vector<16xi32>], vector<16xf32>,
      %gather3A_495 = tpu.vector_load_idx %arg7[%add3A_23, %add3A_475] : memref<128x64xf32, #tpu.memory_space<vmem>>[vector<16xi32>, vector<16xi32>], vector<16xf32>,
      %mul3A_496 = arith.constant 8.000000e+00 : f32
      %mul3A_497 = vector.broadcast %mul3A_496 : f32 to vector<16xf32>
      %mul3A_498 = arith.mulf %gather3A_495, %mul3A_497 : vector<16xf32>
      tpu.vector_store_idx %arg9[%add3A_478, %and3A_357, %add3A_23], %mul3A_498 : memref<8x8x128xf32, #tpu.memory_space<vmem>>[vector<16xi32>, vector<16xi32>, vector<16xi32>], vector<16xf32>,
      %gather3A_499 = tpu.vector_load_idx %arg7[%add3A_27, %add3A_475] : memref<128x64xf32, #tpu.memory_space<vmem>>[vector<16xi32>, vector<16xi32>], vector<16xf32>,
      %mul3A_500 = arith.constant 8.000000e+00 : f32
      %mul3A_501 = vector.broadcast %mul3A_500 : f32 to vector<16xf32>
      %mul3A_502 = arith.mulf %gather3A_499, %mul3A_501 : vector<16xf32>
      tpu.vector_store_idx %arg9[%add3A_478, %and3A_357, %add3A_27], %mul3A_502 : memref<8x8x128xf32, #tpu.memory_space<vmem>>[vector<16xi32>, vector<16xi32>, vector<16xi32>], vector<16xf32>,
      %gather3A_503 = tpu.vector_load_idx %arg7[%add3A_31, %add3A_475] : memref<128x64xf32, #tpu.memory_space<vmem>>[vector<16xi32>, vector<16xi32>], vector<16xf32>,
      %mul3A_504 = arith.constant 8.000000e+00 : f32
      %mul3A_505 = vector.broadcast %mul3A_504 : f32 to vector<16xf32>
      %mul3A_506 = arith.mulf %gather3A_503, %mul3A_505 : vector<16xf32>
      tpu.vector_store_idx %arg9[%add3A_478, %and3A_357, %add3A_31], %mul3A_506 : memref<8x8x128xf32, #tpu.memory_space<vmem>>[vector<16xi32>, vector<16xi32>, vector<16xi32>], vector<16xf32>,
      %gather3A_507 = tpu.vector_load_idx %arg7[%add3A_35, %add3A_475] : memref<128x64xf32, #tpu.memory_space<vmem>>[vector<16xi32>, vector<16xi32>], vector<16xf32>,
      %mul3A_508 = arith.constant 8.000000e+00 : f32
      %mul3A_509 = vector.broadcast %mul3A_508 : f32 to vector<16xf32>
      %mul3A_510 = arith.mulf %gather3A_507, %mul3A_509 : vector<16xf32>
      tpu.vector_store_idx %arg9[%add3A_478, %and3A_357, %add3A_35], %mul3A_510 : memref<8x8x128xf32, #tpu.memory_space<vmem>>[vector<16xi32>, vector<16xi32>, vector<16xi32>], vector<16xf32>,
    }
    %scan3A_272 = arith.constant 16 : i32
    %add3A_273 = arith.constant 199 : i32
    %add3A_274 = arith.addi %mul3A_2, %add3A_273 : i32
    %jit3A_275 = arith.constant 32 : i32
    %div3A_276 = arith.divsi %add3A_274, %jit3A_275 : i32
    %sign3A_277 = arith.constant 0 : i32
    %sign3A_278 = arith.cmpi sgt, %add3A_274, %sign3A_277 : i32
    %sign3A_279 = arith.extui %sign3A_278 : i1 to i32
    %sign3A_280 = arith.constant 0 : i32
    %sign3A_281 = arith.cmpi slt, %add3A_274, %sign3A_280 : i32
    %sign3A_282 = arith.extui %sign3A_281 : i1 to i32
    %sign3A_283 = arith.subi %sign3A_279, %sign3A_282 : i32
    %sign3A_284 = arith.constant 0 : i32
    %sign3A_285 = arith.cmpi sgt, %jit3A_275, %sign3A_284 : i32
    %sign3A_286 = arith.extui %sign3A_285 : i1 to i32
    %sign3A_287 = arith.constant 0 : i32
    %sign3A_288 = arith.cmpi slt, %jit3A_275, %sign3A_287 : i32
    %sign3A_289 = arith.extui %sign3A_288 : i1 to i32
    %sign3A_290 = arith.subi %sign3A_286, %sign3A_289 : i32
    %ne3A_291 = arith.cmpi ne, %sign3A_283, %sign3A_290 : i32
    %rem3A_292 = arith.remsi %add3A_274, %jit3A_275 : i32
    %ne3A_293 = arith.constant 0 : i32
    %ne3A_294 = arith.cmpi ne, %rem3A_292, %ne3A_293 : i32
    %and3A_295 = arith.andi %ne3A_291, %ne3A_294 : i1
    %sub3A_296 = arith.constant 1 : i32
    %sub3A_297 = arith.subi %div3A_276, %sub3A_296 : i32
    %select_n3A_298 = arith.select %and3A_295, %sub3A_297, %div3A_276 : i32
    %jit3A_299 = arith.constant 32 : i32
    %eq3A_300 = arith.constant 0 : i32
    %eq3A_301 = arith.cmpi eq, %jit3A_299, %eq3A_300 : i32
    %jit3A_302 = arith.constant 1 : i32
    %select_n3A_303 = arith.select %eq3A_301, %jit3A_302, %jit3A_299 : i32
    %rem3A_304 = arith.remsi %add3A_274, %select_n3A_303 : i32
    %ne3A_305 = arith.constant 0 : i32
    %ne3A_306 = arith.cmpi ne, %rem3A_304, %ne3A_305 : i32
    %lt3A_307 = arith.constant 0 : i32
    %lt3A_308 = arith.cmpi slt, %rem3A_304, %lt3A_307 : i32
    %lt3A_309 = arith.constant 0 : i32
    %lt3A_310 = arith.cmpi slt, %select_n3A_303, %lt3A_309 : i32
    %ne3A_311 = arith.xori %lt3A_308, %lt3A_310 : i1
    %and3A_312 = arith.andi %ne3A_311, %ne3A_306 : i1
    %add3A_313 = arith.addi %rem3A_304, %select_n3A_303 : i32
    %select_n3A_314 = arith.select %and3A_312, %add3A_313, %rem3A_304 : i32
    %dma_start3A_315 = arith.constant 0 : i32
    %dma_start3A_316 = arith.constant 0 : i32
    %dma_start3A_317 = arith.constant 0 : i32
    %dma_start3A_318 = tpu.memref_slice %arg4[%select_n3A_298, %dma_start3A_315, %select_n3A_314, %dma_start3A_316, %dma_start3A_317] : memref<200x8x32x8x128xf32, #tpu.memory_space<hbm>> -> memref<1x8x1x8x128xf32, #tpu.memory_space<hbm>>
    %dma_start3A_319 = tpu.memref_squeeze %dma_start3A_318 : memref<1x8x1x8x128xf32, #tpu.memory_space<hbm>> -> memref<8x8x128xf32, #tpu.memory_space<hbm>>
    %dma_start3A_320 = arith.constant 0 : i32
    %dma_start3A_321 = arith.constant 0 : i32
    %dma_start3A_322 = arith.constant 0 : i32
    %dma_start3A_323 = tpu.memref_slice %arg4[%select_n3A_298, %dma_start3A_320, %select_n3A_314, %dma_start3A_321, %dma_start3A_322] : memref<200x8x32x8x128xf32, #tpu.memory_space<hbm>> -> memref<1x8x1x8x128xf32, #tpu.memory_space<hbm>>
    %dma_start3A_324 = tpu.memref_squeeze %dma_start3A_323 : memref<1x8x1x8x128xf32, #tpu.memory_space<hbm>> -> memref<8x8x128xf32, #tpu.memory_space<hbm>>
    tpu.enqueue_dma source(%arg9 : memref<8x8x128xf32, #tpu.memory_space<vmem>>) target(%dma_start3A_324 : memref<8x8x128xf32, #tpu.memory_space<hbm>>) target_semaphore(%arg13 : memref<!tpu.dma_semaphore, #tpu.memory_space<semaphore_mem>>)
    %dma_wait3A_325 = arith.constant 0 : i32
    %dma_wait3A_326 = arith.constant 0 : i32
    %dma_wait3A_327 = arith.constant 0 : i32
    %dma_wait3A_328 = arith.constant 0 : i32
    %dma_wait3A_329 = arith.constant 0 : i32
    %dma_wait3A_330 = tpu.memref_slice %arg4[%dma_wait3A_325, %dma_wait3A_327, %dma_wait3A_326, %dma_wait3A_328, %dma_wait3A_329] : memref<200x8x32x8x128xf32, #tpu.memory_space<hbm>> -> memref<1x8x1x8x128xf32, #tpu.memory_space<hbm>>
    %dma_wait3A_331 = tpu.memref_squeeze %dma_wait3A_330 : memref<1x8x1x8x128xf32, #tpu.memory_space<hbm>> -> memref<8x8x128xf32, #tpu.memory_space<hbm>>
    %dma_wait3A_332 = arith.constant 0 : i32
    %dma_wait3A_333 = arith.constant 0 : i32
    %dma_wait3A_334 = arith.constant 0 : i32
    %dma_wait3A_335 = tpu.memref_slice %arg4[%dma_wait3A_325, %dma_wait3A_332, %dma_wait3A_326, %dma_wait3A_333, %dma_wait3A_334] : memref<200x8x32x8x128xf32, #tpu.memory_space<hbm>> -> memref<1x8x1x8x128xf32, #tpu.memory_space<hbm>>
    %dma_wait3A_336 = tpu.memref_squeeze %dma_wait3A_335 : memref<1x8x1x8x128xf32, #tpu.memory_space<hbm>> -> memref<8x8x128xf32, #tpu.memory_space<hbm>>
    tpu.wait_dma2 semaphore(%arg12 : memref<!tpu.dma_semaphore, #tpu.memory_space<semaphore_mem>>) src(%arg8 : memref<8x8x128xf32, #tpu.memory_space<vmem>>) dst(%dma_wait3A_336 : memref<8x8x128xf32, #tpu.memory_space<hbm>>)
    %dma_wait3A_337 = arith.constant 0 : i32
    %dma_wait3A_338 = arith.constant 0 : i32
    %dma_wait3A_339 = arith.constant 0 : i32
    %dma_wait3A_340 = arith.constant 0 : i32
    %dma_wait3A_341 = arith.constant 0 : i32
    %dma_wait3A_342 = tpu.memref_slice %arg4[%dma_wait3A_337, %dma_wait3A_339, %dma_wait3A_338, %dma_wait3A_340, %dma_wait3A_341] : memref<200x8x32x8x128xf32, #tpu.memory_space<hbm>> -> memref<1x8x1x8x128xf32, #tpu.memory_space<hbm>>
    %dma_wait3A_343 = tpu.memref_squeeze %dma_wait3A_342 : memref<1x8x1x8x128xf32, #tpu.memory_space<hbm>> -> memref<8x8x128xf32, #tpu.memory_space<hbm>>
    %dma_wait3A_344 = arith.constant 0 : i32
    %dma_wait3A_345 = arith.constant 0 : i32
    %dma_wait3A_346 = arith.constant 0 : i32
    %dma_wait3A_347 = tpu.memref_slice %arg4[%dma_wait3A_337, %dma_wait3A_344, %dma_wait3A_338, %dma_wait3A_345, %dma_wait3A_346] : memref<200x8x32x8x128xf32, #tpu.memory_space<hbm>> -> memref<1x8x1x8x128xf32, #tpu.memory_space<hbm>>
    %dma_wait3A_348 = tpu.memref_squeeze %dma_wait3A_347 : memref<1x8x1x8x128xf32, #tpu.memory_space<hbm>> -> memref<8x8x128xf32, #tpu.memory_space<hbm>>
    tpu.wait_dma2 semaphore(%arg13 : memref<!tpu.dma_semaphore, #tpu.memory_space<semaphore_mem>>) src(%arg9 : memref<8x8x128xf32, #tpu.memory_space<vmem>>) dst(%dma_wait3A_348 : memref<8x8x128xf32, #tpu.memory_space<hbm>>)
    return
  }
}

</mosaic_0001>

<sc_bundles>
// kernel: kernel.3.cloned.1.call-start
scs
__scs_entry_jumppad:
0x0: {  	(pc) =	sbr.rel $0x88, $3  }
0x1: {  	(tag) =	ssettag $0x0;
	lr =	simm.s32 $0x1  }
0x2: {  	[smem:$0x3F9F] =	sst lr;
	_ =	strace $0xD0000000  }
0x3: {  	_ = 	snop  }
0x4: {  	_ = 	snop  }
0x5: {  	_ = 	snop  }
0x6: {  	_ = 	snop  }
0x7: {  	_ = 	snop  }
__scs_overlays_trampoline_lowered:
0x8: {  	[smem:$0x3FAE] =	sst s0  }
0x9: {  	[smem:$0x3FAF] =	sst s1  }
0xa: {  	[smem:$0x3FB0] =	sst s2  }
0xb: {  	[smem:$0x3FB1] =	sst s3  }
0xc: {  	[smem:$0x3FB2] =	sst s4  }
0xd: {  	[smem:$0x3FB3] =	sst s5  }
0xe: {  	[smem:$0x3FB4] =	sst s6  }
0xf: {  	[smem:$0x3FB5] =	sst s7  }
0x10: {  	[smem:$0x3FB6] =	sst s8  }
0x11: {  	[smem:$0x3FB7] =	sst s9;
	s0 =	simm.s32 @!p0 $0x0  }
0x12: {  	s1 =	sld [smem:$0x3F9D];
	s0 =	simm.s32 @p0 $0x1  }
0x13: {  	[smem:$0x3FB8] =	sst s0;
	s0 =	simm.s32 @!p1 $0x0  }
0x14: {  	s2 =	sld [smem:$0x3F9C];
	s0 =	simm.s32 @p1 $0x1  }
0x15: {  	[smem:$0x3FB9] =	sst s0;
	s0 =	simm.s32 @!p2 $0x0  }
0x16: {  	s3 =	sld [smem:$0x3FDB];
	s0 =	simm.s32 @p2 $0x1  }
0x17: {  	s4 =	simm.s32 $0x1BF5;
	[smem:$0x3FBB] =	sst s0  }
0x18: {  	s0 =	sld [smem:$0x3F9E];
	_ =	swait.ge [sflag:s4], $0x0  }
0x19: {  	s7 =	sld [smem:$0x3F9F]  }
0x1a: {  	s8 =	sadd.s32 $0xFFFFE003, lr  }
0x1b: {  	s9 =	sadd.s32 $0xFFFFFEF7, lr;
	s5 =	simm.s32 $0xFFFFFFFF;
	p2 =	slt.u32 s8, $0xFFFFF086  }
0x1c: {  	p1 =	slt.u32 s9, $0xF7A;
	s5 =	simm.s32 @!p2 $0x0  }
0x1d: {  	s5 =	simm.s32 @p1 $0x1;
	p0 =	seq.s32 s7, s2  }
0x1e: {  	s7 =	smul.u32 @!p0 $0xF7A, s2;
	p2 =	seq.s32 @!p0 s5, $0x0  }
0x1f: {  	s9 =	smul.u32 $0xF7A, s1;
	s8 =	simm.s32 @!p0 $0x1BF5;
	p2 =	por !p2, p0  }
0x20: {  	[sflag:s8] =	ssyncset.s32 @!p0 $0xFFFFF086;
	s6 =	sadd.s32 @!p0 s3, s7;
	s7 =	simm.s32 @!p0 $0x108  }
0x21: {  	s3 =	sadd.s32 s3, s9;
	s6 =	sadd.s32 @!p0 $0x88, s6;
	s7 =	simm.s32 @p2 $0x1082  }
0x22: {  	[simem:s7], [sflag:s8] =	dma.local @!p0 [hbm:s6], $0xF7A  }
0x23: {  	s9 =	sor.u32 $0xD0000000, s2;
	s6 =	simm.s32 $0x108;
	_ =	swait.ge @!p0 [sflag:s8], $0x0  }
0x24: {  	s3 =	sadd.s32 $0x88, s3;
	s6 =	simm.s32 @!p1 $0x1082;
	[sflag:s4] =	ssyncset.s32 $0xFFFFF086  }
0x25: {  	[simem:s6], [sflag:s4] =	dma.local [hbm:s3], $0xF7A  }
0x26: {  	[smem:$0x3F9F] =	sst s1;
	(tag) =	ssettag s2;
	_ =	strace s9  }
0x27: {  	s1 =	sld [smem:$0x3FAF]  }
0x28: {  	s2 =	sld [smem:$0x3FB0]  }
0x29: {  	s4 =	sld [smem:$0x3FB2]  }
0x2a: {  	p0 =	seq.s32 s5, $0x0;
	s5 =	sld [smem:$0x3FB3]  }
0x2b: {  	s6 =	sld [smem:$0x3FB4]  }
0x2c: {  	s7 =	sld [smem:$0x3FB5]  }
0x2d: {  	s3 =	simm.s32 $0x108;
	s8 =	sld [smem:$0x3FB6]  }
0x2e: {  	s3 =	simm.s32 @!p0 $0x1082;
	s9 =	sld [smem:$0x3FB7]  }
0x2f: {  	lr =	sadd.s32 s0, s3;
	s0 =	sld [smem:$0x3FAE]  }
0x30: {  	s3 =	sld [smem:$0x3FB1]  }
0x31: {  	[smem:$0x3FBA] =	sst s10  }
0x32: {  	s10 =	sld [smem:$0x3FB8];
	_ =	sdelay $0x3  }
0x33: {  	p0 =	seq.s32 s10, $0x1;
	s10 =	sld [smem:$0x3FBA];
	_ =	sdelay $0x3  }
0x34: {  	[smem:$0x3FBA] =	sst s10  }
0x35: {  	s10 =	sld [smem:$0x3FB9];
	_ =	sdelay $0x3  }
0x36: {  	p1 =	seq.s32 s10, $0x1;
	s10 =	sld [smem:$0x3FBA];
	_ =	sdelay $0x3  }
0x37: {  	[smem:$0x3FBA] =	sst s10  }
0x38: {  	s10 =	sld [smem:$0x3FBB]  }
0x39: {  	_ = 	snop;
	(pc) =	sbr.ind lr, $3  }
0x3a: {  	_ = 	snop  }
0x3b: {  	_ = 	snop  }
0x3c: {  	p2 =	seq.s32 s10, $0x1;
	s10 =	sld [smem:$0x3FBA]  }
0x3d: {  	_ =	shalt  }
0x3e: {  	_ =	shalt  }
0x3f: {  	_ =	shalt  }
0x40: {  	_ =	shalt  }
0x41: {  	_ =	shalt  }
0x42: {  	_ =	shalt  }
0x43: {  	_ =	shalt  }
0x44: {  	_ =	shalt  }
0x45: {  	_ =	shalt  }
0x46: {  	_ =	shalt  }
0x47: {  	_ =	shalt  }
0x48: {  	_ =	shalt  }
0x49: {  	_ =	shalt  }
0x4a: {  	_ =	shalt  }
0x4b: {  	_ =	shalt  }
0x4c: {  	_ =	shalt  }
0x4d: {  	_ =	shalt  }
0x4e: {  	_ =	shalt  }
0x4f: {  	_ =	shalt  }
0x50: {  	_ =	shalt  }
0x51: {  	_ =	shalt  }
0x52: {  	_ =	shalt  }
0x53: {  	_ =	shalt  }
0x54: {  	_ =	shalt  }
0x55: {  	_ =	shalt  }
0x56: {  	_ =	shalt  }
0x57: {  	_ =	shalt  }
0x58: {  	_ =	shalt  }
0x59: {  	_ =	shalt  }
0x5a: {  	_ =	shalt  }
0x5b: {  	_ =	shalt  }
0x5c: {  	_ =	shalt  }
0x5d: {  	_ =	shalt  }
0x5e: {  	_ =	shalt  }
0x5f: {  	_ =	shalt  }
0x60: {  	_ =	shalt  }
0x61: {  	_ =	shalt  }
0x62: {  	_ =	shalt  }
0x63: {  	_ =	shalt  }
0x64: {  	_ =	shalt  }
0x65: {  	_ =	shalt  }
0x66: {  	_ =	shalt  }
0x67: {  	_ =	shalt  }
0x68: {  	_ =	shalt  }
0x69: {  	_ =	shalt  }
0x6a: {  	_ =	shalt  }
0x6b: {  	_ =	shalt  }
0x6c: {  	_ =	shalt  }
0x6d: {  	_ =	shalt  }
0x6e: {  	_ =	shalt  }
0x6f: {  	_ =	shalt  }
0x70: {  	_ =	shalt  }
0x71: {  	_ =	shalt  }
0x72: {  	_ =	shalt  }
0x73: {  	_ =	shalt  }
0x74: {  	_ =	shalt  }
0x75: {  	_ =	shalt  }
0x76: {  	_ =	shalt  }
0x77: {  	_ =	shalt  }
0x78: {  	_ =	shalt  }
0x79: {  	_ =	shalt  }
0x7a: {  	_ =	shalt  }
0x7b: {  	_ =	shalt  }
0x7c: {  	_ =	shalt  }
0x7d: {  	_ =	shalt  }
0x7e: {  	_ =	shalt  }
0x7f: {  	_ =	shalt  }
0x80: {  	_ =	shalt  }
0x81: {  	_ =	shalt  }
0x82: {  	_ =	shalt  }
0x83: {  	_ =	shalt  }
0x84: {  	_ =	shalt  }
0x85: {  	_ =	shalt  }
0x86: {  	_ =	shalt  }
0x87: {  	_ =	shalt  }
.Lfunc_end0:
.L_simem_size_0:
called_computation_lowered:
.L_overlay_start_0:
0x88: {  	s2 =	sld [smem:$0x3FD9]  }
0x89: {  	s3 =	sld [smem:$0x3FFE];
	_ =	sdelay $0x1  }
0x8a: {  	s1 =	srdreg.scid  }
0x8b: {  	s0 =	sand.u32 $0x1, s1  }
0x8c: {  	s17 =	sshll.u32 s0, $0xA;
	s2 =	sadd.s32 s3, s2  }
0x8d: {  	s2 =	sadd.s32 s2, s17  }
0x8e: {  	[smem:$0x3FC6] =	sst s2  }
0x8f: {  	_ = 	snop  }
0x90: {  	s2 =	sld [smem:$0x3FD0];
	(tm) =	ssettm $0x1  }
0x91: {  	s18 =	sld [smem:$0x3FFB];
	_ =	sdelay $0x3  }
0x92: {  	_ =	strace s18  }
0x93: {  	s3 =	sld [smem:$0x3FFC];
	_ =	sdelay $0x3  }
0x94: {  	_ =	strace s3  }
0x95: {  	s3 =	sld [smem:$0x3FFD];
	_ =	sdelay $0x3  }
0x96: {  	_ =	strace s3  }
0x97: {  	_ =	strace $0x8FFFFFFF  }
0x98: {  	s19 =	sld [smem:$0x3FDB];
	_ =	sdelay $0x1  }
0x99: {  	s4 =	simm.s32 $_scs_section_size  }
0x9a: {  	s5 =	simm.s32 $_size__tile_overlayer_lowered;
	s6 =	simm.s32 $_tile_overlayer_lowered  }
0x9b: {  	s22 =	simm.s32 $0x1BFF;
	s21 =	sshll.u32 s6, $0x1;
	s3 =	sadd.s32 s4, s19  }
0x9c: {  	s7 =	simm.s32 $0x0;
	s20 =	sshll.u32 s5, $0x1;
	s5 =	sadd.s32 s21, s3  }
0x9d: {  	[timem:s7], [sflag:s22] =	dma.local [hbm:s5], s20  }
0x9e: {  	_ =	swait.ge [sflag:s22], s20  }
0x9f: {  	s4 =	ssub.s32 $0x0, s20;
	[sflag:s22] =	ssyncset.done $0x0  }
0xa0: {  	[sflag:s22] =	ssyncadd.s32 s4;
	_ =	sdelay $0x1  }
0xa1: {  	s23 =	simm.s32 $0x1B8B  }
0xa2: {  	_ =	swait.ge [sflag:s23], $0x1  }
0xa3: {  	[sflag:s23] =	ssyncset.done $0x0  }
0xa4: {  	s25 =	simm.s32 $0x1B8E;
	s24 =	sld [smem:$0x3FFE];
	[sflag:s23] =	ssyncadd.s32 $0xFFFFFFFF  }
0xa5: {  	s26 =	simm.s32 $execute0_lowered;
	[smem:$0x3FD2] =	sst s25  }
0xa6: {  	s5 =	sshll.u32 s26, $0x1;
	_ =	strace $0x80000046;
	[dreg:$0x1] =	wrdreg $0xFFFFFFFF  }
0xa7: {  	s28 =	simm.s32 $_size_execute0_lowered;
	s3 =	sadd.s32 s3, s5;
	[dreg:$0x0] =	wrdreg $0x0  }
0xa8: {  	s5 =	sshll.u32 s28, $0x1;
	[dreg:$0x2] =	wrdreg s3  }
0xa9: {  	[dreg:$0x3] =	wrdreg s5  }
0xaa: {  	[dreg:$0x4] =	wrdreg $0xC0  }
0xab: {  	_ =	task [dreg:s7], $0x5FFFF  }
0xac: {  	[dreg:$0x1] =	wrdreg $0xFFFFFFFF  }
0xad: {  	[dreg:$0x0] =	wrdreg $0x60  }
0xae: {  	[dreg:$0x2] =	wrdreg s24  }
0xaf: {  	[dreg:$0x3] =	wrdreg s2  }
0xb0: {  	[dreg:$0x4] =	wrdreg $0x9  }
0xb1: {  	_ =	task.clear_ibuf [dreg:s7], $0x5FFFF;
	_ =	strace $0x90000046  }
0xb2: {  	s29 =	simm.s32 $0x9;
	_ =	strace $0x80000048  }
0xb3: {  	_ =	swait.ge [sflag:s29], $0x1  }
0xb4: {  	[sflag:s29] =	ssyncadd.s32 $0xFFFFFFFF  }
0xb5: {  	_ =	strace $0x90000048  }
0xb6: {  	_ =	sfence  }
0xb7: {  	s30 =	sld [smem:$0x0];
	_ =	sdelay $0x2  }
0xb8: {  	s31 =	sshll.u32 s1, $0xD;
	s1 =	sshrl.u32 s1, $0x2  }
0xb9: {  	s3 =	sand.u32 $0x4000, s31;
	s1 =	sadd.s32 s1, s30  }
0xba: {  	s0 =	sor.u32 s3, s0;
	s1 =	sshll.u32 s1, $0x11  }
0xbb: {  	s0 =	sor.u32 s1, s0  }
0xbc: {  	s0 =	sadd.s32 $0x8F2B, s0  }
0xbd: {  	[sflag:s0] =	ssyncadd.remote.s32 $0x1  }
0xbe: {  	_ =	sfence.sel $0xFFFF  }
0xbf: {  	[dreg:$0x0] =	wrdreg $0xFFFFFFFF;
	(pc) =	sbr.abs _section_cstart, $3  }
0xc0: {  	[dreg:$0x1] =	wrdreg $0xFFFFFFFF  }
0xc1: {  	_ =	task.clear_ibuf [dreg:s7], $0x2FFFF;
	_ =	strace $0x9FFFFFFF  }
0xc2: {  	(tm) =	ssettm $0x7FFFFFFF  }
0xc3: {  	_ =	shalt  }
tec
execute0_lowered:
.L_overlay_start_1:
0x0: {  	(tag) =	ssettag $0x1  }
0x1: {  	v0 =	vlaneseq.u32  }
0x2: {  	v6 =	vmul.u32 $0x40, v0  }
0x3: {  	v8 =	vor.u32 $0x10, v0;
	v12 =	vor.u32 $0x30, v0;
	v14 =	vor.u32 $0x40, v0  }
0x4: {  	v16 =	vor.u32 $0x50, v0;
	v18 =	vor.u32 $0x60, v0;
	v20 =	vor.u32 $0x70, v0  }
0x5: {  	s1 =	srdreg.scid;
	s5 =	rddreg [dreg:$0x0];
	v22 =	vor.u32 $0x800, v0;
	v24 =	vor.u32 $0x810, v0;
	v26 =	vor.u32 $0x820, v0  }
0x6: {  	s0 =	stileid.u32;
	s2 =	rddreg [dreg:$0x1];
	v28 =	vor.u32 $0x830, v0;
	v30 =	vor.u32 $0x840, v0;
	v32 =	vor.u32 $0x850, v0  }
0x7: {  	s13 =	simm.s32 $0x80;
	s14 =	simm.s32 $0x6400;
	s15 =	simm.s32 $0x8400;
	v34 =	vor.u32 $0x860, v0;
	v36 =	vor.u32 $0x870, v0;
	v38 =	vor.u32 $0x1000, v0  }
0x8: {  	s16 =	simm.s32 $0x1;
	s17 =	simm.s32 $0xA400;
	s18 =	simm.s32 $0x400;
	v40 =	vor.u32 $0x1010, v0;
	v42 =	vor.u32 $0x1020, v0;
	v44 =	vor.u32 $0x1030, v0  }
0x9: {  	s19 =	simm.s32 $0x8000;
	s20 =	simm.s32 $0x100;
	s21 =	simm.s32 $0x2;
	v46 =	vor.u32 $0x1040, v0;
	v48 =	vor.u32 $0x1050, v0;
	v50 =	vor.u32 $0x1060, v0  }
0xa: {  	s22 =	simm.s32 $0xC400;
	s23 =	simm.s32 $0x180;
	s24 =	simm.s32 $0x3;
	v52 =	vor.u32 $0x1070, v0;
	v54 =	vor.u32 $0x1800, v0;
	v56 =	vor.u32 $0x1810, v0  }
0xb: {  	s25 =	simm.s32 $0x4;
	s1 =	sand.u32 $0x1, s1;
	s3 =	sshll.u32 s0, $0x1;
	v58 =	vor.u32 $0x1820, v0;
	v60 =	vor.u32 $0x1830, v0;
	v62 =	vor.u32 $0x1840, v0  }
0xc: {  	s26 =	simm.s32 $0x0;
	v1 =	vor.u32 $0x1850, v0;
	s4 =	sor.u32 s1, s3;
	s3 =	simm.s32 $0x0;
	v7 =	vor.u32 $0x400, v6;
	v9 =	vor.u32 $0x800, v6  }
0xd: {  	s1 =	ssub.s32 $0x2, s1;
	v11 =	vor.u32 $0xC00, v6;
	v13 =	vor.u32 $0x1000, v6;
	v15 =	vor.u32 $0x1400, v6;
	s6 =	smul.u32 $0xC80, s4;
	[smem:$0x7FF] =	sst s3  }
0xe: {  	v17 =	vor.u32 $0x1800, v6;
	v19 =	vor.u32 $0x1C00, v6;
	s7 =	smul.u32 $0x190000, s4;
	v21 =	vor.u32 $0x10, v6;
	s8 =	sshll.u32 s4, $0xD;
	s31 =	sshrl.u32 s1, $0x1  }
0xf: {  	v23 =	vor.u32 $0x410, v6;
	v25 =	vor.u32 $0x810, v6;
	v27 =	vor.u32 $0xC10, v6;
	s4 =	smul.u32 $0xC8, s4;
	_ =	strace $0x80000047;
	s1 =	ssub.s32 s1, s31  }
0x10: {  	v29 =	vor.u32 $0x1010, v6;
	v31 =	vor.u32 $0x1410, v6;
	v33 =	vor.u32 $0x1810, v6;
	s6 =	sadd.s32 s6, s5;
	s7 =	sor.u32 s8, s7;
	s5 =	sadd.s32 $0xF42A00, s5  }
0x11: {  	v10 =	vor.u32 $0x20, v0;
	v35 =	vor.u32 $0x1C10, v6;
	v37 =	vor.u32 $0x20, v6;
	[tilespmem:$0x1FF90] =	vst v1;
	s9 =	sadd.s32 $0xC6, s4;
	s11 =	sadd.s32 $0xC7, s4;
	s7 =	sand.u32 $0x3FC6000, s7  }
0x12: {  	v39 =	vor.u32 $0x420, v6;
	v41 =	vor.u32 $0x820, v6;
	v63 =	vor.u32 $0x1430, v6;
	[tilespmem:$0x1FFE0] =	vst v6;
	s6 =	sadd.s32 $0x600, s6;
	s10 =	sshll.u32 s9, $0xA;
	s9 =	sshll.u32 s9, $0x7  }
0x13: {  	v43 =	vor.u32 $0xC20, v6;
	v45 =	vor.u32 $0x1020, v6;
	v1 =	vor.u32 $0x1830, v6;
	[tilespmem:$0x1FFF0] =	vst v63;
	s12 =	sshll.u32 s11, $0x7;
	s11 =	sshll.u32 s11, $0xA;
	s7 =	sshrl.u32 s7, $0x3  }
0x14: {  	v47 =	vor.u32 $0x1420, v6;
	[tilespmem:$0x1FFA0] =	vst v1;
	v1 =	vor.u32 $0x1860, v0;
	s10 =	sand.u32 $0xFF8000, s10;
	s9 =	sand.u32 $0xF00, s9;
	s12 =	sand.u32 $0xF80, s12  }
0x15: {  	v49 =	vor.u32 $0x1820, v6;
	v51 =	vor.u32 $0x1C20, v6;
	v0 =	vor.u32 $0x1870, v0;
	[tilespmem:$0x1FFB0] =	vst v1;
	s11 =	sand.u32 $0xFF8000, s11;
	s7 =	sadd.s32 s2, s7;
	s9 =	sadd.s32 s2, s9  }
0x16: {  	v53 =	vor.u32 $0x30, v6;
	v55 =	vor.u32 $0x430, v6;
	v1 =	vor.u32 $0x1C30, v6;
	[tilespmem:$0x1FFD0] =	vst v0;
	s12 =	sadd.s32 s2, s12;
	s8 =	sadd.s32 $0x80, s7;
	s9 =	sadd.s32 s10, s9  }
0x17: {  	v57 =	vor.u32 $0x830, v6;
	v59 =	vor.u32 $0xC30, v6;
	v61 =	vor.u32 $0x1030, v6;
	[tilespmem:$0x1FFC0] =	vst v1;
	s10 =	sadd.s32 s11, s12;
	s11 =	smax.u32 s1, $0x1;
	s12 =	simm.s32 $0x5  }
.LBB2_1:
0x18: {  	[tilespmem:s3], [sflag:$0x5] =	stream.linear.gather [hbm4b:s6+s3], $0x6400, $0x38;
	[tilespmem:$0xE400] =	vst v63  }
0x19: {  	_ =	swait.ge [sflag:s12], $0x6400  }
0x1a: {  	v0 =	vlaneseq.u32;
	[sflag:s12] =	ssyncset.done $0x0  }
0x1b: {  	v1 =	vadd.s32 s3, v0;
	[sflag:s12] =	ssyncadd.s32 $0xFFFF9C00  }
0x1c: {  	v0 =	vand.u32 $0xF, v1;
	[tilespmem:s14], [sflag:$0x1] =	stream.indirect.gather [hbm4b:s5+s13], $0x40, s3, s13, $0xb8;
	[tilespmem:$0xE400] =	vst v63  }
0x1d: {  	v2 =	vor.u32 v6, v0  }
0x1e: {  	[tilespmem:s15], [sflag:$0x2] =	stream.indirect.gather [hbm4b:s5+s13], $0x40, s13, s13, $0xb8;
	[tilespmem:$0xE400] =	vst v63  }
0x1f: {  	_ =	swait.ge [sflag:s16], $0x2000  }
0x20: {  	[sflag:s16] =	ssyncset.done $0x0  }
0x21: {  	[sflag:s16] =	ssyncadd.s32 $0xFFFFE000  }
0x22: {  	v1 =	vshll.u32 v1, $0x7;
	v2 =	vld.idx.msk [tilespmem:v2+s14+$0x0], $0xffff  }
0x23: {  	v3 =	vlaneseq.u32;
	v4 =	vand.u32 $0x780, v1  }
0x24: {  	v1 =	vor.u32 v3, v4  }
0x25: {  	v3 =	vor.u32 v7, v0;
	_ =	sdelay $0x1  }
0x26: {  	v2 =	vmul.f32 $8.000000000e+00, v2;
	_ =	sdelay $0x1  }
0x27: {  	[tilespmem:v1+s17+$0x0] =	vst.idx.msk $0xffff, v2  }
0x28: {  	v1 =	vld.idx.msk [tilespmem:v3+s14+$0x0], $0xffff;
	_ =	sdelay $0x1  }
0x29: {  	v2 =	vor.u32 v8, v4  }
0x2a: {  	v3 =	vor.u32 v9, v0;
	_ =	sdelay $0x1  }
0x2b: {  	v1 =	vmul.f32 $8.000000000e+00, v1;
	_ =	sdelay $0x1  }
0x2c: {  	[tilespmem:v2+s17+$0x0] =	vst.idx.msk $0xffff, v1  }
0x2d: {  	v1 =	vld.idx.msk [tilespmem:v3+s14+$0x0], $0xffff;
	_ =	sdelay $0x1  }
0x2e: {  	v2 =	vor.u32 v10, v4  }
0x2f: {  	v3 =	vor.u32 v11, v0;
	_ =	sdelay $0x1  }
0x30: {  	v1 =	vmul.f32 $8.000000000e+00, v1;
	_ =	sdelay $0x1  }
0x31: {  	[tilespmem:v2+s17+$0x0] =	vst.idx.msk $0xffff, v1  }
0x32: {  	v1 =	vld.idx.msk [tilespmem:v3+s14+$0x0], $0xffff;
	_ =	sdelay $0x1  }
0x33: {  	v2 =	vor.u32 v12, v4  }
0x34: {  	v3 =	vor.u32 v13, v0;
	_ =	sdelay $0x1  }
0x35: {  	v1 =	vmul.f32 $8.000000000e+00, v1;
	_ =	sdelay $0x1  }
0x36: {  	[tilespmem:v2+s17+$0x0] =	vst.idx.msk $0xffff, v1  }
0x37: {  	v1 =	vld.idx.msk [tilespmem:v3+s14+$0x0], $0xffff;
	_ =	sdelay $0x1  }
0x38: {  	v2 =	vor.u32 v14, v4  }
0x39: {  	v3 =	vor.u32 v15, v0;
	_ =	sdelay $0x1  }
0x3a: {  	v1 =	vmul.f32 $8.000000000e+00, v1;
	_ =	sdelay $0x1  }
0x3b: {  	[tilespmem:v2+s17+$0x0] =	vst.idx.msk $0xffff, v1  }
0x3c: {  	v1 =	vld.idx.msk [tilespmem:v3+s14+$0x0], $0xffff;
	_ =	sdelay $0x1  }
0x3d: {  	v2 =	vor.u32 v16, v4  }
0x3e: {  	v3 =	vor.u32 v17, v0;
	_ =	sdelay $0x1  }
0x3f: {  	v1 =	vmul.f32 $8.000000000e+00, v1;
	_ =	sdelay $0x1  }
0x40: {  	[tilespmem:v2+s17+$0x0] =	vst.idx.msk $0xffff, v1  }
0x41: {  	v1 =	vld.idx.msk [tilespmem:v3+s14+$0x0], $0xffff;
	_ =	sdelay $0x1  }
0x42: {  	v2 =	vor.u32 v18, v4  }
0x43: {  	v3 =	vor.u32 v19, v0;
	_ =	sdelay $0x1  }
0x44: {  	v1 =	vmul.f32 $8.000000000e+00, v1;
	_ =	sdelay $0x1  }
0x45: {  	[tilespmem:v2+s17+$0x0] =	vst.idx.msk $0xffff, v1  }
0x46: {  	v1 =	vld.idx.msk [tilespmem:v3+s14+$0x0], $0xffff;
	_ =	sdelay $0x1  }
0x47: {  	v2 =	vor.u32 v20, v4  }
0x48: {  	v3 =	vor.u32 v21, v0;
	_ =	sdelay $0x1  }
0x49: {  	v1 =	vmul.f32 $8.000000000e+00, v1;
	_ =	sdelay $0x1  }
0x4a: {  	[tilespmem:v2+s17+$0x0] =	vst.idx.msk $0xffff, v1  }
0x4b: {  	v1 =	vld.idx.msk [tilespmem:v3+s14+$0x0], $0xffff;
	_ =	sdelay $0x1  }
0x4c: {  	v2 =	vor.u32 v22, v4  }
0x4d: {  	v3 =	vor.u32 v23, v0;
	_ =	sdelay $0x1  }
0x4e: {  	v1 =	vmul.f32 $8.000000000e+00, v1;
	_ =	sdelay $0x1  }
0x4f: {  	[tilespmem:v2+s17+$0x0] =	vst.idx.msk $0xffff, v1  }
0x50: {  	v1 =	vld.idx.msk [tilespmem:v3+s14+$0x0], $0xffff;
	_ =	sdelay $0x1  }
0x51: {  	v2 =	vor.u32 v24, v4  }
0x52: {  	v3 =	vor.u32 v25, v0;
	_ =	sdelay $0x1  }
0x53: {  	v1 =	vmul.f32 $8.000000000e+00, v1;
	_ =	sdelay $0x1  }
0x54: {  	[tilespmem:v2+s17+$0x0] =	vst.idx.msk $0xffff, v1  }
0x55: {  	v1 =	vld.idx.msk [tilespmem:v3+s14+$0x0], $0xffff;
	_ =	sdelay $0x1  }
0x56: {  	v2 =	vor.u32 v26, v4  }
0x57: {  	v3 =	vor.u32 v27, v0;
	_ =	sdelay $0x1  }
0x58: {  	v1 =	vmul.f32 $8.000000000e+00, v1;
	_ =	sdelay $0x1  }
0x59: {  	[tilespmem:v2+s17+$0x0] =	vst.idx.msk $0xffff, v1  }
0x5a: {  	v1 =	vld.idx.msk [tilespmem:v3+s14+$0x0], $0xffff;
	_ =	sdelay $0x1  }
0x5b: {  	v2 =	vor.u32 v28, v4  }
0x5c: {  	v3 =	vor.u32 v29, v0;
	_ =	sdelay $0x1  }
0x5d: {  	v1 =	vmul.f32 $8.000000000e+00, v1;
	_ =	sdelay $0x1  }
0x5e: {  	[tilespmem:v2+s17+$0x0] =	vst.idx.msk $0xffff, v1  }
0x5f: {  	v1 =	vld.idx.msk [tilespmem:v3+s14+$0x0], $0xffff;
	_ =	sdelay $0x1  }
0x60: {  	v2 =	vor.u32 v30, v4  }
0x61: {  	v3 =	vor.u32 v31, v0;
	_ =	sdelay $0x1  }
0x62: {  	v1 =	vmul.f32 $8.000000000e+00, v1;
	_ =	sdelay $0x1  }
0x63: {  	[tilespmem:v2+s17+$0x0] =	vst.idx.msk $0xffff, v1  }
0x64: {  	v1 =	vld.idx.msk [tilespmem:v3+s14+$0x0], $0xffff;
	_ =	sdelay $0x1  }
0x65: {  	v2 =	vor.u32 v32, v4  }
0x66: {  	v3 =	vor.u32 v33, v0;
	_ =	sdelay $0x1  }
0x67: {  	v1 =	vmul.f32 $8.000000000e+00, v1;
	_ =	sdelay $0x1  }
0x68: {  	[tilespmem:v2+s17+$0x0] =	vst.idx.msk $0xffff, v1  }
0x69: {  	v1 =	vld.idx.msk [tilespmem:v3+s14+$0x0], $0xffff;
	_ =	sdelay $0x1  }
0x6a: {  	v2 =	vor.u32 v34, v4  }
0x6b: {  	v3 =	vor.u32 v35, v0;
	_ =	sdelay $0x1  }
0x6c: {  	v1 =	vmul.f32 $8.000000000e+00, v1;
	_ =	sdelay $0x1  }
0x6d: {  	[tilespmem:v2+s17+$0x0] =	vst.idx.msk $0xffff, v1  }
0x6e: {  	v1 =	vld.idx.msk [tilespmem:v3+s14+$0x0], $0xffff;
	_ =	sdelay $0x1  }
0x6f: {  	v2 =	vor.u32 v36, v4  }
0x70: {  	v3 =	vor.u32 v37, v0;
	_ =	sdelay $0x1  }
0x71: {  	v1 =	vmul.f32 $8.000000000e+00, v1;
	_ =	sdelay $0x1  }
0x72: {  	[tilespmem:v2+s17+$0x0] =	vst.idx.msk $0xffff, v1  }
0x73: {  	v1 =	vld.idx.msk [tilespmem:v3+s14+$0x0], $0xffff;
	_ =	sdelay $0x1  }
0x74: {  	v2 =	vor.u32 v38, v4  }
0x75: {  	v3 =	vor.u32 v39, v0;
	_ =	sdelay $0x1  }
0x76: {  	v1 =	vmul.f32 $8.000000000e+00, v1;
	_ =	sdelay $0x1  }
0x77: {  	[tilespmem:v2+s17+$0x0] =	vst.idx.msk $0xffff, v1  }
0x78: {  	v1 =	vld.idx.msk [tilespmem:v3+s14+$0x0], $0xffff;
	_ =	sdelay $0x1  }
0x79: {  	v2 =	vor.u32 v40, v4  }
0x7a: {  	v3 =	vor.u32 v41, v0;
	_ =	sdelay $0x1  }
0x7b: {  	v1 =	vmul.f32 $8.000000000e+00, v1;
	_ =	sdelay $0x1  }
0x7c: {  	[tilespmem:v2+s17+$0x0] =	vst.idx.msk $0xffff, v1  }
0x7d: {  	v1 =	vld.idx.msk [tilespmem:v3+s14+$0x0], $0xffff;
	_ =	sdelay $0x1  }
0x7e: {  	v2 =	vor.u32 v42, v4  }
0x7f: {  	v3 =	vor.u32 v43, v0;
	_ =	sdelay $0x1  }
0x80: {  	v1 =	vmul.f32 $8.000000000e+00, v1;
	_ =	sdelay $0x1  }
0x81: {  	[tilespmem:v2+s17+$0x0] =	vst.idx.msk $0xffff, v1  }
0x82: {  	v1 =	vld.idx.msk [tilespmem:v3+s14+$0x0], $0xffff;
	_ =	sdelay $0x1  }
0x83: {  	v2 =	vor.u32 v44, v4  }
0x84: {  	v3 =	vor.u32 v45, v0;
	_ =	sdelay $0x1  }
0x85: {  	v1 =	vmul.f32 $8.000000000e+00, v1;
	_ =	sdelay $0x1  }
0x86: {  	[tilespmem:v2+s17+$0x0] =	vst.idx.msk $0xffff, v1  }
0x87: {  	v1 =	vld.idx.msk [tilespmem:v3+s14+$0x0], $0xffff;
	_ =	sdelay $0x1  }
0x88: {  	v2 =	vor.u32 v46, v4  }
0x89: {  	v3 =	vor.u32 v47, v0;
	_ =	sdelay $0x1  }
0x8a: {  	v1 =	vmul.f32 $8.000000000e+00, v1;
	_ =	sdelay $0x1  }
0x8b: {  	[tilespmem:v2+s17+$0x0] =	vst.idx.msk $0xffff, v1  }
0x8c: {  	v1 =	vld.idx.msk [tilespmem:v3+s14+$0x0], $0xffff;
	_ =	sdelay $0x1  }
0x8d: {  	v2 =	vor.u32 v48, v4  }
0x8e: {  	v3 =	vor.u32 v49, v0;
	_ =	sdelay $0x1  }
0x8f: {  	v1 =	vmul.f32 $8.000000000e+00, v1;
	_ =	sdelay $0x1  }
0x90: {  	[tilespmem:v2+s17+$0x0] =	vst.idx.msk $0xffff, v1  }
0x91: {  	v1 =	vld.idx.msk [tilespmem:v3+s14+$0x0], $0xffff;
	_ =	sdelay $0x1  }
0x92: {  	v2 =	vor.u32 v50, v4  }
0x93: {  	v3 =	vor.u32 v51, v0;
	_ =	sdelay $0x1  }
0x94: {  	v1 =	vmul.f32 $8.000000000e+00, v1;
	_ =	sdelay $0x1  }
0x95: {  	[tilespmem:v2+s17+$0x0] =	vst.idx.msk $0xffff, v1  }
0x96: {  	v1 =	vld.idx.msk [tilespmem:v3+s14+$0x0], $0xffff;
	_ =	sdelay $0x1  }
0x97: {  	v2 =	vor.u32 v52, v4  }
0x98: {  	v3 =	vor.u32 v53, v0;
	_ =	sdelay $0x1  }
0x99: {  	v1 =	vmul.f32 $8.000000000e+00, v1;
	_ =	sdelay $0x1  }
0x9a: {  	[tilespmem:v2+s17+$0x0] =	vst.idx.msk $0xffff, v1  }
0x9b: {  	v1 =	vld.idx.msk [tilespmem:v3+s14+$0x0], $0xffff;
	_ =	sdelay $0x1  }
0x9c: {  	v2 =	vor.u32 v54, v4  }
0x9d: {  	v3 =	vor.u32 v55, v0;
	_ =	sdelay $0x1  }
0x9e: {  	v1 =	vmul.f32 $8.000000000e+00, v1;
	_ =	sdelay $0x1  }
0x9f: {  	[tilespmem:v2+s17+$0x0] =	vst.idx.msk $0xffff, v1  }
0xa0: {  	v1 =	vld.idx.msk [tilespmem:v3+s14+$0x0], $0xffff;
	_ =	sdelay $0x1  }
0xa1: {  	v2 =	vor.u32 v56, v4  }
0xa2: {  	v3 =	vor.u32 v57, v0;
	_ =	sdelay $0x1  }
0xa3: {  	v1 =	vmul.f32 $8.000000000e+00, v1;
	_ =	sdelay $0x1  }
0xa4: {  	[tilespmem:v2+s17+$0x0] =	vst.idx.msk $0xffff, v1  }
0xa5: {  	v1 =	vld.idx.msk [tilespmem:v3+s14+$0x0], $0xffff;
	_ =	sdelay $0x1  }
0xa6: {  	v2 =	vor.u32 v58, v4  }
0xa7: {  	v3 =	vor.u32 v59, v0;
	_ =	sdelay $0x1  }
0xa8: {  	v1 =	vmul.f32 $8.000000000e+00, v1;
	_ =	sdelay $0x1  }
0xa9: {  	[tilespmem:v2+s17+$0x0] =	vst.idx.msk $0xffff, v1  }
0xaa: {  	v1 =	vld.idx.msk [tilespmem:v3+s14+$0x0], $0xffff;
	_ =	sdelay $0x1  }
0xab: {  	v2 =	vor.u32 v60, v4  }
0xac: {  	v3 =	vor.u32 v61, v0;
	_ =	sdelay $0x1  }
0xad: {  	v1 =	vmul.f32 $8.000000000e+00, v1;
	_ =	sdelay $0x1  }
0xae: {  	[tilespmem:v2+s17+$0x0] =	vst.idx.msk $0xffff, v1  }
0xaf: {  	v1 =	vld.idx.msk [tilespmem:v3+s14+$0x0], $0xffff;
	_ =	sdelay $0x1  }
0xb0: {  	v2 =	vor.u32 v62, v4  }
0xb1: {  	v3 =	vor.u32 v63, v0;
	_ =	sdelay $0x1  }
0xb2: {  	v1 =	vmul.f32 $8.000000000e+00, v1;
	_ =	sdelay $0x1  }
0xb3: {  	[tilespmem:v2+s17+$0x0] =	vst.idx.msk $0xffff, v1;
	v2 =	vld [tilespmem:$0x1FF90]  }
0xb4: {  	v1 =	vld.idx.msk [tilespmem:v3+s14+$0x0], $0xffff  }
0xb5: {  	v3 =	vld [tilespmem:$0x1FFA0];
	_ =	sdelay $0x3  }
0xb6: {  	v2 =	vor.u32 v2, v4  }
0xb7: {  	v3 =	vor.u32 v3, v0;
	_ =	sdelay $0x1  }
0xb8: {  	v1 =	vmul.f32 $8.000000000e+00, v1;
	_ =	sdelay $0x1  }
0xb9: {  	[tilespmem:v2+s17+$0x0] =	vst.idx.msk $0xffff, v1;
	v2 =	vld [tilespmem:$0x1FFB0]  }
0xba: {  	v1 =	vld.idx.msk [tilespmem:v3+s14+$0x0], $0xffff  }
0xbb: {  	v3 =	vld [tilespmem:$0x1FFC0];
	_ =	sdelay $0x3  }
0xbc: {  	v2 =	vor.u32 v2, v4  }
0xbd: {  	v0 =	vor.u32 v3, v0;
	_ =	sdelay $0x1  }
0xbe: {  	v1 =	vmul.f32 $8.000000000e+00, v1;
	_ =	sdelay $0x1  }
0xbf: {  	[tilespmem:v2+s17+$0x0] =	vst.idx.msk $0xffff, v1;
	v2 =	vld [tilespmem:$0x1FFD0]  }
0xc0: {  	v5 =	vld.idx.msk [tilespmem:v0+s14+$0x0], $0xffff;
	_ =	sdelay $0x1  }
0xc1: {  	s1 =	simm.s32 $0x1;
	v0 =	vlaneseq.u32  }
0xc2: {  	v0 =	vadd.s32 s1, v0  }
0xc3: {  	v1 =	vand.u32 $0xF, v0;
	v0 =	vshll.u32 v0, $0x7;
	v3 =	vor.u32 v2, v4  }
0xc4: {  	s28 =	simm.s32 $0x2;
	v0 =	vand.u32 $0x780, v0;
	v2 =	vor.u32 v6, v1;
	v4 =	vmul.f32 $8.000000000e+00, v5  }
.LBB2_2:
0xc5: {  	_ =	sdelay $0x2  }
0xc6: {  	[tilespmem:v3+s17+$0x0] =	vst.idx.msk $0xffff, v4  }
0xc7: {  	v2 =	vld.idx.msk [tilespmem:v2+s14+$0x0], $0xffff  }
0xc8: {  	v5 =	vlaneseq.u32  }
0xc9: {  	v3 =	vor.u32 v5, v0  }
0xca: {  	v4 =	vor.u32 v7, v1;
	_ =	sdelay $0x1  }
0xcb: {  	v2 =	vmul.f32 $8.000000000e+00, v2;
	_ =	sdelay $0x1  }
0xcc: {  	[tilespmem:v3+s17+$0x0] =	vst.idx.msk $0xffff, v2  }
0xcd: {  	v2 =	vld.idx.msk [tilespmem:v4+s14+$0x0], $0xffff;
	_ =	sdelay $0x1  }
0xce: {  	v3 =	vor.u32 v8, v0  }
0xcf: {  	v4 =	vor.u32 v9, v1;
	_ =	sdelay $0x1  }
0xd0: {  	v2 =	vmul.f32 $8.000000000e+00, v2;
	_ =	sdelay $0x1  }
0xd1: {  	[tilespmem:v3+s17+$0x0] =	vst.idx.msk $0xffff, v2  }
0xd2: {  	v2 =	vld.idx.msk [tilespmem:v4+s14+$0x0], $0xffff;
	_ =	sdelay $0x1  }
0xd3: {  	v3 =	vor.u32 v10, v0  }
0xd4: {  	v4 =	vor.u32 v11, v1;
	_ =	sdelay $0x1  }
0xd5: {  	v2 =	vmul.f32 $8.000000000e+00, v2;
	_ =	sdelay $0x1  }
0xd6: {  	[tilespmem:v3+s17+$0x0] =	vst.idx.msk $0xffff, v2  }
0xd7: {  	v2 =	vld.idx.msk [tilespmem:v4+s14+$0x0], $0xffff;
	_ =	sdelay $0x1  }
0xd8: {  	v3 =	vor.u32 v12, v0  }
0xd9: {  	v4 =	vor.u32 v13, v1;
	_ =	sdelay $0x1  }
0xda: {  	v2 =	vmul.f32 $8.000000000e+00, v2;
	_ =	sdelay $0x1  }
0xdb: {  	[tilespmem:v3+s17+$0x0] =	vst.idx.msk $0xffff, v2  }
0xdc: {  	v2 =	vld.idx.msk [tilespmem:v4+s14+$0x0], $0xffff;
	_ =	sdelay $0x1  }
0xdd: {  	v3 =	vor.u32 v14, v0  }
0xde: {  	v4 =	vor.u32 v15, v1;
	_ =	sdelay $0x1  }
0xdf: {  	v2 =	vmul.f32 $8.000000000e+00, v2;
	_ =	sdelay $0x1  }
0xe0: {  	[tilespmem:v3+s17+$0x0] =	vst.idx.msk $0xffff, v2  }
0xe1: {  	v2 =	vld.idx.msk [tilespmem:v4+s14+$0x0], $0xffff;
	_ =	sdelay $0x1  }
0xe2: {  	v3 =	vor.u32 v16, v0  }
0xe3: {  	v4 =	vor.u32 v17, v1;
	_ =	sdelay $0x1  }
0xe4: {  	v2 =	vmul.f32 $8.000000000e+00, v2;
	_ =	sdelay $0x1  }
0xe5: {  	[tilespmem:v3+s17+$0x0] =	vst.idx.msk $0xffff, v2  }
0xe6: {  	v2 =	vld.idx.msk [tilespmem:v4+s14+$0x0], $0xffff;
	_ =	sdelay $0x1  }
0xe7: {  	v3 =	vor.u32 v18, v0  }
0xe8: {  	v4 =	vor.u32 v19, v1;
	_ =	sdelay $0x1  }
0xe9: {  	v2 =	vmul.f32 $8.000000000e+00, v2;
	_ =	sdelay $0x1  }
0xea: {  	[tilespmem:v3+s17+$0x0] =	vst.idx.msk $0xffff, v2  }
0xeb: {  	v2 =	vld.idx.msk [tilespmem:v4+s14+$0x0], $0xffff;
	_ =	sdelay $0x1  }
0xec: {  	v3 =	vor.u32 v20, v0  }
0xed: {  	v4 =	vor.u32 v21, v1;
	_ =	sdelay $0x1  }
0xee: {  	v2 =	vmul.f32 $8.000000000e+00, v2;
	_ =	sdelay $0x1  }
0xef: {  	[tilespmem:v3+s17+$0x0] =	vst.idx.msk $0xffff, v2  }
0xf0: {  	v2 =	vld.idx.msk [tilespmem:v4+s14+$0x0], $0xffff;
	_ =	sdelay $0x1  }
0xf1: {  	v3 =	vor.u32 v22, v0  }
0xf2: {  	v4 =	vor.u32 v23, v1;
	_ =	sdelay $0x1  }
0xf3: {  	v2 =	vmul.f32 $8.000000000e+00, v2;
	_ =	sdelay $0x1  }
0xf4: {  	[tilespmem:v3+s17+$0x0] =	vst.idx.msk $0xffff, v2  }
0xf5: {  	v2 =	vld.idx.msk [tilespmem:v4+s14+$0x0], $0xffff;
	_ =	sdelay $0x1  }
0xf6: {  	v3 =	vor.u32 v24, v0  }
0xf7: {  	v4 =	vor.u32 v25, v1;
	_ =	sdelay $0x1  }
0xf8: {  	v2 =	vmul.f32 $8.000000000e+00, v2;
	_ =	sdelay $0x1  }
0xf9: {  	[tilespmem:v3+s17+$0x0] =	vst.idx.msk $0xffff, v2  }
0xfa: {  	v2 =	vld.idx.msk [tilespmem:v4+s14+$0x0], $0xffff;
	_ =	sdelay $0x1  }
0xfb: {  	v3 =	vor.u32 v26, v0  }
0xfc: {  	v4 =	vor.u32 v27, v1;
	_ =	sdelay $0x1  }
0xfd: {  	v2 =	vmul.f32 $8.000000000e+00, v2;
	_ =	sdelay $0x1  }
0xfe: {  	[tilespmem:v3+s17+$0x0] =	vst.idx.msk $0xffff, v2  }
0xff: {  	v2 =	vld.idx.msk [tilespmem:v4+s14+$0x0], $0xffff;
	_ =	sdelay $0x1  }
0x100: {  	v3 =	vor.u32 v28, v0  }
0x101: {  	v4 =	vor.u32 v29, v1;
	_ =	sdelay $0x1  }
0x102: {  	v2 =	vmul.f32 $8.000000000e+00, v2;
	_ =	sdelay $0x1  }
0x103: {  	[tilespmem:v3+s17+$0x0] =	vst.idx.msk $0xffff, v2  }
0x104: {  	v2 =	vld.idx.msk [tilespmem:v4+s14+$0x0], $0xffff;
	_ =	sdelay $0x1  }
0x105: {  	v3 =	vor.u32 v30, v0  }
0x106: {  	v4 =	vor.u32 v31, v1;
	_ =	sdelay $0x1  }
0x107: {  	v2 =	vmul.f32 $8.000000000e+00, v2;
	_ =	sdelay $0x1  }
0x108: {  	[tilespmem:v3+s17+$0x0] =	vst.idx.msk $0xffff, v2  }
0x109: {  	v2 =	vld.idx.msk [tilespmem:v4+s14+$0x0], $0xffff;
	_ =	sdelay $0x1  }
0x10a: {  	v3 =	vor.u32 v32, v0  }
0x10b: {  	v4 =	vor.u32 v33, v1;
	_ =	sdelay $0x1  }
0x10c: {  	v2 =	vmul.f32 $8.000000000e+00, v2;
	_ =	sdelay $0x1  }
0x10d: {  	[tilespmem:v3+s17+$0x0] =	vst.idx.msk $0xffff, v2  }
0x10e: {  	v2 =	vld.idx.msk [tilespmem:v4+s14+$0x0], $0xffff;
	_ =	sdelay $0x1  }
0x10f: {  	v3 =	vor.u32 v34, v0  }
0x110: {  	v4 =	vor.u32 v35, v1;
	_ =	sdelay $0x1  }
0x111: {  	v2 =	vmul.f32 $8.000000000e+00, v2;
	_ =	sdelay $0x1  }
0x112: {  	[tilespmem:v3+s17+$0x0] =	vst.idx.msk $0xffff, v2  }
0x113: {  	v2 =	vld.idx.msk [tilespmem:v4+s14+$0x0], $0xffff;
	_ =	sdelay $0x1  }
0x114: {  	v3 =	vor.u32 v36, v0  }
0x115: {  	v4 =	vor.u32 v37, v1;
	_ =	sdelay $0x1  }
0x116: {  	v2 =	vmul.f32 $8.000000000e+00, v2;
	_ =	sdelay $0x1  }
0x117: {  	[tilespmem:v3+s17+$0x0] =	vst.idx.msk $0xffff, v2  }
0x118: {  	v2 =	vld.idx.msk [tilespmem:v4+s14+$0x0], $0xffff;
	_ =	sdelay $0x1  }
0x119: {  	v3 =	vor.u32 v38, v0  }
0x11a: {  	v4 =	vor.u32 v39, v1;
	_ =	sdelay $0x1  }
0x11b: {  	v2 =	vmul.f32 $8.000000000e+00, v2;
	_ =	sdelay $0x1  }
0x11c: {  	[tilespmem:v3+s17+$0x0] =	vst.idx.msk $0xffff, v2  }
0x11d: {  	v2 =	vld.idx.msk [tilespmem:v4+s14+$0x0], $0xffff;
	_ =	sdelay $0x1  }
0x11e: {  	v3 =	vor.u32 v40, v0  }
0x11f: {  	v4 =	vor.u32 v41, v1;
	_ =	sdelay $0x1  }
0x120: {  	v2 =	vmul.f32 $8.000000000e+00, v2;
	_ =	sdelay $0x1  }
0x121: {  	[tilespmem:v3+s17+$0x0] =	vst.idx.msk $0xffff, v2  }
0x122: {  	v2 =	vld.idx.msk [tilespmem:v4+s14+$0x0], $0xffff;
	_ =	sdelay $0x1  }
0x123: {  	v3 =	vor.u32 v42, v0  }
0x124: {  	v4 =	vor.u32 v43, v1;
	_ =	sdelay $0x1  }
0x125: {  	v2 =	vmul.f32 $8.000000000e+00, v2;
	_ =	sdelay $0x1  }
0x126: {  	[tilespmem:v3+s17+$0x0] =	vst.idx.msk $0xffff, v2  }
0x127: {  	v2 =	vld.idx.msk [tilespmem:v4+s14+$0x0], $0xffff;
	_ =	sdelay $0x1  }
0x128: {  	v3 =	vor.u32 v44, v0  }
0x129: {  	v4 =	vor.u32 v45, v1;
	_ =	sdelay $0x1  }
0x12a: {  	v2 =	vmul.f32 $8.000000000e+00, v2;
	_ =	sdelay $0x1  }
0x12b: {  	[tilespmem:v3+s17+$0x0] =	vst.idx.msk $0xffff, v2  }
0x12c: {  	v2 =	vld.idx.msk [tilespmem:v4+s14+$0x0], $0xffff;
	_ =	sdelay $0x1  }
0x12d: {  	v3 =	vor.u32 v46, v0  }
0x12e: {  	v4 =	vor.u32 v47, v1;
	_ =	sdelay $0x1  }
0x12f: {  	v2 =	vmul.f32 $8.000000000e+00, v2;
	_ =	sdelay $0x1  }
0x130: {  	[tilespmem:v3+s17+$0x0] =	vst.idx.msk $0xffff, v2  }
0x131: {  	v2 =	vld.idx.msk [tilespmem:v4+s14+$0x0], $0xffff;
	_ =	sdelay $0x1  }
0x132: {  	v3 =	vor.u32 v48, v0  }
0x133: {  	v4 =	vor.u32 v49, v1;
	_ =	sdelay $0x1  }
0x134: {  	v2 =	vmul.f32 $8.000000000e+00, v2;
	_ =	sdelay $0x1  }
0x135: {  	[tilespmem:v3+s17+$0x0] =	vst.idx.msk $0xffff, v2  }
0x136: {  	v2 =	vld.idx.msk [tilespmem:v4+s14+$0x0], $0xffff;
	_ =	sdelay $0x1  }
0x137: {  	v3 =	vor.u32 v50, v0  }
0x138: {  	v4 =	vor.u32 v51, v1;
	_ =	sdelay $0x1  }
0x139: {  	v2 =	vmul.f32 $8.000000000e+00, v2;
	_ =	sdelay $0x1  }
0x13a: {  	[tilespmem:v3+s17+$0x0] =	vst.idx.msk $0xffff, v2  }
0x13b: {  	v2 =	vld.idx.msk [tilespmem:v4+s14+$0x0], $0xffff;
	_ =	sdelay $0x1  }
0x13c: {  	v3 =	vor.u32 v52, v0  }
0x13d: {  	v4 =	vor.u32 v53, v1;
	_ =	sdelay $0x1  }
0x13e: {  	v2 =	vmul.f32 $8.000000000e+00, v2;
	_ =	sdelay $0x1  }
0x13f: {  	[tilespmem:v3+s17+$0x0] =	vst.idx.msk $0xffff, v2  }
0x140: {  	v2 =	vld.idx.msk [tilespmem:v4+s14+$0x0], $0xffff;
	_ =	sdelay $0x1  }
0x141: {  	v3 =	vor.u32 v54, v0  }
0x142: {  	v4 =	vor.u32 v55, v1;
	_ =	sdelay $0x1  }
0x143: {  	v2 =	vmul.f32 $8.000000000e+00, v2;
	_ =	sdelay $0x1  }
0x144: {  	[tilespmem:v3+s17+$0x0] =	vst.idx.msk $0xffff, v2  }
0x145: {  	v2 =	vld.idx.msk [tilespmem:v4+s14+$0x0], $0xffff;
	_ =	sdelay $0x1  }
0x146: {  	v3 =	vor.u32 v56, v0  }
0x147: {  	v4 =	vor.u32 v57, v1;
	_ =	sdelay $0x1  }
0x148: {  	v2 =	vmul.f32 $8.000000000e+00, v2;
	_ =	sdelay $0x1  }
0x149: {  	[tilespmem:v3+s17+$0x0] =	vst.idx.msk $0xffff, v2  }
0x14a: {  	v2 =	vld.idx.msk [tilespmem:v4+s14+$0x0], $0xffff;
	_ =	sdelay $0x1  }
0x14b: {  	v3 =	vor.u32 v58, v0  }
0x14c: {  	v4 =	vor.u32 v59, v1;
	_ =	sdelay $0x1  }
0x14d: {  	v2 =	vmul.f32 $8.000000000e+00, v2;
	_ =	sdelay $0x1  }
0x14e: {  	[tilespmem:v3+s17+$0x0] =	vst.idx.msk $0xffff, v2  }
0x14f: {  	v2 =	vld.idx.msk [tilespmem:v4+s14+$0x0], $0xffff;
	_ =	sdelay $0x1  }
0x150: {  	v3 =	vor.u32 v60, v0  }
0x151: {  	v4 =	vor.u32 v61, v1;
	_ =	sdelay $0x1  }
0x152: {  	v2 =	vmul.f32 $8.000000000e+00, v2;
	_ =	sdelay $0x1  }
0x153: {  	[tilespmem:v3+s17+$0x0] =	vst.idx.msk $0xffff, v2  }
0x154: {  	v2 =	vld.idx.msk [tilespmem:v4+s14+$0x0], $0xffff;
	_ =	sdelay $0x1  }
0x155: {  	v3 =	vor.u32 v62, v0  }
0x156: {  	v4 =	vor.u32 v63, v1;
	_ =	sdelay $0x1  }
0x157: {  	v2 =	vmul.f32 $8.000000000e+00, v2;
	_ =	sdelay $0x1  }
0x158: {  	[tilespmem:v3+s17+$0x0] =	vst.idx.msk $0xffff, v2;
	v3 =	vld [tilespmem:$0x1FF90]  }
0x159: {  	v2 =	vld.idx.msk [tilespmem:v4+s14+$0x0], $0xffff  }
0x15a: {  	v4 =	vld [tilespmem:$0x1FFA0];
	_ =	sdelay $0x3  }
0x15b: {  	v3 =	vor.u32 v3, v0  }
0x15c: {  	v4 =	vor.u32 v4, v1;
	_ =	sdelay $0x1  }
0x15d: {  	v2 =	vmul.f32 $8.000000000e+00, v2;
	_ =	sdelay $0x1  }
0x15e: {  	[tilespmem:v3+s17+$0x0] =	vst.idx.msk $0xffff, v2;
	v3 =	vld [tilespmem:$0x1FFB0]  }
0x15f: {  	v2 =	vld.idx.msk [tilespmem:v4+s14+$0x0], $0xffff  }
0x160: {  	v4 =	vld [tilespmem:$0x1FFC0];
	_ =	sdelay $0x3  }
0x161: {  	v3 =	vor.u32 v3, v0  }
0x162: {  	v1 =	vor.u32 v4, v1;
	_ =	sdelay $0x1  }
0x163: {  	v2 =	vmul.f32 $8.000000000e+00, v2;
	_ =	sdelay $0x1  }
0x164: {  	s29 =	smov.u32 s28;
	[tilespmem:v3+s17+$0x0] =	vst.idx.msk $0xffff, v2  }
0x165: {  	v2 =	vadd.s32 s29, v5;
	v4 =	vld.idx.msk [tilespmem:v1+s14+$0x0], $0xffff  }
0x166: {  	v1 =	vand.u32 $0xF, v2;
	v5 =	vshll.u32 v2, $0x7;
	v2 =	vld [tilespmem:$0x1FFD0]  }
0x167: {  	p0 =	sne.s32 s28, $0xF  }
.Ltmp0:
0x168: {  	_ = 	snop;
	(pc) =	sbr.rel @p0 .LBB2_2-.Ltmp0, $3  }
0x169: {  	_ =	sdelay $0x1  }
0x16a: {  	v3 =	vor.u32 v2, v0  }
0x16b: {  	s28 =	sadd.s32 $0x1, s28;
	v2 =	vor.u32 v6, v1;
	v0 =	vand.u32 $0x780, v5;
	v4 =	vmul.f32 $8.000000000e+00, v4  }
0x16c: {  	_ =	sdelay $0x3  }
0x16d: {  	[tilespmem:v3+s17+$0x0] =	vst.idx.msk $0xffff, v4  }
0x16e: {  	v2 =	vld.idx.msk [tilespmem:v2+s14+$0x0], $0xffff  }
0x16f: {  	v3 =	vlaneseq.u32  }
0x170: {  	v3 =	vor.u32 v3, v0  }
0x171: {  	v4 =	vor.u32 v7, v1;
	_ =	sdelay $0x1  }
0x172: {  	v2 =	vmul.f32 $8.000000000e+00, v2;
	_ =	sdelay $0x1  }
0x173: {  	[tilespmem:v3+s17+$0x0] =	vst.idx.msk $0xffff, v2  }
0x174: {  	v2 =	vld.idx.msk [tilespmem:v4+s14+$0x0], $0xffff;
	_ =	sdelay $0x1  }
0x175: {  	v3 =	vor.u32 v8, v0  }
0x176: {  	v4 =	vor.u32 v9, v1;
	_ =	sdelay $0x1  }
0x177: {  	v2 =	vmul.f32 $8.000000000e+00, v2;
	_ =	sdelay $0x1  }
0x178: {  	[tilespmem:v3+s17+$0x0] =	vst.idx.msk $0xffff, v2  }
0x179: {  	v2 =	vld.idx.msk [tilespmem:v4+s14+$0x0], $0xffff;
	_ =	sdelay $0x1  }
0x17a: {  	v3 =	vor.u32 v10, v0  }
0x17b: {  	v4 =	vor.u32 v11, v1;
	_ =	sdelay $0x1  }
0x17c: {  	v2 =	vmul.f32 $8.000000000e+00, v2;
	_ =	sdelay $0x1  }
0x17d: {  	[tilespmem:v3+s17+$0x0] =	vst.idx.msk $0xffff, v2  }
0x17e: {  	v2 =	vld.idx.msk [tilespmem:v4+s14+$0x0], $0xffff;
	_ =	sdelay $0x1  }
0x17f: {  	v3 =	vor.u32 v12, v0  }
0x180: {  	v4 =	vor.u32 v13, v1;
	_ =	sdelay $0x1  }
0x181: {  	v2 =	vmul.f32 $8.000000000e+00, v2;
	_ =	sdelay $0x1  }
0x182: {  	[tilespmem:v3+s17+$0x0] =	vst.idx.msk $0xffff, v2  }
0x183: {  	v2 =	vld.idx.msk [tilespmem:v4+s14+$0x0], $0xffff;
	_ =	sdelay $0x1  }
0x184: {  	v3 =	vor.u32 v14, v0  }
0x185: {  	v4 =	vor.u32 v15, v1;
	_ =	sdelay $0x1  }
0x186: {  	v2 =	vmul.f32 $8.000000000e+00, v2;
	_ =	sdelay $0x1  }
0x187: {  	[tilespmem:v3+s17+$0x0] =	vst.idx.msk $0xffff, v2  }
0x188: {  	v2 =	vld.idx.msk [tilespmem:v4+s14+$0x0], $0xffff;
	_ =	sdelay $0x1  }
0x189: {  	v3 =	vor.u32 v16, v0  }
0x18a: {  	v4 =	vor.u32 v17, v1;
	_ =	sdelay $0x1  }
0x18b: {  	v2 =	vmul.f32 $8.000000000e+00, v2;
	_ =	sdelay $0x1  }
0x18c: {  	[tilespmem:v3+s17+$0x0] =	vst.idx.msk $0xffff, v2  }
0x18d: {  	v2 =	vld.idx.msk [tilespmem:v4+s14+$0x0], $0xffff;
	_ =	sdelay $0x1  }
0x18e: {  	v3 =	vor.u32 v18, v0  }
0x18f: {  	v4 =	vor.u32 v19, v1;
	_ =	sdelay $0x1  }
0x190: {  	v2 =	vmul.f32 $8.000000000e+00, v2;
	_ =	sdelay $0x1  }
0x191: {  	[tilespmem:v3+s17+$0x0] =	vst.idx.msk $0xffff, v2  }
0x192: {  	v2 =	vld.idx.msk [tilespmem:v4+s14+$0x0], $0xffff;
	_ =	sdelay $0x1  }
0x193: {  	v3 =	vor.u32 v20, v0  }
0x194: {  	v4 =	vor.u32 v21, v1;
	_ =	sdelay $0x1  }
0x195: {  	v2 =	vmul.f32 $8.000000000e+00, v2;
	_ =	sdelay $0x1  }
0x196: {  	[tilespmem:v3+s17+$0x0] =	vst.idx.msk $0xffff, v2  }
0x197: {  	v2 =	vld.idx.msk [tilespmem:v4+s14+$0x0], $0xffff;
	_ =	sdelay $0x1  }
0x198: {  	v3 =	vor.u32 v22, v0  }
0x199: {  	v4 =	vor.u32 v23, v1;
	_ =	sdelay $0x1  }
0x19a: {  	v2 =	vmul.f32 $8.000000000e+00, v2;
	_ =	sdelay $0x1  }
0x19b: {  	[tilespmem:v3+s17+$0x0] =	vst.idx.msk $0xffff, v2  }
0x19c: {  	v2 =	vld.idx.msk [tilespmem:v4+s14+$0x0], $0xffff;
	_ =	sdelay $0x1  }
0x19d: {  	v3 =	vor.u32 v24, v0  }
0x19e: {  	v4 =	vor.u32 v25, v1;
	_ =	sdelay $0x1  }
0x19f: {  	v2 =	vmul.f32 $8.000000000e+00, v2;
	_ =	sdelay $0x1  }
0x1a0: {  	[tilespmem:v3+s17+$0x0] =	vst.idx.msk $0xffff, v2  }
0x1a1: {  	v2 =	vld.idx.msk [tilespmem:v4+s14+$0x0], $0xffff;
	_ =	sdelay $0x1  }
0x1a2: {  	v3 =	vor.u32 v26, v0  }
0x1a3: {  	v4 =	vor.u32 v27, v1;
	_ =	sdelay $0x1  }
0x1a4: {  	v2 =	vmul.f32 $8.000000000e+00, v2;
	_ =	sdelay $0x1  }
0x1a5: {  	[tilespmem:v3+s17+$0x0] =	vst.idx.msk $0xffff, v2  }
0x1a6: {  	v2 =	vld.idx.msk [tilespmem:v4+s14+$0x0], $0xffff;
	_ =	sdelay $0x1  }
0x1a7: {  	v3 =	vor.u32 v28, v0  }
0x1a8: {  	v4 =	vor.u32 v29, v1;
	_ =	sdelay $0x1  }
0x1a9: {  	v2 =	vmul.f32 $8.000000000e+00, v2;
	_ =	sdelay $0x1  }
0x1aa: {  	[tilespmem:v3+s17+$0x0] =	vst.idx.msk $0xffff, v2  }
0x1ab: {  	v2 =	vld.idx.msk [tilespmem:v4+s14+$0x0], $0xffff;
	_ =	sdelay $0x1  }
0x1ac: {  	v3 =	vor.u32 v30, v0  }
0x1ad: {  	v4 =	vor.u32 v31, v1;
	_ =	sdelay $0x1  }
0x1ae: {  	v2 =	vmul.f32 $8.000000000e+00, v2;
	_ =	sdelay $0x1  }
0x1af: {  	[tilespmem:v3+s17+$0x0] =	vst.idx.msk $0xffff, v2  }
0x1b0: {  	v2 =	vld.idx.msk [tilespmem:v4+s14+$0x0], $0xffff;
	_ =	sdelay $0x1  }
0x1b1: {  	v3 =	vor.u32 v32, v0  }
0x1b2: {  	v4 =	vor.u32 v33, v1;
	_ =	sdelay $0x1  }
0x1b3: {  	v2 =	vmul.f32 $8.000000000e+00, v2;
	_ =	sdelay $0x1  }
0x1b4: {  	[tilespmem:v3+s17+$0x0] =	vst.idx.msk $0xffff, v2  }
0x1b5: {  	v2 =	vld.idx.msk [tilespmem:v4+s14+$0x0], $0xffff;
	_ =	sdelay $0x1  }
0x1b6: {  	v3 =	vor.u32 v34, v0  }
0x1b7: {  	v4 =	vor.u32 v35, v1;
	_ =	sdelay $0x1  }
0x1b8: {  	v2 =	vmul.f32 $8.000000000e+00, v2;
	_ =	sdelay $0x1  }
0x1b9: {  	[tilespmem:v3+s17+$0x0] =	vst.idx.msk $0xffff, v2  }
0x1ba: {  	v2 =	vld.idx.msk [tilespmem:v4+s14+$0x0], $0xffff;
	_ =	sdelay $0x1  }
0x1bb: {  	v3 =	vor.u32 v36, v0  }
0x1bc: {  	v4 =	vor.u32 v37, v1;
	_ =	sdelay $0x1  }
0x1bd: {  	v2 =	vmul.f32 $8.000000000e+00, v2;
	_ =	sdelay $0x1  }
0x1be: {  	[tilespmem:v3+s17+$0x0] =	vst.idx.msk $0xffff, v2  }
0x1bf: {  	v2 =	vld.idx.msk [tilespmem:v4+s14+$0x0], $0xffff;
	_ =	sdelay $0x1  }
0x1c0: {  	v3 =	vor.u32 v38, v0  }
0x1c1: {  	v4 =	vor.u32 v39, v1;
	_ =	sdelay $0x1  }
0x1c2: {  	v2 =	vmul.f32 $8.000000000e+00, v2;
	_ =	sdelay $0x1  }
0x1c3: {  	[tilespmem:v3+s17+$0x0] =	vst.idx.msk $0xffff, v2  }
0x1c4: {  	v2 =	vld.idx.msk [tilespmem:v4+s14+$0x0], $0xffff;
	_ =	sdelay $0x1  }
0x1c5: {  	v3 =	vor.u32 v40, v0  }
0x1c6: {  	v4 =	vor.u32 v41, v1;
	_ =	sdelay $0x1  }
0x1c7: {  	v2 =	vmul.f32 $8.000000000e+00, v2;
	_ =	sdelay $0x1  }
0x1c8: {  	[tilespmem:v3+s17+$0x0] =	vst.idx.msk $0xffff, v2  }
0x1c9: {  	v2 =	vld.idx.msk [tilespmem:v4+s14+$0x0], $0xffff;
	_ =	sdelay $0x1  }
0x1ca: {  	v3 =	vor.u32 v42, v0  }
0x1cb: {  	v4 =	vor.u32 v43, v1;
	_ =	sdelay $0x1  }
0x1cc: {  	v2 =	vmul.f32 $8.000000000e+00, v2;
	_ =	sdelay $0x1  }
0x1cd: {  	[tilespmem:v3+s17+$0x0] =	vst.idx.msk $0xffff, v2  }
0x1ce: {  	v2 =	vld.idx.msk [tilespmem:v4+s14+$0x0], $0xffff;
	_ =	sdelay $0x1  }
0x1cf: {  	v3 =	vor.u32 v44, v0  }
0x1d0: {  	v4 =	vor.u32 v45, v1;
	_ =	sdelay $0x1  }
0x1d1: {  	v2 =	vmul.f32 $8.000000000e+00, v2;
	_ =	sdelay $0x1  }
0x1d2: {  	[tilespmem:v3+s17+$0x0] =	vst.idx.msk $0xffff, v2  }
0x1d3: {  	v2 =	vld.idx.msk [tilespmem:v4+s14+$0x0], $0xffff;
	_ =	sdelay $0x1  }
0x1d4: {  	v3 =	vor.u32 v46, v0  }
0x1d5: {  	v4 =	vor.u32 v47, v1;
	_ =	sdelay $0x1  }
0x1d6: {  	v2 =	vmul.f32 $8.000000000e+00, v2;
	_ =	sdelay $0x1  }
0x1d7: {  	[tilespmem:v3+s17+$0x0] =	vst.idx.msk $0xffff, v2  }
0x1d8: {  	v2 =	vld.idx.msk [tilespmem:v4+s14+$0x0], $0xffff;
	_ =	sdelay $0x1  }
0x1d9: {  	v3 =	vor.u32 v48, v0  }
0x1da: {  	v4 =	vor.u32 v49, v1;
	_ =	sdelay $0x1  }
0x1db: {  	v2 =	vmul.f32 $8.000000000e+00, v2;
	_ =	sdelay $0x1  }
0x1dc: {  	[tilespmem:v3+s17+$0x0] =	vst.idx.msk $0xffff, v2  }
0x1dd: {  	v2 =	vld.idx.msk [tilespmem:v4+s14+$0x0], $0xffff;
	_ =	sdelay $0x1  }
0x1de: {  	v3 =	vor.u32 v50, v0  }
0x1df: {  	v4 =	vor.u32 v51, v1;
	_ =	sdelay $0x1  }
0x1e0: {  	v2 =	vmul.f32 $8.000000000e+00, v2;
	_ =	sdelay $0x1  }
0x1e1: {  	[tilespmem:v3+s17+$0x0] =	vst.idx.msk $0xffff, v2  }
0x1e2: {  	v2 =	vld.idx.msk [tilespmem:v4+s14+$0x0], $0xffff;
	_ =	sdelay $0x1  }
0x1e3: {  	v3 =	vor.u32 v52, v0  }
0x1e4: {  	v4 =	vor.u32 v53, v1;
	_ =	sdelay $0x1  }
0x1e5: {  	v2 =	vmul.f32 $8.000000000e+00, v2;
	_ =	sdelay $0x1  }
0x1e6: {  	[tilespmem:v3+s17+$0x0] =	vst.idx.msk $0xffff, v2  }
0x1e7: {  	v2 =	vld.idx.msk [tilespmem:v4+s14+$0x0], $0xffff;
	_ =	sdelay $0x1  }
0x1e8: {  	v3 =	vor.u32 v54, v0  }
0x1e9: {  	v4 =	vor.u32 v55, v1;
	_ =	sdelay $0x1  }
0x1ea: {  	v2 =	vmul.f32 $8.000000000e+00, v2;
	_ =	sdelay $0x1  }
0x1eb: {  	[tilespmem:v3+s17+$0x0] =	vst.idx.msk $0xffff, v2  }
0x1ec: {  	v2 =	vld.idx.msk [tilespmem:v4+s14+$0x0], $0xffff;
	_ =	sdelay $0x1  }
0x1ed: {  	v3 =	vor.u32 v56, v0  }
0x1ee: {  	v4 =	vor.u32 v57, v1;
	_ =	sdelay $0x1  }
0x1ef: {  	v2 =	vmul.f32 $8.000000000e+00, v2;
	_ =	sdelay $0x1  }
0x1f0: {  	[tilespmem:v3+s17+$0x0] =	vst.idx.msk $0xffff, v2  }
0x1f1: {  	v2 =	vld.idx.msk [tilespmem:v4+s14+$0x0], $0xffff;
	_ =	sdelay $0x1  }
0x1f2: {  	v3 =	vor.u32 v58, v0  }
0x1f3: {  	v4 =	vor.u32 v59, v1;
	_ =	sdelay $0x1  }
0x1f4: {  	v2 =	vmul.f32 $8.000000000e+00, v2;
	_ =	sdelay $0x1  }
0x1f5: {  	[tilespmem:v3+s17+$0x0] =	vst.idx.msk $0xffff, v2  }
0x1f6: {  	v2 =	vld.idx.msk [tilespmem:v4+s14+$0x0], $0xffff;
	_ =	sdelay $0x1  }
0x1f7: {  	v3 =	vor.u32 v60, v0  }
0x1f8: {  	v4 =	vor.u32 v61, v1;
	_ =	sdelay $0x1  }
0x1f9: {  	v2 =	vmul.f32 $8.000000000e+00, v2;
	_ =	sdelay $0x1  }
0x1fa: {  	[tilespmem:v3+s17+$0x0] =	vst.idx.msk $0xffff, v2  }
0x1fb: {  	v2 =	vld.idx.msk [tilespmem:v4+s14+$0x0], $0xffff;
	_ =	sdelay $0x1  }
0x1fc: {  	v3 =	vor.u32 v62, v0;
	_ =	sdelay $0x2  }
0x1fd: {  	v2 =	vmul.f32 $8.000000000e+00, v2  }
0x1fe: {  	v4 =	vor.u32 v63, v1  }
0x1ff: {  	[tilespmem:v3+s17+$0x0] =	vst.idx.msk $0xffff, v2;
	v2 =	vld [tilespmem:$0x1FF90];
	_ =	sdelay $0x3  }
0x200: {  	v5 =	vld.idx.msk [tilespmem:v4+s14+$0x0], $0xffff  }
0x201: {  	v3 =	vor.u32 v2, v0;
	v2 =	vld [tilespmem:$0x1FFA0];
	_ =	sdelay $0x4  }
0x202: {  	v4 =	vor.u32 v2, v1;
	v2 =	vmul.f32 $8.000000000e+00, v5;
	_ =	sdelay $0x1  }
0x203: {  	[tilespmem:v3+s17+$0x0] =	vst.idx.msk $0xffff, v2;
	v3 =	vld [tilespmem:$0x1FFB0];
	_ =	sdelay $0x1  }
0x204: {  	v5 =	vld [tilespmem:$0x1FFC0]  }
0x205: {  	v2 =	vld.idx.msk [tilespmem:v4+s14+$0x0], $0xffff;
	_ =	sdelay $0x1  }
0x206: {  	v3 =	vor.u32 v3, v0;
	_ =	sdelay $0x2  }
0x207: {  	v1 =	vor.u32 v5, v1;
	v2 =	vmul.f32 $8.000000000e+00, v2;
	_ =	sdelay $0x1  }
0x208: {  	[tilespmem:v3+s17+$0x0] =	vst.idx.msk $0xffff, v2;
	v2 =	vld [tilespmem:$0x1FFD0];
	_ =	sdelay $0x2  }
0x209: {  	v1 =	vld.idx.msk [tilespmem:v1+s14+$0x0], $0xffff;
	_ =	sdelay $0x1  }
0x20a: {  	v0 =	vor.u32 v2, v0;
	_ =	sdelay $0x2  }
0x20b: {  	v1 =	vmul.f32 $8.000000000e+00, v1  }
0x20c: {  	s1 =	simm.s32 $0x0;
	v3 =	vlaneseq.u32  }
0x20d: {  	[tilespmem:v0+s17+$0x0] =	vst.idx.msk $0xffff, v1;
	v1 =	vadd.s32 s1, v3  }
0x20e: {  	[hbm4b:s7+s18] =	stream.strided.scatter [tilespmem:s17], [sflag:$0x3], $0x2000, s19, s18, $0x38;
	v4 =	vand.u32 $0xF, v1;
	[tilespmem:$0xE400] =	vst v63  }
0x20f: {  	v2 =	vor.u32 v6, v4  }
0x210: {  	[tilespmem:s14], [sflag:$0x1] =	stream.indirect.gather [hbm4b:s5+s13], $0x40, s20, s13, $0xb8;
	[tilespmem:$0xE400] =	vst v63  }
0x211: {  	_ =	swait.ge [sflag:s21], $0x2000  }
0x212: {  	[sflag:s21] =	ssyncset.done $0x0  }
0x213: {  	[sflag:s21] =	ssyncadd.s32 $0xFFFFE000  }
0x214: {  	v1 =	vshll.u32 v1, $0x7;
	v2 =	vld.idx.msk [tilespmem:v2+s15+$0x0], $0xffff  }
0x215: {  	v0 =	vand.u32 $0x780, v1  }
0x216: {  	v1 =	vor.u32 v3, v0  }
0x217: {  	v3 =	vor.u32 v7, v4;
	_ =	sdelay $0x1  }
0x218: {  	v2 =	vmul.f32 $8.000000000e+00, v2;
	_ =	sdelay $0x1  }
0x219: {  	[tilespmem:v1+s22+$0x0] =	vst.idx.msk $0xffff, v2  }
0x21a: {  	v1 =	vld.idx.msk [tilespmem:v3+s15+$0x0], $0xffff;
	_ =	sdelay $0x1  }
0x21b: {  	v2 =	vor.u32 v8, v0  }
0x21c: {  	v3 =	vor.u32 v9, v4;
	_ =	sdelay $0x1  }
0x21d: {  	v1 =	vmul.f32 $8.000000000e+00, v1;
	_ =	sdelay $0x1  }
0x21e: {  	[tilespmem:v2+s22+$0x0] =	vst.idx.msk $0xffff, v1  }
0x21f: {  	v1 =	vld.idx.msk [tilespmem:v3+s15+$0x0], $0xffff;
	_ =	sdelay $0x1  }
0x220: {  	v2 =	vor.u32 v10, v0  }
0x221: {  	v3 =	vor.u32 v11, v4;
	_ =	sdelay $0x1  }
0x222: {  	v1 =	vmul.f32 $8.000000000e+00, v1;
	_ =	sdelay $0x1  }
0x223: {  	[tilespmem:v2+s22+$0x0] =	vst.idx.msk $0xffff, v1  }
0x224: {  	v1 =	vld.idx.msk [tilespmem:v3+s15+$0x0], $0xffff;
	_ =	sdelay $0x1  }
0x225: {  	v2 =	vor.u32 v12, v0  }
0x226: {  	v3 =	vor.u32 v13, v4;
	_ =	sdelay $0x1  }
0x227: {  	v1 =	vmul.f32 $8.000000000e+00, v1;
	_ =	sdelay $0x1  }
0x228: {  	[tilespmem:v2+s22+$0x0] =	vst.idx.msk $0xffff, v1  }
0x229: {  	v1 =	vld.idx.msk [tilespmem:v3+s15+$0x0], $0xffff;
	_ =	sdelay $0x1  }
0x22a: {  	v2 =	vor.u32 v14, v0  }
0x22b: {  	v3 =	vor.u32 v15, v4;
	_ =	sdelay $0x1  }
0x22c: {  	v1 =	vmul.f32 $8.000000000e+00, v1;
	_ =	sdelay $0x1  }
0x22d: {  	[tilespmem:v2+s22+$0x0] =	vst.idx.msk $0xffff, v1  }
0x22e: {  	v1 =	vld.idx.msk [tilespmem:v3+s15+$0x0], $0xffff;
	_ =	sdelay $0x1  }
0x22f: {  	v2 =	vor.u32 v16, v0  }
0x230: {  	v3 =	vor.u32 v17, v4;
	_ =	sdelay $0x1  }
0x231: {  	v1 =	vmul.f32 $8.000000000e+00, v1;
	_ =	sdelay $0x1  }
0x232: {  	[tilespmem:v2+s22+$0x0] =	vst.idx.msk $0xffff, v1  }
0x233: {  	v1 =	vld.idx.msk [tilespmem:v3+s15+$0x0], $0xffff;
	_ =	sdelay $0x1  }
0x234: {  	v2 =	vor.u32 v18, v0  }
0x235: {  	v3 =	vor.u32 v19, v4;
	_ =	sdelay $0x1  }
0x236: {  	v1 =	vmul.f32 $8.000000000e+00, v1;
	_ =	sdelay $0x1  }
0x237: {  	[tilespmem:v2+s22+$0x0] =	vst.idx.msk $0xffff, v1  }
0x238: {  	v1 =	vld.idx.msk [tilespmem:v3+s15+$0x0], $0xffff;
	_ =	sdelay $0x1  }
0x239: {  	v2 =	vor.u32 v20, v0  }
0x23a: {  	v3 =	vor.u32 v21, v4;
	_ =	sdelay $0x1  }
0x23b: {  	v1 =	vmul.f32 $8.000000000e+00, v1;
	_ =	sdelay $0x1  }
0x23c: {  	[tilespmem:v2+s22+$0x0] =	vst.idx.msk $0xffff, v1  }
0x23d: {  	v1 =	vld.idx.msk [tilespmem:v3+s15+$0x0], $0xffff;
	_ =	sdelay $0x1  }
0x23e: {  	v2 =	vor.u32 v22, v0  }
0x23f: {  	v3 =	vor.u32 v23, v4;
	_ =	sdelay $0x1  }
0x240: {  	v1 =	vmul.f32 $8.000000000e+00, v1;
	_ =	sdelay $0x1  }
0x241: {  	[tilespmem:v2+s22+$0x0] =	vst.idx.msk $0xffff, v1  }
0x242: {  	v1 =	vld.idx.msk [tilespmem:v3+s15+$0x0], $0xffff;
	_ =	sdelay $0x1  }
0x243: {  	v2 =	vor.u32 v24, v0  }
0x244: {  	v3 =	vor.u32 v25, v4;
	_ =	sdelay $0x1  }
0x245: {  	v1 =	vmul.f32 $8.000000000e+00, v1;
	_ =	sdelay $0x1  }
0x246: {  	[tilespmem:v2+s22+$0x0] =	vst.idx.msk $0xffff, v1  }
0x247: {  	v1 =	vld.idx.msk [tilespmem:v3+s15+$0x0], $0xffff;
	_ =	sdelay $0x1  }
0x248: {  	v2 =	vor.u32 v26, v0  }
0x249: {  	v3 =	vor.u32 v27, v4;
	_ =	sdelay $0x1  }
0x24a: {  	v1 =	vmul.f32 $8.000000000e+00, v1;
	_ =	sdelay $0x1  }
0x24b: {  	[tilespmem:v2+s22+$0x0] =	vst.idx.msk $0xffff, v1  }
0x24c: {  	v1 =	vld.idx.msk [tilespmem:v3+s15+$0x0], $0xffff;
	_ =	sdelay $0x1  }
0x24d: {  	v2 =	vor.u32 v28, v0  }
0x24e: {  	v3 =	vor.u32 v29, v4;
	_ =	sdelay $0x1  }
0x24f: {  	v1 =	vmul.f32 $8.000000000e+00, v1;
	_ =	sdelay $0x1  }
0x250: {  	[tilespmem:v2+s22+$0x0] =	vst.idx.msk $0xffff, v1  }
0x251: {  	v1 =	vld.idx.msk [tilespmem:v3+s15+$0x0], $0xffff;
	_ =	sdelay $0x1  }
0x252: {  	v2 =	vor.u32 v30, v0  }
0x253: {  	v3 =	vor.u32 v31, v4;
	_ =	sdelay $0x1  }
0x254: {  	v1 =	vmul.f32 $8.000000000e+00, v1;
	_ =	sdelay $0x1  }
0x255: {  	[tilespmem:v2+s22+$0x0] =	vst.idx.msk $0xffff, v1  }
0x256: {  	v1 =	vld.idx.msk [tilespmem:v3+s15+$0x0], $0xffff;
	_ =	sdelay $0x1  }
0x257: {  	v2 =	vor.u32 v32, v0  }
0x258: {  	v3 =	vor.u32 v33, v4;
	_ =	sdelay $0x1  }
0x259: {  	v1 =	vmul.f32 $8.000000000e+00, v1;
	_ =	sdelay $0x1  }
0x25a: {  	[tilespmem:v2+s22+$0x0] =	vst.idx.msk $0xffff, v1  }
0x25b: {  	v1 =	vld.idx.msk [tilespmem:v3+s15+$0x0], $0xffff;
	_ =	sdelay $0x1  }
0x25c: {  	v2 =	vor.u32 v34, v0  }
0x25d: {  	v3 =	vor.u32 v35, v4;
	_ =	sdelay $0x1  }
0x25e: {  	v1 =	vmul.f32 $8.000000000e+00, v1;
	_ =	sdelay $0x1  }
0x25f: {  	[tilespmem:v2+s22+$0x0] =	vst.idx.msk $0xffff, v1  }
0x260: {  	v1 =	vld.idx.msk [tilespmem:v3+s15+$0x0], $0xffff;
	_ =	sdelay $0x1  }
0x261: {  	v2 =	vor.u32 v36, v0  }
0x262: {  	v3 =	vor.u32 v37, v4;
	_ =	sdelay $0x1  }
0x263: {  	v1 =	vmul.f32 $8.000000000e+00, v1;
	_ =	sdelay $0x1  }
0x264: {  	[tilespmem:v2+s22+$0x0] =	vst.idx.msk $0xffff, v1  }
0x265: {  	v1 =	vld.idx.msk [tilespmem:v3+s15+$0x0], $0xffff;
	_ =	sdelay $0x1  }
0x266: {  	v2 =	vor.u32 v38, v0  }
0x267: {  	v3 =	vor.u32 v39, v4;
	_ =	sdelay $0x1  }
0x268: {  	v1 =	vmul.f32 $8.000000000e+00, v1;
	_ =	sdelay $0x1  }
0x269: {  	[tilespmem:v2+s22+$0x0] =	vst.idx.msk $0xffff, v1  }
0x26a: {  	v1 =	vld.idx.msk [tilespmem:v3+s15+$0x0], $0xffff;
	_ =	sdelay $0x1  }
0x26b: {  	v2 =	vor.u32 v40, v0  }
0x26c: {  	v3 =	vor.u32 v41, v4;
	_ =	sdelay $0x1  }
0x26d: {  	v1 =	vmul.f32 $8.000000000e+00, v1;
	_ =	sdelay $0x1  }
0x26e: {  	[tilespmem:v2+s22+$0x0] =	vst.idx.msk $0xffff, v1  }
0x26f: {  	v1 =	vld.idx.msk [tilespmem:v3+s15+$0x0], $0xffff;
	_ =	sdelay $0x1  }
0x270: {  	v2 =	vor.u32 v42, v0  }
0x271: {  	v3 =	vor.u32 v43, v4;
	_ =	sdelay $0x1  }
0x272: {  	v1 =	vmul.f32 $8.000000000e+00, v1;
	_ =	sdelay $0x1  }
0x273: {  	[tilespmem:v2+s22+$0x0] =	vst.idx.msk $0xffff, v1  }
0x274: {  	v1 =	vld.idx.msk [tilespmem:v3+s15+$0x0], $0xffff;
	_ =	sdelay $0x1  }
0x275: {  	v2 =	vor.u32 v44, v0  }
0x276: {  	v3 =	vor.u32 v45, v4;
	_ =	sdelay $0x1  }
0x277: {  	v1 =	vmul.f32 $8.000000000e+00, v1;
	_ =	sdelay $0x1  }
0x278: {  	[tilespmem:v2+s22+$0x0] =	vst.idx.msk $0xffff, v1  }
0x279: {  	v1 =	vld.idx.msk [tilespmem:v3+s15+$0x0], $0xffff;
	_ =	sdelay $0x1  }
0x27a: {  	v2 =	vor.u32 v46, v0  }
0x27b: {  	v3 =	vor.u32 v47, v4;
	_ =	sdelay $0x1  }
0x27c: {  	v1 =	vmul.f32 $8.000000000e+00, v1;
	_ =	sdelay $0x1  }
0x27d: {  	[tilespmem:v2+s22+$0x0] =	vst.idx.msk $0xffff, v1  }
0x27e: {  	v1 =	vld.idx.msk [tilespmem:v3+s15+$0x0], $0xffff;
	_ =	sdelay $0x1  }
0x27f: {  	v2 =	vor.u32 v48, v0  }
0x280: {  	v3 =	vor.u32 v49, v4;
	_ =	sdelay $0x1  }
0x281: {  	v1 =	vmul.f32 $8.000000000e+00, v1;
	_ =	sdelay $0x1  }
0x282: {  	[tilespmem:v2+s22+$0x0] =	vst.idx.msk $0xffff, v1  }
0x283: {  	v1 =	vld.idx.msk [tilespmem:v3+s15+$0x0], $0xffff;
	_ =	sdelay $0x1  }
0x284: {  	v2 =	vor.u32 v50, v0  }
0x285: {  	v3 =	vor.u32 v51, v4;
	_ =	sdelay $0x1  }
0x286: {  	v1 =	vmul.f32 $8.000000000e+00, v1;
	_ =	sdelay $0x1  }
0x287: {  	[tilespmem:v2+s22+$0x0] =	vst.idx.msk $0xffff, v1  }
0x288: {  	v1 =	vld.idx.msk [tilespmem:v3+s15+$0x0], $0xffff;
	_ =	sdelay $0x1  }
0x289: {  	v2 =	vor.u32 v52, v0  }
0x28a: {  	v3 =	vor.u32 v53, v4;
	_ =	sdelay $0x1  }
0x28b: {  	v1 =	vmul.f32 $8.000000000e+00, v1;
	_ =	sdelay $0x1  }
0x28c: {  	[tilespmem:v2+s22+$0x0] =	vst.idx.msk $0xffff, v1  }
0x28d: {  	v1 =	vld.idx.msk [tilespmem:v3+s15+$0x0], $0xffff;
	_ =	sdelay $0x1  }
0x28e: {  	v2 =	vor.u32 v54, v0  }
0x28f: {  	v3 =	vor.u32 v55, v4;
	_ =	sdelay $0x1  }
0x290: {  	v1 =	vmul.f32 $8.000000000e+00, v1;
	_ =	sdelay $0x1  }
0x291: {  	[tilespmem:v2+s22+$0x0] =	vst.idx.msk $0xffff, v1  }
0x292: {  	v1 =	vld.idx.msk [tilespmem:v3+s15+$0x0], $0xffff;
	_ =	sdelay $0x1  }
0x293: {  	v2 =	vor.u32 v56, v0  }
0x294: {  	v3 =	vor.u32 v57, v4;
	_ =	sdelay $0x1  }
0x295: {  	v1 =	vmul.f32 $8.000000000e+00, v1;
	_ =	sdelay $0x1  }
0x296: {  	[tilespmem:v2+s22+$0x0] =	vst.idx.msk $0xffff, v1  }
0x297: {  	v1 =	vld.idx.msk [tilespmem:v3+s15+$0x0], $0xffff;
	_ =	sdelay $0x1  }
0x298: {  	v2 =	vor.u32 v58, v0  }
0x299: {  	v3 =	vor.u32 v59, v4;
	_ =	sdelay $0x1  }
0x29a: {  	v1 =	vmul.f32 $8.000000000e+00, v1;
	_ =	sdelay $0x1  }
0x29b: {  	[tilespmem:v2+s22+$0x0] =	vst.idx.msk $0xffff, v1  }
0x29c: {  	v1 =	vld.idx.msk [tilespmem:v3+s15+$0x0], $0xffff;
	_ =	sdelay $0x1  }
0x29d: {  	v2 =	vor.u32 v60, v0  }
0x29e: {  	v3 =	vor.u32 v61, v4;
	_ =	sdelay $0x1  }
0x29f: {  	v1 =	vmul.f32 $8.000000000e+00, v1;
	_ =	sdelay $0x1  }
0x2a0: {  	[tilespmem:v2+s22+$0x0] =	vst.idx.msk $0xffff, v1  }
0x2a1: {  	v1 =	vld.idx.msk [tilespmem:v3+s15+$0x0], $0xffff;
	_ =	sdelay $0x1  }
0x2a2: {  	v2 =	vor.u32 v62, v0;
	_ =	sdelay $0x1  }
0x2a3: {  	v3 =	vor.u32 v63, v4  }
0x2a4: {  	v1 =	vmul.f32 $8.000000000e+00, v1;
	_ =	sdelay $0x1  }
0x2a5: {  	[tilespmem:v2+s22+$0x0] =	vst.idx.msk $0xffff, v1;
	v2 =	vld [tilespmem:$0x1FF90];
	_ =	sdelay $0x1  }
0x2a6: {  	v1 =	vld.idx.msk [tilespmem:v3+s15+$0x0], $0xffff  }
0x2a7: {  	v3 =	vld [tilespmem:$0x1FFA0];
	_ =	sdelay $0x1  }
0x2a8: {  	v2 =	vor.u32 v2, v0;
	_ =	sdelay $0x2  }
0x2a9: {  	v3 =	vor.u32 v3, v4;
	v1 =	vmul.f32 $8.000000000e+00, v1;
	_ =	sdelay $0x1  }
0x2aa: {  	[tilespmem:v2+s22+$0x0] =	vst.idx.msk $0xffff, v1;
	v2 =	vld [tilespmem:$0x1FFB0];
	_ =	sdelay $0x2  }
0x2ab: {  	v1 =	vld.idx.msk [tilespmem:v3+s15+$0x0], $0xffff;
	_ =	sdelay $0x1  }
0x2ac: {  	v2 =	vor.u32 v2, v0  }
0x2ad: {  	v3 =	vmov v0;
	v0 =	vor.u32 v5, v4;
	_ =	sdelay $0x1  }
0x2ae: {  	v1 =	vmul.f32 $8.000000000e+00, v1;
	_ =	sdelay $0x1  }
0x2af: {  	[tilespmem:v2+s22+$0x0] =	vst.idx.msk $0xffff, v1;
	v2 =	vld [tilespmem:$0x1FFD0]  }
0x2b0: {  	v4 =	vld.idx.msk [tilespmem:v0+s15+$0x0], $0xffff;
	_ =	sdelay $0x1  }
0x2b1: {  	s31 =	simm.s32 $0x1;
	v0 =	vlaneseq.u32  }
0x2b2: {  	v0 =	vadd.s32 s31, v0  }
0x2b3: {  	v1 =	vand.u32 $0xF, v0;
	v0 =	vshll.u32 v0, $0x7;
	v3 =	vor.u32 v2, v3  }
0x2b4: {  	s28 =	simm.s32 $0x2;
	v0 =	vand.u32 $0x780, v0;
	v2 =	vor.u32 v6, v1;
	v4 =	vmul.f32 $8.000000000e+00, v4  }
.LBB2_4:
0x2b5: {  	_ =	sdelay $0x2  }
0x2b6: {  	[tilespmem:v3+s22+$0x0] =	vst.idx.msk $0xffff, v4  }
0x2b7: {  	v2 =	vld.idx.msk [tilespmem:v2+s15+$0x0], $0xffff  }
0x2b8: {  	v5 =	vlaneseq.u32  }
0x2b9: {  	v3 =	vor.u32 v5, v0  }
0x2ba: {  	v4 =	vor.u32 v7, v1;
	_ =	sdelay $0x1  }
0x2bb: {  	v2 =	vmul.f32 $8.000000000e+00, v2;
	_ =	sdelay $0x1  }
0x2bc: {  	[tilespmem:v3+s22+$0x0] =	vst.idx.msk $0xffff, v2  }
0x2bd: {  	v2 =	vld.idx.msk [tilespmem:v4+s15+$0x0], $0xffff;
	_ =	sdelay $0x1  }
0x2be: {  	v3 =	vor.u32 v8, v0  }
0x2bf: {  	v4 =	vor.u32 v9, v1;
	_ =	sdelay $0x1  }
0x2c0: {  	v2 =	vmul.f32 $8.000000000e+00, v2;
	_ =	sdelay $0x1  }
0x2c1: {  	[tilespmem:v3+s22+$0x0] =	vst.idx.msk $0xffff, v2  }
0x2c2: {  	v2 =	vld.idx.msk [tilespmem:v4+s15+$0x0], $0xffff;
	_ =	sdelay $0x1  }
0x2c3: {  	v3 =	vor.u32 v10, v0  }
0x2c4: {  	v4 =	vor.u32 v11, v1;
	_ =	sdelay $0x1  }
0x2c5: {  	v2 =	vmul.f32 $8.000000000e+00, v2;
	_ =	sdelay $0x1  }
0x2c6: {  	[tilespmem:v3+s22+$0x0] =	vst.idx.msk $0xffff, v2  }
0x2c7: {  	v2 =	vld.idx.msk [tilespmem:v4+s15+$0x0], $0xffff;
	_ =	sdelay $0x1  }
0x2c8: {  	v3 =	vor.u32 v12, v0  }
0x2c9: {  	v4 =	vor.u32 v13, v1;
	_ =	sdelay $0x1  }
0x2ca: {  	v2 =	vmul.f32 $8.000000000e+00, v2;
	_ =	sdelay $0x1  }
0x2cb: {  	[tilespmem:v3+s22+$0x0] =	vst.idx.msk $0xffff, v2  }
0x2cc: {  	v2 =	vld.idx.msk [tilespmem:v4+s15+$0x0], $0xffff;
	_ =	sdelay $0x1  }
0x2cd: {  	v3 =	vor.u32 v14, v0  }
0x2ce: {  	v4 =	vor.u32 v15, v1;
	_ =	sdelay $0x1  }
0x2cf: {  	v2 =	vmul.f32 $8.000000000e+00, v2;
	_ =	sdelay $0x1  }
0x2d0: {  	[tilespmem:v3+s22+$0x0] =	vst.idx.msk $0xffff, v2  }
0x2d1: {  	v2 =	vld.idx.msk [tilespmem:v4+s15+$0x0], $0xffff;
	_ =	sdelay $0x1  }
0x2d2: {  	v3 =	vor.u32 v16, v0  }
0x2d3: {  	v4 =	vor.u32 v17, v1;
	_ =	sdelay $0x1  }
0x2d4: {  	v2 =	vmul.f32 $8.000000000e+00, v2;
	_ =	sdelay $0x1  }
0x2d5: {  	[tilespmem:v3+s22+$0x0] =	vst.idx.msk $0xffff, v2  }
0x2d6: {  	v2 =	vld.idx.msk [tilespmem:v4+s15+$0x0], $0xffff;
	_ =	sdelay $0x1  }
0x2d7: {  	v3 =	vor.u32 v18, v0  }
0x2d8: {  	v4 =	vor.u32 v19, v1;
	_ =	sdelay $0x1  }
0x2d9: {  	v2 =	vmul.f32 $8.000000000e+00, v2;
	_ =	sdelay $0x1  }
0x2da: {  	[tilespmem:v3+s22+$0x0] =	vst.idx.msk $0xffff, v2  }
0x2db: {  	v2 =	vld.idx.msk [tilespmem:v4+s15+$0x0], $0xffff;
	_ =	sdelay $0x1  }
0x2dc: {  	v3 =	vor.u32 v20, v0  }
0x2dd: {  	v4 =	vor.u32 v21, v1;
	_ =	sdelay $0x1  }
0x2de: {  	v2 =	vmul.f32 $8.000000000e+00, v2;
	_ =	sdelay $0x1  }
0x2df: {  	[tilespmem:v3+s22+$0x0] =	vst.idx.msk $0xffff, v2  }
0x2e0: {  	v2 =	vld.idx.msk [tilespmem:v4+s15+$0x0], $0xffff;
	_ =	sdelay $0x1  }
0x2e1: {  	v3 =	vor.u32 v22, v0  }
0x2e2: {  	v4 =	vor.u32 v23, v1;
	_ =	sdelay $0x1  }
0x2e3: {  	v2 =	vmul.f32 $8.000000000e+00, v2;
	_ =	sdelay $0x1  }
0x2e4: {  	[tilespmem:v3+s22+$0x0] =	vst.idx.msk $0xffff, v2  }
0x2e5: {  	v2 =	vld.idx.msk [tilespmem:v4+s15+$0x0], $0xffff;
	_ =	sdelay $0x1  }
0x2e6: {  	v3 =	vor.u32 v24, v0  }
0x2e7: {  	v4 =	vor.u32 v25, v1;
	_ =	sdelay $0x1  }
0x2e8: {  	v2 =	vmul.f32 $8.000000000e+00, v2;
	_ =	sdelay $0x1  }
0x2e9: {  	[tilespmem:v3+s22+$0x0] =	vst.idx.msk $0xffff, v2  }
0x2ea: {  	v2 =	vld.idx.msk [tilespmem:v4+s15+$0x0], $0xffff;
	_ =	sdelay $0x1  }
0x2eb: {  	v3 =	vor.u32 v26, v0  }
0x2ec: {  	v4 =	vor.u32 v27, v1;
	_ =	sdelay $0x1  }
0x2ed: {  	v2 =	vmul.f32 $8.000000000e+00, v2;
	_ =	sdelay $0x1  }
0x2ee: {  	[tilespmem:v3+s22+$0x0] =	vst.idx.msk $0xffff, v2  }
0x2ef: {  	v2 =	vld.idx.msk [tilespmem:v4+s15+$0x0], $0xffff;
	_ =	sdelay $0x1  }
0x2f0: {  	v3 =	vor.u32 v28, v0  }
0x2f1: {  	v4 =	vor.u32 v29, v1;
	_ =	sdelay $0x1  }
0x2f2: {  	v2 =	vmul.f32 $8.000000000e+00, v2;
	_ =	sdelay $0x1  }
0x2f3: {  	[tilespmem:v3+s22+$0x0] =	vst.idx.msk $0xffff, v2  }
0x2f4: {  	v2 =	vld.idx.msk [tilespmem:v4+s15+$0x0], $0xffff;
	_ =	sdelay $0x1  }
0x2f5: {  	v3 =	vor.u32 v30, v0  }
0x2f6: {  	v4 =	vor.u32 v31, v1;
	_ =	sdelay $0x1  }
0x2f7: {  	v2 =	vmul.f32 $8.000000000e+00, v2;
	_ =	sdelay $0x1  }
0x2f8: {  	[tilespmem:v3+s22+$0x0] =	vst.idx.msk $0xffff, v2  }
0x2f9: {  	v2 =	vld.idx.msk [tilespmem:v4+s15+$0x0], $0xffff;
	_ =	sdelay $0x1  }
0x2fa: {  	v3 =	vor.u32 v32, v0  }
0x2fb: {  	v4 =	vor.u32 v33, v1;
	_ =	sdelay $0x1  }
0x2fc: {  	v2 =	vmul.f32 $8.000000000e+00, v2;
	_ =	sdelay $0x1  }
0x2fd: {  	[tilespmem:v3+s22+$0x0] =	vst.idx.msk $0xffff, v2  }
0x2fe: {  	v2 =	vld.idx.msk [tilespmem:v4+s15+$0x0], $0xffff;
	_ =	sdelay $0x1  }
0x2ff: {  	v3 =	vor.u32 v34, v0  }
0x300: {  	v4 =	vor.u32 v35, v1;
	_ =	sdelay $0x1  }
0x301: {  	v2 =	vmul.f32 $8.000000000e+00, v2;
	_ =	sdelay $0x1  }
0x302: {  	[tilespmem:v3+s22+$0x0] =	vst.idx.msk $0xffff, v2  }
0x303: {  	v2 =	vld.idx.msk [tilespmem:v4+s15+$0x0], $0xffff;
	_ =	sdelay $0x1  }
0x304: {  	v3 =	vor.u32 v36, v0  }
0x305: {  	v4 =	vor.u32 v37, v1;
	_ =	sdelay $0x1  }
0x306: {  	v2 =	vmul.f32 $8.000000000e+00, v2;
	_ =	sdelay $0x1  }
0x307: {  	[tilespmem:v3+s22+$0x0] =	vst.idx.msk $0xffff, v2  }
0x308: {  	v2 =	vld.idx.msk [tilespmem:v4+s15+$0x0], $0xffff;
	_ =	sdelay $0x1  }
0x309: {  	v3 =	vor.u32 v38, v0  }
0x30a: {  	v4 =	vor.u32 v39, v1;
	_ =	sdelay $0x1  }
0x30b: {  	v2 =	vmul.f32 $8.000000000e+00, v2;
	_ =	sdelay $0x1  }
0x30c: {  	[tilespmem:v3+s22+$0x0] =	vst.idx.msk $0xffff, v2  }
0x30d: {  	v2 =	vld.idx.msk [tilespmem:v4+s15+$0x0], $0xffff;
	_ =	sdelay $0x1  }
0x30e: {  	v3 =	vor.u32 v40, v0  }
0x30f: {  	v4 =	vor.u32 v41, v1;
	_ =	sdelay $0x1  }
0x310: {  	v2 =	vmul.f32 $8.000000000e+00, v2;
	_ =	sdelay $0x1  }
0x311: {  	[tilespmem:v3+s22+$0x0] =	vst.idx.msk $0xffff, v2  }
0x312: {  	v2 =	vld.idx.msk [tilespmem:v4+s15+$0x0], $0xffff;
	_ =	sdelay $0x1  }
0x313: {  	v3 =	vor.u32 v42, v0  }
0x314: {  	v4 =	vor.u32 v43, v1;
	_ =	sdelay $0x1  }
0x315: {  	v2 =	vmul.f32 $8.000000000e+00, v2;
	_ =	sdelay $0x1  }
0x316: {  	[tilespmem:v3+s22+$0x0] =	vst.idx.msk $0xffff, v2  }
0x317: {  	v2 =	vld.idx.msk [tilespmem:v4+s15+$0x0], $0xffff;
	_ =	sdelay $0x1  }
0x318: {  	v3 =	vor.u32 v44, v0  }
0x319: {  	v4 =	vor.u32 v45, v1;
	_ =	sdelay $0x1  }
0x31a: {  	v2 =	vmul.f32 $8.000000000e+00, v2;
	_ =	sdelay $0x1  }
0x31b: {  	[tilespmem:v3+s22+$0x0] =	vst.idx.msk $0xffff, v2  }
0x31c: {  	v2 =	vld.idx.msk [tilespmem:v4+s15+$0x0], $0xffff;
	_ =	sdelay $0x1  }
0x31d: {  	v3 =	vor.u32 v46, v0  }
0x31e: {  	v4 =	vor.u32 v47, v1;
	_ =	sdelay $0x1  }
0x31f: {  	v2 =	vmul.f32 $8.000000000e+00, v2;
	_ =	sdelay $0x1  }
0x320: {  	[tilespmem:v3+s22+$0x0] =	vst.idx.msk $0xffff, v2  }
0x321: {  	v2 =	vld.idx.msk [tilespmem:v4+s15+$0x0], $0xffff;
	_ =	sdelay $0x1  }
0x322: {  	v3 =	vor.u32 v48, v0  }
0x323: {  	v4 =	vor.u32 v49, v1;
	_ =	sdelay $0x1  }
0x324: {  	v2 =	vmul.f32 $8.000000000e+00, v2;
	_ =	sdelay $0x1  }
0x325: {  	[tilespmem:v3+s22+$0x0] =	vst.idx.msk $0xffff, v2  }
0x326: {  	v2 =	vld.idx.msk [tilespmem:v4+s15+$0x0], $0xffff;
	_ =	sdelay $0x1  }
0x327: {  	v3 =	vor.u32 v50, v0  }
0x328: {  	v4 =	vor.u32 v51, v1;
	_ =	sdelay $0x1  }
0x329: {  	v2 =	vmul.f32 $8.000000000e+00, v2;
	_ =	sdelay $0x1  }
0x32a: {  	[tilespmem:v3+s22+$0x0] =	vst.idx.msk $0xffff, v2  }
0x32b: {  	v2 =	vld.idx.msk [tilespmem:v4+s15+$0x0], $0xffff;
	_ =	sdelay $0x1  }
0x32c: {  	v3 =	vor.u32 v52, v0  }
0x32d: {  	v4 =	vor.u32 v53, v1;
	_ =	sdelay $0x1  }
0x32e: {  	v2 =	vmul.f32 $8.000000000e+00, v2;
	_ =	sdelay $0x1  }
0x32f: {  	[tilespmem:v3+s22+$0x0] =	vst.idx.msk $0xffff, v2  }
0x330: {  	v2 =	vld.idx.msk [tilespmem:v4+s15+$0x0], $0xffff;
	_ =	sdelay $0x1  }
0x331: {  	v3 =	vor.u32 v54, v0  }
0x332: {  	v4 =	vor.u32 v55, v1;
	_ =	sdelay $0x1  }
0x333: {  	v2 =	vmul.f32 $8.000000000e+00, v2;
	_ =	sdelay $0x1  }
0x334: {  	[tilespmem:v3+s22+$0x0] =	vst.idx.msk $0xffff, v2  }
0x335: {  	v2 =	vld.idx.msk [tilespmem:v4+s15+$0x0], $0xffff;
	_ =	sdelay $0x1  }
0x336: {  	v3 =	vor.u32 v56, v0  }
0x337: {  	v4 =	vor.u32 v57, v1;
	_ =	sdelay $0x1  }
0x338: {  	v2 =	vmul.f32 $8.000000000e+00, v2;
	_ =	sdelay $0x1  }
0x339: {  	[tilespmem:v3+s22+$0x0] =	vst.idx.msk $0xffff, v2  }
0x33a: {  	v2 =	vld.idx.msk [tilespmem:v4+s15+$0x0], $0xffff;
	_ =	sdelay $0x1  }
0x33b: {  	v3 =	vor.u32 v58, v0  }
0x33c: {  	v4 =	vor.u32 v59, v1;
	_ =	sdelay $0x1  }
0x33d: {  	v2 =	vmul.f32 $8.000000000e+00, v2;
	_ =	sdelay $0x1  }
0x33e: {  	[tilespmem:v3+s22+$0x0] =	vst.idx.msk $0xffff, v2  }
0x33f: {  	v2 =	vld.idx.msk [tilespmem:v4+s15+$0x0], $0xffff;
	_ =	sdelay $0x1  }
0x340: {  	v3 =	vor.u32 v60, v0  }
0x341: {  	v4 =	vor.u32 v61, v1;
	_ =	sdelay $0x1  }
0x342: {  	v2 =	vmul.f32 $8.000000000e+00, v2;
	_ =	sdelay $0x1  }
0x343: {  	[tilespmem:v3+s22+$0x0] =	vst.idx.msk $0xffff, v2  }
0x344: {  	v2 =	vld.idx.msk [tilespmem:v4+s15+$0x0], $0xffff;
	_ =	sdelay $0x1  }
0x345: {  	v3 =	vor.u32 v62, v0  }
0x346: {  	v4 =	vor.u32 v63, v1;
	_ =	sdelay $0x1  }
0x347: {  	v2 =	vmul.f32 $8.000000000e+00, v2;
	_ =	sdelay $0x1  }
0x348: {  	[tilespmem:v3+s22+$0x0] =	vst.idx.msk $0xffff, v2;
	v3 =	vld [tilespmem:$0x1FF90]  }
0x349: {  	v2 =	vld.idx.msk [tilespmem:v4+s15+$0x0], $0xffff  }
0x34a: {  	v4 =	vld [tilespmem:$0x1FFA0];
	_ =	sdelay $0x3  }
0x34b: {  	v3 =	vor.u32 v3, v0  }
0x34c: {  	v4 =	vor.u32 v4, v1;
	_ =	sdelay $0x1  }
0x34d: {  	v2 =	vmul.f32 $8.000000000e+00, v2;
	_ =	sdelay $0x1  }
0x34e: {  	[tilespmem:v3+s22+$0x0] =	vst.idx.msk $0xffff, v2;
	v3 =	vld [tilespmem:$0x1FFB0]  }
0x34f: {  	v2 =	vld.idx.msk [tilespmem:v4+s15+$0x0], $0xffff  }
0x350: {  	v4 =	vld [tilespmem:$0x1FFC0];
	_ =	sdelay $0x3  }
0x351: {  	v3 =	vor.u32 v3, v0  }
0x352: {  	v1 =	vor.u32 v4, v1;
	_ =	sdelay $0x1  }
0x353: {  	v2 =	vmul.f32 $8.000000000e+00, v2;
	_ =	sdelay $0x1  }
0x354: {  	s29 =	smov.u32 s28;
	[tilespmem:v3+s22+$0x0] =	vst.idx.msk $0xffff, v2  }
0x355: {  	v2 =	vadd.s32 s29, v5;
	v4 =	vld.idx.msk [tilespmem:v1+s15+$0x0], $0xffff  }
0x356: {  	v1 =	vand.u32 $0xF, v2;
	v5 =	vshll.u32 v2, $0x7;
	v2 =	vld [tilespmem:$0x1FFD0];
	_ =	sdelay $0x4  }
0x357: {  	p0 =	sne.s32 s28, $0xF;
	v3 =	vor.u32 v2, v0;
	v0 =	vld [tilespmem:$0x1FFE0]  }
.Ltmp1:
0x358: {  	_ = 	snop;
	(pc) =	sbr.rel @p0 .LBB2_4-.Ltmp1, $3  }
0x359: {  	_ =	sdelay $0x1  }
0x35a: {  	v6 =	vlaneseq.u32  }
0x35b: {  	s28 =	sadd.s32 $0x1, s28;
	v4 =	vmul.f32 $8.000000000e+00, v4;
	v2 =	vor.u32 v0, v1;
	v0 =	vand.u32 $0x780, v5  }
0x35c: {  	_ =	sdelay $0x3  }
0x35d: {  	[tilespmem:v3+s22+$0x0] =	vst.idx.msk $0xffff, v4  }
0x35e: {  	v2 =	vld.idx.msk [tilespmem:v2+s15+$0x0], $0xffff;
	_ =	sdelay $0x1  }
0x35f: {  	v3 =	vor.u32 v6, v0  }
0x360: {  	v4 =	vor.u32 v7, v1;
	_ =	sdelay $0x1  }
0x361: {  	v2 =	vmul.f32 $8.000000000e+00, v2;
	_ =	sdelay $0x1  }
0x362: {  	[tilespmem:v3+s22+$0x0] =	vst.idx.msk $0xffff, v2  }
0x363: {  	v2 =	vld.idx.msk [tilespmem:v4+s15+$0x0], $0xffff;
	_ =	sdelay $0x1  }
0x364: {  	v3 =	vor.u32 v8, v0  }
0x365: {  	v4 =	vor.u32 v9, v1;
	_ =	sdelay $0x1  }
0x366: {  	v2 =	vmul.f32 $8.000000000e+00, v2;
	_ =	sdelay $0x1  }
0x367: {  	[tilespmem:v3+s22+$0x0] =	vst.idx.msk $0xffff, v2  }
0x368: {  	v2 =	vld.idx.msk [tilespmem:v4+s15+$0x0], $0xffff;
	_ =	sdelay $0x1  }
0x369: {  	v3 =	vor.u32 v10, v0  }
0x36a: {  	v4 =	vor.u32 v11, v1;
	_ =	sdelay $0x1  }
0x36b: {  	v2 =	vmul.f32 $8.000000000e+00, v2;
	_ =	sdelay $0x1  }
0x36c: {  	[tilespmem:v3+s22+$0x0] =	vst.idx.msk $0xffff, v2  }
0x36d: {  	v2 =	vld.idx.msk [tilespmem:v4+s15+$0x0], $0xffff;
	_ =	sdelay $0x1  }
0x36e: {  	v3 =	vor.u32 v12, v0  }
0x36f: {  	v4 =	vor.u32 v13, v1;
	_ =	sdelay $0x1  }
0x370: {  	v2 =	vmul.f32 $8.000000000e+00, v2;
	_ =	sdelay $0x1  }
0x371: {  	[tilespmem:v3+s22+$0x0] =	vst.idx.msk $0xffff, v2  }
0x372: {  	v2 =	vld.idx.msk [tilespmem:v4+s15+$0x0], $0xffff;
	_ =	sdelay $0x1  }
0x373: {  	v3 =	vor.u32 v14, v0  }
0x374: {  	v4 =	vor.u32 v15, v1;
	_ =	sdelay $0x1  }
0x375: {  	v2 =	vmul.f32 $8.000000000e+00, v2;
	_ =	sdelay $0x1  }
0x376: {  	[tilespmem:v3+s22+$0x0] =	vst.idx.msk $0xffff, v2  }
0x377: {  	v2 =	vld.idx.msk [tilespmem:v4+s15+$0x0], $0xffff;
	_ =	sdelay $0x1  }
0x378: {  	v3 =	vor.u32 v16, v0  }
0x379: {  	v4 =	vor.u32 v17, v1;
	_ =	sdelay $0x1  }
0x37a: {  	v2 =	vmul.f32 $8.000000000e+00, v2;
	_ =	sdelay $0x1  }
0x37b: {  	[tilespmem:v3+s22+$0x0] =	vst.idx.msk $0xffff, v2  }
0x37c: {  	v2 =	vld.idx.msk [tilespmem:v4+s15+$0x0], $0xffff;
	_ =	sdelay $0x1  }
0x37d: {  	v3 =	vor.u32 v18, v0  }
0x37e: {  	v4 =	vor.u32 v19, v1;
	_ =	sdelay $0x1  }
0x37f: {  	v2 =	vmul.f32 $8.000000000e+00, v2;
	_ =	sdelay $0x1  }
0x380: {  	[tilespmem:v3+s22+$0x0] =	vst.idx.msk $0xffff, v2  }
0x381: {  	v2 =	vld.idx.msk [tilespmem:v4+s15+$0x0], $0xffff;
	_ =	sdelay $0x1  }
0x382: {  	v3 =	vor.u32 v20, v0  }
0x383: {  	v4 =	vor.u32 v21, v1;
	_ =	sdelay $0x1  }
0x384: {  	v2 =	vmul.f32 $8.000000000e+00, v2;
	_ =	sdelay $0x1  }
0x385: {  	[tilespmem:v3+s22+$0x0] =	vst.idx.msk $0xffff, v2  }
0x386: {  	v2 =	vld.idx.msk [tilespmem:v4+s15+$0x0], $0xffff;
	_ =	sdelay $0x1  }
0x387: {  	v3 =	vor.u32 v22, v0  }
0x388: {  	v4 =	vor.u32 v23, v1;
	_ =	sdelay $0x1  }
0x389: {  	v2 =	vmul.f32 $8.000000000e+00, v2;
	_ =	sdelay $0x1  }
0x38a: {  	[tilespmem:v3+s22+$0x0] =	vst.idx.msk $0xffff, v2  }
0x38b: {  	v2 =	vld.idx.msk [tilespmem:v4+s15+$0x0], $0xffff;
	_ =	sdelay $0x1  }
0x38c: {  	v3 =	vor.u32 v24, v0  }
0x38d: {  	v4 =	vor.u32 v25, v1;
	_ =	sdelay $0x1  }
0x38e: {  	v2 =	vmul.f32 $8.000000000e+00, v2;
	_ =	sdelay $0x1  }
0x38f: {  	[tilespmem:v3+s22+$0x0] =	vst.idx.msk $0xffff, v2  }
0x390: {  	v2 =	vld.idx.msk [tilespmem:v4+s15+$0x0], $0xffff;
	_ =	sdelay $0x1  }
0x391: {  	v3 =	vor.u32 v26, v0  }
0x392: {  	v4 =	vor.u32 v27, v1;
	_ =	sdelay $0x1  }
0x393: {  	v2 =	vmul.f32 $8.000000000e+00, v2;
	_ =	sdelay $0x1  }
0x394: {  	[tilespmem:v3+s22+$0x0] =	vst.idx.msk $0xffff, v2  }
0x395: {  	v2 =	vld.idx.msk [tilespmem:v4+s15+$0x0], $0xffff;
	_ =	sdelay $0x1  }
0x396: {  	v3 =	vor.u32 v28, v0  }
0x397: {  	v4 =	vor.u32 v29, v1;
	_ =	sdelay $0x1  }
0x398: {  	v2 =	vmul.f32 $8.000000000e+00, v2;
	_ =	sdelay $0x1  }
0x399: {  	[tilespmem:v3+s22+$0x0] =	vst.idx.msk $0xffff, v2  }
0x39a: {  	v2 =	vld.idx.msk [tilespmem:v4+s15+$0x0], $0xffff;
	_ =	sdelay $0x1  }
0x39b: {  	v3 =	vor.u32 v30, v0  }
0x39c: {  	v4 =	vor.u32 v31, v1;
	_ =	sdelay $0x1  }
0x39d: {  	v2 =	vmul.f32 $8.000000000e+00, v2;
	_ =	sdelay $0x1  }
0x39e: {  	[tilespmem:v3+s22+$0x0] =	vst.idx.msk $0xffff, v2  }
0x39f: {  	v2 =	vld.idx.msk [tilespmem:v4+s15+$0x0], $0xffff;
	_ =	sdelay $0x1  }
0x3a0: {  	v3 =	vor.u32 v32, v0  }
0x3a1: {  	v4 =	vor.u32 v33, v1;
	_ =	sdelay $0x1  }
0x3a2: {  	v2 =	vmul.f32 $8.000000000e+00, v2;
	_ =	sdelay $0x1  }
0x3a3: {  	[tilespmem:v3+s22+$0x0] =	vst.idx.msk $0xffff, v2  }
0x3a4: {  	v2 =	vld.idx.msk [tilespmem:v4+s15+$0x0], $0xffff;
	_ =	sdelay $0x1  }
0x3a5: {  	v3 =	vor.u32 v34, v0  }
0x3a6: {  	v4 =	vor.u32 v35, v1;
	_ =	sdelay $0x1  }
0x3a7: {  	v2 =	vmul.f32 $8.000000000e+00, v2;
	_ =	sdelay $0x1  }
0x3a8: {  	[tilespmem:v3+s22+$0x0] =	vst.idx.msk $0xffff, v2  }
0x3a9: {  	v2 =	vld.idx.msk [tilespmem:v4+s15+$0x0], $0xffff;
	_ =	sdelay $0x1  }
0x3aa: {  	v3 =	vor.u32 v36, v0  }
0x3ab: {  	v4 =	vor.u32 v37, v1;
	_ =	sdelay $0x1  }
0x3ac: {  	v2 =	vmul.f32 $8.000000000e+00, v2;
	_ =	sdelay $0x1  }
0x3ad: {  	[tilespmem:v3+s22+$0x0] =	vst.idx.msk $0xffff, v2  }
0x3ae: {  	v2 =	vld.idx.msk [tilespmem:v4+s15+$0x0], $0xffff;
	_ =	sdelay $0x1  }
0x3af: {  	v3 =	vor.u32 v38, v0  }
0x3b0: {  	v4 =	vor.u32 v39, v1;
	_ =	sdelay $0x1  }
0x3b1: {  	v2 =	vmul.f32 $8.000000000e+00, v2;
	_ =	sdelay $0x1  }
0x3b2: {  	[tilespmem:v3+s22+$0x0] =	vst.idx.msk $0xffff, v2  }
0x3b3: {  	v2 =	vld.idx.msk [tilespmem:v4+s15+$0x0], $0xffff;
	_ =	sdelay $0x1  }
0x3b4: {  	v3 =	vor.u32 v40, v0  }
0x3b5: {  	v4 =	vor.u32 v41, v1;
	_ =	sdelay $0x1  }
0x3b6: {  	v2 =	vmul.f32 $8.000000000e+00, v2;
	_ =	sdelay $0x1  }
0x3b7: {  	[tilespmem:v3+s22+$0x0] =	vst.idx.msk $0xffff, v2  }
0x3b8: {  	v2 =	vld.idx.msk [tilespmem:v4+s15+$0x0], $0xffff;
	_ =	sdelay $0x1  }
0x3b9: {  	v3 =	vor.u32 v42, v0  }
0x3ba: {  	v4 =	vor.u32 v43, v1;
	_ =	sdelay $0x1  }
0x3bb: {  	v2 =	vmul.f32 $8.000000000e+00, v2;
	_ =	sdelay $0x1  }
0x3bc: {  	[tilespmem:v3+s22+$0x0] =	vst.idx.msk $0xffff, v2  }
0x3bd: {  	v2 =	vld.idx.msk [tilespmem:v4+s15+$0x0], $0xffff;
	_ =	sdelay $0x1  }
0x3be: {  	v3 =	vor.u32 v44, v0  }
0x3bf: {  	v4 =	vor.u32 v45, v1;
	_ =	sdelay $0x1  }
0x3c0: {  	v2 =	vmul.f32 $8.000000000e+00, v2;
	_ =	sdelay $0x1  }
0x3c1: {  	[tilespmem:v3+s22+$0x0] =	vst.idx.msk $0xffff, v2  }
0x3c2: {  	v2 =	vld.idx.msk [tilespmem:v4+s15+$0x0], $0xffff;
	_ =	sdelay $0x1  }
0x3c3: {  	v3 =	vor.u32 v46, v0  }
0x3c4: {  	v4 =	vor.u32 v47, v1;
	_ =	sdelay $0x1  }
0x3c5: {  	v2 =	vmul.f32 $8.000000000e+00, v2;
	_ =	sdelay $0x1  }
0x3c6: {  	[tilespmem:v3+s22+$0x0] =	vst.idx.msk $0xffff, v2  }
0x3c7: {  	v2 =	vld.idx.msk [tilespmem:v4+s15+$0x0], $0xffff;
	_ =	sdelay $0x1  }
0x3c8: {  	v3 =	vor.u32 v48, v0  }
0x3c9: {  	v4 =	vor.u32 v49, v1;
	_ =	sdelay $0x1  }
0x3ca: {  	v2 =	vmul.f32 $8.000000000e+00, v2;
	_ =	sdelay $0x1  }
0x3cb: {  	[tilespmem:v3+s22+$0x0] =	vst.idx.msk $0xffff, v2  }
0x3cc: {  	v2 =	vld.idx.msk [tilespmem:v4+s15+$0x0], $0xffff;
	_ =	sdelay $0x1  }
0x3cd: {  	v3 =	vor.u32 v50, v0  }
0x3ce: {  	v4 =	vor.u32 v51, v1;
	_ =	sdelay $0x1  }
0x3cf: {  	v2 =	vmul.f32 $8.000000000e+00, v2;
	_ =	sdelay $0x1  }
0x3d0: {  	[tilespmem:v3+s22+$0x0] =	vst.idx.msk $0xffff, v2  }
0x3d1: {  	v2 =	vld.idx.msk [tilespmem:v4+s15+$0x0], $0xffff;
	_ =	sdelay $0x1  }
0x3d2: {  	v3 =	vor.u32 v52, v0  }
0x3d3: {  	v4 =	vor.u32 v53, v1;
	_ =	sdelay $0x1  }
0x3d4: {  	v2 =	vmul.f32 $8.000000000e+00, v2;
	_ =	sdelay $0x1  }
0x3d5: {  	[tilespmem:v3+s22+$0x0] =	vst.idx.msk $0xffff, v2  }
0x3d6: {  	v2 =	vld.idx.msk [tilespmem:v4+s15+$0x0], $0xffff;
	_ =	sdelay $0x1  }
0x3d7: {  	v3 =	vor.u32 v54, v0  }
0x3d8: {  	v4 =	vor.u32 v55, v1;
	_ =	sdelay $0x1  }
0x3d9: {  	v2 =	vmul.f32 $8.000000000e+00, v2;
	_ =	sdelay $0x1  }
0x3da: {  	[tilespmem:v3+s22+$0x0] =	vst.idx.msk $0xffff, v2  }
0x3db: {  	v2 =	vld.idx.msk [tilespmem:v4+s15+$0x0], $0xffff;
	_ =	sdelay $0x1  }
0x3dc: {  	v3 =	vor.u32 v56, v0  }
0x3dd: {  	v4 =	vor.u32 v57, v1;
	_ =	sdelay $0x1  }
0x3de: {  	v2 =	vmul.f32 $8.000000000e+00, v2;
	_ =	sdelay $0x1  }
0x3df: {  	[tilespmem:v3+s22+$0x0] =	vst.idx.msk $0xffff, v2  }
0x3e0: {  	v2 =	vld.idx.msk [tilespmem:v4+s15+$0x0], $0xffff;
	_ =	sdelay $0x1  }
0x3e1: {  	v3 =	vor.u32 v58, v0  }
0x3e2: {  	v4 =	vor.u32 v59, v1;
	_ =	sdelay $0x1  }
0x3e3: {  	v2 =	vmul.f32 $8.000000000e+00, v2;
	_ =	sdelay $0x1  }
0x3e4: {  	[tilespmem:v3+s22+$0x0] =	vst.idx.msk $0xffff, v2  }
0x3e5: {  	v2 =	vld.idx.msk [tilespmem:v4+s15+$0x0], $0xffff;
	_ =	sdelay $0x1  }
0x3e6: {  	v3 =	vor.u32 v60, v0  }
0x3e7: {  	v4 =	vor.u32 v61, v1;
	_ =	sdelay $0x1  }
0x3e8: {  	v2 =	vmul.f32 $8.000000000e+00, v2;
	_ =	sdelay $0x1  }
0x3e9: {  	[tilespmem:v3+s22+$0x0] =	vst.idx.msk $0xffff, v2  }
0x3ea: {  	v2 =	vld.idx.msk [tilespmem:v4+s15+$0x0], $0xffff;
	_ =	sdelay $0x1  }
0x3eb: {  	v3 =	vor.u32 v62, v0  }
0x3ec: {  	v4 =	vor.u32 v63, v1;
	_ =	sdelay $0x1  }
0x3ed: {  	v2 =	vmul.f32 $8.000000000e+00, v2;
	_ =	sdelay $0x1  }
0x3ee: {  	[tilespmem:v3+s22+$0x0] =	vst.idx.msk $0xffff, v2;
	v3 =	vld [tilespmem:$0x1FF90]  }
0x3ef: {  	v2 =	vld.idx.msk [tilespmem:v4+s15+$0x0], $0xffff  }
0x3f0: {  	v4 =	vld [tilespmem:$0x1FFA0];
	_ =	sdelay $0x2  }
0x3f1: {  	v3 =	vor.u32 v3, v0;
	_ =	sdelay $0x1  }
0x3f2: {  	v4 =	vor.u32 v4, v1  }
0x3f3: {  	v2 =	vmul.f32 $8.000000000e+00, v2;
	_ =	sdelay $0x1  }
0x3f4: {  	[tilespmem:v3+s22+$0x0] =	vst.idx.msk $0xffff, v2;
	v3 =	vld [tilespmem:$0x1FFB0];
	_ =	sdelay $0x1  }
0x3f5: {  	v2 =	vld.idx.msk [tilespmem:v4+s15+$0x0], $0xffff  }
0x3f6: {  	v4 =	vld [tilespmem:$0x1FFC0];
	_ =	sdelay $0x1  }
0x3f7: {  	v3 =	vor.u32 v3, v0;
	_ =	sdelay $0x2  }
0x3f8: {  	v1 =	vor.u32 v4, v1;
	v2 =	vmul.f32 $8.000000000e+00, v2;
	_ =	sdelay $0x1  }
0x3f9: {  	[tilespmem:v3+s22+$0x0] =	vst.idx.msk $0xffff, v2;
	v2 =	vld [tilespmem:$0x1FFD0];
	_ =	sdelay $0x2  }
0x3fa: {  	v1 =	vld.idx.msk [tilespmem:v1+s15+$0x0], $0xffff;
	_ =	sdelay $0x1  }
0x3fb: {  	v0 =	vor.u32 v2, v0;
	_ =	sdelay $0x2  }
0x3fc: {  	v1 =	vmul.f32 $8.000000000e+00, v1;
	_ =	sdelay $0x1  }
0x3fd: {  	[tilespmem:v0+s22+$0x0] =	vst.idx.msk $0xffff, v1  }
0x3fe: {  	[hbm4b:s8+s18] =	stream.strided.scatter [tilespmem:s22], [sflag:$0x4], $0x2000, s19, s18, $0x38;
	[tilespmem:$0xE400] =	vst v63  }
0x3ff: {  	s28 =	simm.s32 $0x1  }
0x400: {  	[tilespmem:s15], [sflag:$0x2] =	stream.indirect.gather [hbm4b:s5+s13], $0x40, s23, s13, $0xb8;
	[tilespmem:$0xE400] =	vst v63  }
.LBB2_6:
0x401: {  	_ =	swait.ge [sflag:s16], $0x2000  }
0x402: {  	v6 =	vld [tilespmem:$0x1FFE0];
	_ =	sdelay $0x1  }
0x403: {  	s1 =	simm.s32 $0x0;
	v5 =	vlaneseq.u32  }
0x404: {  	v0 =	vadd.s32 s1, v5  }
0x405: {  	v1 =	vand.u32 $0xF, v0  }
0x406: {  	[sflag:s16] =	ssyncset.done $0x0;
	v2 =	vor.u32 v6, v1  }
0x407: {  	[sflag:s16] =	ssyncadd.s32 $0xFFFFE000  }
0x408: {  	_ =	swait.ge [sflag:s24], $0x2000  }
0x409: {  	[sflag:s24] =	ssyncset.done $0x0  }
0x40a: {  	[sflag:s24] =	ssyncadd.s32 $0xFFFFE000  }
0x40b: {  	v0 =	vshll.u32 v0, $0x7;
	v2 =	vld.idx.msk [tilespmem:v2+s14+$0x0], $0xffff  }
0x40c: {  	v0 =	vand.u32 $0x780, v0  }
0x40d: {  	v3 =	vor.u32 v5, v0  }
0x40e: {  	v4 =	vor.u32 v7, v1;
	_ =	sdelay $0x1  }
0x40f: {  	v2 =	vmul.f32 $8.000000000e+00, v2;
	_ =	sdelay $0x1  }
0x410: {  	[tilespmem:v3+s17+$0x0] =	vst.idx.msk $0xffff, v2  }
0x411: {  	v2 =	vld.idx.msk [tilespmem:v4+s14+$0x0], $0xffff;
	_ =	sdelay $0x1  }
0x412: {  	v3 =	vor.u32 v8, v0  }
0x413: {  	v4 =	vor.u32 v9, v1;
	_ =	sdelay $0x1  }
0x414: {  	v2 =	vmul.f32 $8.000000000e+00, v2;
	_ =	sdelay $0x1  }
0x415: {  	[tilespmem:v3+s17+$0x0] =	vst.idx.msk $0xffff, v2  }
0x416: {  	v2 =	vld.idx.msk [tilespmem:v4+s14+$0x0], $0xffff;
	_ =	sdelay $0x1  }
0x417: {  	v3 =	vor.u32 v10, v0  }
0x418: {  	v4 =	vor.u32 v11, v1;
	_ =	sdelay $0x1  }
0x419: {  	v2 =	vmul.f32 $8.000000000e+00, v2;
	_ =	sdelay $0x1  }
0x41a: {  	[tilespmem:v3+s17+$0x0] =	vst.idx.msk $0xffff, v2  }
0x41b: {  	v2 =	vld.idx.msk [tilespmem:v4+s14+$0x0], $0xffff;
	_ =	sdelay $0x1  }
0x41c: {  	v3 =	vor.u32 v12, v0  }
0x41d: {  	v4 =	vor.u32 v13, v1;
	_ =	sdelay $0x1  }
0x41e: {  	v2 =	vmul.f32 $8.000000000e+00, v2;
	_ =	sdelay $0x1  }
0x41f: {  	[tilespmem:v3+s17+$0x0] =	vst.idx.msk $0xffff, v2  }
0x420: {  	v2 =	vld.idx.msk [tilespmem:v4+s14+$0x0], $0xffff;
	_ =	sdelay $0x1  }
0x421: {  	v3 =	vor.u32 v14, v0  }
0x422: {  	v4 =	vor.u32 v15, v1;
	_ =	sdelay $0x1  }
0x423: {  	v2 =	vmul.f32 $8.000000000e+00, v2;
	_ =	sdelay $0x1  }
0x424: {  	[tilespmem:v3+s17+$0x0] =	vst.idx.msk $0xffff, v2  }
0x425: {  	v2 =	vld.idx.msk [tilespmem:v4+s14+$0x0], $0xffff;
	_ =	sdelay $0x1  }
0x426: {  	v3 =	vor.u32 v16, v0  }
0x427: {  	v4 =	vor.u32 v17, v1;
	_ =	sdelay $0x1  }
0x428: {  	v2 =	vmul.f32 $8.000000000e+00, v2;
	_ =	sdelay $0x1  }
0x429: {  	[tilespmem:v3+s17+$0x0] =	vst.idx.msk $0xffff, v2  }
0x42a: {  	v2 =	vld.idx.msk [tilespmem:v4+s14+$0x0], $0xffff;
	_ =	sdelay $0x1  }
0x42b: {  	v3 =	vor.u32 v18, v0  }
0x42c: {  	v4 =	vor.u32 v19, v1;
	_ =	sdelay $0x1  }
0x42d: {  	v2 =	vmul.f32 $8.000000000e+00, v2;
	_ =	sdelay $0x1  }
0x42e: {  	[tilespmem:v3+s17+$0x0] =	vst.idx.msk $0xffff, v2  }
0x42f: {  	v2 =	vld.idx.msk [tilespmem:v4+s14+$0x0], $0xffff;
	_ =	sdelay $0x1  }
0x430: {  	v3 =	vor.u32 v20, v0  }
0x431: {  	v4 =	vor.u32 v21, v1;
	_ =	sdelay $0x1  }
0x432: {  	v2 =	vmul.f32 $8.000000000e+00, v2;
	_ =	sdelay $0x1  }
0x433: {  	[tilespmem:v3+s17+$0x0] =	vst.idx.msk $0xffff, v2  }
0x434: {  	v2 =	vld.idx.msk [tilespmem:v4+s14+$0x0], $0xffff;
	_ =	sdelay $0x1  }
0x435: {  	v3 =	vor.u32 v22, v0  }
0x436: {  	v4 =	vor.u32 v23, v1;
	_ =	sdelay $0x1  }
0x437: {  	v2 =	vmul.f32 $8.000000000e+00, v2;
	_ =	sdelay $0x1  }
0x438: {  	[tilespmem:v3+s17+$0x0] =	vst.idx.msk $0xffff, v2  }
0x439: {  	v2 =	vld.idx.msk [tilespmem:v4+s14+$0x0], $0xffff;
	_ =	sdelay $0x1  }
0x43a: {  	v3 =	vor.u32 v24, v0  }
0x43b: {  	v4 =	vor.u32 v25, v1;
	_ =	sdelay $0x1  }
0x43c: {  	v2 =	vmul.f32 $8.000000000e+00, v2;
	_ =	sdelay $0x1  }
0x43d: {  	[tilespmem:v3+s17+$0x0] =	vst.idx.msk $0xffff, v2  }
0x43e: {  	v2 =	vld.idx.msk [tilespmem:v4+s14+$0x0], $0xffff;
	_ =	sdelay $0x1  }
0x43f: {  	v3 =	vor.u32 v26, v0  }
0x440: {  	v4 =	vor.u32 v27, v1;
	_ =	sdelay $0x1  }
0x441: {  	v2 =	vmul.f32 $8.000000000e+00, v2;
	_ =	sdelay $0x1  }
0x442: {  	[tilespmem:v3+s17+$0x0] =	vst.idx.msk $0xffff, v2  }
0x443: {  	v2 =	vld.idx.msk [tilespmem:v4+s14+$0x0], $0xffff;
	_ =	sdelay $0x1  }
0x444: {  	v3 =	vor.u32 v28, v0  }
0x445: {  	v4 =	vor.u32 v29, v1;
	_ =	sdelay $0x1  }
0x446: {  	v2 =	vmul.f32 $8.000000000e+00, v2;
	_ =	sdelay $0x1  }
0x447: {  	[tilespmem:v3+s17+$0x0] =	vst.idx.msk $0xffff, v2  }
0x448: {  	v2 =	vld.idx.msk [tilespmem:v4+s14+$0x0], $0xffff;
	_ =	sdelay $0x1  }
0x449: {  	v3 =	vor.u32 v30, v0  }
0x44a: {  	v4 =	vor.u32 v31, v1;
	_ =	sdelay $0x1  }
0x44b: {  	v2 =	vmul.f32 $8.000000000e+00, v2;
	_ =	sdelay $0x1  }
0x44c: {  	[tilespmem:v3+s17+$0x0] =	vst.idx.msk $0xffff, v2  }
0x44d: {  	v2 =	vld.idx.msk [tilespmem:v4+s14+$0x0], $0xffff;
	_ =	sdelay $0x1  }
0x44e: {  	v3 =	vor.u32 v32, v0  }
0x44f: {  	v4 =	vor.u32 v33, v1;
	_ =	sdelay $0x1  }
0x450: {  	v2 =	vmul.f32 $8.000000000e+00, v2;
	_ =	sdelay $0x1  }
0x451: {  	[tilespmem:v3+s17+$0x0] =	vst.idx.msk $0xffff, v2  }
0x452: {  	v2 =	vld.idx.msk [tilespmem:v4+s14+$0x0], $0xffff;
	_ =	sdelay $0x1  }
0x453: {  	v3 =	vor.u32 v34, v0  }
0x454: {  	v4 =	vor.u32 v35, v1;
	_ =	sdelay $0x1  }
0x455: {  	v2 =	vmul.f32 $8.000000000e+00, v2;
	_ =	sdelay $0x1  }
0x456: {  	[tilespmem:v3+s17+$0x0] =	vst.idx.msk $0xffff, v2  }
0x457: {  	v2 =	vld.idx.msk [tilespmem:v4+s14+$0x0], $0xffff;
	_ =	sdelay $0x1  }
0x458: {  	v3 =	vor.u32 v36, v0  }
0x459: {  	v4 =	vor.u32 v37, v1;
	_ =	sdelay $0x1  }
0x45a: {  	v2 =	vmul.f32 $8.000000000e+00, v2;
	_ =	sdelay $0x1  }
0x45b: {  	[tilespmem:v3+s17+$0x0] =	vst.idx.msk $0xffff, v2  }
0x45c: {  	v2 =	vld.idx.msk [tilespmem:v4+s14+$0x0], $0xffff;
	_ =	sdelay $0x1  }
0x45d: {  	v3 =	vor.u32 v38, v0  }
0x45e: {  	v4 =	vor.u32 v39, v1;
	_ =	sdelay $0x1  }
0x45f: {  	v2 =	vmul.f32 $8.000000000e+00, v2;
	_ =	sdelay $0x1  }
0x460: {  	[tilespmem:v3+s17+$0x0] =	vst.idx.msk $0xffff, v2  }
0x461: {  	v2 =	vld.idx.msk [tilespmem:v4+s14+$0x0], $0xffff;
	_ =	sdelay $0x1  }
0x462: {  	v3 =	vor.u32 v40, v0  }
0x463: {  	v4 =	vor.u32 v41, v1;
	_ =	sdelay $0x1  }
0x464: {  	v2 =	vmul.f32 $8.000000000e+00, v2;
	_ =	sdelay $0x1  }
0x465: {  	[tilespmem:v3+s17+$0x0] =	vst.idx.msk $0xffff, v2  }
0x466: {  	v2 =	vld.idx.msk [tilespmem:v4+s14+$0x0], $0xffff;
	_ =	sdelay $0x1  }
0x467: {  	v3 =	vor.u32 v42, v0  }
0x468: {  	v4 =	vor.u32 v43, v1;
	_ =	sdelay $0x1  }
0x469: {  	v2 =	vmul.f32 $8.000000000e+00, v2;
	_ =	sdelay $0x1  }
0x46a: {  	[tilespmem:v3+s17+$0x0] =	vst.idx.msk $0xffff, v2  }
0x46b: {  	v2 =	vld.idx.msk [tilespmem:v4+s14+$0x0], $0xffff;
	_ =	sdelay $0x1  }
0x46c: {  	v3 =	vor.u32 v44, v0  }
0x46d: {  	v4 =	vor.u32 v45, v1;
	_ =	sdelay $0x1  }
0x46e: {  	v2 =	vmul.f32 $8.000000000e+00, v2;
	_ =	sdelay $0x1  }
0x46f: {  	[tilespmem:v3+s17+$0x0] =	vst.idx.msk $0xffff, v2  }
0x470: {  	v2 =	vld.idx.msk [tilespmem:v4+s14+$0x0], $0xffff;
	_ =	sdelay $0x1  }
0x471: {  	v3 =	vor.u32 v46, v0  }
0x472: {  	v4 =	vor.u32 v47, v1;
	_ =	sdelay $0x1  }
0x473: {  	v2 =	vmul.f32 $8.000000000e+00, v2;
	_ =	sdelay $0x1  }
0x474: {  	[tilespmem:v3+s17+$0x0] =	vst.idx.msk $0xffff, v2  }
0x475: {  	v2 =	vld.idx.msk [tilespmem:v4+s14+$0x0], $0xffff;
	_ =	sdelay $0x1  }
0x476: {  	v3 =	vor.u32 v48, v0  }
0x477: {  	v4 =	vor.u32 v49, v1;
	_ =	sdelay $0x1  }
0x478: {  	v2 =	vmul.f32 $8.000000000e+00, v2;
	_ =	sdelay $0x1  }
0x479: {  	[tilespmem:v3+s17+$0x0] =	vst.idx.msk $0xffff, v2  }
0x47a: {  	v2 =	vld.idx.msk [tilespmem:v4+s14+$0x0], $0xffff;
	_ =	sdelay $0x1  }
0x47b: {  	v3 =	vor.u32 v50, v0  }
0x47c: {  	v4 =	vor.u32 v51, v1;
	_ =	sdelay $0x1  }
0x47d: {  	v2 =	vmul.f32 $8.000000000e+00, v2;
	_ =	sdelay $0x1  }
0x47e: {  	[tilespmem:v3+s17+$0x0] =	vst.idx.msk $0xffff, v2  }
0x47f: {  	v2 =	vld.idx.msk [tilespmem:v4+s14+$0x0], $0xffff;
	_ =	sdelay $0x1  }
0x480: {  	v3 =	vor.u32 v52, v0  }
0x481: {  	v4 =	vor.u32 v53, v1;
	_ =	sdelay $0x1  }
0x482: {  	v2 =	vmul.f32 $8.000000000e+00, v2;
	_ =	sdelay $0x1  }
0x483: {  	[tilespmem:v3+s17+$0x0] =	vst.idx.msk $0xffff, v2  }
0x484: {  	v2 =	vld.idx.msk [tilespmem:v4+s14+$0x0], $0xffff;
	_ =	sdelay $0x1  }
0x485: {  	v3 =	vor.u32 v54, v0  }
0x486: {  	v4 =	vor.u32 v55, v1;
	_ =	sdelay $0x1  }
0x487: {  	v2 =	vmul.f32 $8.000000000e+00, v2;
	_ =	sdelay $0x1  }
0x488: {  	[tilespmem:v3+s17+$0x0] =	vst.idx.msk $0xffff, v2  }
0x489: {  	v2 =	vld.idx.msk [tilespmem:v4+s14+$0x0], $0xffff;
	_ =	sdelay $0x1  }
0x48a: {  	v3 =	vor.u32 v56, v0  }
0x48b: {  	v4 =	vor.u32 v57, v1;
	_ =	sdelay $0x1  }
0x48c: {  	v2 =	vmul.f32 $8.000000000e+00, v2;
	_ =	sdelay $0x1  }
0x48d: {  	[tilespmem:v3+s17+$0x0] =	vst.idx.msk $0xffff, v2  }
0x48e: {  	v2 =	vld.idx.msk [tilespmem:v4+s14+$0x0], $0xffff;
	_ =	sdelay $0x1  }
0x48f: {  	v3 =	vor.u32 v58, v0  }
0x490: {  	v4 =	vor.u32 v59, v1;
	_ =	sdelay $0x1  }
0x491: {  	v2 =	vmul.f32 $8.000000000e+00, v2;
	_ =	sdelay $0x1  }
0x492: {  	[tilespmem:v3+s17+$0x0] =	vst.idx.msk $0xffff, v2  }
0x493: {  	v2 =	vld.idx.msk [tilespmem:v4+s14+$0x0], $0xffff;
	_ =	sdelay $0x1  }
0x494: {  	v3 =	vor.u32 v60, v0  }
0x495: {  	v4 =	vor.u32 v61, v1;
	_ =	sdelay $0x1  }
0x496: {  	v2 =	vmul.f32 $8.000000000e+00, v2;
	_ =	sdelay $0x1  }
0x497: {  	[tilespmem:v3+s17+$0x0] =	vst.idx.msk $0xffff, v2  }
0x498: {  	v2 =	vld.idx.msk [tilespmem:v4+s14+$0x0], $0xffff;
	_ =	sdelay $0x1  }
0x499: {  	v3 =	vor.u32 v62, v0  }
0x49a: {  	v4 =	vor.u32 v63, v1;
	_ =	sdelay $0x1  }
0x49b: {  	v2 =	vmul.f32 $8.000000000e+00, v2;
	_ =	sdelay $0x1  }
0x49c: {  	[tilespmem:v3+s17+$0x0] =	vst.idx.msk $0xffff, v2;
	v3 =	vld [tilespmem:$0x1FF90]  }
0x49d: {  	v2 =	vld.idx.msk [tilespmem:v4+s14+$0x0], $0xffff  }
0x49e: {  	v4 =	vld [tilespmem:$0x1FFA0];
	_ =	sdelay $0x3  }
0x49f: {  	v3 =	vor.u32 v3, v0  }
0x4a0: {  	v4 =	vor.u32 v4, v1;
	_ =	sdelay $0x1  }
0x4a1: {  	v2 =	vmul.f32 $8.000000000e+00, v2;
	_ =	sdelay $0x1  }
0x4a2: {  	[tilespmem:v3+s17+$0x0] =	vst.idx.msk $0xffff, v2;
	v3 =	vld [tilespmem:$0x1FFB0]  }
0x4a3: {  	v2 =	vld.idx.msk [tilespmem:v4+s14+$0x0], $0xffff  }
0x4a4: {  	v4 =	vld [tilespmem:$0x1FFC0];
	_ =	sdelay $0x3  }
0x4a5: {  	v3 =	vor.u32 v3, v0  }
0x4a6: {  	v1 =	vor.u32 v4, v1;
	_ =	sdelay $0x1  }
0x4a7: {  	v2 =	vmul.f32 $8.000000000e+00, v2;
	_ =	sdelay $0x1  }
0x4a8: {  	s31 =	simm.s32 $0x1;
	[tilespmem:v3+s17+$0x0] =	vst.idx.msk $0xffff, v2  }
0x4a9: {  	v2 =	vadd.s32 s31, v5;
	v4 =	vld.idx.msk [tilespmem:v1+s14+$0x0], $0xffff  }
0x4aa: {  	v1 =	vand.u32 $0xF, v2;
	v5 =	vshll.u32 v2, $0x7;
	v2 =	vld [tilespmem:$0x1FFD0];
	_ =	sdelay $0x4  }
0x4ab: {  	v3 =	vor.u32 v2, v0  }
0x4ac: {  	s29 =	simm.s32 $0x2;
	v2 =	vor.u32 v6, v1;
	v0 =	vand.u32 $0x780, v5;
	v4 =	vmul.f32 $8.000000000e+00, v4  }
.LBB2_7:
0x4ad: {  	_ =	sdelay $0x2  }
0x4ae: {  	[tilespmem:v3+s17+$0x0] =	vst.idx.msk $0xffff, v4  }
0x4af: {  	v2 =	vld.idx.msk [tilespmem:v2+s14+$0x0], $0xffff  }
0x4b0: {  	v5 =	vlaneseq.u32  }
0x4b1: {  	v3 =	vor.u32 v5, v0  }
0x4b2: {  	v4 =	vor.u32 v7, v1;
	_ =	sdelay $0x1  }
0x4b3: {  	v2 =	vmul.f32 $8.000000000e+00, v2;
	_ =	sdelay $0x1  }
0x4b4: {  	[tilespmem:v3+s17+$0x0] =	vst.idx.msk $0xffff, v2  }
0x4b5: {  	v2 =	vld.idx.msk [tilespmem:v4+s14+$0x0], $0xffff;
	_ =	sdelay $0x1  }
0x4b6: {  	v3 =	vor.u32 v8, v0  }
0x4b7: {  	v4 =	vor.u32 v9, v1;
	_ =	sdelay $0x1  }
0x4b8: {  	v2 =	vmul.f32 $8.000000000e+00, v2;
	_ =	sdelay $0x1  }
0x4b9: {  	[tilespmem:v3+s17+$0x0] =	vst.idx.msk $0xffff, v2  }
0x4ba: {  	v2 =	vld.idx.msk [tilespmem:v4+s14+$0x0], $0xffff;
	_ =	sdelay $0x1  }
0x4bb: {  	v3 =	vor.u32 v10, v0  }
0x4bc: {  	v4 =	vor.u32 v11, v1;
	_ =	sdelay $0x1  }
0x4bd: {  	v2 =	vmul.f32 $8.000000000e+00, v2;
	_ =	sdelay $0x1  }
0x4be: {  	[tilespmem:v3+s17+$0x0] =	vst.idx.msk $0xffff, v2  }
0x4bf: {  	v2 =	vld.idx.msk [tilespmem:v4+s14+$0x0], $0xffff;
	_ =	sdelay $0x1  }
0x4c0: {  	v3 =	vor.u32 v12, v0  }
0x4c1: {  	v4 =	vor.u32 v13, v1;
	_ =	sdelay $0x1  }
0x4c2: {  	v2 =	vmul.f32 $8.000000000e+00, v2;
	_ =	sdelay $0x1  }
0x4c3: {  	[tilespmem:v3+s17+$0x0] =	vst.idx.msk $0xffff, v2  }
0x4c4: {  	v2 =	vld.idx.msk [tilespmem:v4+s14+$0x0], $0xffff;
	_ =	sdelay $0x1  }
0x4c5: {  	v3 =	vor.u32 v14, v0  }
0x4c6: {  	v4 =	vor.u32 v15, v1;
	_ =	sdelay $0x1  }
0x4c7: {  	v2 =	vmul.f32 $8.000000000e+00, v2;
	_ =	sdelay $0x1  }
0x4c8: {  	[tilespmem:v3+s17+$0x0] =	vst.idx.msk $0xffff, v2  }
0x4c9: {  	v2 =	vld.idx.msk [tilespmem:v4+s14+$0x0], $0xffff;
	_ =	sdelay $0x1  }
0x4ca: {  	v3 =	vor.u32 v16, v0  }
0x4cb: {  	v4 =	vor.u32 v17, v1;
	_ =	sdelay $0x1  }
0x4cc: {  	v2 =	vmul.f32 $8.000000000e+00, v2;
	_ =	sdelay $0x1  }
0x4cd: {  	[tilespmem:v3+s17+$0x0] =	vst.idx.msk $0xffff, v2  }
0x4ce: {  	v2 =	vld.idx.msk [tilespmem:v4+s14+$0x0], $0xffff;
	_ =	sdelay $0x1  }
0x4cf: {  	v3 =	vor.u32 v18, v0  }
0x4d0: {  	v4 =	vor.u32 v19, v1;
	_ =	sdelay $0x1  }
0x4d1: {  	v2 =	vmul.f32 $8.000000000e+00, v2;
	_ =	sdelay $0x1  }
0x4d2: {  	[tilespmem:v3+s17+$0x0] =	vst.idx.msk $0xffff, v2  }
0x4d3: {  	v2 =	vld.idx.msk [tilespmem:v4+s14+$0x0], $0xffff;
	_ =	sdelay $0x1  }
0x4d4: {  	v3 =	vor.u32 v20, v0  }
0x4d5: {  	v4 =	vor.u32 v21, v1;
	_ =	sdelay $0x1  }
0x4d6: {  	v2 =	vmul.f32 $8.000000000e+00, v2;
	_ =	sdelay $0x1  }
0x4d7: {  	[tilespmem:v3+s17+$0x0] =	vst.idx.msk $0xffff, v2  }
0x4d8: {  	v2 =	vld.idx.msk [tilespmem:v4+s14+$0x0], $0xffff;
	_ =	sdelay $0x1  }
0x4d9: {  	v3 =	vor.u32 v22, v0  }
0x4da: {  	v4 =	vor.u32 v23, v1;
	_ =	sdelay $0x1  }
0x4db: {  	v2 =	vmul.f32 $8.000000000e+00, v2;
	_ =	sdelay $0x1  }
0x4dc: {  	[tilespmem:v3+s17+$0x0] =	vst.idx.msk $0xffff, v2  }
0x4dd: {  	v2 =	vld.idx.msk [tilespmem:v4+s14+$0x0], $0xffff;
	_ =	sdelay $0x1  }
0x4de: {  	v3 =	vor.u32 v24, v0  }
0x4df: {  	v4 =	vor.u32 v25, v1;
	_ =	sdelay $0x1  }
0x4e0: {  	v2 =	vmul.f32 $8.000000000e+00, v2;
	_ =	sdelay $0x1  }
0x4e1: {  	[tilespmem:v3+s17+$0x0] =	vst.idx.msk $0xffff, v2  }
0x4e2: {  	v2 =	vld.idx.msk [tilespmem:v4+s14+$0x0], $0xffff;
	_ =	sdelay $0x1  }
0x4e3: {  	v3 =	vor.u32 v26, v0  }
0x4e4: {  	v4 =	vor.u32 v27, v1;
	_ =	sdelay $0x1  }
0x4e5: {  	v2 =	vmul.f32 $8.000000000e+00, v2;
	_ =	sdelay $0x1  }
0x4e6: {  	[tilespmem:v3+s17+$0x0] =	vst.idx.msk $0xffff, v2  }
0x4e7: {  	v2 =	vld.idx.msk [tilespmem:v4+s14+$0x0], $0xffff;
	_ =	sdelay $0x1  }
0x4e8: {  	v3 =	vor.u32 v28, v0  }
0x4e9: {  	v4 =	vor.u32 v29, v1;
	_ =	sdelay $0x1  }
0x4ea: {  	v2 =	vmul.f32 $8.000000000e+00, v2;
	_ =	sdelay $0x1  }
0x4eb: {  	[tilespmem:v3+s17+$0x0] =	vst.idx.msk $0xffff, v2  }
0x4ec: {  	v2 =	vld.idx.msk [tilespmem:v4+s14+$0x0], $0xffff;
	_ =	sdelay $0x1  }
0x4ed: {  	v3 =	vor.u32 v30, v0  }
0x4ee: {  	v4 =	vor.u32 v31, v1;
	_ =	sdelay $0x1  }
0x4ef: {  	v2 =	vmul.f32 $8.000000000e+00, v2;
	_ =	sdelay $0x1  }
0x4f0: {  	[tilespmem:v3+s17+$0x0] =	vst.idx.msk $0xffff, v2  }
0x4f1: {  	v2 =	vld.idx.msk [tilespmem:v4+s14+$0x0], $0xffff;
	_ =	sdelay $0x1  }
0x4f2: {  	v3 =	vor.u32 v32, v0  }
0x4f3: {  	v4 =	vor.u32 v33, v1;
	_ =	sdelay $0x1  }
0x4f4: {  	v2 =	vmul.f32 $8.000000000e+00, v2;
	_ =	sdelay $0x1  }
0x4f5: {  	[tilespmem:v3+s17+$0x0] =	vst.idx.msk $0xffff, v2  }
0x4f6: {  	v2 =	vld.idx.msk [tilespmem:v4+s14+$0x0], $0xffff;
	_ =	sdelay $0x1  }
0x4f7: {  	v3 =	vor.u32 v34, v0  }
0x4f8: {  	v4 =	vor.u32 v35, v1;
	_ =	sdelay $0x1  }
0x4f9: {  	v2 =	vmul.f32 $8.000000000e+00, v2;
	_ =	sdelay $0x1  }
0x4fa: {  	[tilespmem:v3+s17+$0x0] =	vst.idx.msk $0xffff, v2  }
0x4fb: {  	v2 =	vld.idx.msk [tilespmem:v4+s14+$0x0], $0xffff;
	_ =	sdelay $0x1  }
0x4fc: {  	v3 =	vor.u32 v36, v0  }
0x4fd: {  	v4 =	vor.u32 v37, v1;
	_ =	sdelay $0x1  }
0x4fe: {  	v2 =	vmul.f32 $8.000000000e+00, v2;
	_ =	sdelay $0x1  }
0x4ff: {  	[tilespmem:v3+s17+$0x0] =	vst.idx.msk $0xffff, v2  }
0x500: {  	v2 =	vld.idx.msk [tilespmem:v4+s14+$0x0], $0xffff;
	_ =	sdelay $0x1  }
0x501: {  	v3 =	vor.u32 v38, v0  }
0x502: {  	v4 =	vor.u32 v39, v1;
	_ =	sdelay $0x1  }
0x503: {  	v2 =	vmul.f32 $8.000000000e+00, v2;
	_ =	sdelay $0x1  }
0x504: {  	[tilespmem:v3+s17+$0x0] =	vst.idx.msk $0xffff, v2  }
0x505: {  	v2 =	vld.idx.msk [tilespmem:v4+s14+$0x0], $0xffff;
	_ =	sdelay $0x1  }
0x506: {  	v3 =	vor.u32 v40, v0  }
0x507: {  	v4 =	vor.u32 v41, v1;
	_ =	sdelay $0x1  }
0x508: {  	v2 =	vmul.f32 $8.000000000e+00, v2;
	_ =	sdelay $0x1  }
0x509: {  	[tilespmem:v3+s17+$0x0] =	vst.idx.msk $0xffff, v2  }
0x50a: {  	v2 =	vld.idx.msk [tilespmem:v4+s14+$0x0], $0xffff;
	_ =	sdelay $0x1  }
0x50b: {  	v3 =	vor.u32 v42, v0  }
0x50c: {  	v4 =	vor.u32 v43, v1;
	_ =	sdelay $0x1  }
0x50d: {  	v2 =	vmul.f32 $8.000000000e+00, v2;
	_ =	sdelay $0x1  }
0x50e: {  	[tilespmem:v3+s17+$0x0] =	vst.idx.msk $0xffff, v2  }
0x50f: {  	v2 =	vld.idx.msk [tilespmem:v4+s14+$0x0], $0xffff;
	_ =	sdelay $0x1  }
0x510: {  	v3 =	vor.u32 v44, v0  }
0x511: {  	v4 =	vor.u32 v45, v1;
	_ =	sdelay $0x1  }
0x512: {  	v2 =	vmul.f32 $8.000000000e+00, v2;
	_ =	sdelay $0x1  }
0x513: {  	[tilespmem:v3+s17+$0x0] =	vst.idx.msk $0xffff, v2  }
0x514: {  	v2 =	vld.idx.msk [tilespmem:v4+s14+$0x0], $0xffff;
	_ =	sdelay $0x1  }
0x515: {  	v3 =	vor.u32 v46, v0  }
0x516: {  	v4 =	vor.u32 v47, v1;
	_ =	sdelay $0x1  }
0x517: {  	v2 =	vmul.f32 $8.000000000e+00, v2;
	_ =	sdelay $0x1  }
0x518: {  	[tilespmem:v3+s17+$0x0] =	vst.idx.msk $0xffff, v2  }
0x519: {  	v2 =	vld.idx.msk [tilespmem:v4+s14+$0x0], $0xffff;
	_ =	sdelay $0x1  }
0x51a: {  	v3 =	vor.u32 v48, v0  }
0x51b: {  	v4 =	vor.u32 v49, v1;
	_ =	sdelay $0x1  }
0x51c: {  	v2 =	vmul.f32 $8.000000000e+00, v2;
	_ =	sdelay $0x1  }
0x51d: {  	[tilespmem:v3+s17+$0x0] =	vst.idx.msk $0xffff, v2  }
0x51e: {  	v2 =	vld.idx.msk [tilespmem:v4+s14+$0x0], $0xffff;
	_ =	sdelay $0x1  }
0x51f: {  	v3 =	vor.u32 v50, v0  }
0x520: {  	v4 =	vor.u32 v51, v1;
	_ =	sdelay $0x1  }
0x521: {  	v2 =	vmul.f32 $8.000000000e+00, v2;
	_ =	sdelay $0x1  }
0x522: {  	[tilespmem:v3+s17+$0x0] =	vst.idx.msk $0xffff, v2  }
0x523: {  	v2 =	vld.idx.msk [tilespmem:v4+s14+$0x0], $0xffff;
	_ =	sdelay $0x1  }
0x524: {  	v3 =	vor.u32 v52, v0  }
0x525: {  	v4 =	vor.u32 v53, v1;
	_ =	sdelay $0x1  }
0x526: {  	v2 =	vmul.f32 $8.000000000e+00, v2;
	_ =	sdelay $0x1  }
0x527: {  	[tilespmem:v3+s17+$0x0] =	vst.idx.msk $0xffff, v2  }
0x528: {  	v2 =	vld.idx.msk [tilespmem:v4+s14+$0x0], $0xffff;
	_ =	sdelay $0x1  }
0x529: {  	v3 =	vor.u32 v54, v0  }
0x52a: {  	v4 =	vor.u32 v55, v1;
	_ =	sdelay $0x1  }
0x52b: {  	v2 =	vmul.f32 $8.000000000e+00, v2;
	_ =	sdelay $0x1  }
0x52c: {  	[tilespmem:v3+s17+$0x0] =	vst.idx.msk $0xffff, v2  }
0x52d: {  	v2 =	vld.idx.msk [tilespmem:v4+s14+$0x0], $0xffff;
	_ =	sdelay $0x1  }
0x52e: {  	v3 =	vor.u32 v56, v0  }
0x52f: {  	v4 =	vor.u32 v57, v1;
	_ =	sdelay $0x1  }
0x530: {  	v2 =	vmul.f32 $8.000000000e+00, v2;
	_ =	sdelay $0x1  }
0x531: {  	[tilespmem:v3+s17+$0x0] =	vst.idx.msk $0xffff, v2  }
0x532: {  	v2 =	vld.idx.msk [tilespmem:v4+s14+$0x0], $0xffff;
	_ =	sdelay $0x1  }
0x533: {  	v3 =	vor.u32 v58, v0  }
0x534: {  	v4 =	vor.u32 v59, v1;
	_ =	sdelay $0x1  }
0x535: {  	v2 =	vmul.f32 $8.000000000e+00, v2;
	_ =	sdelay $0x1  }
0x536: {  	[tilespmem:v3+s17+$0x0] =	vst.idx.msk $0xffff, v2  }
0x537: {  	v2 =	vld.idx.msk [tilespmem:v4+s14+$0x0], $0xffff;
	_ =	sdelay $0x1  }
0x538: {  	v3 =	vor.u32 v60, v0  }
0x539: {  	v4 =	vor.u32 v61, v1;
	_ =	sdelay $0x1  }
0x53a: {  	v2 =	vmul.f32 $8.000000000e+00, v2;
	_ =	sdelay $0x1  }
0x53b: {  	[tilespmem:v3+s17+$0x0] =	vst.idx.msk $0xffff, v2  }
0x53c: {  	v2 =	vld.idx.msk [tilespmem:v4+s14+$0x0], $0xffff;
	_ =	sdelay $0x1  }
0x53d: {  	v3 =	vor.u32 v62, v0  }
0x53e: {  	v4 =	vor.u32 v63, v1;
	_ =	sdelay $0x1  }
0x53f: {  	v2 =	vmul.f32 $8.000000000e+00, v2;
	_ =	sdelay $0x1  }
0x540: {  	[tilespmem:v3+s17+$0x0] =	vst.idx.msk $0xffff, v2;
	v3 =	vld [tilespmem:$0x1FF90]  }
0x541: {  	v2 =	vld.idx.msk [tilespmem:v4+s14+$0x0], $0xffff  }
0x542: {  	v4 =	vld [tilespmem:$0x1FFA0];
	_ =	sdelay $0x3  }
0x543: {  	v3 =	vor.u32 v3, v0  }
0x544: {  	v4 =	vor.u32 v4, v1;
	_ =	sdelay $0x1  }
0x545: {  	v2 =	vmul.f32 $8.000000000e+00, v2;
	_ =	sdelay $0x1  }
0x546: {  	[tilespmem:v3+s17+$0x0] =	vst.idx.msk $0xffff, v2;
	v3 =	vld [tilespmem:$0x1FFB0]  }
0x547: {  	v2 =	vld.idx.msk [tilespmem:v4+s14+$0x0], $0xffff  }
0x548: {  	v4 =	vld [tilespmem:$0x1FFC0];
	_ =	sdelay $0x3  }
0x549: {  	v3 =	vor.u32 v3, v0  }
0x54a: {  	v1 =	vor.u32 v4, v1;
	_ =	sdelay $0x1  }
0x54b: {  	v2 =	vmul.f32 $8.000000000e+00, v2;
	_ =	sdelay $0x1  }
0x54c: {  	s30 =	smov.u32 s29;
	[tilespmem:v3+s17+$0x0] =	vst.idx.msk $0xffff, v2  }
0x54d: {  	v2 =	vadd.s32 s30, v5;
	v4 =	vld.idx.msk [tilespmem:v1+s14+$0x0], $0xffff  }
0x54e: {  	v1 =	vand.u32 $0xF, v2;
	v5 =	vshll.u32 v2, $0x7;
	v2 =	vld [tilespmem:$0x1FFD0]  }
0x54f: {  	p0 =	sne.s32 s29, $0xF  }
.Ltmp2:
0x550: {  	_ = 	snop;
	(pc) =	sbr.rel @p0 .LBB2_7-.Ltmp2, $3  }
0x551: {  	_ =	sdelay $0x1  }
0x552: {  	v3 =	vor.u32 v2, v0  }
0x553: {  	s29 =	sadd.s32 $0x1, s29;
	v2 =	vor.u32 v6, v1;
	v0 =	vand.u32 $0x780, v5;
	v4 =	vmul.f32 $8.000000000e+00, v4  }
0x554: {  	_ =	sdelay $0x3  }
0x555: {  	[tilespmem:v3+s17+$0x0] =	vst.idx.msk $0xffff, v4  }
0x556: {  	v2 =	vld.idx.msk [tilespmem:v2+s14+$0x0], $0xffff  }
0x557: {  	v3 =	vlaneseq.u32  }
0x558: {  	v3 =	vor.u32 v3, v0  }
0x559: {  	v4 =	vor.u32 v7, v1;
	_ =	sdelay $0x1  }
0x55a: {  	v2 =	vmul.f32 $8.000000000e+00, v2;
	_ =	sdelay $0x1  }
0x55b: {  	[tilespmem:v3+s17+$0x0] =	vst.idx.msk $0xffff, v2  }
0x55c: {  	v2 =	vld.idx.msk [tilespmem:v4+s14+$0x0], $0xffff;
	_ =	sdelay $0x1  }
0x55d: {  	v3 =	vor.u32 v8, v0  }
0x55e: {  	v4 =	vor.u32 v9, v1;
	_ =	sdelay $0x1  }
0x55f: {  	v2 =	vmul.f32 $8.000000000e+00, v2;
	_ =	sdelay $0x1  }
0x560: {  	[tilespmem:v3+s17+$0x0] =	vst.idx.msk $0xffff, v2  }
0x561: {  	v2 =	vld.idx.msk [tilespmem:v4+s14+$0x0], $0xffff;
	_ =	sdelay $0x1  }
0x562: {  	v3 =	vor.u32 v10, v0  }
0x563: {  	v4 =	vor.u32 v11, v1;
	_ =	sdelay $0x1  }
0x564: {  	v2 =	vmul.f32 $8.000000000e+00, v2;
	_ =	sdelay $0x1  }
0x565: {  	[tilespmem:v3+s17+$0x0] =	vst.idx.msk $0xffff, v2  }
0x566: {  	v2 =	vld.idx.msk [tilespmem:v4+s14+$0x0], $0xffff;
	_ =	sdelay $0x1  }
0x567: {  	v3 =	vor.u32 v12, v0  }
0x568: {  	v4 =	vor.u32 v13, v1;
	_ =	sdelay $0x1  }
0x569: {  	v2 =	vmul.f32 $8.000000000e+00, v2;
	_ =	sdelay $0x1  }
0x56a: {  	[tilespmem:v3+s17+$0x0] =	vst.idx.msk $0xffff, v2  }
0x56b: {  	v2 =	vld.idx.msk [tilespmem:v4+s14+$0x0], $0xffff;
	_ =	sdelay $0x1  }
0x56c: {  	v3 =	vor.u32 v14, v0  }
0x56d: {  	v4 =	vor.u32 v15, v1;
	_ =	sdelay $0x1  }
0x56e: {  	v2 =	vmul.f32 $8.000000000e+00, v2;
	_ =	sdelay $0x1  }
0x56f: {  	[tilespmem:v3+s17+$0x0] =	vst.idx.msk $0xffff, v2  }
0x570: {  	v2 =	vld.idx.msk [tilespmem:v4+s14+$0x0], $0xffff;
	_ =	sdelay $0x1  }
0x571: {  	v3 =	vor.u32 v16, v0  }
0x572: {  	v4 =	vor.u32 v17, v1;
	_ =	sdelay $0x1  }
0x573: {  	v2 =	vmul.f32 $8.000000000e+00, v2;
	_ =	sdelay $0x1  }
0x574: {  	[tilespmem:v3+s17+$0x0] =	vst.idx.msk $0xffff, v2  }
0x575: {  	v2 =	vld.idx.msk [tilespmem:v4+s14+$0x0], $0xffff;
	_ =	sdelay $0x1  }
0x576: {  	v3 =	vor.u32 v18, v0  }
0x577: {  	v4 =	vor.u32 v19, v1;
	_ =	sdelay $0x1  }
0x578: {  	v2 =	vmul.f32 $8.000000000e+00, v2;
	_ =	sdelay $0x1  }
0x579: {  	[tilespmem:v3+s17+$0x0] =	vst.idx.msk $0xffff, v2  }
0x57a: {  	v2 =	vld.idx.msk [tilespmem:v4+s14+$0x0], $0xffff;
	_ =	sdelay $0x1  }
0x57b: {  	v3 =	vor.u32 v20, v0  }
0x57c: {  	v4 =	vor.u32 v21, v1;
	_ =	sdelay $0x1  }
0x57d: {  	v2 =	vmul.f32 $8.000000000e+00, v2;
	_ =	sdelay $0x1  }
0x57e: {  	[tilespmem:v3+s17+$0x0] =	vst.idx.msk $0xffff, v2  }
0x57f: {  	v2 =	vld.idx.msk [tilespmem:v4+s14+$0x0], $0xffff;
	_ =	sdelay $0x1  }
0x580: {  	v3 =	vor.u32 v22, v0  }
0x581: {  	v4 =	vor.u32 v23, v1;
	_ =	sdelay $0x1  }
0x582: {  	v2 =	vmul.f32 $8.000000000e+00, v2;
	_ =	sdelay $0x1  }
0x583: {  	[tilespmem:v3+s17+$0x0] =	vst.idx.msk $0xffff, v2  }
0x584: {  	v2 =	vld.idx.msk [tilespmem:v4+s14+$0x0], $0xffff;
	_ =	sdelay $0x1  }
0x585: {  	v3 =	vor.u32 v24, v0  }
0x586: {  	v4 =	vor.u32 v25, v1;
	_ =	sdelay $0x1  }
0x587: {  	v2 =	vmul.f32 $8.000000000e+00, v2;
	_ =	sdelay $0x1  }
0x588: {  	[tilespmem:v3+s17+$0x0] =	vst.idx.msk $0xffff, v2  }
0x589: {  	v2 =	vld.idx.msk [tilespmem:v4+s14+$0x0], $0xffff;
	_ =	sdelay $0x1  }
0x58a: {  	v3 =	vor.u32 v26, v0  }
0x58b: {  	v4 =	vor.u32 v27, v1;
	_ =	sdelay $0x1  }
0x58c: {  	v2 =	vmul.f32 $8.000000000e+00, v2;
	_ =	sdelay $0x1  }
0x58d: {  	[tilespmem:v3+s17+$0x0] =	vst.idx.msk $0xffff, v2  }
0x58e: {  	v2 =	vld.idx.msk [tilespmem:v4+s14+$0x0], $0xffff;
	_ =	sdelay $0x1  }
0x58f: {  	v3 =	vor.u32 v28, v0  }
0x590: {  	v4 =	vor.u32 v29, v1;
	_ =	sdelay $0x1  }
0x591: {  	v2 =	vmul.f32 $8.000000000e+00, v2;
	_ =	sdelay $0x1  }
0x592: {  	[tilespmem:v3+s17+$0x0] =	vst.idx.msk $0xffff, v2  }
0x593: {  	v2 =	vld.idx.msk [tilespmem:v4+s14+$0x0], $0xffff;
	_ =	sdelay $0x1  }
0x594: {  	v3 =	vor.u32 v30, v0  }
0x595: {  	v4 =	vor.u32 v31, v1;
	_ =	sdelay $0x1  }
0x596: {  	v2 =	vmul.f32 $8.000000000e+00, v2;
	_ =	sdelay $0x1  }
0x597: {  	[tilespmem:v3+s17+$0x0] =	vst.idx.msk $0xffff, v2  }
0x598: {  	v2 =	vld.idx.msk [tilespmem:v4+s14+$0x0], $0xffff;
	_ =	sdelay $0x1  }
0x599: {  	v3 =	vor.u32 v32, v0  }
0x59a: {  	v4 =	vor.u32 v33, v1;
	_ =	sdelay $0x1  }
0x59b: {  	v2 =	vmul.f32 $8.000000000e+00, v2;
	_ =	sdelay $0x1  }
0x59c: {  	[tilespmem:v3+s17+$0x0] =	vst.idx.msk $0xffff, v2  }
0x59d: {  	v2 =	vld.idx.msk [tilespmem:v4+s14+$0x0], $0xffff;
	_ =	sdelay $0x1  }
0x59e: {  	v3 =	vor.u32 v34, v0  }
0x59f: {  	v4 =	vor.u32 v35, v1;
	_ =	sdelay $0x1  }
0x5a0: {  	v2 =	vmul.f32 $8.000000000e+00, v2;
	_ =	sdelay $0x1  }
0x5a1: {  	[tilespmem:v3+s17+$0x0] =	vst.idx.msk $0xffff, v2  }
0x5a2: {  	v2 =	vld.idx.msk [tilespmem:v4+s14+$0x0], $0xffff;
	_ =	sdelay $0x1  }
0x5a3: {  	v3 =	vor.u32 v36, v0  }
0x5a4: {  	v4 =	vor.u32 v37, v1;
	_ =	sdelay $0x1  }
0x5a5: {  	v2 =	vmul.f32 $8.000000000e+00, v2;
	_ =	sdelay $0x1  }
0x5a6: {  	[tilespmem:v3+s17+$0x0] =	vst.idx.msk $0xffff, v2  }
0x5a7: {  	v2 =	vld.idx.msk [tilespmem:v4+s14+$0x0], $0xffff;
	_ =	sdelay $0x1  }
0x5a8: {  	v3 =	vor.u32 v38, v0  }
0x5a9: {  	v4 =	vor.u32 v39, v1;
	_ =	sdelay $0x1  }
0x5aa: {  	v2 =	vmul.f32 $8.000000000e+00, v2;
	_ =	sdelay $0x1  }
0x5ab: {  	[tilespmem:v3+s17+$0x0] =	vst.idx.msk $0xffff, v2  }
0x5ac: {  	v2 =	vld.idx.msk [tilespmem:v4+s14+$0x0], $0xffff;
	_ =	sdelay $0x1  }
0x5ad: {  	v3 =	vor.u32 v40, v0  }
0x5ae: {  	v4 =	vor.u32 v41, v1;
	_ =	sdelay $0x1  }
0x5af: {  	v2 =	vmul.f32 $8.000000000e+00, v2;
	_ =	sdelay $0x1  }
0x5b0: {  	[tilespmem:v3+s17+$0x0] =	vst.idx.msk $0xffff, v2  }
0x5b1: {  	v2 =	vld.idx.msk [tilespmem:v4+s14+$0x0], $0xffff;
	_ =	sdelay $0x1  }
0x5b2: {  	v3 =	vor.u32 v42, v0  }
0x5b3: {  	v4 =	vor.u32 v43, v1;
	_ =	sdelay $0x1  }
0x5b4: {  	v2 =	vmul.f32 $8.000000000e+00, v2;
	_ =	sdelay $0x1  }
0x5b5: {  	[tilespmem:v3+s17+$0x0] =	vst.idx.msk $0xffff, v2  }
0x5b6: {  	v2 =	vld.idx.msk [tilespmem:v4+s14+$0x0], $0xffff;
	_ =	sdelay $0x1  }
0x5b7: {  	v3 =	vor.u32 v44, v0  }
0x5b8: {  	v4 =	vor.u32 v45, v1;
	_ =	sdelay $0x1  }
0x5b9: {  	v2 =	vmul.f32 $8.000000000e+00, v2;
	_ =	sdelay $0x1  }
0x5ba: {  	[tilespmem:v3+s17+$0x0] =	vst.idx.msk $0xffff, v2  }
0x5bb: {  	v2 =	vld.idx.msk [tilespmem:v4+s14+$0x0], $0xffff;
	_ =	sdelay $0x1  }
0x5bc: {  	v3 =	vor.u32 v46, v0  }
0x5bd: {  	v4 =	vor.u32 v47, v1;
	_ =	sdelay $0x1  }
0x5be: {  	v2 =	vmul.f32 $8.000000000e+00, v2;
	_ =	sdelay $0x1  }
0x5bf: {  	[tilespmem:v3+s17+$0x0] =	vst.idx.msk $0xffff, v2  }
0x5c0: {  	v2 =	vld.idx.msk [tilespmem:v4+s14+$0x0], $0xffff;
	_ =	sdelay $0x1  }
0x5c1: {  	v3 =	vor.u32 v48, v0  }
0x5c2: {  	v4 =	vor.u32 v49, v1;
	_ =	sdelay $0x1  }
0x5c3: {  	v2 =	vmul.f32 $8.000000000e+00, v2;
	_ =	sdelay $0x1  }
0x5c4: {  	[tilespmem:v3+s17+$0x0] =	vst.idx.msk $0xffff, v2  }
0x5c5: {  	v2 =	vld.idx.msk [tilespmem:v4+s14+$0x0], $0xffff;
	_ =	sdelay $0x1  }
0x5c6: {  	v3 =	vor.u32 v50, v0  }
0x5c7: {  	v4 =	vor.u32 v51, v1;
	_ =	sdelay $0x1  }
0x5c8: {  	v2 =	vmul.f32 $8.000000000e+00, v2;
	_ =	sdelay $0x1  }
0x5c9: {  	[tilespmem:v3+s17+$0x0] =	vst.idx.msk $0xffff, v2  }
0x5ca: {  	v2 =	vld.idx.msk [tilespmem:v4+s14+$0x0], $0xffff;
	_ =	sdelay $0x1  }
0x5cb: {  	v3 =	vor.u32 v52, v0  }
0x5cc: {  	v4 =	vor.u32 v53, v1;
	_ =	sdelay $0x1  }
0x5cd: {  	v2 =	vmul.f32 $8.000000000e+00, v2;
	_ =	sdelay $0x1  }
0x5ce: {  	[tilespmem:v3+s17+$0x0] =	vst.idx.msk $0xffff, v2  }
0x5cf: {  	v2 =	vld.idx.msk [tilespmem:v4+s14+$0x0], $0xffff;
	_ =	sdelay $0x1  }
0x5d0: {  	v3 =	vor.u32 v54, v0  }
0x5d1: {  	v4 =	vor.u32 v55, v1;
	_ =	sdelay $0x1  }
0x5d2: {  	v2 =	vmul.f32 $8.000000000e+00, v2;
	_ =	sdelay $0x1  }
0x5d3: {  	[tilespmem:v3+s17+$0x0] =	vst.idx.msk $0xffff, v2  }
0x5d4: {  	v2 =	vld.idx.msk [tilespmem:v4+s14+$0x0], $0xffff;
	_ =	sdelay $0x1  }
0x5d5: {  	v3 =	vor.u32 v56, v0  }
0x5d6: {  	v4 =	vor.u32 v57, v1;
	_ =	sdelay $0x1  }
0x5d7: {  	v2 =	vmul.f32 $8.000000000e+00, v2;
	_ =	sdelay $0x1  }
0x5d8: {  	[tilespmem:v3+s17+$0x0] =	vst.idx.msk $0xffff, v2  }
0x5d9: {  	v2 =	vld.idx.msk [tilespmem:v4+s14+$0x0], $0xffff;
	_ =	sdelay $0x1  }
0x5da: {  	v3 =	vor.u32 v58, v0  }
0x5db: {  	v4 =	vor.u32 v59, v1;
	_ =	sdelay $0x1  }
0x5dc: {  	v2 =	vmul.f32 $8.000000000e+00, v2;
	_ =	sdelay $0x1  }
0x5dd: {  	[tilespmem:v3+s17+$0x0] =	vst.idx.msk $0xffff, v2  }
0x5de: {  	v2 =	vld.idx.msk [tilespmem:v4+s14+$0x0], $0xffff;
	_ =	sdelay $0x1  }
0x5df: {  	v3 =	vor.u32 v60, v0  }
0x5e0: {  	v4 =	vor.u32 v61, v1;
	_ =	sdelay $0x1  }
0x5e1: {  	v2 =	vmul.f32 $8.000000000e+00, v2;
	_ =	sdelay $0x1  }
0x5e2: {  	[tilespmem:v3+s17+$0x0] =	vst.idx.msk $0xffff, v2  }
0x5e3: {  	v2 =	vld.idx.msk [tilespmem:v4+s14+$0x0], $0xffff;
	_ =	sdelay $0x1  }
0x5e4: {  	v3 =	vor.u32 v62, v0;
	_ =	sdelay $0x2  }
0x5e5: {  	v2 =	vmul.f32 $8.000000000e+00, v2;
	_ =	sdelay $0x1  }
0x5e6: {  	[tilespmem:v3+s17+$0x0] =	vst.idx.msk $0xffff, v2;
	v2 =	vld [tilespmem:$0x1FF90];
	_ =	sdelay $0x1  }
0x5e7: {  	v4 =	vor.u32 v63, v1;
	_ =	sdelay $0x2  }
0x5e8: {  	v3 =	vor.u32 v2, v0;
	v2 =	vld [tilespmem:$0x1FFA0];
	_ =	sdelay $0x1  }
0x5e9: {  	v5 =	vld.idx.msk [tilespmem:v4+s14+$0x0], $0xffff;
	_ =	sdelay $0x2  }
0x5ea: {  	v4 =	vor.u32 v2, v1;
	_ =	sdelay $0x1  }
0x5eb: {  	v2 =	vmul.f32 $8.000000000e+00, v5  }
0x5ec: {  	v5 =	vld [tilespmem:$0x1FFB0]  }
0x5ed: {  	[tilespmem:v3+s17+$0x0] =	vst.idx.msk $0xffff, v2  }
0x5ee: {  	v2 =	vld.idx.msk [tilespmem:v4+s14+$0x0], $0xffff  }
0x5ef: {  	v4 =	vld [tilespmem:$0x1FFC0];
	_ =	sdelay $0x1  }
0x5f0: {  	v3 =	vor.u32 v5, v0;
	_ =	sdelay $0x2  }
0x5f1: {  	v1 =	vor.u32 v4, v1;
	v2 =	vmul.f32 $8.000000000e+00, v2;
	_ =	sdelay $0x1  }
0x5f2: {  	[tilespmem:v3+s17+$0x0] =	vst.idx.msk $0xffff, v2;
	v2 =	vld [tilespmem:$0x1FFD0];
	_ =	sdelay $0x2  }
0x5f3: {  	v1 =	vld.idx.msk [tilespmem:v1+s14+$0x0], $0xffff;
	_ =	sdelay $0x1  }
0x5f4: {  	s29 =	sshll.u32 s28, $0x1;
	v0 =	vor.u32 v2, v0  }
0x5f5: {  	s1 =	sadd.s32 s4, s29  }
0x5f6: {  	s30 =	sshll.u32 s1, $0x7  }
0x5f7: {  	s1 =	sshll.u32 s1, $0xA;
	s30 =	sand.u32 $0xF00, s30;
	v1 =	vmul.f32 $8.000000000e+00, v1  }
0x5f8: {  	s1 =	sand.u32 $0xFFF8000, s1;
	s30 =	sadd.s32 s2, s30  }
0x5f9: {  	s1 =	sadd.s32 s1, s30;
	[tilespmem:v0+s17+$0x0] =	vst.idx.msk $0xffff, v1  }
0x5fa: {  	[hbm4b:s1+s18] =	stream.strided.scatter [tilespmem:s17], [sflag:$0x3], $0x2000, s19, s18, $0x38;
	[tilespmem:$0xE400] =	vst v63  }
0x5fb: {  	s1 =	sshll.u32 s28, $0x8  }
0x5fc: {  	s30 =	sand.u32 $0x3FFFFF00, s1  }
0x5fd: {  	s31 =	simm.s32 $0x0;
	v3 =	vlaneseq.u32;
	s1 =	sadd.s32 $0x100, s30  }
0x5fe: {  	v0 =	vadd.s32 s31, v3;
	[tilespmem:s14], [sflag:$0x1] =	stream.indirect.gather [hbm4b:s5+s13], $0x40, s1, s13, $0xb8;
	[tilespmem:$0xE400] =	vst v63  }
0x5ff: {  	v1 =	vand.u32 $0xF, v0;
	_ =	swait.ge [sflag:s21], $0x2000  }
0x600: {  	v2 =	vor.u32 v6, v1;
	[sflag:s21] =	ssyncset.done $0x0  }
0x601: {  	[sflag:s21] =	ssyncadd.s32 $0xFFFFE000  }
0x602: {  	_ =	swait.ge [sflag:s25], $0x2000  }
0x603: {  	[sflag:s25] =	ssyncset.done $0x0  }
0x604: {  	[sflag:s25] =	ssyncadd.s32 $0xFFFFE000  }
0x605: {  	v0 =	vshll.u32 v0, $0x7;
	v2 =	vld.idx.msk [tilespmem:v2+s15+$0x0], $0xffff  }
0x606: {  	v0 =	vand.u32 $0x780, v0  }
0x607: {  	v4 =	vmov v9;
	v9 =	vor.u32 v3, v0  }
0x608: {  	v3 =	vmov v8;
	v8 =	vmov v7;
	v7 =	vor.u32 v7, v1;
	_ =	sdelay $0x1  }
0x609: {  	v2 =	vmul.f32 $8.000000000e+00, v2;
	_ =	sdelay $0x1  }
0x60a: {  	[tilespmem:v9+s22+$0x0] =	vst.idx.msk $0xffff, v2  }
0x60b: {  	v2 =	vld.idx.msk [tilespmem:v7+s15+$0x0], $0xffff;
	_ =	sdelay $0x1  }
0x60c: {  	v9 =	vmov v3;
	v3 =	vor.u32 v3, v0  }
0x60d: {  	v7 =	vmov v10;
	v10 =	vmov v4;
	v4 =	vor.u32 v4, v1;
	_ =	sdelay $0x1  }
0x60e: {  	v2 =	vmul.f32 $8.000000000e+00, v2;
	_ =	sdelay $0x1  }
0x60f: {  	[tilespmem:v3+s22+$0x0] =	vst.idx.msk $0xffff, v2  }
0x610: {  	v2 =	vld.idx.msk [tilespmem:v4+s15+$0x0], $0xffff;
	_ =	sdelay $0x1  }
0x611: {  	v3 =	vor.u32 v7, v0;
	v4 =	vmov v11  }
0x612: {  	v11 =	vmovc v7;
	v7 =	vmov v12;
	v12 =	vmov v4;
	v4 =	vor.u32 v4, v1;
	_ =	sdelay $0x1  }
0x613: {  	v2 =	vmul.f32 $8.000000000e+00, v2;
	_ =	sdelay $0x1  }
0x614: {  	[tilespmem:v3+s22+$0x0] =	vst.idx.msk $0xffff, v2  }
0x615: {  	v2 =	vld.idx.msk [tilespmem:v4+s15+$0x0], $0xffff;
	_ =	sdelay $0x1  }
0x616: {  	v3 =	vor.u32 v7, v0;
	v4 =	vmov v13  }
0x617: {  	v13 =	vmovc v7;
	v7 =	vmov v14;
	v14 =	vmov v4;
	v4 =	vor.u32 v4, v1;
	_ =	sdelay $0x1  }
0x618: {  	v2 =	vmul.f32 $8.000000000e+00, v2;
	_ =	sdelay $0x1  }
0x619: {  	[tilespmem:v3+s22+$0x0] =	vst.idx.msk $0xffff, v2  }
0x61a: {  	v2 =	vld.idx.msk [tilespmem:v4+s15+$0x0], $0xffff;
	_ =	sdelay $0x1  }
0x61b: {  	v3 =	vor.u32 v7, v0;
	v4 =	vmov v15  }
0x61c: {  	v15 =	vmovc v7;
	v7 =	vmov v16;
	v16 =	vmov v4;
	v4 =	vor.u32 v4, v1;
	_ =	sdelay $0x1  }
0x61d: {  	v2 =	vmul.f32 $8.000000000e+00, v2;
	_ =	sdelay $0x1  }
0x61e: {  	[tilespmem:v3+s22+$0x0] =	vst.idx.msk $0xffff, v2  }
0x61f: {  	v2 =	vld.idx.msk [tilespmem:v4+s15+$0x0], $0xffff;
	_ =	sdelay $0x1  }
0x620: {  	v3 =	vor.u32 v7, v0;
	v4 =	vmov v17  }
0x621: {  	v17 =	vmovc v7;
	v7 =	vmov v18;
	v18 =	vmov v4;
	v4 =	vor.u32 v4, v1;
	_ =	sdelay $0x1  }
0x622: {  	v2 =	vmul.f32 $8.000000000e+00, v2;
	_ =	sdelay $0x1  }
0x623: {  	[tilespmem:v3+s22+$0x0] =	vst.idx.msk $0xffff, v2  }
0x624: {  	v2 =	vld.idx.msk [tilespmem:v4+s15+$0x0], $0xffff;
	_ =	sdelay $0x1  }
0x625: {  	v3 =	vor.u32 v7, v0;
	v4 =	vmov v19  }
0x626: {  	v19 =	vmovc v7;
	v7 =	vmov v20;
	v20 =	vmov v4;
	v4 =	vor.u32 v4, v1;
	_ =	sdelay $0x1  }
0x627: {  	v2 =	vmul.f32 $8.000000000e+00, v2;
	_ =	sdelay $0x1  }
0x628: {  	[tilespmem:v3+s22+$0x0] =	vst.idx.msk $0xffff, v2  }
0x629: {  	v2 =	vld.idx.msk [tilespmem:v4+s15+$0x0], $0xffff;
	_ =	sdelay $0x1  }
0x62a: {  	v3 =	vor.u32 v7, v0;
	v4 =	vmov v21  }
0x62b: {  	v21 =	vmovc v7;
	v7 =	vmov v22;
	v22 =	vmov v4;
	v4 =	vor.u32 v4, v1;
	_ =	sdelay $0x1  }
0x62c: {  	v2 =	vmul.f32 $8.000000000e+00, v2;
	_ =	sdelay $0x1  }
0x62d: {  	[tilespmem:v3+s22+$0x0] =	vst.idx.msk $0xffff, v2  }
0x62e: {  	v2 =	vld.idx.msk [tilespmem:v4+s15+$0x0], $0xffff;
	_ =	sdelay $0x1  }
0x62f: {  	v3 =	vor.u32 v7, v0;
	v4 =	vmov v23  }
0x630: {  	v23 =	vmovc v7;
	v7 =	vmov v24;
	v24 =	vmov v4;
	v4 =	vor.u32 v4, v1;
	_ =	sdelay $0x1  }
0x631: {  	v2 =	vmul.f32 $8.000000000e+00, v2;
	_ =	sdelay $0x1  }
0x632: {  	[tilespmem:v3+s22+$0x0] =	vst.idx.msk $0xffff, v2  }
0x633: {  	v2 =	vld.idx.msk [tilespmem:v4+s15+$0x0], $0xffff;
	_ =	sdelay $0x1  }
0x634: {  	v3 =	vor.u32 v7, v0;
	v4 =	vmov v25  }
0x635: {  	v25 =	vmovc v7;
	v7 =	vmov v26;
	v26 =	vmov v4;
	v4 =	vor.u32 v4, v1;
	_ =	sdelay $0x1  }
0x636: {  	v2 =	vmul.f32 $8.000000000e+00, v2;
	_ =	sdelay $0x1  }
0x637: {  	[tilespmem:v3+s22+$0x0] =	vst.idx.msk $0xffff, v2  }
0x638: {  	v2 =	vld.idx.msk [tilespmem:v4+s15+$0x0], $0xffff;
	_ =	sdelay $0x1  }
0x639: {  	v3 =	vor.u32 v7, v0;
	v4 =	vmov v27  }
0x63a: {  	v27 =	vmovc v7;
	v7 =	vmov v28;
	v28 =	vmov v4;
	v4 =	vor.u32 v4, v1;
	_ =	sdelay $0x1  }
0x63b: {  	v2 =	vmul.f32 $8.000000000e+00, v2;
	_ =	sdelay $0x1  }
0x63c: {  	[tilespmem:v3+s22+$0x0] =	vst.idx.msk $0xffff, v2  }
0x63d: {  	v2 =	vld.idx.msk [tilespmem:v4+s15+$0x0], $0xffff;
	_ =	sdelay $0x1  }
0x63e: {  	v3 =	vor.u32 v7, v0;
	v4 =	vmov v29  }
0x63f: {  	v29 =	vmovc v7;
	v7 =	vmov v30;
	v30 =	vmov v4;
	v4 =	vor.u32 v4, v1;
	_ =	sdelay $0x1  }
0x640: {  	v2 =	vmul.f32 $8.000000000e+00, v2;
	_ =	sdelay $0x1  }
0x641: {  	[tilespmem:v3+s22+$0x0] =	vst.idx.msk $0xffff, v2  }
0x642: {  	v2 =	vld.idx.msk [tilespmem:v4+s15+$0x0], $0xffff;
	_ =	sdelay $0x1  }
0x643: {  	v3 =	vor.u32 v7, v0;
	v4 =	vmov v31  }
0x644: {  	v31 =	vmovc v7;
	v7 =	vmov v32;
	v32 =	vmov v4;
	v4 =	vor.u32 v4, v1;
	_ =	sdelay $0x1  }
0x645: {  	v2 =	vmul.f32 $8.000000000e+00, v2;
	_ =	sdelay $0x1  }
0x646: {  	[tilespmem:v3+s22+$0x0] =	vst.idx.msk $0xffff, v2  }
0x647: {  	v2 =	vld.idx.msk [tilespmem:v4+s15+$0x0], $0xffff;
	_ =	sdelay $0x1  }
0x648: {  	v3 =	vor.u32 v7, v0;
	v4 =	vmov v33  }
0x649: {  	v33 =	vmovc v7;
	v7 =	vmov v34;
	v34 =	vmov v4;
	v4 =	vor.u32 v4, v1;
	_ =	sdelay $0x1  }
0x64a: {  	v2 =	vmul.f32 $8.000000000e+00, v2;
	_ =	sdelay $0x1  }
0x64b: {  	[tilespmem:v3+s22+$0x0] =	vst.idx.msk $0xffff, v2  }
0x64c: {  	v2 =	vld.idx.msk [tilespmem:v4+s15+$0x0], $0xffff;
	_ =	sdelay $0x1  }
0x64d: {  	v3 =	vor.u32 v7, v0;
	v4 =	vmov v35  }
0x64e: {  	v35 =	vmovc v7;
	v7 =	vmov v36;
	v36 =	vmov v4;
	v4 =	vor.u32 v4, v1;
	_ =	sdelay $0x1  }
0x64f: {  	v2 =	vmul.f32 $8.000000000e+00, v2;
	_ =	sdelay $0x1  }
0x650: {  	[tilespmem:v3+s22+$0x0] =	vst.idx.msk $0xffff, v2  }
0x651: {  	v2 =	vld.idx.msk [tilespmem:v4+s15+$0x0], $0xffff;
	_ =	sdelay $0x1  }
0x652: {  	v3 =	vor.u32 v7, v0;
	v4 =	vmov v37  }
0x653: {  	v37 =	vmovc v7;
	v7 =	vmov v38;
	v38 =	vmov v4;
	v4 =	vor.u32 v4, v1;
	_ =	sdelay $0x1  }
0x654: {  	v2 =	vmul.f32 $8.000000000e+00, v2;
	_ =	sdelay $0x1  }
0x655: {  	[tilespmem:v3+s22+$0x0] =	vst.idx.msk $0xffff, v2  }
0x656: {  	v2 =	vld.idx.msk [tilespmem:v4+s15+$0x0], $0xffff;
	_ =	sdelay $0x1  }
0x657: {  	v3 =	vor.u32 v7, v0;
	v4 =	vmov v39  }
0x658: {  	v39 =	vmovc v7;
	v7 =	vmov v40;
	v40 =	vmov v4;
	v4 =	vor.u32 v4, v1;
	_ =	sdelay $0x1  }
0x659: {  	v2 =	vmul.f32 $8.000000000e+00, v2;
	_ =	sdelay $0x1  }
0x65a: {  	[tilespmem:v3+s22+$0x0] =	vst.idx.msk $0xffff, v2  }
0x65b: {  	v2 =	vld.idx.msk [tilespmem:v4+s15+$0x0], $0xffff;
	_ =	sdelay $0x1  }
0x65c: {  	v3 =	vor.u32 v7, v0;
	v4 =	vmov v41  }
0x65d: {  	v41 =	vmovc v7;
	v7 =	vmov v42;
	v42 =	vmov v4;
	v4 =	vor.u32 v4, v1;
	_ =	sdelay $0x1  }
0x65e: {  	v2 =	vmul.f32 $8.000000000e+00, v2;
	_ =	sdelay $0x1  }
0x65f: {  	[tilespmem:v3+s22+$0x0] =	vst.idx.msk $0xffff, v2  }
0x660: {  	v2 =	vld.idx.msk [tilespmem:v4+s15+$0x0], $0xffff;
	_ =	sdelay $0x1  }
0x661: {  	v3 =	vor.u32 v7, v0;
	v4 =	vmov v43  }
0x662: {  	v43 =	vmovc v7;
	v7 =	vmov v44;
	v44 =	vmov v4;
	v4 =	vor.u32 v4, v1;
	_ =	sdelay $0x1  }
0x663: {  	v2 =	vmul.f32 $8.000000000e+00, v2;
	_ =	sdelay $0x1  }
0x664: {  	[tilespmem:v3+s22+$0x0] =	vst.idx.msk $0xffff, v2  }
0x665: {  	v2 =	vld.idx.msk [tilespmem:v4+s15+$0x0], $0xffff;
	_ =	sdelay $0x1  }
0x666: {  	v3 =	vor.u32 v7, v0;
	v4 =	vmov v45  }
0x667: {  	v45 =	vmovc v7;
	v7 =	vmov v46;
	v46 =	vmov v4;
	v4 =	vor.u32 v4, v1;
	_ =	sdelay $0x1  }
0x668: {  	v2 =	vmul.f32 $8.000000000e+00, v2;
	_ =	sdelay $0x1  }
0x669: {  	[tilespmem:v3+s22+$0x0] =	vst.idx.msk $0xffff, v2  }
0x66a: {  	v2 =	vld.idx.msk [tilespmem:v4+s15+$0x0], $0xffff;
	_ =	sdelay $0x1  }
0x66b: {  	v3 =	vor.u32 v7, v0;
	v4 =	vmov v47  }
0x66c: {  	v47 =	vmovc v7;
	v7 =	vmov v48;
	v48 =	vmov v4;
	v4 =	vor.u32 v4, v1;
	_ =	sdelay $0x1  }
0x66d: {  	v2 =	vmul.f32 $8.000000000e+00, v2;
	_ =	sdelay $0x1  }
0x66e: {  	[tilespmem:v3+s22+$0x0] =	vst.idx.msk $0xffff, v2  }
0x66f: {  	v2 =	vld.idx.msk [tilespmem:v4+s15+$0x0], $0xffff;
	_ =	sdelay $0x1  }
0x670: {  	v3 =	vor.u32 v7, v0;
	v4 =	vmov v49  }
0x671: {  	v49 =	vmovc v7;
	v7 =	vmov v50;
	v50 =	vmov v4;
	v4 =	vor.u32 v4, v1;
	_ =	sdelay $0x1  }
0x672: {  	v2 =	vmul.f32 $8.000000000e+00, v2;
	_ =	sdelay $0x1  }
0x673: {  	[tilespmem:v3+s22+$0x0] =	vst.idx.msk $0xffff, v2  }
0x674: {  	v2 =	vld.idx.msk [tilespmem:v4+s15+$0x0], $0xffff;
	_ =	sdelay $0x1  }
0x675: {  	v3 =	vor.u32 v7, v0;
	v4 =	vmov v51  }
0x676: {  	v51 =	vmovc v7;
	v7 =	vmov v52;
	v52 =	vmov v4;
	v4 =	vor.u32 v4, v1;
	_ =	sdelay $0x1  }
0x677: {  	v2 =	vmul.f32 $8.000000000e+00, v2;
	_ =	sdelay $0x1  }
0x678: {  	[tilespmem:v3+s22+$0x0] =	vst.idx.msk $0xffff, v2  }
0x679: {  	v2 =	vld.idx.msk [tilespmem:v4+s15+$0x0], $0xffff;
	_ =	sdelay $0x1  }
0x67a: {  	v3 =	vor.u32 v7, v0;
	v4 =	vmov v53  }
0x67b: {  	v53 =	vmovc v7;
	v7 =	vmov v54;
	v54 =	vmov v4;
	v4 =	vor.u32 v4, v1;
	_ =	sdelay $0x1  }
0x67c: {  	v2 =	vmul.f32 $8.000000000e+00, v2;
	_ =	sdelay $0x1  }
0x67d: {  	[tilespmem:v3+s22+$0x0] =	vst.idx.msk $0xffff, v2  }
0x67e: {  	v2 =	vld.idx.msk [tilespmem:v4+s15+$0x0], $0xffff;
	_ =	sdelay $0x1  }
0x67f: {  	v3 =	vor.u32 v7, v0;
	v4 =	vmov v55  }
0x680: {  	v55 =	vmovc v7;
	v7 =	vmov v56;
	v56 =	vmov v4;
	v4 =	vor.u32 v4, v1;
	_ =	sdelay $0x1  }
0x681: {  	v2 =	vmul.f32 $8.000000000e+00, v2;
	_ =	sdelay $0x1  }
0x682: {  	[tilespmem:v3+s22+$0x0] =	vst.idx.msk $0xffff, v2  }
0x683: {  	v2 =	vld.idx.msk [tilespmem:v4+s15+$0x0], $0xffff;
	_ =	sdelay $0x1  }
0x684: {  	v3 =	vor.u32 v7, v0;
	v4 =	vmov v57  }
0x685: {  	v57 =	vmovc v7;
	v7 =	vmov v58;
	v58 =	vmov v4;
	v4 =	vor.u32 v4, v1;
	_ =	sdelay $0x1  }
0x686: {  	v2 =	vmul.f32 $8.000000000e+00, v2;
	_ =	sdelay $0x1  }
0x687: {  	[tilespmem:v3+s22+$0x0] =	vst.idx.msk $0xffff, v2  }
0x688: {  	v2 =	vld.idx.msk [tilespmem:v4+s15+$0x0], $0xffff;
	_ =	sdelay $0x1  }
0x689: {  	v3 =	vor.u32 v7, v0;
	v4 =	vmov v59  }
0x68a: {  	v59 =	vmovc v7;
	v7 =	vmov v60;
	v60 =	vmov v4;
	v4 =	vor.u32 v4, v1;
	_ =	sdelay $0x1  }
0x68b: {  	v2 =	vmul.f32 $8.000000000e+00, v2;
	_ =	sdelay $0x1  }
0x68c: {  	[tilespmem:v3+s22+$0x0] =	vst.idx.msk $0xffff, v2  }
0x68d: {  	v2 =	vld.idx.msk [tilespmem:v4+s15+$0x0], $0xffff;
	_ =	sdelay $0x1  }
0x68e: {  	v3 =	vor.u32 v7, v0;
	v4 =	vmov v61  }
0x68f: {  	v61 =	vmovc v7;
	v7 =	vmov v62;
	v62 =	vmov v4;
	v4 =	vor.u32 v4, v1;
	_ =	sdelay $0x1  }
0x690: {  	v2 =	vmul.f32 $8.000000000e+00, v2;
	_ =	sdelay $0x1  }
0x691: {  	[tilespmem:v3+s22+$0x0] =	vst.idx.msk $0xffff, v2  }
0x692: {  	v2 =	vld.idx.msk [tilespmem:v4+s15+$0x0], $0xffff;
	_ =	sdelay $0x1  }
0x693: {  	v3 =	vor.u32 v7, v0;
	v4 =	vmov v63  }
0x694: {  	v4 =	vor.u32 v4, v1;
	_ =	sdelay $0x1  }
0x695: {  	v2 =	vmul.f32 $8.000000000e+00, v2;
	_ =	sdelay $0x1  }
0x696: {  	[tilespmem:v3+s22+$0x0] =	vst.idx.msk $0xffff, v2;
	v3 =	vld [tilespmem:$0x1FF90]  }
0x697: {  	v2 =	vld.idx.msk [tilespmem:v4+s15+$0x0], $0xffff  }
0x698: {  	v4 =	vld [tilespmem:$0x1FFA0];
	_ =	sdelay $0x3  }
0x699: {  	v3 =	vor.u32 v3, v0  }
0x69a: {  	v4 =	vor.u32 v4, v1;
	_ =	sdelay $0x1  }
0x69b: {  	v2 =	vmul.f32 $8.000000000e+00, v2;
	_ =	sdelay $0x1  }
0x69c: {  	[tilespmem:v3+s22+$0x0] =	vst.idx.msk $0xffff, v2  }
0x69d: {  	v2 =	vld.idx.msk [tilespmem:v4+s15+$0x0], $0xffff  }
0x69e: {  	v4 =	vld [tilespmem:$0x1FFC0];
	_ =	sdelay $0x3  }
0x69f: {  	v3 =	vor.u32 v5, v0  }
0x6a0: {  	v1 =	vor.u32 v4, v1;
	_ =	sdelay $0x1  }
0x6a1: {  	v2 =	vmul.f32 $8.000000000e+00, v2;
	_ =	sdelay $0x1  }
0x6a2: {  	[tilespmem:v3+s22+$0x0] =	vst.idx.msk $0xffff, v2  }
0x6a3: {  	s1 =	simm.s32 $0x1;
	v4 =	vld.idx.msk [tilespmem:v1+s15+$0x0], $0xffff;
	v1 =	vlaneseq.u32  }
0x6a4: {  	v2 =	vadd.s32 s1, v1  }
0x6a5: {  	v1 =	vand.u32 $0xF, v2;
	v5 =	vshll.u32 v2, $0x7;
	v2 =	vld [tilespmem:$0x1FFD0];
	_ =	sdelay $0x4  }
0x6a6: {  	v3 =	vor.u32 v2, v0  }
0x6a7: {  	s31 =	simm.s32 $0x2;
	v63 =	vmovc v7;
	v7 =	vmovc v6;
	v4 =	vmul.f32 $8.000000000e+00, v4;
	v2 =	vor.u32 v6, v1;
	v0 =	vand.u32 $0x780, v5  }
.LBB2_9:
0x6a8: {  	_ =	sdelay $0x2  }
0x6a9: {  	[tilespmem:v3+s22+$0x0] =	vst.idx.msk $0xffff, v4  }
0x6aa: {  	v2 =	vld.idx.msk [tilespmem:v2+s15+$0x0], $0xffff  }
0x6ab: {  	v5 =	vlaneseq.u32  }
0x6ac: {  	v3 =	vor.u32 v5, v0  }
0x6ad: {  	v4 =	vor.u32 v8, v1;
	_ =	sdelay $0x1  }
0x6ae: {  	v2 =	vmul.f32 $8.000000000e+00, v2;
	_ =	sdelay $0x1  }
0x6af: {  	[tilespmem:v3+s22+$0x0] =	vst.idx.msk $0xffff, v2  }
0x6b0: {  	v2 =	vld.idx.msk [tilespmem:v4+s15+$0x0], $0xffff;
	_ =	sdelay $0x1  }
0x6b1: {  	v3 =	vor.u32 v9, v0  }
0x6b2: {  	v4 =	vor.u32 v10, v1;
	_ =	sdelay $0x1  }
0x6b3: {  	v2 =	vmul.f32 $8.000000000e+00, v2;
	_ =	sdelay $0x1  }
0x6b4: {  	[tilespmem:v3+s22+$0x0] =	vst.idx.msk $0xffff, v2  }
0x6b5: {  	v2 =	vld.idx.msk [tilespmem:v4+s15+$0x0], $0xffff;
	_ =	sdelay $0x1  }
0x6b6: {  	v3 =	vor.u32 v11, v0  }
0x6b7: {  	v4 =	vor.u32 v12, v1;
	_ =	sdelay $0x1  }
0x6b8: {  	v2 =	vmul.f32 $8.000000000e+00, v2;
	_ =	sdelay $0x1  }
0x6b9: {  	[tilespmem:v3+s22+$0x0] =	vst.idx.msk $0xffff, v2  }
0x6ba: {  	v2 =	vld.idx.msk [tilespmem:v4+s15+$0x0], $0xffff;
	_ =	sdelay $0x1  }
0x6bb: {  	v3 =	vor.u32 v13, v0  }
0x6bc: {  	v4 =	vor.u32 v14, v1;
	_ =	sdelay $0x1  }
0x6bd: {  	v2 =	vmul.f32 $8.000000000e+00, v2;
	_ =	sdelay $0x1  }
0x6be: {  	[tilespmem:v3+s22+$0x0] =	vst.idx.msk $0xffff, v2  }
0x6bf: {  	v2 =	vld.idx.msk [tilespmem:v4+s15+$0x0], $0xffff;
	_ =	sdelay $0x1  }
0x6c0: {  	v3 =	vor.u32 v15, v0  }
0x6c1: {  	v4 =	vor.u32 v16, v1;
	_ =	sdelay $0x1  }
0x6c2: {  	v2 =	vmul.f32 $8.000000000e+00, v2;
	_ =	sdelay $0x1  }
0x6c3: {  	[tilespmem:v3+s22+$0x0] =	vst.idx.msk $0xffff, v2  }
0x6c4: {  	v2 =	vld.idx.msk [tilespmem:v4+s15+$0x0], $0xffff;
	_ =	sdelay $0x1  }
0x6c5: {  	v3 =	vor.u32 v17, v0  }
0x6c6: {  	v4 =	vor.u32 v18, v1;
	_ =	sdelay $0x1  }
0x6c7: {  	v2 =	vmul.f32 $8.000000000e+00, v2;
	_ =	sdelay $0x1  }
0x6c8: {  	[tilespmem:v3+s22+$0x0] =	vst.idx.msk $0xffff, v2  }
0x6c9: {  	v2 =	vld.idx.msk [tilespmem:v4+s15+$0x0], $0xffff;
	_ =	sdelay $0x1  }
0x6ca: {  	v3 =	vor.u32 v19, v0  }
0x6cb: {  	v4 =	vor.u32 v20, v1;
	_ =	sdelay $0x1  }
0x6cc: {  	v2 =	vmul.f32 $8.000000000e+00, v2;
	_ =	sdelay $0x1  }
0x6cd: {  	[tilespmem:v3+s22+$0x0] =	vst.idx.msk $0xffff, v2  }
0x6ce: {  	v2 =	vld.idx.msk [tilespmem:v4+s15+$0x0], $0xffff;
	_ =	sdelay $0x1  }
0x6cf: {  	v3 =	vor.u32 v21, v0  }
0x6d0: {  	v4 =	vor.u32 v22, v1;
	_ =	sdelay $0x1  }
0x6d1: {  	v2 =	vmul.f32 $8.000000000e+00, v2;
	_ =	sdelay $0x1  }
0x6d2: {  	[tilespmem:v3+s22+$0x0] =	vst.idx.msk $0xffff, v2  }
0x6d3: {  	v2 =	vld.idx.msk [tilespmem:v4+s15+$0x0], $0xffff;
	_ =	sdelay $0x1  }
0x6d4: {  	v3 =	vor.u32 v23, v0  }
0x6d5: {  	v4 =	vor.u32 v24, v1;
	_ =	sdelay $0x1  }
0x6d6: {  	v2 =	vmul.f32 $8.000000000e+00, v2;
	_ =	sdelay $0x1  }
0x6d7: {  	[tilespmem:v3+s22+$0x0] =	vst.idx.msk $0xffff, v2  }
0x6d8: {  	v2 =	vld.idx.msk [tilespmem:v4+s15+$0x0], $0xffff;
	_ =	sdelay $0x1  }
0x6d9: {  	v3 =	vor.u32 v25, v0  }
0x6da: {  	v4 =	vor.u32 v26, v1;
	_ =	sdelay $0x1  }
0x6db: {  	v2 =	vmul.f32 $8.000000000e+00, v2;
	_ =	sdelay $0x1  }
0x6dc: {  	[tilespmem:v3+s22+$0x0] =	vst.idx.msk $0xffff, v2  }
0x6dd: {  	v2 =	vld.idx.msk [tilespmem:v4+s15+$0x0], $0xffff;
	_ =	sdelay $0x1  }
0x6de: {  	v3 =	vor.u32 v27, v0  }
0x6df: {  	v4 =	vor.u32 v28, v1;
	_ =	sdelay $0x1  }
0x6e0: {  	v2 =	vmul.f32 $8.000000000e+00, v2;
	_ =	sdelay $0x1  }
0x6e1: {  	[tilespmem:v3+s22+$0x0] =	vst.idx.msk $0xffff, v2  }
0x6e2: {  	v2 =	vld.idx.msk [tilespmem:v4+s15+$0x0], $0xffff;
	_ =	sdelay $0x1  }
0x6e3: {  	v3 =	vor.u32 v29, v0  }
0x6e4: {  	v4 =	vor.u32 v30, v1;
	_ =	sdelay $0x1  }
0x6e5: {  	v2 =	vmul.f32 $8.000000000e+00, v2;
	_ =	sdelay $0x1  }
0x6e6: {  	[tilespmem:v3+s22+$0x0] =	vst.idx.msk $0xffff, v2  }
0x6e7: {  	v2 =	vld.idx.msk [tilespmem:v4+s15+$0x0], $0xffff;
	_ =	sdelay $0x1  }
0x6e8: {  	v3 =	vor.u32 v31, v0  }
0x6e9: {  	v4 =	vor.u32 v32, v1;
	_ =	sdelay $0x1  }
0x6ea: {  	v2 =	vmul.f32 $8.000000000e+00, v2;
	_ =	sdelay $0x1  }
0x6eb: {  	[tilespmem:v3+s22+$0x0] =	vst.idx.msk $0xffff, v2  }
0x6ec: {  	v2 =	vld.idx.msk [tilespmem:v4+s15+$0x0], $0xffff;
	_ =	sdelay $0x1  }
0x6ed: {  	v3 =	vor.u32 v33, v0  }
0x6ee: {  	v4 =	vor.u32 v34, v1;
	_ =	sdelay $0x1  }
0x6ef: {  	v2 =	vmul.f32 $8.000000000e+00, v2;
	_ =	sdelay $0x1  }
0x6f0: {  	[tilespmem:v3+s22+$0x0] =	vst.idx.msk $0xffff, v2  }
0x6f1: {  	v2 =	vld.idx.msk [tilespmem:v4+s15+$0x0], $0xffff;
	_ =	sdelay $0x1  }
0x6f2: {  	v3 =	vor.u32 v35, v0  }
0x6f3: {  	v4 =	vor.u32 v36, v1;
	_ =	sdelay $0x1  }
0x6f4: {  	v2 =	vmul.f32 $8.000000000e+00, v2;
	_ =	sdelay $0x1  }
0x6f5: {  	[tilespmem:v3+s22+$0x0] =	vst.idx.msk $0xffff, v2  }
0x6f6: {  	v2 =	vld.idx.msk [tilespmem:v4+s15+$0x0], $0xffff;
	_ =	sdelay $0x1  }
0x6f7: {  	v3 =	vor.u32 v37, v0  }
0x6f8: {  	v4 =	vor.u32 v38, v1;
	_ =	sdelay $0x1  }
0x6f9: {  	v2 =	vmul.f32 $8.000000000e+00, v2;
	_ =	sdelay $0x1  }
0x6fa: {  	[tilespmem:v3+s22+$0x0] =	vst.idx.msk $0xffff, v2  }
0x6fb: {  	v2 =	vld.idx.msk [tilespmem:v4+s15+$0x0], $0xffff;
	_ =	sdelay $0x1  }
0x6fc: {  	v3 =	vor.u32 v39, v0  }
0x6fd: {  	v4 =	vor.u32 v40, v1;
	_ =	sdelay $0x1  }
0x6fe: {  	v2 =	vmul.f32 $8.000000000e+00, v2;
	_ =	sdelay $0x1  }
0x6ff: {  	[tilespmem:v3+s22+$0x0] =	vst.idx.msk $0xffff, v2  }
0x700: {  	v2 =	vld.idx.msk [tilespmem:v4+s15+$0x0], $0xffff;
	_ =	sdelay $0x1  }
0x701: {  	v3 =	vor.u32 v41, v0  }
0x702: {  	v4 =	vor.u32 v42, v1;
	_ =	sdelay $0x1  }
0x703: {  	v2 =	vmul.f32 $8.000000000e+00, v2;
	_ =	sdelay $0x1  }
0x704: {  	[tilespmem:v3+s22+$0x0] =	vst.idx.msk $0xffff, v2  }
0x705: {  	v2 =	vld.idx.msk [tilespmem:v4+s15+$0x0], $0xffff;
	_ =	sdelay $0x1  }
0x706: {  	v3 =	vor.u32 v43, v0  }
0x707: {  	v4 =	vor.u32 v44, v1;
	_ =	sdelay $0x1  }
0x708: {  	v2 =	vmul.f32 $8.000000000e+00, v2;
	_ =	sdelay $0x1  }
0x709: {  	[tilespmem:v3+s22+$0x0] =	vst.idx.msk $0xffff, v2  }
0x70a: {  	v2 =	vld.idx.msk [tilespmem:v4+s15+$0x0], $0xffff;
	_ =	sdelay $0x1  }
0x70b: {  	v3 =	vor.u32 v45, v0  }
0x70c: {  	v4 =	vor.u32 v46, v1;
	_ =	sdelay $0x1  }
0x70d: {  	v2 =	vmul.f32 $8.000000000e+00, v2;
	_ =	sdelay $0x1  }
0x70e: {  	[tilespmem:v3+s22+$0x0] =	vst.idx.msk $0xffff, v2  }
0x70f: {  	v2 =	vld.idx.msk [tilespmem:v4+s15+$0x0], $0xffff;
	_ =	sdelay $0x1  }
0x710: {  	v3 =	vor.u32 v47, v0  }
0x711: {  	v4 =	vor.u32 v48, v1;
	_ =	sdelay $0x1  }
0x712: {  	v2 =	vmul.f32 $8.000000000e+00, v2;
	_ =	sdelay $0x1  }
0x713: {  	[tilespmem:v3+s22+$0x0] =	vst.idx.msk $0xffff, v2  }
0x714: {  	v2 =	vld.idx.msk [tilespmem:v4+s15+$0x0], $0xffff;
	_ =	sdelay $0x1  }
0x715: {  	v3 =	vor.u32 v49, v0  }
0x716: {  	v4 =	vor.u32 v50, v1;
	_ =	sdelay $0x1  }
0x717: {  	v2 =	vmul.f32 $8.000000000e+00, v2;
	_ =	sdelay $0x1  }
0x718: {  	[tilespmem:v3+s22+$0x0] =	vst.idx.msk $0xffff, v2  }
0x719: {  	v2 =	vld.idx.msk [tilespmem:v4+s15+$0x0], $0xffff;
	_ =	sdelay $0x1  }
0x71a: {  	v3 =	vor.u32 v51, v0  }
0x71b: {  	v4 =	vor.u32 v52, v1;
	_ =	sdelay $0x1  }
0x71c: {  	v2 =	vmul.f32 $8.000000000e+00, v2;
	_ =	sdelay $0x1  }
0x71d: {  	[tilespmem:v3+s22+$0x0] =	vst.idx.msk $0xffff, v2  }
0x71e: {  	v2 =	vld.idx.msk [tilespmem:v4+s15+$0x0], $0xffff;
	_ =	sdelay $0x1  }
0x71f: {  	v3 =	vor.u32 v53, v0  }
0x720: {  	v4 =	vor.u32 v54, v1;
	_ =	sdelay $0x1  }
0x721: {  	v2 =	vmul.f32 $8.000000000e+00, v2;
	_ =	sdelay $0x1  }
0x722: {  	[tilespmem:v3+s22+$0x0] =	vst.idx.msk $0xffff, v2  }
0x723: {  	v2 =	vld.idx.msk [tilespmem:v4+s15+$0x0], $0xffff;
	_ =	sdelay $0x1  }
0x724: {  	v3 =	vor.u32 v55, v0  }
0x725: {  	v4 =	vor.u32 v56, v1;
	_ =	sdelay $0x1  }
0x726: {  	v2 =	vmul.f32 $8.000000000e+00, v2;
	_ =	sdelay $0x1  }
0x727: {  	[tilespmem:v3+s22+$0x0] =	vst.idx.msk $0xffff, v2  }
0x728: {  	v2 =	vld.idx.msk [tilespmem:v4+s15+$0x0], $0xffff;
	_ =	sdelay $0x1  }
0x729: {  	v3 =	vor.u32 v57, v0  }
0x72a: {  	v4 =	vor.u32 v58, v1;
	_ =	sdelay $0x1  }
0x72b: {  	v2 =	vmul.f32 $8.000000000e+00, v2;
	_ =	sdelay $0x1  }
0x72c: {  	[tilespmem:v3+s22+$0x0] =	vst.idx.msk $0xffff, v2  }
0x72d: {  	v2 =	vld.idx.msk [tilespmem:v4+s15+$0x0], $0xffff;
	_ =	sdelay $0x1  }
0x72e: {  	v3 =	vor.u32 v59, v0  }
0x72f: {  	v4 =	vor.u32 v60, v1;
	_ =	sdelay $0x1  }
0x730: {  	v2 =	vmul.f32 $8.000000000e+00, v2;
	_ =	sdelay $0x1  }
0x731: {  	[tilespmem:v3+s22+$0x0] =	vst.idx.msk $0xffff, v2  }
0x732: {  	v2 =	vld.idx.msk [tilespmem:v4+s15+$0x0], $0xffff;
	_ =	sdelay $0x1  }
0x733: {  	v3 =	vor.u32 v61, v0  }
0x734: {  	v4 =	vor.u32 v62, v1;
	_ =	sdelay $0x1  }
0x735: {  	v2 =	vmul.f32 $8.000000000e+00, v2;
	_ =	sdelay $0x1  }
0x736: {  	[tilespmem:v3+s22+$0x0] =	vst.idx.msk $0xffff, v2  }
0x737: {  	v2 =	vld.idx.msk [tilespmem:v4+s15+$0x0], $0xffff  }
0x738: {  	v4 =	vld [tilespmem:$0x1FFF0];
	_ =	sdelay $0x3  }
0x739: {  	v3 =	vor.u32 v63, v0  }
0x73a: {  	v4 =	vor.u32 v4, v1;
	_ =	sdelay $0x1  }
0x73b: {  	v2 =	vmul.f32 $8.000000000e+00, v2;
	_ =	sdelay $0x1  }
0x73c: {  	[tilespmem:v3+s22+$0x0] =	vst.idx.msk $0xffff, v2;
	v3 =	vld [tilespmem:$0x1FF90]  }
0x73d: {  	v2 =	vld.idx.msk [tilespmem:v4+s15+$0x0], $0xffff  }
0x73e: {  	v4 =	vld [tilespmem:$0x1FFA0];
	_ =	sdelay $0x3  }
0x73f: {  	v3 =	vor.u32 v3, v0  }
0x740: {  	v4 =	vor.u32 v4, v1;
	_ =	sdelay $0x1  }
0x741: {  	v2 =	vmul.f32 $8.000000000e+00, v2;
	_ =	sdelay $0x1  }
0x742: {  	[tilespmem:v3+s22+$0x0] =	vst.idx.msk $0xffff, v2;
	v3 =	vld [tilespmem:$0x1FFB0]  }
0x743: {  	v2 =	vld.idx.msk [tilespmem:v4+s15+$0x0], $0xffff  }
0x744: {  	v4 =	vld [tilespmem:$0x1FFC0];
	_ =	sdelay $0x3  }
0x745: {  	v3 =	vor.u32 v3, v0  }
0x746: {  	v1 =	vor.u32 v4, v1;
	_ =	sdelay $0x1  }
0x747: {  	v2 =	vmul.f32 $8.000000000e+00, v2;
	_ =	sdelay $0x1  }
0x748: {  	s1 =	smov.u32 s31;
	[tilespmem:v3+s22+$0x0] =	vst.idx.msk $0xffff, v2  }
0x749: {  	v2 =	vadd.s32 s1, v5;
	v4 =	vld.idx.msk [tilespmem:v1+s15+$0x0], $0xffff  }
0x74a: {  	v5 =	vshll.u32 v2, $0x7;
	v1 =	vand.u32 $0xF, v2;
	v2 =	vld [tilespmem:$0x1FFD0]  }
0x74b: {  	p0 =	sne.s32 s31, $0xF  }
.Ltmp3:
0x74c: {  	_ = 	snop;
	(pc) =	sbr.rel @p0 .LBB2_9-.Ltmp3, $3  }
0x74d: {  	_ =	sdelay $0x1  }
0x74e: {  	v6 =	vlaneseq.u32;
	v3 =	vor.u32 v2, v0  }
0x74f: {  	s31 =	sadd.s32 $0x1, s31;
	v2 =	vor.u32 v7, v1;
	v0 =	vand.u32 $0x780, v5;
	v4 =	vmul.f32 $8.000000000e+00, v4  }
0x750: {  	_ =	sdelay $0x3  }
0x751: {  	[tilespmem:v3+s22+$0x0] =	vst.idx.msk $0xffff, v4  }
0x752: {  	v2 =	vld.idx.msk [tilespmem:v2+s15+$0x0], $0xffff;
	_ =	sdelay $0x1  }
0x753: {  	v3 =	vor.u32 v6, v0  }
0x754: {  	v4 =	vor.u32 v8, v1;
	_ =	sdelay $0x1  }
0x755: {  	v2 =	vmul.f32 $8.000000000e+00, v2;
	_ =	sdelay $0x1  }
0x756: {  	[tilespmem:v3+s22+$0x0] =	vst.idx.msk $0xffff, v2  }
0x757: {  	v2 =	vld.idx.msk [tilespmem:v4+s15+$0x0], $0xffff;
	_ =	sdelay $0x1  }
0x758: {  	v3 =	vor.u32 v9, v0  }
0x759: {  	v4 =	vor.u32 v10, v1;
	_ =	sdelay $0x1  }
0x75a: {  	v2 =	vmul.f32 $8.000000000e+00, v2;
	_ =	sdelay $0x1  }
0x75b: {  	[tilespmem:v3+s22+$0x0] =	vst.idx.msk $0xffff, v2  }
0x75c: {  	v2 =	vld.idx.msk [tilespmem:v4+s15+$0x0], $0xffff;
	_ =	sdelay $0x1  }
0x75d: {  	v3 =	vor.u32 v11, v0  }
0x75e: {  	v4 =	vor.u32 v12, v1;
	_ =	sdelay $0x1  }
0x75f: {  	v2 =	vmul.f32 $8.000000000e+00, v2;
	_ =	sdelay $0x1  }
0x760: {  	[tilespmem:v3+s22+$0x0] =	vst.idx.msk $0xffff, v2  }
0x761: {  	v2 =	vld.idx.msk [tilespmem:v4+s15+$0x0], $0xffff;
	_ =	sdelay $0x1  }
0x762: {  	v3 =	vor.u32 v13, v0  }
0x763: {  	v4 =	vor.u32 v14, v1;
	_ =	sdelay $0x1  }
0x764: {  	v2 =	vmul.f32 $8.000000000e+00, v2;
	_ =	sdelay $0x1  }
0x765: {  	[tilespmem:v3+s22+$0x0] =	vst.idx.msk $0xffff, v2  }
0x766: {  	v2 =	vld.idx.msk [tilespmem:v4+s15+$0x0], $0xffff;
	_ =	sdelay $0x1  }
0x767: {  	v3 =	vor.u32 v15, v0  }
0x768: {  	v4 =	vor.u32 v16, v1;
	_ =	sdelay $0x1  }
0x769: {  	v2 =	vmul.f32 $8.000000000e+00, v2;
	_ =	sdelay $0x1  }
0x76a: {  	[tilespmem:v3+s22+$0x0] =	vst.idx.msk $0xffff, v2  }
0x76b: {  	v2 =	vld.idx.msk [tilespmem:v4+s15+$0x0], $0xffff;
	_ =	sdelay $0x1  }
0x76c: {  	v3 =	vor.u32 v17, v0  }
0x76d: {  	v4 =	vor.u32 v18, v1;
	_ =	sdelay $0x1  }
0x76e: {  	v2 =	vmul.f32 $8.000000000e+00, v2;
	_ =	sdelay $0x1  }
0x76f: {  	[tilespmem:v3+s22+$0x0] =	vst.idx.msk $0xffff, v2  }
0x770: {  	v2 =	vld.idx.msk [tilespmem:v4+s15+$0x0], $0xffff;
	_ =	sdelay $0x1  }
0x771: {  	v3 =	vor.u32 v19, v0  }
0x772: {  	v4 =	vor.u32 v20, v1;
	_ =	sdelay $0x1  }
0x773: {  	v2 =	vmul.f32 $8.000000000e+00, v2;
	_ =	sdelay $0x1  }
0x774: {  	[tilespmem:v3+s22+$0x0] =	vst.idx.msk $0xffff, v2  }
0x775: {  	v2 =	vld.idx.msk [tilespmem:v4+s15+$0x0], $0xffff;
	_ =	sdelay $0x1  }
0x776: {  	v3 =	vor.u32 v21, v0  }
0x777: {  	v4 =	vor.u32 v22, v1;
	_ =	sdelay $0x1  }
0x778: {  	v2 =	vmul.f32 $8.000000000e+00, v2;
	_ =	sdelay $0x1  }
0x779: {  	[tilespmem:v3+s22+$0x0] =	vst.idx.msk $0xffff, v2  }
0x77a: {  	v2 =	vld.idx.msk [tilespmem:v4+s15+$0x0], $0xffff;
	_ =	sdelay $0x1  }
0x77b: {  	v3 =	vor.u32 v23, v0  }
0x77c: {  	v4 =	vor.u32 v24, v1;
	_ =	sdelay $0x1  }
0x77d: {  	v2 =	vmul.f32 $8.000000000e+00, v2;
	_ =	sdelay $0x1  }
0x77e: {  	[tilespmem:v3+s22+$0x0] =	vst.idx.msk $0xffff, v2  }
0x77f: {  	v2 =	vld.idx.msk [tilespmem:v4+s15+$0x0], $0xffff;
	_ =	sdelay $0x1  }
0x780: {  	v3 =	vor.u32 v25, v0  }
0x781: {  	v4 =	vor.u32 v26, v1;
	_ =	sdelay $0x1  }
0x782: {  	v2 =	vmul.f32 $8.000000000e+00, v2;
	_ =	sdelay $0x1  }
0x783: {  	[tilespmem:v3+s22+$0x0] =	vst.idx.msk $0xffff, v2  }
0x784: {  	v2 =	vld.idx.msk [tilespmem:v4+s15+$0x0], $0xffff;
	_ =	sdelay $0x1  }
0x785: {  	v3 =	vor.u32 v27, v0  }
0x786: {  	v4 =	vor.u32 v28, v1;
	_ =	sdelay $0x1  }
0x787: {  	v2 =	vmul.f32 $8.000000000e+00, v2;
	_ =	sdelay $0x1  }
0x788: {  	[tilespmem:v3+s22+$0x0] =	vst.idx.msk $0xffff, v2  }
0x789: {  	v2 =	vld.idx.msk [tilespmem:v4+s15+$0x0], $0xffff;
	_ =	sdelay $0x1  }
0x78a: {  	v3 =	vor.u32 v29, v0  }
0x78b: {  	v4 =	vor.u32 v30, v1;
	_ =	sdelay $0x1  }
0x78c: {  	v2 =	vmul.f32 $8.000000000e+00, v2;
	_ =	sdelay $0x1  }
0x78d: {  	[tilespmem:v3+s22+$0x0] =	vst.idx.msk $0xffff, v2  }
0x78e: {  	v2 =	vld.idx.msk [tilespmem:v4+s15+$0x0], $0xffff;
	_ =	sdelay $0x1  }
0x78f: {  	v3 =	vor.u32 v31, v0  }
0x790: {  	v4 =	vor.u32 v32, v1;
	_ =	sdelay $0x1  }
0x791: {  	v2 =	vmul.f32 $8.000000000e+00, v2;
	_ =	sdelay $0x1  }
0x792: {  	[tilespmem:v3+s22+$0x0] =	vst.idx.msk $0xffff, v2  }
0x793: {  	v2 =	vld.idx.msk [tilespmem:v4+s15+$0x0], $0xffff;
	_ =	sdelay $0x1  }
0x794: {  	v3 =	vor.u32 v33, v0  }
0x795: {  	v4 =	vor.u32 v34, v1;
	_ =	sdelay $0x1  }
0x796: {  	v2 =	vmul.f32 $8.000000000e+00, v2;
	_ =	sdelay $0x1  }
0x797: {  	[tilespmem:v3+s22+$0x0] =	vst.idx.msk $0xffff, v2  }
0x798: {  	v2 =	vld.idx.msk [tilespmem:v4+s15+$0x0], $0xffff;
	_ =	sdelay $0x1  }
0x799: {  	v3 =	vor.u32 v35, v0  }
0x79a: {  	v4 =	vor.u32 v36, v1;
	_ =	sdelay $0x1  }
0x79b: {  	v2 =	vmul.f32 $8.000000000e+00, v2;
	_ =	sdelay $0x1  }
0x79c: {  	[tilespmem:v3+s22+$0x0] =	vst.idx.msk $0xffff, v2  }
0x79d: {  	v2 =	vld.idx.msk [tilespmem:v4+s15+$0x0], $0xffff;
	_ =	sdelay $0x1  }
0x79e: {  	v3 =	vor.u32 v37, v0  }
0x79f: {  	v4 =	vor.u32 v38, v1;
	_ =	sdelay $0x1  }
0x7a0: {  	v2 =	vmul.f32 $8.000000000e+00, v2;
	_ =	sdelay $0x1  }
0x7a1: {  	[tilespmem:v3+s22+$0x0] =	vst.idx.msk $0xffff, v2  }
0x7a2: {  	v2 =	vld.idx.msk [tilespmem:v4+s15+$0x0], $0xffff;
	_ =	sdelay $0x1  }
0x7a3: {  	v3 =	vor.u32 v39, v0  }
0x7a4: {  	v4 =	vor.u32 v40, v1;
	_ =	sdelay $0x1  }
0x7a5: {  	v2 =	vmul.f32 $8.000000000e+00, v2;
	_ =	sdelay $0x1  }
0x7a6: {  	[tilespmem:v3+s22+$0x0] =	vst.idx.msk $0xffff, v2  }
0x7a7: {  	v2 =	vld.idx.msk [tilespmem:v4+s15+$0x0], $0xffff;
	_ =	sdelay $0x1  }
0x7a8: {  	v3 =	vor.u32 v41, v0  }
0x7a9: {  	v4 =	vor.u32 v42, v1;
	_ =	sdelay $0x1  }
0x7aa: {  	v2 =	vmul.f32 $8.000000000e+00, v2;
	_ =	sdelay $0x1  }
0x7ab: {  	[tilespmem:v3+s22+$0x0] =	vst.idx.msk $0xffff, v2  }
0x7ac: {  	v2 =	vld.idx.msk [tilespmem:v4+s15+$0x0], $0xffff;
	_ =	sdelay $0x1  }
0x7ad: {  	v3 =	vor.u32 v43, v0  }
0x7ae: {  	v4 =	vor.u32 v44, v1;
	_ =	sdelay $0x1  }
0x7af: {  	v2 =	vmul.f32 $8.000000000e+00, v2;
	_ =	sdelay $0x1  }
0x7b0: {  	[tilespmem:v3+s22+$0x0] =	vst.idx.msk $0xffff, v2  }
0x7b1: {  	v2 =	vld.idx.msk [tilespmem:v4+s15+$0x0], $0xffff;
	_ =	sdelay $0x1  }
0x7b2: {  	v3 =	vor.u32 v45, v0  }
0x7b3: {  	v4 =	vor.u32 v46, v1;
	_ =	sdelay $0x1  }
0x7b4: {  	v2 =	vmul.f32 $8.000000000e+00, v2;
	_ =	sdelay $0x1  }
0x7b5: {  	[tilespmem:v3+s22+$0x0] =	vst.idx.msk $0xffff, v2  }
0x7b6: {  	v2 =	vld.idx.msk [tilespmem:v4+s15+$0x0], $0xffff;
	_ =	sdelay $0x1  }
0x7b7: {  	v3 =	vor.u32 v47, v0  }
0x7b8: {  	v4 =	vor.u32 v48, v1;
	_ =	sdelay $0x1  }
0x7b9: {  	v2 =	vmul.f32 $8.000000000e+00, v2;
	_ =	sdelay $0x1  }
0x7ba: {  	[tilespmem:v3+s22+$0x0] =	vst.idx.msk $0xffff, v2  }
0x7bb: {  	v2 =	vld.idx.msk [tilespmem:v4+s15+$0x0], $0xffff;
	_ =	sdelay $0x1  }
0x7bc: {  	v3 =	vor.u32 v49, v0  }
0x7bd: {  	v4 =	vor.u32 v50, v1;
	_ =	sdelay $0x1  }
0x7be: {  	v2 =	vmul.f32 $8.000000000e+00, v2;
	_ =	sdelay $0x1  }
0x7bf: {  	[tilespmem:v3+s22+$0x0] =	vst.idx.msk $0xffff, v2  }
0x7c0: {  	v2 =	vld.idx.msk [tilespmem:v4+s15+$0x0], $0xffff;
	_ =	sdelay $0x1  }
0x7c1: {  	v3 =	vor.u32 v51, v0  }
0x7c2: {  	v4 =	vor.u32 v52, v1;
	_ =	sdelay $0x1  }
0x7c3: {  	v2 =	vmul.f32 $8.000000000e+00, v2;
	_ =	sdelay $0x1  }
0x7c4: {  	[tilespmem:v3+s22+$0x0] =	vst.idx.msk $0xffff, v2  }
0x7c5: {  	v2 =	vld.idx.msk [tilespmem:v4+s15+$0x0], $0xffff;
	_ =	sdelay $0x1  }
0x7c6: {  	v3 =	vor.u32 v53, v0  }
0x7c7: {  	v4 =	vor.u32 v54, v1;
	_ =	sdelay $0x1  }
0x7c8: {  	v2 =	vmul.f32 $8.000000000e+00, v2;
	_ =	sdelay $0x1  }
0x7c9: {  	[tilespmem:v3+s22+$0x0] =	vst.idx.msk $0xffff, v2  }
0x7ca: {  	v2 =	vld.idx.msk [tilespmem:v4+s15+$0x0], $0xffff;
	_ =	sdelay $0x1  }
0x7cb: {  	v3 =	vor.u32 v55, v0  }
0x7cc: {  	v4 =	vor.u32 v56, v1;
	_ =	sdelay $0x1  }
0x7cd: {  	v2 =	vmul.f32 $8.000000000e+00, v2;
	_ =	sdelay $0x1  }
0x7ce: {  	[tilespmem:v3+s22+$0x0] =	vst.idx.msk $0xffff, v2  }
0x7cf: {  	v2 =	vld.idx.msk [tilespmem:v4+s15+$0x0], $0xffff;
	_ =	sdelay $0x1  }
0x7d0: {  	v3 =	vor.u32 v57, v0  }
0x7d1: {  	v4 =	vor.u32 v58, v1;
	_ =	sdelay $0x1  }
0x7d2: {  	v2 =	vmul.f32 $8.000000000e+00, v2;
	_ =	sdelay $0x1  }
0x7d3: {  	[tilespmem:v3+s22+$0x0] =	vst.idx.msk $0xffff, v2  }
0x7d4: {  	v2 =	vld.idx.msk [tilespmem:v4+s15+$0x0], $0xffff;
	_ =	sdelay $0x1  }
0x7d5: {  	v3 =	vor.u32 v59, v0  }
0x7d6: {  	v7 =	vmov v8;
	v8 =	vmov v9;
	v4 =	vor.u32 v60, v1  }
0x7d7: {  	v9 =	vmovc v10;
	v10 =	vmovc v11;
	v11 =	vmov v12;
	v12 =	vmov v13;
	v13 =	vmov v14  }
0x7d8: {  	v14 =	vmovc v15;
	v15 =	vmovc v16;
	v16 =	vmov v17;
	v17 =	vmov v18;
	v2 =	vmul.f32 $8.000000000e+00, v2  }
0x7d9: {  	v18 =	vmovc v19;
	v19 =	vmovc v20;
	v20 =	vmov v21;
	v21 =	vmov v22;
	v22 =	vmov v23  }
0x7da: {  	v23 =	vmovc v24;
	v24 =	vmovc v25;
	v25 =	vmov v26;
	v26 =	vmov v27;
	v27 =	vmov v28;
	[tilespmem:v3+s22+$0x0] =	vst.idx.msk $0xffff, v2  }
0x7db: {  	v28 =	vmovc v29;
	v29 =	vmovc v30;
	v30 =	vmov v31;
	v31 =	vmov v32;
	v32 =	vmov v33;
	v2 =	vld.idx.msk [tilespmem:v4+s15+$0x0], $0xffff  }
0x7dc: {  	v33 =	vmovc v34;
	v34 =	vmovc v35;
	v35 =	vmov v36;
	v36 =	vmov v37;
	v37 =	vmov v38  }
0x7dd: {  	v38 =	vmovc v39;
	v39 =	vmovc v40;
	v40 =	vmov v41;
	v41 =	vmov v42;
	v3 =	vor.u32 v61, v0  }
0x7de: {  	v42 =	vmovc v43;
	v43 =	vmovc v44;
	v44 =	vmov v45;
	v45 =	vmov v46;
	v46 =	vmov v47  }
0x7df: {  	v47 =	vmovc v48;
	v48 =	vmovc v49;
	v49 =	vmov v50;
	v50 =	vmov v51;
	v4 =	vor.u32 v62, v1  }
0x7e0: {  	v51 =	vmovc v52;
	v52 =	vmovc v53;
	v53 =	vmov v54;
	v54 =	vmov v55;
	v2 =	vmul.f32 $8.000000000e+00, v2  }
0x7e1: {  	v55 =	vmovc v56;
	v56 =	vmovc v57;
	v57 =	vmov v58;
	v58 =	vmov v59;
	v59 =	vmov v60  }
0x7e2: {  	v60 =	vmovc v61;
	v61 =	vmov v62;
	v62 =	vmov v63;
	[tilespmem:v3+s22+$0x0] =	vst.idx.msk $0xffff, v2;
	v3 =	vor.u32 v63, v0;
	v63 =	vld [tilespmem:$0x1FFF0];
	_ =	sdelay $0x1  }
0x7e3: {  	v2 =	vld.idx.msk [tilespmem:v4+s15+$0x0], $0xffff;
	_ =	sdelay $0x2  }
0x7e4: {  	v4 =	vor.u32 v63, v1;
	_ =	sdelay $0x1  }
0x7e5: {  	v2 =	vmul.f32 $8.000000000e+00, v2;
	_ =	sdelay $0x1  }
0x7e6: {  	[tilespmem:v3+s22+$0x0] =	vst.idx.msk $0xffff, v2;
	v3 =	vld [tilespmem:$0x1FF90]  }
0x7e7: {  	v2 =	vld.idx.msk [tilespmem:v4+s15+$0x0], $0xffff  }
0x7e8: {  	v4 =	vld [tilespmem:$0x1FFA0];
	_ =	sdelay $0x2  }
0x7e9: {  	v3 =	vor.u32 v3, v0;
	_ =	sdelay $0x1  }
0x7ea: {  	v4 =	vor.u32 v4, v1  }
0x7eb: {  	v2 =	vmul.f32 $8.000000000e+00, v2;
	_ =	sdelay $0x1  }
0x7ec: {  	[tilespmem:v3+s22+$0x0] =	vst.idx.msk $0xffff, v2;
	v3 =	vld [tilespmem:$0x1FFB0];
	_ =	sdelay $0x1  }
0x7ed: {  	v2 =	vld.idx.msk [tilespmem:v4+s15+$0x0], $0xffff  }
0x7ee: {  	v4 =	vld [tilespmem:$0x1FFC0];
	_ =	sdelay $0x1  }
0x7ef: {  	v3 =	vor.u32 v3, v0;
	_ =	sdelay $0x2  }
0x7f0: {  	v1 =	vor.u32 v4, v1;
	v2 =	vmul.f32 $8.000000000e+00, v2;
	_ =	sdelay $0x1  }
0x7f1: {  	[tilespmem:v3+s22+$0x0] =	vst.idx.msk $0xffff, v2;
	v2 =	vld [tilespmem:$0x1FFD0];
	_ =	sdelay $0x2  }
0x7f2: {  	v1 =	vld.idx.msk [tilespmem:v1+s15+$0x0], $0xffff;
	_ =	sdelay $0x1  }
0x7f3: {  	s1 =	sadd.s32 s29, s4;
	v0 =	vor.u32 v2, v0  }
0x7f4: {  	s1 =	sadd.s32 $0x1, s1  }
0x7f5: {  	s28 =	sadd.s32 $0x1, s28;
	s31 =	sshll.u32 s1, $0x7  }
0x7f6: {  	p0 =	sne.s32 s28, $0x63;
	s1 =	sshll.u32 s1, $0xA;
	s29 =	sand.u32 $0xF80, s31;
	v1 =	vmul.f32 $8.000000000e+00, v1  }
.Ltmp4:
0x7f7: {  	s1 =	sand.u32 $0xFFF8000, s1;
	s29 =	sadd.s32 s2, s29;
	(pc) =	sbr.rel @p0 .LBB2_6-.Ltmp4, $4  }
0x7f8: {  	s1 =	sadd.s32 s1, s29;
	[tilespmem:v0+s22+$0x0] =	vst.idx.msk $0xffff, v1  }
0x7f9: {  	[hbm4b:s1+s18] =	stream.strided.scatter [tilespmem:s22], [sflag:$0x4], $0x2000, s19, s18, $0x38;
	[tilespmem:$0xE400] =	vst v63  }
0x7fa: {  	s31 =	sadd.s32 $0x180, s30  }
0x7fb: {  	[tilespmem:s15], [sflag:$0x2] =	stream.indirect.gather [hbm4b:s5+s13], $0x40, s31, s13, $0xb8;
	[tilespmem:$0xE400] =	vst v63  }
0x7fc: {  	_ =	swait.ge [sflag:s16], $0x2000  }
0x7fd: {  	v6 =	vld [tilespmem:$0x1FFE0];
	_ =	sdelay $0x1  }
0x7fe: {  	s1 =	simm.s32 $0x0;
	v5 =	vlaneseq.u32  }
0x7ff: {  	v0 =	vadd.s32 s1, v5  }
0x800: {  	v1 =	vand.u32 $0xF, v0  }
0x801: {  	[sflag:s16] =	ssyncset.done $0x0;
	v2 =	vor.u32 v6, v1  }
0x802: {  	[sflag:s16] =	ssyncadd.s32 $0xFFFFE000  }
0x803: {  	_ =	swait.ge [sflag:s24], $0x2000  }
0x804: {  	[sflag:s24] =	ssyncset.done $0x0  }
0x805: {  	[sflag:s24] =	ssyncadd.s32 $0xFFFFE000  }
0x806: {  	v0 =	vshll.u32 v0, $0x7;
	v2 =	vld.idx.msk [tilespmem:v2+s14+$0x0], $0xffff  }
0x807: {  	v0 =	vand.u32 $0x780, v0  }
0x808: {  	v3 =	vor.u32 v5, v0  }
0x809: {  	v4 =	vor.u32 v7, v1;
	_ =	sdelay $0x1  }
0x80a: {  	v2 =	vmul.f32 $8.000000000e+00, v2;
	_ =	sdelay $0x1  }
0x80b: {  	[tilespmem:v3+s17+$0x0] =	vst.idx.msk $0xffff, v2  }
0x80c: {  	v2 =	vld.idx.msk [tilespmem:v4+s14+$0x0], $0xffff;
	_ =	sdelay $0x1  }
0x80d: {  	v3 =	vor.u32 v8, v0  }
0x80e: {  	v4 =	vor.u32 v9, v1;
	_ =	sdelay $0x1  }
0x80f: {  	v2 =	vmul.f32 $8.000000000e+00, v2;
	_ =	sdelay $0x1  }
0x810: {  	[tilespmem:v3+s17+$0x0] =	vst.idx.msk $0xffff, v2  }
0x811: {  	v2 =	vld.idx.msk [tilespmem:v4+s14+$0x0], $0xffff;
	_ =	sdelay $0x1  }
0x812: {  	v3 =	vor.u32 v10, v0  }
0x813: {  	v4 =	vor.u32 v11, v1;
	_ =	sdelay $0x1  }
0x814: {  	v2 =	vmul.f32 $8.000000000e+00, v2;
	_ =	sdelay $0x1  }
0x815: {  	[tilespmem:v3+s17+$0x0] =	vst.idx.msk $0xffff, v2  }
0x816: {  	v2 =	vld.idx.msk [tilespmem:v4+s14+$0x0], $0xffff;
	_ =	sdelay $0x1  }
0x817: {  	v3 =	vor.u32 v12, v0  }
0x818: {  	v4 =	vor.u32 v13, v1;
	_ =	sdelay $0x1  }
0x819: {  	v2 =	vmul.f32 $8.000000000e+00, v2;
	_ =	sdelay $0x1  }
0x81a: {  	[tilespmem:v3+s17+$0x0] =	vst.idx.msk $0xffff, v2  }
0x81b: {  	v2 =	vld.idx.msk [tilespmem:v4+s14+$0x0], $0xffff;
	_ =	sdelay $0x1  }
0x81c: {  	v3 =	vor.u32 v14, v0  }
0x81d: {  	v4 =	vor.u32 v15, v1;
	_ =	sdelay $0x1  }
0x81e: {  	v2 =	vmul.f32 $8.000000000e+00, v2;
	_ =	sdelay $0x1  }
0x81f: {  	[tilespmem:v3+s17+$0x0] =	vst.idx.msk $0xffff, v2  }
0x820: {  	v2 =	vld.idx.msk [tilespmem:v4+s14+$0x0], $0xffff;
	_ =	sdelay $0x1  }
0x821: {  	v3 =	vor.u32 v16, v0  }
0x822: {  	v4 =	vor.u32 v17, v1;
	_ =	sdelay $0x1  }
0x823: {  	v2 =	vmul.f32 $8.000000000e+00, v2;
	_ =	sdelay $0x1  }
0x824: {  	[tilespmem:v3+s17+$0x0] =	vst.idx.msk $0xffff, v2  }
0x825: {  	v2 =	vld.idx.msk [tilespmem:v4+s14+$0x0], $0xffff;
	_ =	sdelay $0x1  }
0x826: {  	v3 =	vor.u32 v18, v0  }
0x827: {  	v4 =	vor.u32 v19, v1;
	_ =	sdelay $0x1  }
0x828: {  	v2 =	vmul.f32 $8.000000000e+00, v2;
	_ =	sdelay $0x1  }
0x829: {  	[tilespmem:v3+s17+$0x0] =	vst.idx.msk $0xffff, v2  }
0x82a: {  	v2 =	vld.idx.msk [tilespmem:v4+s14+$0x0], $0xffff;
	_ =	sdelay $0x1  }
0x82b: {  	v3 =	vor.u32 v20, v0  }
0x82c: {  	v4 =	vor.u32 v21, v1;
	_ =	sdelay $0x1  }
0x82d: {  	v2 =	vmul.f32 $8.000000000e+00, v2;
	_ =	sdelay $0x1  }
0x82e: {  	[tilespmem:v3+s17+$0x0] =	vst.idx.msk $0xffff, v2  }
0x82f: {  	v2 =	vld.idx.msk [tilespmem:v4+s14+$0x0], $0xffff;
	_ =	sdelay $0x1  }
0x830: {  	v3 =	vor.u32 v22, v0  }
0x831: {  	v4 =	vor.u32 v23, v1;
	_ =	sdelay $0x1  }
0x832: {  	v2 =	vmul.f32 $8.000000000e+00, v2;
	_ =	sdelay $0x1  }
0x833: {  	[tilespmem:v3+s17+$0x0] =	vst.idx.msk $0xffff, v2  }
0x834: {  	v2 =	vld.idx.msk [tilespmem:v4+s14+$0x0], $0xffff;
	_ =	sdelay $0x1  }
0x835: {  	v3 =	vor.u32 v24, v0  }
0x836: {  	v4 =	vor.u32 v25, v1;
	_ =	sdelay $0x1  }
0x837: {  	v2 =	vmul.f32 $8.000000000e+00, v2;
	_ =	sdelay $0x1  }
0x838: {  	[tilespmem:v3+s17+$0x0] =	vst.idx.msk $0xffff, v2  }
0x839: {  	v2 =	vld.idx.msk [tilespmem:v4+s14+$0x0], $0xffff;
	_ =	sdelay $0x1  }
0x83a: {  	v3 =	vor.u32 v26, v0  }
0x83b: {  	v4 =	vor.u32 v27, v1;
	_ =	sdelay $0x1  }
0x83c: {  	v2 =	vmul.f32 $8.000000000e+00, v2;
	_ =	sdelay $0x1  }
0x83d: {  	[tilespmem:v3+s17+$0x0] =	vst.idx.msk $0xffff, v2  }
0x83e: {  	v2 =	vld.idx.msk [tilespmem:v4+s14+$0x0], $0xffff;
	_ =	sdelay $0x1  }
0x83f: {  	v3 =	vor.u32 v28, v0  }
0x840: {  	v4 =	vor.u32 v29, v1;
	_ =	sdelay $0x1  }
0x841: {  	v2 =	vmul.f32 $8.000000000e+00, v2;
	_ =	sdelay $0x1  }
0x842: {  	[tilespmem:v3+s17+$0x0] =	vst.idx.msk $0xffff, v2  }
0x843: {  	v2 =	vld.idx.msk [tilespmem:v4+s14+$0x0], $0xffff;
	_ =	sdelay $0x1  }
0x844: {  	v3 =	vor.u32 v30, v0  }
0x845: {  	v4 =	vor.u32 v31, v1;
	_ =	sdelay $0x1  }
0x846: {  	v2 =	vmul.f32 $8.000000000e+00, v2;
	_ =	sdelay $0x1  }
0x847: {  	[tilespmem:v3+s17+$0x0] =	vst.idx.msk $0xffff, v2  }
0x848: {  	v2 =	vld.idx.msk [tilespmem:v4+s14+$0x0], $0xffff;
	_ =	sdelay $0x1  }
0x849: {  	v3 =	vor.u32 v32, v0  }
0x84a: {  	v4 =	vor.u32 v33, v1;
	_ =	sdelay $0x1  }
0x84b: {  	v2 =	vmul.f32 $8.000000000e+00, v2;
	_ =	sdelay $0x1  }
0x84c: {  	[tilespmem:v3+s17+$0x0] =	vst.idx.msk $0xffff, v2  }
0x84d: {  	v2 =	vld.idx.msk [tilespmem:v4+s14+$0x0], $0xffff;
	_ =	sdelay $0x1  }
0x84e: {  	v3 =	vor.u32 v34, v0  }
0x84f: {  	v4 =	vor.u32 v35, v1;
	_ =	sdelay $0x1  }
0x850: {  	v2 =	vmul.f32 $8.000000000e+00, v2;
	_ =	sdelay $0x1  }
0x851: {  	[tilespmem:v3+s17+$0x0] =	vst.idx.msk $0xffff, v2  }
0x852: {  	v2 =	vld.idx.msk [tilespmem:v4+s14+$0x0], $0xffff;
	_ =	sdelay $0x1  }
0x853: {  	v3 =	vor.u32 v36, v0  }
0x854: {  	v4 =	vor.u32 v37, v1;
	_ =	sdelay $0x1  }
0x855: {  	v2 =	vmul.f32 $8.000000000e+00, v2;
	_ =	sdelay $0x1  }
0x856: {  	[tilespmem:v3+s17+$0x0] =	vst.idx.msk $0xffff, v2  }
0x857: {  	v2 =	vld.idx.msk [tilespmem:v4+s14+$0x0], $0xffff;
	_ =	sdelay $0x1  }
0x858: {  	v3 =	vor.u32 v38, v0  }
0x859: {  	v4 =	vor.u32 v39, v1;
	_ =	sdelay $0x1  }
0x85a: {  	v2 =	vmul.f32 $8.000000000e+00, v2;
	_ =	sdelay $0x1  }
0x85b: {  	[tilespmem:v3+s17+$0x0] =	vst.idx.msk $0xffff, v2  }
0x85c: {  	v2 =	vld.idx.msk [tilespmem:v4+s14+$0x0], $0xffff;
	_ =	sdelay $0x1  }
0x85d: {  	v3 =	vor.u32 v40, v0  }
0x85e: {  	v4 =	vor.u32 v41, v1;
	_ =	sdelay $0x1  }
0x85f: {  	v2 =	vmul.f32 $8.000000000e+00, v2;
	_ =	sdelay $0x1  }
0x860: {  	[tilespmem:v3+s17+$0x0] =	vst.idx.msk $0xffff, v2  }
0x861: {  	v2 =	vld.idx.msk [tilespmem:v4+s14+$0x0], $0xffff;
	_ =	sdelay $0x1  }
0x862: {  	v3 =	vor.u32 v42, v0  }
0x863: {  	v4 =	vor.u32 v43, v1;
	_ =	sdelay $0x1  }
0x864: {  	v2 =	vmul.f32 $8.000000000e+00, v2;
	_ =	sdelay $0x1  }
0x865: {  	[tilespmem:v3+s17+$0x0] =	vst.idx.msk $0xffff, v2  }
0x866: {  	v2 =	vld.idx.msk [tilespmem:v4+s14+$0x0], $0xffff;
	_ =	sdelay $0x1  }
0x867: {  	v3 =	vor.u32 v44, v0  }
0x868: {  	v4 =	vor.u32 v45, v1;
	_ =	sdelay $0x1  }
0x869: {  	v2 =	vmul.f32 $8.000000000e+00, v2;
	_ =	sdelay $0x1  }
0x86a: {  	[tilespmem:v3+s17+$0x0] =	vst.idx.msk $0xffff, v2  }
0x86b: {  	v2 =	vld.idx.msk [tilespmem:v4+s14+$0x0], $0xffff;
	_ =	sdelay $0x1  }
0x86c: {  	v3 =	vor.u32 v46, v0  }
0x86d: {  	v4 =	vor.u32 v47, v1;
	_ =	sdelay $0x1  }
0x86e: {  	v2 =	vmul.f32 $8.000000000e+00, v2;
	_ =	sdelay $0x1  }
0x86f: {  	[tilespmem:v3+s17+$0x0] =	vst.idx.msk $0xffff, v2  }
0x870: {  	v2 =	vld.idx.msk [tilespmem:v4+s14+$0x0], $0xffff;
	_ =	sdelay $0x1  }
0x871: {  	v3 =	vor.u32 v48, v0  }
0x872: {  	v4 =	vor.u32 v49, v1;
	_ =	sdelay $0x1  }
0x873: {  	v2 =	vmul.f32 $8.000000000e+00, v2;
	_ =	sdelay $0x1  }
0x874: {  	[tilespmem:v3+s17+$0x0] =	vst.idx.msk $0xffff, v2  }
0x875: {  	v2 =	vld.idx.msk [tilespmem:v4+s14+$0x0], $0xffff;
	_ =	sdelay $0x1  }
0x876: {  	v3 =	vor.u32 v50, v0  }
0x877: {  	v4 =	vor.u32 v51, v1;
	_ =	sdelay $0x1  }
0x878: {  	v2 =	vmul.f32 $8.000000000e+00, v2;
	_ =	sdelay $0x1  }
0x879: {  	[tilespmem:v3+s17+$0x0] =	vst.idx.msk $0xffff, v2  }
0x87a: {  	v2 =	vld.idx.msk [tilespmem:v4+s14+$0x0], $0xffff;
	_ =	sdelay $0x1  }
0x87b: {  	v3 =	vor.u32 v52, v0  }
0x87c: {  	v4 =	vor.u32 v53, v1;
	_ =	sdelay $0x1  }
0x87d: {  	v2 =	vmul.f32 $8.000000000e+00, v2;
	_ =	sdelay $0x1  }
0x87e: {  	[tilespmem:v3+s17+$0x0] =	vst.idx.msk $0xffff, v2  }
0x87f: {  	v2 =	vld.idx.msk [tilespmem:v4+s14+$0x0], $0xffff;
	_ =	sdelay $0x1  }
0x880: {  	v3 =	vor.u32 v54, v0  }
0x881: {  	v4 =	vor.u32 v55, v1;
	_ =	sdelay $0x1  }
0x882: {  	v2 =	vmul.f32 $8.000000000e+00, v2;
	_ =	sdelay $0x1  }
0x883: {  	[tilespmem:v3+s17+$0x0] =	vst.idx.msk $0xffff, v2  }
0x884: {  	v2 =	vld.idx.msk [tilespmem:v4+s14+$0x0], $0xffff;
	_ =	sdelay $0x1  }
0x885: {  	v3 =	vor.u32 v56, v0  }
0x886: {  	v4 =	vor.u32 v57, v1;
	_ =	sdelay $0x1  }
0x887: {  	v2 =	vmul.f32 $8.000000000e+00, v2;
	_ =	sdelay $0x1  }
0x888: {  	[tilespmem:v3+s17+$0x0] =	vst.idx.msk $0xffff, v2  }
0x889: {  	v2 =	vld.idx.msk [tilespmem:v4+s14+$0x0], $0xffff;
	_ =	sdelay $0x1  }
0x88a: {  	v3 =	vor.u32 v58, v0  }
0x88b: {  	v4 =	vor.u32 v59, v1;
	_ =	sdelay $0x1  }
0x88c: {  	v2 =	vmul.f32 $8.000000000e+00, v2;
	_ =	sdelay $0x1  }
0x88d: {  	[tilespmem:v3+s17+$0x0] =	vst.idx.msk $0xffff, v2  }
0x88e: {  	v2 =	vld.idx.msk [tilespmem:v4+s14+$0x0], $0xffff;
	_ =	sdelay $0x1  }
0x88f: {  	v3 =	vor.u32 v60, v0  }
0x890: {  	v4 =	vor.u32 v61, v1;
	_ =	sdelay $0x1  }
0x891: {  	v2 =	vmul.f32 $8.000000000e+00, v2;
	_ =	sdelay $0x1  }
0x892: {  	[tilespmem:v3+s17+$0x0] =	vst.idx.msk $0xffff, v2  }
0x893: {  	v2 =	vld.idx.msk [tilespmem:v4+s14+$0x0], $0xffff;
	_ =	sdelay $0x1  }
0x894: {  	v3 =	vor.u32 v62, v0  }
0x895: {  	v4 =	vor.u32 v63, v1;
	_ =	sdelay $0x1  }
0x896: {  	v2 =	vmul.f32 $8.000000000e+00, v2;
	_ =	sdelay $0x1  }
0x897: {  	[tilespmem:v3+s17+$0x0] =	vst.idx.msk $0xffff, v2;
	v3 =	vld [tilespmem:$0x1FF90]  }
0x898: {  	v2 =	vld.idx.msk [tilespmem:v4+s14+$0x0], $0xffff  }
0x899: {  	v4 =	vld [tilespmem:$0x1FFA0];
	_ =	sdelay $0x3  }
0x89a: {  	v3 =	vor.u32 v3, v0  }
0x89b: {  	v4 =	vor.u32 v4, v1;
	_ =	sdelay $0x1  }
0x89c: {  	v2 =	vmul.f32 $8.000000000e+00, v2;
	_ =	sdelay $0x1  }
0x89d: {  	[tilespmem:v3+s17+$0x0] =	vst.idx.msk $0xffff, v2;
	v3 =	vld [tilespmem:$0x1FFB0]  }
0x89e: {  	v2 =	vld.idx.msk [tilespmem:v4+s14+$0x0], $0xffff  }
0x89f: {  	v4 =	vld [tilespmem:$0x1FFC0];
	_ =	sdelay $0x3  }
0x8a0: {  	v3 =	vor.u32 v3, v0  }
0x8a1: {  	v1 =	vor.u32 v4, v1;
	_ =	sdelay $0x1  }
0x8a2: {  	v2 =	vmul.f32 $8.000000000e+00, v2;
	_ =	sdelay $0x1  }
0x8a3: {  	s31 =	simm.s32 $0x1;
	[tilespmem:v3+s17+$0x0] =	vst.idx.msk $0xffff, v2  }
0x8a4: {  	v2 =	vadd.s32 s31, v5;
	v4 =	vld.idx.msk [tilespmem:v1+s14+$0x0], $0xffff  }
0x8a5: {  	v1 =	vand.u32 $0xF, v2;
	v5 =	vshll.u32 v2, $0x7;
	v2 =	vld [tilespmem:$0x1FFD0];
	_ =	sdelay $0x4  }
0x8a6: {  	v3 =	vor.u32 v2, v0  }
0x8a7: {  	s28 =	simm.s32 $0x2;
	v2 =	vor.u32 v6, v1;
	v0 =	vand.u32 $0x780, v5;
	v4 =	vmul.f32 $8.000000000e+00, v4  }
.LBB2_12:
0x8a8: {  	_ =	sdelay $0x2  }
0x8a9: {  	[tilespmem:v3+s17+$0x0] =	vst.idx.msk $0xffff, v4  }
0x8aa: {  	v2 =	vld.idx.msk [tilespmem:v2+s14+$0x0], $0xffff  }
0x8ab: {  	v5 =	vlaneseq.u32  }
0x8ac: {  	v3 =	vor.u32 v5, v0  }
0x8ad: {  	v4 =	vor.u32 v7, v1;
	_ =	sdelay $0x1  }
0x8ae: {  	v2 =	vmul.f32 $8.000000000e+00, v2;
	_ =	sdelay $0x1  }
0x8af: {  	[tilespmem:v3+s17+$0x0] =	vst.idx.msk $0xffff, v2  }
0x8b0: {  	v2 =	vld.idx.msk [tilespmem:v4+s14+$0x0], $0xffff;
	_ =	sdelay $0x1  }
0x8b1: {  	v3 =	vor.u32 v8, v0  }
0x8b2: {  	v4 =	vor.u32 v9, v1;
	_ =	sdelay $0x1  }
0x8b3: {  	v2 =	vmul.f32 $8.000000000e+00, v2;
	_ =	sdelay $0x1  }
0x8b4: {  	[tilespmem:v3+s17+$0x0] =	vst.idx.msk $0xffff, v2  }
0x8b5: {  	v2 =	vld.idx.msk [tilespmem:v4+s14+$0x0], $0xffff;
	_ =	sdelay $0x1  }
0x8b6: {  	v3 =	vor.u32 v10, v0  }
0x8b7: {  	v4 =	vor.u32 v11, v1;
	_ =	sdelay $0x1  }
0x8b8: {  	v2 =	vmul.f32 $8.000000000e+00, v2;
	_ =	sdelay $0x1  }
0x8b9: {  	[tilespmem:v3+s17+$0x0] =	vst.idx.msk $0xffff, v2  }
0x8ba: {  	v2 =	vld.idx.msk [tilespmem:v4+s14+$0x0], $0xffff;
	_ =	sdelay $0x1  }
0x8bb: {  	v3 =	vor.u32 v12, v0  }
0x8bc: {  	v4 =	vor.u32 v13, v1;
	_ =	sdelay $0x1  }
0x8bd: {  	v2 =	vmul.f32 $8.000000000e+00, v2;
	_ =	sdelay $0x1  }
0x8be: {  	[tilespmem:v3+s17+$0x0] =	vst.idx.msk $0xffff, v2  }
0x8bf: {  	v2 =	vld.idx.msk [tilespmem:v4+s14+$0x0], $0xffff;
	_ =	sdelay $0x1  }
0x8c0: {  	v3 =	vor.u32 v14, v0  }
0x8c1: {  	v4 =	vor.u32 v15, v1;
	_ =	sdelay $0x1  }
0x8c2: {  	v2 =	vmul.f32 $8.000000000e+00, v2;
	_ =	sdelay $0x1  }
0x8c3: {  	[tilespmem:v3+s17+$0x0] =	vst.idx.msk $0xffff, v2  }
0x8c4: {  	v2 =	vld.idx.msk [tilespmem:v4+s14+$0x0], $0xffff;
	_ =	sdelay $0x1  }
0x8c5: {  	v3 =	vor.u32 v16, v0  }
0x8c6: {  	v4 =	vor.u32 v17, v1;
	_ =	sdelay $0x1  }
0x8c7: {  	v2 =	vmul.f32 $8.000000000e+00, v2;
	_ =	sdelay $0x1  }
0x8c8: {  	[tilespmem:v3+s17+$0x0] =	vst.idx.msk $0xffff, v2  }
0x8c9: {  	v2 =	vld.idx.msk [tilespmem:v4+s14+$0x0], $0xffff;
	_ =	sdelay $0x1  }
0x8ca: {  	v3 =	vor.u32 v18, v0  }
0x8cb: {  	v4 =	vor.u32 v19, v1;
	_ =	sdelay $0x1  }
0x8cc: {  	v2 =	vmul.f32 $8.000000000e+00, v2;
	_ =	sdelay $0x1  }
0x8cd: {  	[tilespmem:v3+s17+$0x0] =	vst.idx.msk $0xffff, v2  }
0x8ce: {  	v2 =	vld.idx.msk [tilespmem:v4+s14+$0x0], $0xffff;
	_ =	sdelay $0x1  }
0x8cf: {  	v3 =	vor.u32 v20, v0  }
0x8d0: {  	v4 =	vor.u32 v21, v1;
	_ =	sdelay $0x1  }
0x8d1: {  	v2 =	vmul.f32 $8.000000000e+00, v2;
	_ =	sdelay $0x1  }
0x8d2: {  	[tilespmem:v3+s17+$0x0] =	vst.idx.msk $0xffff, v2  }
0x8d3: {  	v2 =	vld.idx.msk [tilespmem:v4+s14+$0x0], $0xffff;
	_ =	sdelay $0x1  }
0x8d4: {  	v3 =	vor.u32 v22, v0  }
0x8d5: {  	v4 =	vor.u32 v23, v1;
	_ =	sdelay $0x1  }
0x8d6: {  	v2 =	vmul.f32 $8.000000000e+00, v2;
	_ =	sdelay $0x1  }
0x8d7: {  	[tilespmem:v3+s17+$0x0] =	vst.idx.msk $0xffff, v2  }
0x8d8: {  	v2 =	vld.idx.msk [tilespmem:v4+s14+$0x0], $0xffff;
	_ =	sdelay $0x1  }
0x8d9: {  	v3 =	vor.u32 v24, v0  }
0x8da: {  	v4 =	vor.u32 v25, v1;
	_ =	sdelay $0x1  }
0x8db: {  	v2 =	vmul.f32 $8.000000000e+00, v2;
	_ =	sdelay $0x1  }
0x8dc: {  	[tilespmem:v3+s17+$0x0] =	vst.idx.msk $0xffff, v2  }
0x8dd: {  	v2 =	vld.idx.msk [tilespmem:v4+s14+$0x0], $0xffff;
	_ =	sdelay $0x1  }
0x8de: {  	v3 =	vor.u32 v26, v0  }
0x8df: {  	v4 =	vor.u32 v27, v1;
	_ =	sdelay $0x1  }
0x8e0: {  	v2 =	vmul.f32 $8.000000000e+00, v2;
	_ =	sdelay $0x1  }
0x8e1: {  	[tilespmem:v3+s17+$0x0] =	vst.idx.msk $0xffff, v2  }
0x8e2: {  	v2 =	vld.idx.msk [tilespmem:v4+s14+$0x0], $0xffff;
	_ =	sdelay $0x1  }
0x8e3: {  	v3 =	vor.u32 v28, v0  }
0x8e4: {  	v4 =	vor.u32 v29, v1;
	_ =	sdelay $0x1  }
0x8e5: {  	v2 =	vmul.f32 $8.000000000e+00, v2;
	_ =	sdelay $0x1  }
0x8e6: {  	[tilespmem:v3+s17+$0x0] =	vst.idx.msk $0xffff, v2  }
0x8e7: {  	v2 =	vld.idx.msk [tilespmem:v4+s14+$0x0], $0xffff;
	_ =	sdelay $0x1  }
0x8e8: {  	v3 =	vor.u32 v30, v0  }
0x8e9: {  	v4 =	vor.u32 v31, v1;
	_ =	sdelay $0x1  }
0x8ea: {  	v2 =	vmul.f32 $8.000000000e+00, v2;
	_ =	sdelay $0x1  }
0x8eb: {  	[tilespmem:v3+s17+$0x0] =	vst.idx.msk $0xffff, v2  }
0x8ec: {  	v2 =	vld.idx.msk [tilespmem:v4+s14+$0x0], $0xffff;
	_ =	sdelay $0x1  }
0x8ed: {  	v3 =	vor.u32 v32, v0  }
0x8ee: {  	v4 =	vor.u32 v33, v1;
	_ =	sdelay $0x1  }
0x8ef: {  	v2 =	vmul.f32 $8.000000000e+00, v2;
	_ =	sdelay $0x1  }
0x8f0: {  	[tilespmem:v3+s17+$0x0] =	vst.idx.msk $0xffff, v2  }
0x8f1: {  	v2 =	vld.idx.msk [tilespmem:v4+s14+$0x0], $0xffff;
	_ =	sdelay $0x1  }
0x8f2: {  	v3 =	vor.u32 v34, v0  }
0x8f3: {  	v4 =	vor.u32 v35, v1;
	_ =	sdelay $0x1  }
0x8f4: {  	v2 =	vmul.f32 $8.000000000e+00, v2;
	_ =	sdelay $0x1  }
0x8f5: {  	[tilespmem:v3+s17+$0x0] =	vst.idx.msk $0xffff, v2  }
0x8f6: {  	v2 =	vld.idx.msk [tilespmem:v4+s14+$0x0], $0xffff;
	_ =	sdelay $0x1  }
0x8f7: {  	v3 =	vor.u32 v36, v0  }
0x8f8: {  	v4 =	vor.u32 v37, v1;
	_ =	sdelay $0x1  }
0x8f9: {  	v2 =	vmul.f32 $8.000000000e+00, v2;
	_ =	sdelay $0x1  }
0x8fa: {  	[tilespmem:v3+s17+$0x0] =	vst.idx.msk $0xffff, v2  }
0x8fb: {  	v2 =	vld.idx.msk [tilespmem:v4+s14+$0x0], $0xffff;
	_ =	sdelay $0x1  }
0x8fc: {  	v3 =	vor.u32 v38, v0  }
0x8fd: {  	v4 =	vor.u32 v39, v1;
	_ =	sdelay $0x1  }
0x8fe: {  	v2 =	vmul.f32 $8.000000000e+00, v2;
	_ =	sdelay $0x1  }
0x8ff: {  	[tilespmem:v3+s17+$0x0] =	vst.idx.msk $0xffff, v2  }
0x900: {  	v2 =	vld.idx.msk [tilespmem:v4+s14+$0x0], $0xffff;
	_ =	sdelay $0x1  }
0x901: {  	v3 =	vor.u32 v40, v0  }
0x902: {  	v4 =	vor.u32 v41, v1;
	_ =	sdelay $0x1  }
0x903: {  	v2 =	vmul.f32 $8.000000000e+00, v2;
	_ =	sdelay $0x1  }
0x904: {  	[tilespmem:v3+s17+$0x0] =	vst.idx.msk $0xffff, v2  }
0x905: {  	v2 =	vld.idx.msk [tilespmem:v4+s14+$0x0], $0xffff;
	_ =	sdelay $0x1  }
0x906: {  	v3 =	vor.u32 v42, v0  }
0x907: {  	v4 =	vor.u32 v43, v1;
	_ =	sdelay $0x1  }
0x908: {  	v2 =	vmul.f32 $8.000000000e+00, v2;
	_ =	sdelay $0x1  }
0x909: {  	[tilespmem:v3+s17+$0x0] =	vst.idx.msk $0xffff, v2  }
0x90a: {  	v2 =	vld.idx.msk [tilespmem:v4+s14+$0x0], $0xffff;
	_ =	sdelay $0x1  }
0x90b: {  	v3 =	vor.u32 v44, v0  }
0x90c: {  	v4 =	vor.u32 v45, v1;
	_ =	sdelay $0x1  }
0x90d: {  	v2 =	vmul.f32 $8.000000000e+00, v2;
	_ =	sdelay $0x1  }
0x90e: {  	[tilespmem:v3+s17+$0x0] =	vst.idx.msk $0xffff, v2  }
0x90f: {  	v2 =	vld.idx.msk [tilespmem:v4+s14+$0x0], $0xffff;
	_ =	sdelay $0x1  }
0x910: {  	v3 =	vor.u32 v46, v0  }
0x911: {  	v4 =	vor.u32 v47, v1;
	_ =	sdelay $0x1  }
0x912: {  	v2 =	vmul.f32 $8.000000000e+00, v2;
	_ =	sdelay $0x1  }
0x913: {  	[tilespmem:v3+s17+$0x0] =	vst.idx.msk $0xffff, v2  }
0x914: {  	v2 =	vld.idx.msk [tilespmem:v4+s14+$0x0], $0xffff;
	_ =	sdelay $0x1  }
0x915: {  	v3 =	vor.u32 v48, v0  }
0x916: {  	v4 =	vor.u32 v49, v1;
	_ =	sdelay $0x1  }
0x917: {  	v2 =	vmul.f32 $8.000000000e+00, v2;
	_ =	sdelay $0x1  }
0x918: {  	[tilespmem:v3+s17+$0x0] =	vst.idx.msk $0xffff, v2  }
0x919: {  	v2 =	vld.idx.msk [tilespmem:v4+s14+$0x0], $0xffff;
	_ =	sdelay $0x1  }
0x91a: {  	v3 =	vor.u32 v50, v0  }
0x91b: {  	v4 =	vor.u32 v51, v1;
	_ =	sdelay $0x1  }
0x91c: {  	v2 =	vmul.f32 $8.000000000e+00, v2;
	_ =	sdelay $0x1  }
0x91d: {  	[tilespmem:v3+s17+$0x0] =	vst.idx.msk $0xffff, v2  }
0x91e: {  	v2 =	vld.idx.msk [tilespmem:v4+s14+$0x0], $0xffff;
	_ =	sdelay $0x1  }
0x91f: {  	v3 =	vor.u32 v52, v0  }
0x920: {  	v4 =	vor.u32 v53, v1;
	_ =	sdelay $0x1  }
0x921: {  	v2 =	vmul.f32 $8.000000000e+00, v2;
	_ =	sdelay $0x1  }
0x922: {  	[tilespmem:v3+s17+$0x0] =	vst.idx.msk $0xffff, v2  }
0x923: {  	v2 =	vld.idx.msk [tilespmem:v4+s14+$0x0], $0xffff;
	_ =	sdelay $0x1  }
0x924: {  	v3 =	vor.u32 v54, v0  }
0x925: {  	v4 =	vor.u32 v55, v1;
	_ =	sdelay $0x1  }
0x926: {  	v2 =	vmul.f32 $8.000000000e+00, v2;
	_ =	sdelay $0x1  }
0x927: {  	[tilespmem:v3+s17+$0x0] =	vst.idx.msk $0xffff, v2  }
0x928: {  	v2 =	vld.idx.msk [tilespmem:v4+s14+$0x0], $0xffff;
	_ =	sdelay $0x1  }
0x929: {  	v3 =	vor.u32 v56, v0  }
0x92a: {  	v4 =	vor.u32 v57, v1;
	_ =	sdelay $0x1  }
0x92b: {  	v2 =	vmul.f32 $8.000000000e+00, v2;
	_ =	sdelay $0x1  }
0x92c: {  	[tilespmem:v3+s17+$0x0] =	vst.idx.msk $0xffff, v2  }
0x92d: {  	v2 =	vld.idx.msk [tilespmem:v4+s14+$0x0], $0xffff;
	_ =	sdelay $0x1  }
0x92e: {  	v3 =	vor.u32 v58, v0  }
0x92f: {  	v4 =	vor.u32 v59, v1;
	_ =	sdelay $0x1  }
0x930: {  	v2 =	vmul.f32 $8.000000000e+00, v2;
	_ =	sdelay $0x1  }
0x931: {  	[tilespmem:v3+s17+$0x0] =	vst.idx.msk $0xffff, v2  }
0x932: {  	v2 =	vld.idx.msk [tilespmem:v4+s14+$0x0], $0xffff;
	_ =	sdelay $0x1  }
0x933: {  	v3 =	vor.u32 v60, v0  }
0x934: {  	v4 =	vor.u32 v61, v1;
	_ =	sdelay $0x1  }
0x935: {  	v2 =	vmul.f32 $8.000000000e+00, v2;
	_ =	sdelay $0x1  }
0x936: {  	[tilespmem:v3+s17+$0x0] =	vst.idx.msk $0xffff, v2  }
0x937: {  	v2 =	vld.idx.msk [tilespmem:v4+s14+$0x0], $0xffff;
	_ =	sdelay $0x1  }
0x938: {  	v3 =	vor.u32 v62, v0  }
0x939: {  	v4 =	vor.u32 v63, v1;
	_ =	sdelay $0x1  }
0x93a: {  	v2 =	vmul.f32 $8.000000000e+00, v2;
	_ =	sdelay $0x1  }
0x93b: {  	[tilespmem:v3+s17+$0x0] =	vst.idx.msk $0xffff, v2;
	v3 =	vld [tilespmem:$0x1FF90]  }
0x93c: {  	v2 =	vld.idx.msk [tilespmem:v4+s14+$0x0], $0xffff  }
0x93d: {  	v4 =	vld [tilespmem:$0x1FFA0];
	_ =	sdelay $0x3  }
0x93e: {  	v3 =	vor.u32 v3, v0  }
0x93f: {  	v4 =	vor.u32 v4, v1;
	_ =	sdelay $0x1  }
0x940: {  	v2 =	vmul.f32 $8.000000000e+00, v2;
	_ =	sdelay $0x1  }
0x941: {  	[tilespmem:v3+s17+$0x0] =	vst.idx.msk $0xffff, v2;
	v3 =	vld [tilespmem:$0x1FFB0]  }
0x942: {  	v2 =	vld.idx.msk [tilespmem:v4+s14+$0x0], $0xffff  }
0x943: {  	v4 =	vld [tilespmem:$0x1FFC0];
	_ =	sdelay $0x3  }
0x944: {  	v3 =	vor.u32 v3, v0  }
0x945: {  	v1 =	vor.u32 v4, v1;
	_ =	sdelay $0x1  }
0x946: {  	v2 =	vmul.f32 $8.000000000e+00, v2;
	_ =	sdelay $0x1  }
0x947: {  	s1 =	smov.u32 s28;
	[tilespmem:v3+s17+$0x0] =	vst.idx.msk $0xffff, v2  }
0x948: {  	v2 =	vadd.s32 s1, v5;
	v4 =	vld.idx.msk [tilespmem:v1+s14+$0x0], $0xffff  }
0x949: {  	v1 =	vand.u32 $0xF, v2;
	v5 =	vshll.u32 v2, $0x7;
	v2 =	vld [tilespmem:$0x1FFD0]  }
0x94a: {  	p0 =	sne.s32 s28, $0xF  }
.Ltmp5:
0x94b: {  	_ = 	snop;
	(pc) =	sbr.rel @p0 .LBB2_12-.Ltmp5, $3  }
0x94c: {  	_ =	sdelay $0x1  }
0x94d: {  	v3 =	vor.u32 v2, v0  }
0x94e: {  	s28 =	sadd.s32 $0x1, s28;
	v2 =	vor.u32 v6, v1;
	v0 =	vand.u32 $0x780, v5;
	v4 =	vmul.f32 $8.000000000e+00, v4  }
0x94f: {  	_ =	sdelay $0x3  }
0x950: {  	[tilespmem:v3+s17+$0x0] =	vst.idx.msk $0xffff, v4  }
0x951: {  	v2 =	vld.idx.msk [tilespmem:v2+s14+$0x0], $0xffff  }
0x952: {  	v3 =	vlaneseq.u32  }
0x953: {  	v3 =	vor.u32 v3, v0  }
0x954: {  	v4 =	vor.u32 v7, v1;
	_ =	sdelay $0x1  }
0x955: {  	v2 =	vmul.f32 $8.000000000e+00, v2;
	_ =	sdelay $0x1  }
0x956: {  	[tilespmem:v3+s17+$0x0] =	vst.idx.msk $0xffff, v2  }
0x957: {  	v2 =	vld.idx.msk [tilespmem:v4+s14+$0x0], $0xffff;
	_ =	sdelay $0x1  }
0x958: {  	v3 =	vor.u32 v8, v0  }
0x959: {  	v4 =	vor.u32 v9, v1;
	_ =	sdelay $0x1  }
0x95a: {  	v2 =	vmul.f32 $8.000000000e+00, v2;
	_ =	sdelay $0x1  }
0x95b: {  	[tilespmem:v3+s17+$0x0] =	vst.idx.msk $0xffff, v2  }
0x95c: {  	v2 =	vld.idx.msk [tilespmem:v4+s14+$0x0], $0xffff;
	_ =	sdelay $0x1  }
0x95d: {  	v3 =	vor.u32 v10, v0  }
0x95e: {  	v4 =	vor.u32 v11, v1;
	_ =	sdelay $0x1  }
0x95f: {  	v2 =	vmul.f32 $8.000000000e+00, v2;
	_ =	sdelay $0x1  }
0x960: {  	[tilespmem:v3+s17+$0x0] =	vst.idx.msk $0xffff, v2  }
0x961: {  	v2 =	vld.idx.msk [tilespmem:v4+s14+$0x0], $0xffff;
	_ =	sdelay $0x1  }
0x962: {  	v3 =	vor.u32 v12, v0  }
0x963: {  	v4 =	vor.u32 v13, v1;
	_ =	sdelay $0x1  }
0x964: {  	v2 =	vmul.f32 $8.000000000e+00, v2;
	_ =	sdelay $0x1  }
0x965: {  	[tilespmem:v3+s17+$0x0] =	vst.idx.msk $0xffff, v2  }
0x966: {  	v2 =	vld.idx.msk [tilespmem:v4+s14+$0x0], $0xffff;
	_ =	sdelay $0x1  }
0x967: {  	v3 =	vor.u32 v14, v0  }
0x968: {  	v4 =	vor.u32 v15, v1;
	_ =	sdelay $0x1  }
0x969: {  	v2 =	vmul.f32 $8.000000000e+00, v2;
	_ =	sdelay $0x1  }
0x96a: {  	[tilespmem:v3+s17+$0x0] =	vst.idx.msk $0xffff, v2  }
0x96b: {  	v2 =	vld.idx.msk [tilespmem:v4+s14+$0x0], $0xffff;
	_ =	sdelay $0x1  }
0x96c: {  	v3 =	vor.u32 v16, v0  }
0x96d: {  	v4 =	vor.u32 v17, v1;
	_ =	sdelay $0x1  }
0x96e: {  	v2 =	vmul.f32 $8.000000000e+00, v2;
	_ =	sdelay $0x1  }
0x96f: {  	[tilespmem:v3+s17+$0x0] =	vst.idx.msk $0xffff, v2  }
0x970: {  	v2 =	vld.idx.msk [tilespmem:v4+s14+$0x0], $0xffff;
	_ =	sdelay $0x1  }
0x971: {  	v3 =	vor.u32 v18, v0  }
0x972: {  	v4 =	vor.u32 v19, v1;
	_ =	sdelay $0x1  }
0x973: {  	v2 =	vmul.f32 $8.000000000e+00, v2;
	_ =	sdelay $0x1  }
0x974: {  	[tilespmem:v3+s17+$0x0] =	vst.idx.msk $0xffff, v2  }
0x975: {  	v2 =	vld.idx.msk [tilespmem:v4+s14+$0x0], $0xffff;
	_ =	sdelay $0x1  }
0x976: {  	v3 =	vor.u32 v20, v0  }
0x977: {  	v4 =	vor.u32 v21, v1;
	_ =	sdelay $0x1  }
0x978: {  	v2 =	vmul.f32 $8.000000000e+00, v2;
	_ =	sdelay $0x1  }
0x979: {  	[tilespmem:v3+s17+$0x0] =	vst.idx.msk $0xffff, v2  }
0x97a: {  	v2 =	vld.idx.msk [tilespmem:v4+s14+$0x0], $0xffff;
	_ =	sdelay $0x1  }
0x97b: {  	v3 =	vor.u32 v22, v0  }
0x97c: {  	v4 =	vor.u32 v23, v1;
	_ =	sdelay $0x1  }
0x97d: {  	v2 =	vmul.f32 $8.000000000e+00, v2;
	_ =	sdelay $0x1  }
0x97e: {  	[tilespmem:v3+s17+$0x0] =	vst.idx.msk $0xffff, v2  }
0x97f: {  	v2 =	vld.idx.msk [tilespmem:v4+s14+$0x0], $0xffff;
	_ =	sdelay $0x1  }
0x980: {  	v3 =	vor.u32 v24, v0  }
0x981: {  	v4 =	vor.u32 v25, v1;
	_ =	sdelay $0x1  }
0x982: {  	v2 =	vmul.f32 $8.000000000e+00, v2;
	_ =	sdelay $0x1  }
0x983: {  	[tilespmem:v3+s17+$0x0] =	vst.idx.msk $0xffff, v2  }
0x984: {  	v2 =	vld.idx.msk [tilespmem:v4+s14+$0x0], $0xffff;
	_ =	sdelay $0x1  }
0x985: {  	v3 =	vor.u32 v26, v0  }
0x986: {  	v4 =	vor.u32 v27, v1;
	_ =	sdelay $0x1  }
0x987: {  	v2 =	vmul.f32 $8.000000000e+00, v2;
	_ =	sdelay $0x1  }
0x988: {  	[tilespmem:v3+s17+$0x0] =	vst.idx.msk $0xffff, v2  }
0x989: {  	v2 =	vld.idx.msk [tilespmem:v4+s14+$0x0], $0xffff;
	_ =	sdelay $0x1  }
0x98a: {  	v3 =	vor.u32 v28, v0  }
0x98b: {  	v4 =	vor.u32 v29, v1;
	_ =	sdelay $0x1  }
0x98c: {  	v2 =	vmul.f32 $8.000000000e+00, v2;
	_ =	sdelay $0x1  }
0x98d: {  	[tilespmem:v3+s17+$0x0] =	vst.idx.msk $0xffff, v2  }
0x98e: {  	v2 =	vld.idx.msk [tilespmem:v4+s14+$0x0], $0xffff;
	_ =	sdelay $0x1  }
0x98f: {  	v3 =	vor.u32 v30, v0  }
0x990: {  	v4 =	vor.u32 v31, v1;
	_ =	sdelay $0x1  }
0x991: {  	v2 =	vmul.f32 $8.000000000e+00, v2;
	_ =	sdelay $0x1  }
0x992: {  	[tilespmem:v3+s17+$0x0] =	vst.idx.msk $0xffff, v2  }
0x993: {  	v2 =	vld.idx.msk [tilespmem:v4+s14+$0x0], $0xffff;
	_ =	sdelay $0x1  }
0x994: {  	v3 =	vor.u32 v32, v0  }
0x995: {  	v4 =	vor.u32 v33, v1;
	_ =	sdelay $0x1  }
0x996: {  	v2 =	vmul.f32 $8.000000000e+00, v2;
	_ =	sdelay $0x1  }
0x997: {  	[tilespmem:v3+s17+$0x0] =	vst.idx.msk $0xffff, v2  }
0x998: {  	v2 =	vld.idx.msk [tilespmem:v4+s14+$0x0], $0xffff;
	_ =	sdelay $0x1  }
0x999: {  	v3 =	vor.u32 v34, v0  }
0x99a: {  	v4 =	vor.u32 v35, v1;
	_ =	sdelay $0x1  }
0x99b: {  	v2 =	vmul.f32 $8.000000000e+00, v2;
	_ =	sdelay $0x1  }
0x99c: {  	[tilespmem:v3+s17+$0x0] =	vst.idx.msk $0xffff, v2  }
0x99d: {  	v2 =	vld.idx.msk [tilespmem:v4+s14+$0x0], $0xffff;
	_ =	sdelay $0x1  }
0x99e: {  	v3 =	vor.u32 v36, v0  }
0x99f: {  	v4 =	vor.u32 v37, v1;
	_ =	sdelay $0x1  }
0x9a0: {  	v2 =	vmul.f32 $8.000000000e+00, v2;
	_ =	sdelay $0x1  }
0x9a1: {  	[tilespmem:v3+s17+$0x0] =	vst.idx.msk $0xffff, v2  }
0x9a2: {  	v2 =	vld.idx.msk [tilespmem:v4+s14+$0x0], $0xffff;
	_ =	sdelay $0x1  }
0x9a3: {  	v3 =	vor.u32 v38, v0  }
0x9a4: {  	v4 =	vor.u32 v39, v1;
	_ =	sdelay $0x1  }
0x9a5: {  	v2 =	vmul.f32 $8.000000000e+00, v2;
	_ =	sdelay $0x1  }
0x9a6: {  	[tilespmem:v3+s17+$0x0] =	vst.idx.msk $0xffff, v2  }
0x9a7: {  	v2 =	vld.idx.msk [tilespmem:v4+s14+$0x0], $0xffff;
	_ =	sdelay $0x1  }
0x9a8: {  	v3 =	vor.u32 v40, v0  }
0x9a9: {  	v4 =	vor.u32 v41, v1;
	_ =	sdelay $0x1  }
0x9aa: {  	v2 =	vmul.f32 $8.000000000e+00, v2;
	_ =	sdelay $0x1  }
0x9ab: {  	[tilespmem:v3+s17+$0x0] =	vst.idx.msk $0xffff, v2  }
0x9ac: {  	v2 =	vld.idx.msk [tilespmem:v4+s14+$0x0], $0xffff;
	_ =	sdelay $0x1  }
0x9ad: {  	v3 =	vor.u32 v42, v0  }
0x9ae: {  	v4 =	vor.u32 v43, v1;
	_ =	sdelay $0x1  }
0x9af: {  	v2 =	vmul.f32 $8.000000000e+00, v2;
	_ =	sdelay $0x1  }
0x9b0: {  	[tilespmem:v3+s17+$0x0] =	vst.idx.msk $0xffff, v2  }
0x9b1: {  	v2 =	vld.idx.msk [tilespmem:v4+s14+$0x0], $0xffff;
	_ =	sdelay $0x1  }
0x9b2: {  	v3 =	vor.u32 v44, v0  }
0x9b3: {  	v4 =	vor.u32 v45, v1;
	_ =	sdelay $0x1  }
0x9b4: {  	v2 =	vmul.f32 $8.000000000e+00, v2;
	_ =	sdelay $0x1  }
0x9b5: {  	[tilespmem:v3+s17+$0x0] =	vst.idx.msk $0xffff, v2  }
0x9b6: {  	v2 =	vld.idx.msk [tilespmem:v4+s14+$0x0], $0xffff;
	_ =	sdelay $0x1  }
0x9b7: {  	v3 =	vor.u32 v46, v0  }
0x9b8: {  	v4 =	vor.u32 v47, v1;
	_ =	sdelay $0x1  }
0x9b9: {  	v2 =	vmul.f32 $8.000000000e+00, v2;
	_ =	sdelay $0x1  }
0x9ba: {  	[tilespmem:v3+s17+$0x0] =	vst.idx.msk $0xffff, v2  }
0x9bb: {  	v2 =	vld.idx.msk [tilespmem:v4+s14+$0x0], $0xffff;
	_ =	sdelay $0x1  }
0x9bc: {  	v3 =	vor.u32 v48, v0  }
0x9bd: {  	v4 =	vor.u32 v49, v1;
	_ =	sdelay $0x1  }
0x9be: {  	v2 =	vmul.f32 $8.000000000e+00, v2;
	_ =	sdelay $0x1  }
0x9bf: {  	[tilespmem:v3+s17+$0x0] =	vst.idx.msk $0xffff, v2  }
0x9c0: {  	v2 =	vld.idx.msk [tilespmem:v4+s14+$0x0], $0xffff;
	_ =	sdelay $0x1  }
0x9c1: {  	v3 =	vor.u32 v50, v0  }
0x9c2: {  	v4 =	vor.u32 v51, v1;
	_ =	sdelay $0x1  }
0x9c3: {  	v2 =	vmul.f32 $8.000000000e+00, v2;
	_ =	sdelay $0x1  }
0x9c4: {  	[tilespmem:v3+s17+$0x0] =	vst.idx.msk $0xffff, v2  }
0x9c5: {  	v2 =	vld.idx.msk [tilespmem:v4+s14+$0x0], $0xffff;
	_ =	sdelay $0x1  }
0x9c6: {  	v3 =	vor.u32 v52, v0  }
0x9c7: {  	v4 =	vor.u32 v53, v1;
	_ =	sdelay $0x1  }
0x9c8: {  	v2 =	vmul.f32 $8.000000000e+00, v2;
	_ =	sdelay $0x1  }
0x9c9: {  	[tilespmem:v3+s17+$0x0] =	vst.idx.msk $0xffff, v2  }
0x9ca: {  	v2 =	vld.idx.msk [tilespmem:v4+s14+$0x0], $0xffff;
	_ =	sdelay $0x1  }
0x9cb: {  	v3 =	vor.u32 v54, v0  }
0x9cc: {  	v4 =	vor.u32 v55, v1;
	_ =	sdelay $0x1  }
0x9cd: {  	v2 =	vmul.f32 $8.000000000e+00, v2;
	_ =	sdelay $0x1  }
0x9ce: {  	[tilespmem:v3+s17+$0x0] =	vst.idx.msk $0xffff, v2  }
0x9cf: {  	v2 =	vld.idx.msk [tilespmem:v4+s14+$0x0], $0xffff;
	_ =	sdelay $0x1  }
0x9d0: {  	v3 =	vor.u32 v56, v0  }
0x9d1: {  	v4 =	vor.u32 v57, v1;
	_ =	sdelay $0x1  }
0x9d2: {  	v2 =	vmul.f32 $8.000000000e+00, v2;
	_ =	sdelay $0x1  }
0x9d3: {  	[tilespmem:v3+s17+$0x0] =	vst.idx.msk $0xffff, v2  }
0x9d4: {  	v2 =	vld.idx.msk [tilespmem:v4+s14+$0x0], $0xffff;
	_ =	sdelay $0x1  }
0x9d5: {  	v3 =	vor.u32 v58, v0  }
0x9d6: {  	v4 =	vor.u32 v59, v1;
	_ =	sdelay $0x1  }
0x9d7: {  	v2 =	vmul.f32 $8.000000000e+00, v2;
	_ =	sdelay $0x1  }
0x9d8: {  	[tilespmem:v3+s17+$0x0] =	vst.idx.msk $0xffff, v2  }
0x9d9: {  	v2 =	vld.idx.msk [tilespmem:v4+s14+$0x0], $0xffff;
	_ =	sdelay $0x1  }
0x9da: {  	v3 =	vor.u32 v60, v0  }
0x9db: {  	v4 =	vor.u32 v61, v1;
	_ =	sdelay $0x1  }
0x9dc: {  	v2 =	vmul.f32 $8.000000000e+00, v2;
	_ =	sdelay $0x1  }
0x9dd: {  	[tilespmem:v3+s17+$0x0] =	vst.idx.msk $0xffff, v2  }
0x9de: {  	v2 =	vld.idx.msk [tilespmem:v4+s14+$0x0], $0xffff;
	_ =	sdelay $0x1  }
0x9df: {  	v3 =	vor.u32 v62, v0;
	_ =	sdelay $0x2  }
0x9e0: {  	v2 =	vmul.f32 $8.000000000e+00, v2;
	_ =	sdelay $0x1  }
0x9e1: {  	[tilespmem:v3+s17+$0x0] =	vst.idx.msk $0xffff, v2;
	v2 =	vld [tilespmem:$0x1FF90];
	_ =	sdelay $0x1  }
0x9e2: {  	v4 =	vor.u32 v63, v1;
	_ =	sdelay $0x2  }
0x9e3: {  	v3 =	vor.u32 v2, v0;
	v2 =	vld [tilespmem:$0x1FFA0];
	_ =	sdelay $0x1  }
0x9e4: {  	v5 =	vld.idx.msk [tilespmem:v4+s14+$0x0], $0xffff;
	_ =	sdelay $0x2  }
0x9e5: {  	v4 =	vor.u32 v2, v1;
	_ =	sdelay $0x1  }
0x9e6: {  	v2 =	vmul.f32 $8.000000000e+00, v5  }
0x9e7: {  	v5 =	vld [tilespmem:$0x1FFB0]  }
0x9e8: {  	[tilespmem:v3+s17+$0x0] =	vst.idx.msk $0xffff, v2  }
0x9e9: {  	v2 =	vld.idx.msk [tilespmem:v4+s14+$0x0], $0xffff  }
0x9ea: {  	v4 =	vld [tilespmem:$0x1FFC0];
	_ =	sdelay $0x1  }
0x9eb: {  	v3 =	vor.u32 v5, v0;
	_ =	sdelay $0x2  }
0x9ec: {  	v1 =	vor.u32 v4, v1;
	v2 =	vmul.f32 $8.000000000e+00, v2;
	_ =	sdelay $0x1  }
0x9ed: {  	[tilespmem:v3+s17+$0x0] =	vst.idx.msk $0xffff, v2;
	v2 =	vld [tilespmem:$0x1FFD0];
	_ =	sdelay $0x2  }
0x9ee: {  	v1 =	vld.idx.msk [tilespmem:v1+s14+$0x0], $0xffff;
	_ =	sdelay $0x1  }
0x9ef: {  	v0 =	vor.u32 v2, v0;
	_ =	sdelay $0x2  }
0x9f0: {  	v1 =	vmul.f32 $8.000000000e+00, v1;
	_ =	sdelay $0x1  }
0x9f1: {  	s1 =	simm.s32 $0x0;
	v3 =	vlaneseq.u32;
	[tilespmem:v0+s17+$0x0] =	vst.idx.msk $0xffff, v1  }
0x9f2: {  	v0 =	vadd.s32 s1, v3;
	[hbm4b:s9+s18] =	stream.strided.scatter [tilespmem:s17], [sflag:$0x3], $0x2000, s19, s18, $0x38;
	[tilespmem:$0xE400] =	vst v63  }
0x9f3: {  	v1 =	vand.u32 $0xF, v0;
	_ =	swait.ge [sflag:s21], $0x2000  }
0x9f4: {  	v2 =	vor.u32 v6, v1;
	[sflag:s21] =	ssyncset.done $0x0  }
0x9f5: {  	[sflag:s21] =	ssyncadd.s32 $0xFFFFE000  }
0x9f6: {  	_ =	swait.ge [sflag:s25], $0x2000  }
0x9f7: {  	[sflag:s25] =	ssyncset.done $0x0  }
0x9f8: {  	[sflag:s25] =	ssyncadd.s32 $0xFFFFE000  }
0x9f9: {  	v0 =	vshll.u32 v0, $0x7;
	v2 =	vld.idx.msk [tilespmem:v2+s15+$0x0], $0xffff  }
0x9fa: {  	v0 =	vand.u32 $0x780, v0  }
0x9fb: {  	v3 =	vor.u32 v3, v0  }
0x9fc: {  	v4 =	vor.u32 v7, v1;
	_ =	sdelay $0x1  }
0x9fd: {  	v2 =	vmul.f32 $8.000000000e+00, v2;
	_ =	sdelay $0x1  }
0x9fe: {  	[tilespmem:v3+s22+$0x0] =	vst.idx.msk $0xffff, v2  }
0x9ff: {  	v2 =	vld.idx.msk [tilespmem:v4+s15+$0x0], $0xffff;
	_ =	sdelay $0x1  }
0xa00: {  	v3 =	vor.u32 v8, v0  }
0xa01: {  	v4 =	vor.u32 v9, v1;
	_ =	sdelay $0x1  }
0xa02: {  	v2 =	vmul.f32 $8.000000000e+00, v2;
	_ =	sdelay $0x1  }
0xa03: {  	[tilespmem:v3+s22+$0x0] =	vst.idx.msk $0xffff, v2  }
0xa04: {  	v2 =	vld.idx.msk [tilespmem:v4+s15+$0x0], $0xffff;
	_ =	sdelay $0x1  }
0xa05: {  	v3 =	vor.u32 v10, v0  }
0xa06: {  	v4 =	vor.u32 v11, v1;
	_ =	sdelay $0x1  }
0xa07: {  	v2 =	vmul.f32 $8.000000000e+00, v2;
	_ =	sdelay $0x1  }
0xa08: {  	[tilespmem:v3+s22+$0x0] =	vst.idx.msk $0xffff, v2  }
0xa09: {  	v2 =	vld.idx.msk [tilespmem:v4+s15+$0x0], $0xffff;
	_ =	sdelay $0x1  }
0xa0a: {  	v3 =	vor.u32 v12, v0  }
0xa0b: {  	v4 =	vor.u32 v13, v1;
	_ =	sdelay $0x1  }
0xa0c: {  	v2 =	vmul.f32 $8.000000000e+00, v2;
	_ =	sdelay $0x1  }
0xa0d: {  	[tilespmem:v3+s22+$0x0] =	vst.idx.msk $0xffff, v2  }
0xa0e: {  	v2 =	vld.idx.msk [tilespmem:v4+s15+$0x0], $0xffff;
	_ =	sdelay $0x1  }
0xa0f: {  	v3 =	vor.u32 v14, v0  }
0xa10: {  	v4 =	vor.u32 v15, v1;
	_ =	sdelay $0x1  }
0xa11: {  	v2 =	vmul.f32 $8.000000000e+00, v2;
	_ =	sdelay $0x1  }
0xa12: {  	[tilespmem:v3+s22+$0x0] =	vst.idx.msk $0xffff, v2  }
0xa13: {  	v2 =	vld.idx.msk [tilespmem:v4+s15+$0x0], $0xffff;
	_ =	sdelay $0x1  }
0xa14: {  	v3 =	vor.u32 v16, v0  }
0xa15: {  	v4 =	vor.u32 v17, v1;
	_ =	sdelay $0x1  }
0xa16: {  	v2 =	vmul.f32 $8.000000000e+00, v2;
	_ =	sdelay $0x1  }
0xa17: {  	[tilespmem:v3+s22+$0x0] =	vst.idx.msk $0xffff, v2  }
0xa18: {  	v2 =	vld.idx.msk [tilespmem:v4+s15+$0x0], $0xffff;
	_ =	sdelay $0x1  }
0xa19: {  	v3 =	vor.u32 v18, v0  }
0xa1a: {  	v4 =	vor.u32 v19, v1;
	_ =	sdelay $0x1  }
0xa1b: {  	v2 =	vmul.f32 $8.000000000e+00, v2;
	_ =	sdelay $0x1  }
0xa1c: {  	[tilespmem:v3+s22+$0x0] =	vst.idx.msk $0xffff, v2  }
0xa1d: {  	v2 =	vld.idx.msk [tilespmem:v4+s15+$0x0], $0xffff;
	_ =	sdelay $0x1  }
0xa1e: {  	v3 =	vor.u32 v20, v0  }
0xa1f: {  	v4 =	vor.u32 v21, v1;
	_ =	sdelay $0x1  }
0xa20: {  	v2 =	vmul.f32 $8.000000000e+00, v2;
	_ =	sdelay $0x1  }
0xa21: {  	[tilespmem:v3+s22+$0x0] =	vst.idx.msk $0xffff, v2  }
0xa22: {  	v2 =	vld.idx.msk [tilespmem:v4+s15+$0x0], $0xffff;
	_ =	sdelay $0x1  }
0xa23: {  	v3 =	vor.u32 v22, v0  }
0xa24: {  	v4 =	vor.u32 v23, v1;
	_ =	sdelay $0x1  }
0xa25: {  	v2 =	vmul.f32 $8.000000000e+00, v2;
	_ =	sdelay $0x1  }
0xa26: {  	[tilespmem:v3+s22+$0x0] =	vst.idx.msk $0xffff, v2  }
0xa27: {  	v2 =	vld.idx.msk [tilespmem:v4+s15+$0x0], $0xffff;
	_ =	sdelay $0x1  }
0xa28: {  	v3 =	vor.u32 v24, v0  }
0xa29: {  	v4 =	vor.u32 v25, v1;
	_ =	sdelay $0x1  }
0xa2a: {  	v2 =	vmul.f32 $8.000000000e+00, v2;
	_ =	sdelay $0x1  }
0xa2b: {  	[tilespmem:v3+s22+$0x0] =	vst.idx.msk $0xffff, v2  }
0xa2c: {  	v2 =	vld.idx.msk [tilespmem:v4+s15+$0x0], $0xffff;
	_ =	sdelay $0x1  }
0xa2d: {  	v3 =	vor.u32 v26, v0  }
0xa2e: {  	v4 =	vor.u32 v27, v1;
	_ =	sdelay $0x1  }
0xa2f: {  	v2 =	vmul.f32 $8.000000000e+00, v2;
	_ =	sdelay $0x1  }
0xa30: {  	[tilespmem:v3+s22+$0x0] =	vst.idx.msk $0xffff, v2  }
0xa31: {  	v2 =	vld.idx.msk [tilespmem:v4+s15+$0x0], $0xffff;
	_ =	sdelay $0x1  }
0xa32: {  	v3 =	vor.u32 v28, v0  }
0xa33: {  	v4 =	vor.u32 v29, v1;
	_ =	sdelay $0x1  }
0xa34: {  	v2 =	vmul.f32 $8.000000000e+00, v2;
	_ =	sdelay $0x1  }
0xa35: {  	[tilespmem:v3+s22+$0x0] =	vst.idx.msk $0xffff, v2  }
0xa36: {  	v2 =	vld.idx.msk [tilespmem:v4+s15+$0x0], $0xffff;
	_ =	sdelay $0x1  }
0xa37: {  	v3 =	vor.u32 v30, v0  }
0xa38: {  	v4 =	vor.u32 v31, v1;
	_ =	sdelay $0x1  }
0xa39: {  	v2 =	vmul.f32 $8.000000000e+00, v2;
	_ =	sdelay $0x1  }
0xa3a: {  	[tilespmem:v3+s22+$0x0] =	vst.idx.msk $0xffff, v2  }
0xa3b: {  	v2 =	vld.idx.msk [tilespmem:v4+s15+$0x0], $0xffff;
	_ =	sdelay $0x1  }
0xa3c: {  	v3 =	vor.u32 v32, v0  }
0xa3d: {  	v4 =	vor.u32 v33, v1;
	_ =	sdelay $0x1  }
0xa3e: {  	v2 =	vmul.f32 $8.000000000e+00, v2;
	_ =	sdelay $0x1  }
0xa3f: {  	[tilespmem:v3+s22+$0x0] =	vst.idx.msk $0xffff, v2  }
0xa40: {  	v2 =	vld.idx.msk [tilespmem:v4+s15+$0x0], $0xffff;
	_ =	sdelay $0x1  }
0xa41: {  	v3 =	vor.u32 v34, v0  }
0xa42: {  	v4 =	vor.u32 v35, v1;
	_ =	sdelay $0x1  }
0xa43: {  	v2 =	vmul.f32 $8.000000000e+00, v2;
	_ =	sdelay $0x1  }
0xa44: {  	[tilespmem:v3+s22+$0x0] =	vst.idx.msk $0xffff, v2  }
0xa45: {  	v2 =	vld.idx.msk [tilespmem:v4+s15+$0x0], $0xffff;
	_ =	sdelay $0x1  }
0xa46: {  	v3 =	vor.u32 v36, v0  }
0xa47: {  	v4 =	vor.u32 v37, v1;
	_ =	sdelay $0x1  }
0xa48: {  	v2 =	vmul.f32 $8.000000000e+00, v2;
	_ =	sdelay $0x1  }
0xa49: {  	[tilespmem:v3+s22+$0x0] =	vst.idx.msk $0xffff, v2  }
0xa4a: {  	v2 =	vld.idx.msk [tilespmem:v4+s15+$0x0], $0xffff;
	_ =	sdelay $0x1  }
0xa4b: {  	v3 =	vor.u32 v38, v0  }
0xa4c: {  	v4 =	vor.u32 v39, v1;
	_ =	sdelay $0x1  }
0xa4d: {  	v2 =	vmul.f32 $8.000000000e+00, v2;
	_ =	sdelay $0x1  }
0xa4e: {  	[tilespmem:v3+s22+$0x0] =	vst.idx.msk $0xffff, v2  }
0xa4f: {  	v2 =	vld.idx.msk [tilespmem:v4+s15+$0x0], $0xffff;
	_ =	sdelay $0x1  }
0xa50: {  	v3 =	vor.u32 v40, v0  }
0xa51: {  	v4 =	vor.u32 v41, v1;
	_ =	sdelay $0x1  }
0xa52: {  	v2 =	vmul.f32 $8.000000000e+00, v2;
	_ =	sdelay $0x1  }
0xa53: {  	[tilespmem:v3+s22+$0x0] =	vst.idx.msk $0xffff, v2  }
0xa54: {  	v2 =	vld.idx.msk [tilespmem:v4+s15+$0x0], $0xffff;
	_ =	sdelay $0x1  }
0xa55: {  	v3 =	vor.u32 v42, v0  }
0xa56: {  	v4 =	vor.u32 v43, v1;
	_ =	sdelay $0x1  }
0xa57: {  	v2 =	vmul.f32 $8.000000000e+00, v2;
	_ =	sdelay $0x1  }
0xa58: {  	[tilespmem:v3+s22+$0x0] =	vst.idx.msk $0xffff, v2  }
0xa59: {  	v2 =	vld.idx.msk [tilespmem:v4+s15+$0x0], $0xffff;
	_ =	sdelay $0x1  }
0xa5a: {  	v3 =	vor.u32 v44, v0  }
0xa5b: {  	v4 =	vor.u32 v45, v1;
	_ =	sdelay $0x1  }
0xa5c: {  	v2 =	vmul.f32 $8.000000000e+00, v2;
	_ =	sdelay $0x1  }
0xa5d: {  	[tilespmem:v3+s22+$0x0] =	vst.idx.msk $0xffff, v2  }
0xa5e: {  	v2 =	vld.idx.msk [tilespmem:v4+s15+$0x0], $0xffff;
	_ =	sdelay $0x1  }
0xa5f: {  	v3 =	vor.u32 v46, v0  }
0xa60: {  	v4 =	vor.u32 v47, v1;
	_ =	sdelay $0x1  }
0xa61: {  	v2 =	vmul.f32 $8.000000000e+00, v2;
	_ =	sdelay $0x1  }
0xa62: {  	[tilespmem:v3+s22+$0x0] =	vst.idx.msk $0xffff, v2  }
0xa63: {  	v2 =	vld.idx.msk [tilespmem:v4+s15+$0x0], $0xffff;
	_ =	sdelay $0x1  }
0xa64: {  	v3 =	vor.u32 v48, v0  }
0xa65: {  	v4 =	vor.u32 v49, v1;
	_ =	sdelay $0x1  }
0xa66: {  	v2 =	vmul.f32 $8.000000000e+00, v2;
	_ =	sdelay $0x1  }
0xa67: {  	[tilespmem:v3+s22+$0x0] =	vst.idx.msk $0xffff, v2  }
0xa68: {  	v2 =	vld.idx.msk [tilespmem:v4+s15+$0x0], $0xffff;
	_ =	sdelay $0x1  }
0xa69: {  	v3 =	vor.u32 v50, v0  }
0xa6a: {  	v4 =	vor.u32 v51, v1;
	_ =	sdelay $0x1  }
0xa6b: {  	v2 =	vmul.f32 $8.000000000e+00, v2;
	_ =	sdelay $0x1  }
0xa6c: {  	[tilespmem:v3+s22+$0x0] =	vst.idx.msk $0xffff, v2  }
0xa6d: {  	v2 =	vld.idx.msk [tilespmem:v4+s15+$0x0], $0xffff;
	_ =	sdelay $0x1  }
0xa6e: {  	v3 =	vor.u32 v52, v0  }
0xa6f: {  	v4 =	vor.u32 v53, v1;
	_ =	sdelay $0x1  }
0xa70: {  	v2 =	vmul.f32 $8.000000000e+00, v2;
	_ =	sdelay $0x1  }
0xa71: {  	[tilespmem:v3+s22+$0x0] =	vst.idx.msk $0xffff, v2  }
0xa72: {  	v2 =	vld.idx.msk [tilespmem:v4+s15+$0x0], $0xffff;
	_ =	sdelay $0x1  }
0xa73: {  	v3 =	vor.u32 v54, v0  }
0xa74: {  	v4 =	vor.u32 v55, v1;
	_ =	sdelay $0x1  }
0xa75: {  	v2 =	vmul.f32 $8.000000000e+00, v2;
	_ =	sdelay $0x1  }
0xa76: {  	[tilespmem:v3+s22+$0x0] =	vst.idx.msk $0xffff, v2  }
0xa77: {  	v2 =	vld.idx.msk [tilespmem:v4+s15+$0x0], $0xffff;
	_ =	sdelay $0x1  }
0xa78: {  	v3 =	vor.u32 v56, v0  }
0xa79: {  	v4 =	vor.u32 v57, v1;
	_ =	sdelay $0x1  }
0xa7a: {  	v2 =	vmul.f32 $8.000000000e+00, v2;
	_ =	sdelay $0x1  }
0xa7b: {  	[tilespmem:v3+s22+$0x0] =	vst.idx.msk $0xffff, v2  }
0xa7c: {  	v2 =	vld.idx.msk [tilespmem:v4+s15+$0x0], $0xffff;
	_ =	sdelay $0x1  }
0xa7d: {  	v3 =	vor.u32 v58, v0  }
0xa7e: {  	v4 =	vor.u32 v59, v1;
	_ =	sdelay $0x1  }
0xa7f: {  	v2 =	vmul.f32 $8.000000000e+00, v2;
	_ =	sdelay $0x1  }
0xa80: {  	[tilespmem:v3+s22+$0x0] =	vst.idx.msk $0xffff, v2  }
0xa81: {  	v2 =	vld.idx.msk [tilespmem:v4+s15+$0x0], $0xffff;
	_ =	sdelay $0x1  }
0xa82: {  	v3 =	vor.u32 v60, v0  }
0xa83: {  	v4 =	vor.u32 v61, v1;
	_ =	sdelay $0x1  }
0xa84: {  	v2 =	vmul.f32 $8.000000000e+00, v2;
	_ =	sdelay $0x1  }
0xa85: {  	[tilespmem:v3+s22+$0x0] =	vst.idx.msk $0xffff, v2  }
0xa86: {  	v2 =	vld.idx.msk [tilespmem:v4+s15+$0x0], $0xffff;
	_ =	sdelay $0x1  }
0xa87: {  	v3 =	vor.u32 v62, v0  }
0xa88: {  	v4 =	vor.u32 v63, v1;
	_ =	sdelay $0x1  }
0xa89: {  	v2 =	vmul.f32 $8.000000000e+00, v2;
	_ =	sdelay $0x1  }
0xa8a: {  	[tilespmem:v3+s22+$0x0] =	vst.idx.msk $0xffff, v2;
	v3 =	vld [tilespmem:$0x1FF90]  }
0xa8b: {  	v2 =	vld.idx.msk [tilespmem:v4+s15+$0x0], $0xffff  }
0xa8c: {  	v4 =	vld [tilespmem:$0x1FFA0];
	_ =	sdelay $0x3  }
0xa8d: {  	v3 =	vor.u32 v3, v0  }
0xa8e: {  	v4 =	vor.u32 v4, v1;
	_ =	sdelay $0x1  }
0xa8f: {  	v2 =	vmul.f32 $8.000000000e+00, v2;
	_ =	sdelay $0x1  }
0xa90: {  	[tilespmem:v3+s22+$0x0] =	vst.idx.msk $0xffff, v2  }
0xa91: {  	v2 =	vld.idx.msk [tilespmem:v4+s15+$0x0], $0xffff  }
0xa92: {  	v4 =	vld [tilespmem:$0x1FFC0];
	_ =	sdelay $0x3  }
0xa93: {  	v3 =	vor.u32 v5, v0  }
0xa94: {  	v1 =	vor.u32 v4, v1;
	_ =	sdelay $0x1  }
0xa95: {  	v2 =	vmul.f32 $8.000000000e+00, v2;
	_ =	sdelay $0x1  }
0xa96: {  	[tilespmem:v3+s22+$0x0] =	vst.idx.msk $0xffff, v2  }
0xa97: {  	s31 =	simm.s32 $0x1;
	v4 =	vld.idx.msk [tilespmem:v1+s15+$0x0], $0xffff;
	v1 =	vlaneseq.u32  }
0xa98: {  	v2 =	vadd.s32 s31, v1  }
0xa99: {  	v1 =	vand.u32 $0xF, v2;
	v5 =	vshll.u32 v2, $0x7;
	v2 =	vld [tilespmem:$0x1FFD0];
	_ =	sdelay $0x4  }
0xa9a: {  	v3 =	vor.u32 v2, v0  }
0xa9b: {  	s28 =	simm.s32 $0x2;
	v4 =	vmul.f32 $8.000000000e+00, v4;
	v2 =	vor.u32 v6, v1;
	v0 =	vand.u32 $0x780, v5  }
.LBB2_14:
0xa9c: {  	_ =	sdelay $0x2  }
0xa9d: {  	[tilespmem:v3+s22+$0x0] =	vst.idx.msk $0xffff, v4  }
0xa9e: {  	v2 =	vld.idx.msk [tilespmem:v2+s15+$0x0], $0xffff  }
0xa9f: {  	v5 =	vlaneseq.u32  }
0xaa0: {  	v3 =	vor.u32 v5, v0  }
0xaa1: {  	v4 =	vor.u32 v7, v1;
	_ =	sdelay $0x1  }
0xaa2: {  	v2 =	vmul.f32 $8.000000000e+00, v2;
	_ =	sdelay $0x1  }
0xaa3: {  	[tilespmem:v3+s22+$0x0] =	vst.idx.msk $0xffff, v2  }
0xaa4: {  	v2 =	vld.idx.msk [tilespmem:v4+s15+$0x0], $0xffff;
	_ =	sdelay $0x1  }
0xaa5: {  	v3 =	vor.u32 v8, v0  }
0xaa6: {  	v4 =	vor.u32 v9, v1;
	_ =	sdelay $0x1  }
0xaa7: {  	v2 =	vmul.f32 $8.000000000e+00, v2;
	_ =	sdelay $0x1  }
0xaa8: {  	[tilespmem:v3+s22+$0x0] =	vst.idx.msk $0xffff, v2  }
0xaa9: {  	v2 =	vld.idx.msk [tilespmem:v4+s15+$0x0], $0xffff;
	_ =	sdelay $0x1  }
0xaaa: {  	v3 =	vor.u32 v10, v0  }
0xaab: {  	v4 =	vor.u32 v11, v1;
	_ =	sdelay $0x1  }
0xaac: {  	v2 =	vmul.f32 $8.000000000e+00, v2;
	_ =	sdelay $0x1  }
0xaad: {  	[tilespmem:v3+s22+$0x0] =	vst.idx.msk $0xffff, v2  }
0xaae: {  	v2 =	vld.idx.msk [tilespmem:v4+s15+$0x0], $0xffff;
	_ =	sdelay $0x1  }
0xaaf: {  	v3 =	vor.u32 v12, v0  }
0xab0: {  	v4 =	vor.u32 v13, v1;
	_ =	sdelay $0x1  }
0xab1: {  	v2 =	vmul.f32 $8.000000000e+00, v2;
	_ =	sdelay $0x1  }
0xab2: {  	[tilespmem:v3+s22+$0x0] =	vst.idx.msk $0xffff, v2  }
0xab3: {  	v2 =	vld.idx.msk [tilespmem:v4+s15+$0x0], $0xffff;
	_ =	sdelay $0x1  }
0xab4: {  	v3 =	vor.u32 v14, v0  }
0xab5: {  	v4 =	vor.u32 v15, v1;
	_ =	sdelay $0x1  }
0xab6: {  	v2 =	vmul.f32 $8.000000000e+00, v2;
	_ =	sdelay $0x1  }
0xab7: {  	[tilespmem:v3+s22+$0x0] =	vst.idx.msk $0xffff, v2  }
0xab8: {  	v2 =	vld.idx.msk [tilespmem:v4+s15+$0x0], $0xffff;
	_ =	sdelay $0x1  }
0xab9: {  	v3 =	vor.u32 v16, v0  }
0xaba: {  	v4 =	vor.u32 v17, v1;
	_ =	sdelay $0x1  }
0xabb: {  	v2 =	vmul.f32 $8.000000000e+00, v2;
	_ =	sdelay $0x1  }
0xabc: {  	[tilespmem:v3+s22+$0x0] =	vst.idx.msk $0xffff, v2  }
0xabd: {  	v2 =	vld.idx.msk [tilespmem:v4+s15+$0x0], $0xffff;
	_ =	sdelay $0x1  }
0xabe: {  	v3 =	vor.u32 v18, v0  }
0xabf: {  	v4 =	vor.u32 v19, v1;
	_ =	sdelay $0x1  }
0xac0: {  	v2 =	vmul.f32 $8.000000000e+00, v2;
	_ =	sdelay $0x1  }
0xac1: {  	[tilespmem:v3+s22+$0x0] =	vst.idx.msk $0xffff, v2  }
0xac2: {  	v2 =	vld.idx.msk [tilespmem:v4+s15+$0x0], $0xffff;
	_ =	sdelay $0x1  }
0xac3: {  	v3 =	vor.u32 v20, v0  }
0xac4: {  	v4 =	vor.u32 v21, v1;
	_ =	sdelay $0x1  }
0xac5: {  	v2 =	vmul.f32 $8.000000000e+00, v2;
	_ =	sdelay $0x1  }
0xac6: {  	[tilespmem:v3+s22+$0x0] =	vst.idx.msk $0xffff, v2  }
0xac7: {  	v2 =	vld.idx.msk [tilespmem:v4+s15+$0x0], $0xffff;
	_ =	sdelay $0x1  }
0xac8: {  	v3 =	vor.u32 v22, v0  }
0xac9: {  	v4 =	vor.u32 v23, v1;
	_ =	sdelay $0x1  }
0xaca: {  	v2 =	vmul.f32 $8.000000000e+00, v2;
	_ =	sdelay $0x1  }
0xacb: {  	[tilespmem:v3+s22+$0x0] =	vst.idx.msk $0xffff, v2  }
0xacc: {  	v2 =	vld.idx.msk [tilespmem:v4+s15+$0x0], $0xffff;
	_ =	sdelay $0x1  }
0xacd: {  	v3 =	vor.u32 v24, v0  }
0xace: {  	v4 =	vor.u32 v25, v1;
	_ =	sdelay $0x1  }
0xacf: {  	v2 =	vmul.f32 $8.000000000e+00, v2;
	_ =	sdelay $0x1  }
0xad0: {  	[tilespmem:v3+s22+$0x0] =	vst.idx.msk $0xffff, v2  }
0xad1: {  	v2 =	vld.idx.msk [tilespmem:v4+s15+$0x0], $0xffff;
	_ =	sdelay $0x1  }
0xad2: {  	v3 =	vor.u32 v26, v0  }
0xad3: {  	v4 =	vor.u32 v27, v1;
	_ =	sdelay $0x1  }
0xad4: {  	v2 =	vmul.f32 $8.000000000e+00, v2;
	_ =	sdelay $0x1  }
0xad5: {  	[tilespmem:v3+s22+$0x0] =	vst.idx.msk $0xffff, v2  }
0xad6: {  	v2 =	vld.idx.msk [tilespmem:v4+s15+$0x0], $0xffff;
	_ =	sdelay $0x1  }
0xad7: {  	v3 =	vor.u32 v28, v0  }
0xad8: {  	v4 =	vor.u32 v29, v1;
	_ =	sdelay $0x1  }
0xad9: {  	v2 =	vmul.f32 $8.000000000e+00, v2;
	_ =	sdelay $0x1  }
0xada: {  	[tilespmem:v3+s22+$0x0] =	vst.idx.msk $0xffff, v2  }
0xadb: {  	v2 =	vld.idx.msk [tilespmem:v4+s15+$0x0], $0xffff;
	_ =	sdelay $0x1  }
0xadc: {  	v3 =	vor.u32 v30, v0  }
0xadd: {  	v4 =	vor.u32 v31, v1;
	_ =	sdelay $0x1  }
0xade: {  	v2 =	vmul.f32 $8.000000000e+00, v2;
	_ =	sdelay $0x1  }
0xadf: {  	[tilespmem:v3+s22+$0x0] =	vst.idx.msk $0xffff, v2  }
0xae0: {  	v2 =	vld.idx.msk [tilespmem:v4+s15+$0x0], $0xffff;
	_ =	sdelay $0x1  }
0xae1: {  	v3 =	vor.u32 v32, v0  }
0xae2: {  	v4 =	vor.u32 v33, v1;
	_ =	sdelay $0x1  }
0xae3: {  	v2 =	vmul.f32 $8.000000000e+00, v2;
	_ =	sdelay $0x1  }
0xae4: {  	[tilespmem:v3+s22+$0x0] =	vst.idx.msk $0xffff, v2  }
0xae5: {  	v2 =	vld.idx.msk [tilespmem:v4+s15+$0x0], $0xffff;
	_ =	sdelay $0x1  }
0xae6: {  	v3 =	vor.u32 v34, v0  }
0xae7: {  	v4 =	vor.u32 v35, v1;
	_ =	sdelay $0x1  }
0xae8: {  	v2 =	vmul.f32 $8.000000000e+00, v2;
	_ =	sdelay $0x1  }
0xae9: {  	[tilespmem:v3+s22+$0x0] =	vst.idx.msk $0xffff, v2  }
0xaea: {  	v2 =	vld.idx.msk [tilespmem:v4+s15+$0x0], $0xffff;
	_ =	sdelay $0x1  }
0xaeb: {  	v3 =	vor.u32 v36, v0  }
0xaec: {  	v4 =	vor.u32 v37, v1;
	_ =	sdelay $0x1  }
0xaed: {  	v2 =	vmul.f32 $8.000000000e+00, v2;
	_ =	sdelay $0x1  }
0xaee: {  	[tilespmem:v3+s22+$0x0] =	vst.idx.msk $0xffff, v2  }
0xaef: {  	v2 =	vld.idx.msk [tilespmem:v4+s15+$0x0], $0xffff;
	_ =	sdelay $0x1  }
0xaf0: {  	v3 =	vor.u32 v38, v0  }
0xaf1: {  	v4 =	vor.u32 v39, v1;
	_ =	sdelay $0x1  }
0xaf2: {  	v2 =	vmul.f32 $8.000000000e+00, v2;
	_ =	sdelay $0x1  }
0xaf3: {  	[tilespmem:v3+s22+$0x0] =	vst.idx.msk $0xffff, v2  }
0xaf4: {  	v2 =	vld.idx.msk [tilespmem:v4+s15+$0x0], $0xffff;
	_ =	sdelay $0x1  }
0xaf5: {  	v3 =	vor.u32 v40, v0  }
0xaf6: {  	v4 =	vor.u32 v41, v1;
	_ =	sdelay $0x1  }
0xaf7: {  	v2 =	vmul.f32 $8.000000000e+00, v2;
	_ =	sdelay $0x1  }
0xaf8: {  	[tilespmem:v3+s22+$0x0] =	vst.idx.msk $0xffff, v2  }
0xaf9: {  	v2 =	vld.idx.msk [tilespmem:v4+s15+$0x0], $0xffff;
	_ =	sdelay $0x1  }
0xafa: {  	v3 =	vor.u32 v42, v0  }
0xafb: {  	v4 =	vor.u32 v43, v1;
	_ =	sdelay $0x1  }
0xafc: {  	v2 =	vmul.f32 $8.000000000e+00, v2;
	_ =	sdelay $0x1  }
0xafd: {  	[tilespmem:v3+s22+$0x0] =	vst.idx.msk $0xffff, v2  }
0xafe: {  	v2 =	vld.idx.msk [tilespmem:v4+s15+$0x0], $0xffff;
	_ =	sdelay $0x1  }
0xaff: {  	v3 =	vor.u32 v44, v0  }
0xb00: {  	v4 =	vor.u32 v45, v1;
	_ =	sdelay $0x1  }
0xb01: {  	v2 =	vmul.f32 $8.000000000e+00, v2;
	_ =	sdelay $0x1  }
0xb02: {  	[tilespmem:v3+s22+$0x0] =	vst.idx.msk $0xffff, v2  }
0xb03: {  	v2 =	vld.idx.msk [tilespmem:v4+s15+$0x0], $0xffff;
	_ =	sdelay $0x1  }
0xb04: {  	v3 =	vor.u32 v46, v0  }
0xb05: {  	v4 =	vor.u32 v47, v1;
	_ =	sdelay $0x1  }
0xb06: {  	v2 =	vmul.f32 $8.000000000e+00, v2;
	_ =	sdelay $0x1  }
0xb07: {  	[tilespmem:v3+s22+$0x0] =	vst.idx.msk $0xffff, v2  }
0xb08: {  	v2 =	vld.idx.msk [tilespmem:v4+s15+$0x0], $0xffff;
	_ =	sdelay $0x1  }
0xb09: {  	v3 =	vor.u32 v48, v0  }
0xb0a: {  	v4 =	vor.u32 v49, v1;
	_ =	sdelay $0x1  }
0xb0b: {  	v2 =	vmul.f32 $8.000000000e+00, v2;
	_ =	sdelay $0x1  }
0xb0c: {  	[tilespmem:v3+s22+$0x0] =	vst.idx.msk $0xffff, v2  }
0xb0d: {  	v2 =	vld.idx.msk [tilespmem:v4+s15+$0x0], $0xffff;
	_ =	sdelay $0x1  }
0xb0e: {  	v3 =	vor.u32 v50, v0  }
0xb0f: {  	v4 =	vor.u32 v51, v1;
	_ =	sdelay $0x1  }
0xb10: {  	v2 =	vmul.f32 $8.000000000e+00, v2;
	_ =	sdelay $0x1  }
0xb11: {  	[tilespmem:v3+s22+$0x0] =	vst.idx.msk $0xffff, v2  }
0xb12: {  	v2 =	vld.idx.msk [tilespmem:v4+s15+$0x0], $0xffff;
	_ =	sdelay $0x1  }
0xb13: {  	v3 =	vor.u32 v52, v0  }
0xb14: {  	v4 =	vor.u32 v53, v1;
	_ =	sdelay $0x1  }
0xb15: {  	v2 =	vmul.f32 $8.000000000e+00, v2;
	_ =	sdelay $0x1  }
0xb16: {  	[tilespmem:v3+s22+$0x0] =	vst.idx.msk $0xffff, v2  }
0xb17: {  	v2 =	vld.idx.msk [tilespmem:v4+s15+$0x0], $0xffff;
	_ =	sdelay $0x1  }
0xb18: {  	v3 =	vor.u32 v54, v0  }
0xb19: {  	v4 =	vor.u32 v55, v1;
	_ =	sdelay $0x1  }
0xb1a: {  	v2 =	vmul.f32 $8.000000000e+00, v2;
	_ =	sdelay $0x1  }
0xb1b: {  	[tilespmem:v3+s22+$0x0] =	vst.idx.msk $0xffff, v2  }
0xb1c: {  	v2 =	vld.idx.msk [tilespmem:v4+s15+$0x0], $0xffff;
	_ =	sdelay $0x1  }
0xb1d: {  	v3 =	vor.u32 v56, v0  }
0xb1e: {  	v4 =	vor.u32 v57, v1;
	_ =	sdelay $0x1  }
0xb1f: {  	v2 =	vmul.f32 $8.000000000e+00, v2;
	_ =	sdelay $0x1  }
0xb20: {  	[tilespmem:v3+s22+$0x0] =	vst.idx.msk $0xffff, v2  }
0xb21: {  	v2 =	vld.idx.msk [tilespmem:v4+s15+$0x0], $0xffff;
	_ =	sdelay $0x1  }
0xb22: {  	v3 =	vor.u32 v58, v0  }
0xb23: {  	v4 =	vor.u32 v59, v1;
	_ =	sdelay $0x1  }
0xb24: {  	v2 =	vmul.f32 $8.000000000e+00, v2;
	_ =	sdelay $0x1  }
0xb25: {  	[tilespmem:v3+s22+$0x0] =	vst.idx.msk $0xffff, v2  }
0xb26: {  	v2 =	vld.idx.msk [tilespmem:v4+s15+$0x0], $0xffff;
	_ =	sdelay $0x1  }
0xb27: {  	v3 =	vor.u32 v60, v0  }
0xb28: {  	v4 =	vor.u32 v61, v1;
	_ =	sdelay $0x1  }
0xb29: {  	v2 =	vmul.f32 $8.000000000e+00, v2;
	_ =	sdelay $0x1  }
0xb2a: {  	[tilespmem:v3+s22+$0x0] =	vst.idx.msk $0xffff, v2  }
0xb2b: {  	v2 =	vld.idx.msk [tilespmem:v4+s15+$0x0], $0xffff;
	_ =	sdelay $0x1  }
0xb2c: {  	v3 =	vor.u32 v62, v0  }
0xb2d: {  	v4 =	vor.u32 v63, v1;
	_ =	sdelay $0x1  }
0xb2e: {  	v2 =	vmul.f32 $8.000000000e+00, v2;
	_ =	sdelay $0x1  }
0xb2f: {  	[tilespmem:v3+s22+$0x0] =	vst.idx.msk $0xffff, v2;
	v3 =	vld [tilespmem:$0x1FF90]  }
0xb30: {  	v2 =	vld.idx.msk [tilespmem:v4+s15+$0x0], $0xffff  }
0xb31: {  	v4 =	vld [tilespmem:$0x1FFA0];
	_ =	sdelay $0x3  }
0xb32: {  	v3 =	vor.u32 v3, v0  }
0xb33: {  	v4 =	vor.u32 v4, v1;
	_ =	sdelay $0x1  }
0xb34: {  	v2 =	vmul.f32 $8.000000000e+00, v2;
	_ =	sdelay $0x1  }
0xb35: {  	[tilespmem:v3+s22+$0x0] =	vst.idx.msk $0xffff, v2;
	v3 =	vld [tilespmem:$0x1FFB0]  }
0xb36: {  	v2 =	vld.idx.msk [tilespmem:v4+s15+$0x0], $0xffff  }
0xb37: {  	v4 =	vld [tilespmem:$0x1FFC0];
	_ =	sdelay $0x3  }
0xb38: {  	v3 =	vor.u32 v3, v0  }
0xb39: {  	v1 =	vor.u32 v4, v1;
	_ =	sdelay $0x1  }
0xb3a: {  	v2 =	vmul.f32 $8.000000000e+00, v2;
	_ =	sdelay $0x1  }
0xb3b: {  	s1 =	smov.u32 s28;
	[tilespmem:v3+s22+$0x0] =	vst.idx.msk $0xffff, v2  }
0xb3c: {  	v2 =	vadd.s32 s1, v5;
	v4 =	vld.idx.msk [tilespmem:v1+s15+$0x0], $0xffff  }
0xb3d: {  	v1 =	vand.u32 $0xF, v2;
	v5 =	vshll.u32 v2, $0x7;
	v2 =	vld [tilespmem:$0x1FFD0];
	_ =	sdelay $0x4  }
0xb3e: {  	p0 =	sne.s32 s28, $0xF;
	v3 =	vor.u32 v2, v0;
	v0 =	vld [tilespmem:$0x1FFE0]  }
.Ltmp6:
0xb3f: {  	_ = 	snop;
	(pc) =	sbr.rel @p0 .LBB2_14-.Ltmp6, $3  }
0xb40: {  	_ =	sdelay $0x1  }
0xb41: {  	v6 =	vlaneseq.u32  }
0xb42: {  	s28 =	sadd.s32 $0x1, s28;
	v4 =	vmul.f32 $8.000000000e+00, v4;
	v2 =	vor.u32 v0, v1;
	v0 =	vand.u32 $0x780, v5  }
0xb43: {  	_ =	sdelay $0x3  }
0xb44: {  	[tilespmem:v3+s22+$0x0] =	vst.idx.msk $0xffff, v4  }
0xb45: {  	v2 =	vld.idx.msk [tilespmem:v2+s15+$0x0], $0xffff;
	_ =	sdelay $0x1  }
0xb46: {  	v3 =	vor.u32 v6, v0  }
0xb47: {  	v4 =	vor.u32 v7, v1;
	_ =	sdelay $0x1  }
0xb48: {  	v2 =	vmul.f32 $8.000000000e+00, v2;
	_ =	sdelay $0x1  }
0xb49: {  	[tilespmem:v3+s22+$0x0] =	vst.idx.msk $0xffff, v2  }
0xb4a: {  	v2 =	vld.idx.msk [tilespmem:v4+s15+$0x0], $0xffff;
	_ =	sdelay $0x1  }
0xb4b: {  	v3 =	vor.u32 v8, v0  }
0xb4c: {  	v4 =	vor.u32 v9, v1;
	_ =	sdelay $0x1  }
0xb4d: {  	v2 =	vmul.f32 $8.000000000e+00, v2;
	_ =	sdelay $0x1  }
0xb4e: {  	[tilespmem:v3+s22+$0x0] =	vst.idx.msk $0xffff, v2  }
0xb4f: {  	v2 =	vld.idx.msk [tilespmem:v4+s15+$0x0], $0xffff;
	_ =	sdelay $0x1  }
0xb50: {  	v3 =	vor.u32 v10, v0  }
0xb51: {  	v4 =	vor.u32 v11, v1;
	_ =	sdelay $0x1  }
0xb52: {  	v2 =	vmul.f32 $8.000000000e+00, v2;
	_ =	sdelay $0x1  }
0xb53: {  	[tilespmem:v3+s22+$0x0] =	vst.idx.msk $0xffff, v2  }
0xb54: {  	v2 =	vld.idx.msk [tilespmem:v4+s15+$0x0], $0xffff;
	_ =	sdelay $0x1  }
0xb55: {  	v3 =	vor.u32 v12, v0  }
0xb56: {  	v4 =	vor.u32 v13, v1;
	_ =	sdelay $0x1  }
0xb57: {  	v2 =	vmul.f32 $8.000000000e+00, v2;
	_ =	sdelay $0x1  }
0xb58: {  	[tilespmem:v3+s22+$0x0] =	vst.idx.msk $0xffff, v2  }
0xb59: {  	v2 =	vld.idx.msk [tilespmem:v4+s15+$0x0], $0xffff;
	_ =	sdelay $0x1  }
0xb5a: {  	v3 =	vor.u32 v14, v0  }
0xb5b: {  	v4 =	vor.u32 v15, v1;
	_ =	sdelay $0x1  }
0xb5c: {  	v2 =	vmul.f32 $8.000000000e+00, v2;
	_ =	sdelay $0x1  }
0xb5d: {  	[tilespmem:v3+s22+$0x0] =	vst.idx.msk $0xffff, v2  }
0xb5e: {  	v2 =	vld.idx.msk [tilespmem:v4+s15+$0x0], $0xffff;
	_ =	sdelay $0x1  }
0xb5f: {  	v3 =	vor.u32 v16, v0  }
0xb60: {  	v4 =	vor.u32 v17, v1;
	_ =	sdelay $0x1  }
0xb61: {  	v2 =	vmul.f32 $8.000000000e+00, v2;
	_ =	sdelay $0x1  }
0xb62: {  	[tilespmem:v3+s22+$0x0] =	vst.idx.msk $0xffff, v2  }
0xb63: {  	v2 =	vld.idx.msk [tilespmem:v4+s15+$0x0], $0xffff;
	_ =	sdelay $0x1  }
0xb64: {  	v3 =	vor.u32 v18, v0  }
0xb65: {  	v4 =	vor.u32 v19, v1;
	_ =	sdelay $0x1  }
0xb66: {  	v2 =	vmul.f32 $8.000000000e+00, v2;
	_ =	sdelay $0x1  }
0xb67: {  	[tilespmem:v3+s22+$0x0] =	vst.idx.msk $0xffff, v2  }
0xb68: {  	v2 =	vld.idx.msk [tilespmem:v4+s15+$0x0], $0xffff;
	_ =	sdelay $0x1  }
0xb69: {  	v3 =	vor.u32 v20, v0  }
0xb6a: {  	v4 =	vor.u32 v21, v1;
	_ =	sdelay $0x1  }
0xb6b: {  	v2 =	vmul.f32 $8.000000000e+00, v2;
	_ =	sdelay $0x1  }
0xb6c: {  	[tilespmem:v3+s22+$0x0] =	vst.idx.msk $0xffff, v2  }
0xb6d: {  	v2 =	vld.idx.msk [tilespmem:v4+s15+$0x0], $0xffff;
	_ =	sdelay $0x1  }
0xb6e: {  	v3 =	vor.u32 v22, v0  }
0xb6f: {  	v4 =	vor.u32 v23, v1;
	_ =	sdelay $0x1  }
0xb70: {  	v2 =	vmul.f32 $8.000000000e+00, v2;
	_ =	sdelay $0x1  }
0xb71: {  	[tilespmem:v3+s22+$0x0] =	vst.idx.msk $0xffff, v2  }
0xb72: {  	v2 =	vld.idx.msk [tilespmem:v4+s15+$0x0], $0xffff;
	_ =	sdelay $0x1  }
0xb73: {  	v3 =	vor.u32 v24, v0  }
0xb74: {  	v4 =	vor.u32 v25, v1;
	_ =	sdelay $0x1  }
0xb75: {  	v2 =	vmul.f32 $8.000000000e+00, v2;
	_ =	sdelay $0x1  }
0xb76: {  	[tilespmem:v3+s22+$0x0] =	vst.idx.msk $0xffff, v2  }
0xb77: {  	v2 =	vld.idx.msk [tilespmem:v4+s15+$0x0], $0xffff;
	_ =	sdelay $0x1  }
0xb78: {  	v3 =	vor.u32 v26, v0  }
0xb79: {  	v4 =	vor.u32 v27, v1;
	_ =	sdelay $0x1  }
0xb7a: {  	v2 =	vmul.f32 $8.000000000e+00, v2;
	_ =	sdelay $0x1  }
0xb7b: {  	[tilespmem:v3+s22+$0x0] =	vst.idx.msk $0xffff, v2  }
0xb7c: {  	v2 =	vld.idx.msk [tilespmem:v4+s15+$0x0], $0xffff;
	_ =	sdelay $0x1  }
0xb7d: {  	v3 =	vor.u32 v28, v0  }
0xb7e: {  	v4 =	vor.u32 v29, v1;
	_ =	sdelay $0x1  }
0xb7f: {  	v2 =	vmul.f32 $8.000000000e+00, v2;
	_ =	sdelay $0x1  }
0xb80: {  	[tilespmem:v3+s22+$0x0] =	vst.idx.msk $0xffff, v2  }
0xb81: {  	v2 =	vld.idx.msk [tilespmem:v4+s15+$0x0], $0xffff;
	_ =	sdelay $0x1  }
0xb82: {  	v3 =	vor.u32 v30, v0  }
0xb83: {  	v4 =	vor.u32 v31, v1;
	_ =	sdelay $0x1  }
0xb84: {  	v2 =	vmul.f32 $8.000000000e+00, v2;
	_ =	sdelay $0x1  }
0xb85: {  	[tilespmem:v3+s22+$0x0] =	vst.idx.msk $0xffff, v2  }
0xb86: {  	v2 =	vld.idx.msk [tilespmem:v4+s15+$0x0], $0xffff;
	_ =	sdelay $0x1  }
0xb87: {  	v3 =	vor.u32 v32, v0  }
0xb88: {  	v4 =	vor.u32 v33, v1;
	_ =	sdelay $0x1  }
0xb89: {  	v2 =	vmul.f32 $8.000000000e+00, v2;
	_ =	sdelay $0x1  }
0xb8a: {  	[tilespmem:v3+s22+$0x0] =	vst.idx.msk $0xffff, v2  }
0xb8b: {  	v2 =	vld.idx.msk [tilespmem:v4+s15+$0x0], $0xffff;
	_ =	sdelay $0x1  }
0xb8c: {  	v3 =	vor.u32 v34, v0  }
0xb8d: {  	v4 =	vor.u32 v35, v1;
	_ =	sdelay $0x1  }
0xb8e: {  	v2 =	vmul.f32 $8.000000000e+00, v2;
	_ =	sdelay $0x1  }
0xb8f: {  	[tilespmem:v3+s22+$0x0] =	vst.idx.msk $0xffff, v2  }
0xb90: {  	v2 =	vld.idx.msk [tilespmem:v4+s15+$0x0], $0xffff;
	_ =	sdelay $0x1  }
0xb91: {  	v3 =	vor.u32 v36, v0  }
0xb92: {  	v4 =	vor.u32 v37, v1;
	_ =	sdelay $0x1  }
0xb93: {  	v2 =	vmul.f32 $8.000000000e+00, v2;
	_ =	sdelay $0x1  }
0xb94: {  	[tilespmem:v3+s22+$0x0] =	vst.idx.msk $0xffff, v2  }
0xb95: {  	v2 =	vld.idx.msk [tilespmem:v4+s15+$0x0], $0xffff;
	_ =	sdelay $0x1  }
0xb96: {  	v3 =	vor.u32 v38, v0  }
0xb97: {  	v4 =	vor.u32 v39, v1;
	_ =	sdelay $0x1  }
0xb98: {  	v2 =	vmul.f32 $8.000000000e+00, v2;
	_ =	sdelay $0x1  }
0xb99: {  	[tilespmem:v3+s22+$0x0] =	vst.idx.msk $0xffff, v2  }
0xb9a: {  	v2 =	vld.idx.msk [tilespmem:v4+s15+$0x0], $0xffff;
	_ =	sdelay $0x1  }
0xb9b: {  	v3 =	vor.u32 v40, v0  }
0xb9c: {  	v4 =	vor.u32 v41, v1;
	_ =	sdelay $0x1  }
0xb9d: {  	v2 =	vmul.f32 $8.000000000e+00, v2;
	_ =	sdelay $0x1  }
0xb9e: {  	[tilespmem:v3+s22+$0x0] =	vst.idx.msk $0xffff, v2  }
0xb9f: {  	v2 =	vld.idx.msk [tilespmem:v4+s15+$0x0], $0xffff;
	_ =	sdelay $0x1  }
0xba0: {  	v3 =	vor.u32 v42, v0  }
0xba1: {  	v4 =	vor.u32 v43, v1;
	_ =	sdelay $0x1  }
0xba2: {  	v2 =	vmul.f32 $8.000000000e+00, v2;
	_ =	sdelay $0x1  }
0xba3: {  	[tilespmem:v3+s22+$0x0] =	vst.idx.msk $0xffff, v2  }
0xba4: {  	v2 =	vld.idx.msk [tilespmem:v4+s15+$0x0], $0xffff;
	_ =	sdelay $0x1  }
0xba5: {  	v3 =	vor.u32 v44, v0  }
0xba6: {  	v4 =	vor.u32 v45, v1;
	_ =	sdelay $0x1  }
0xba7: {  	v2 =	vmul.f32 $8.000000000e+00, v2;
	_ =	sdelay $0x1  }
0xba8: {  	[tilespmem:v3+s22+$0x0] =	vst.idx.msk $0xffff, v2  }
0xba9: {  	v2 =	vld.idx.msk [tilespmem:v4+s15+$0x0], $0xffff;
	_ =	sdelay $0x1  }
0xbaa: {  	v3 =	vor.u32 v46, v0  }
0xbab: {  	v4 =	vor.u32 v47, v1;
	_ =	sdelay $0x1  }
0xbac: {  	v2 =	vmul.f32 $8.000000000e+00, v2;
	_ =	sdelay $0x1  }
0xbad: {  	[tilespmem:v3+s22+$0x0] =	vst.idx.msk $0xffff, v2  }
0xbae: {  	v2 =	vld.idx.msk [tilespmem:v4+s15+$0x0], $0xffff;
	_ =	sdelay $0x1  }
0xbaf: {  	v3 =	vor.u32 v48, v0  }
0xbb0: {  	v4 =	vor.u32 v49, v1;
	_ =	sdelay $0x1  }
0xbb1: {  	v2 =	vmul.f32 $8.000000000e+00, v2;
	_ =	sdelay $0x1  }
0xbb2: {  	[tilespmem:v3+s22+$0x0] =	vst.idx.msk $0xffff, v2  }
0xbb3: {  	v2 =	vld.idx.msk [tilespmem:v4+s15+$0x0], $0xffff;
	_ =	sdelay $0x1  }
0xbb4: {  	v3 =	vor.u32 v50, v0  }
0xbb5: {  	v4 =	vor.u32 v51, v1;
	_ =	sdelay $0x1  }
0xbb6: {  	v2 =	vmul.f32 $8.000000000e+00, v2;
	_ =	sdelay $0x1  }
0xbb7: {  	[tilespmem:v3+s22+$0x0] =	vst.idx.msk $0xffff, v2  }
0xbb8: {  	v2 =	vld.idx.msk [tilespmem:v4+s15+$0x0], $0xffff;
	_ =	sdelay $0x1  }
0xbb9: {  	v3 =	vor.u32 v52, v0  }
0xbba: {  	v4 =	vor.u32 v53, v1;
	_ =	sdelay $0x1  }
0xbbb: {  	v2 =	vmul.f32 $8.000000000e+00, v2;
	_ =	sdelay $0x1  }
0xbbc: {  	[tilespmem:v3+s22+$0x0] =	vst.idx.msk $0xffff, v2  }
0xbbd: {  	v2 =	vld.idx.msk [tilespmem:v4+s15+$0x0], $0xffff;
	_ =	sdelay $0x1  }
0xbbe: {  	v3 =	vor.u32 v54, v0  }
0xbbf: {  	v4 =	vor.u32 v55, v1;
	_ =	sdelay $0x1  }
0xbc0: {  	v2 =	vmul.f32 $8.000000000e+00, v2;
	_ =	sdelay $0x1  }
0xbc1: {  	[tilespmem:v3+s22+$0x0] =	vst.idx.msk $0xffff, v2  }
0xbc2: {  	v2 =	vld.idx.msk [tilespmem:v4+s15+$0x0], $0xffff;
	_ =	sdelay $0x1  }
0xbc3: {  	v3 =	vor.u32 v56, v0  }
0xbc4: {  	v4 =	vor.u32 v57, v1;
	_ =	sdelay $0x1  }
0xbc5: {  	v2 =	vmul.f32 $8.000000000e+00, v2;
	_ =	sdelay $0x1  }
0xbc6: {  	[tilespmem:v3+s22+$0x0] =	vst.idx.msk $0xffff, v2  }
0xbc7: {  	v2 =	vld.idx.msk [tilespmem:v4+s15+$0x0], $0xffff;
	_ =	sdelay $0x1  }
0xbc8: {  	v3 =	vor.u32 v58, v0  }
0xbc9: {  	v4 =	vor.u32 v59, v1;
	_ =	sdelay $0x1  }
0xbca: {  	v2 =	vmul.f32 $8.000000000e+00, v2;
	_ =	sdelay $0x1  }
0xbcb: {  	[tilespmem:v3+s22+$0x0] =	vst.idx.msk $0xffff, v2  }
0xbcc: {  	v2 =	vld.idx.msk [tilespmem:v4+s15+$0x0], $0xffff;
	_ =	sdelay $0x1  }
0xbcd: {  	v3 =	vor.u32 v60, v0  }
0xbce: {  	v4 =	vor.u32 v61, v1;
	_ =	sdelay $0x1  }
0xbcf: {  	v2 =	vmul.f32 $8.000000000e+00, v2;
	_ =	sdelay $0x1  }
0xbd0: {  	[tilespmem:v3+s22+$0x0] =	vst.idx.msk $0xffff, v2  }
0xbd1: {  	v2 =	vld.idx.msk [tilespmem:v4+s15+$0x0], $0xffff;
	_ =	sdelay $0x1  }
0xbd2: {  	v3 =	vor.u32 v62, v0  }
0xbd3: {  	v4 =	vor.u32 v63, v1;
	_ =	sdelay $0x1  }
0xbd4: {  	v2 =	vmul.f32 $8.000000000e+00, v2;
	_ =	sdelay $0x1  }
0xbd5: {  	[tilespmem:v3+s22+$0x0] =	vst.idx.msk $0xffff, v2;
	v3 =	vld [tilespmem:$0x1FF90]  }
0xbd6: {  	v2 =	vld.idx.msk [tilespmem:v4+s15+$0x0], $0xffff  }
0xbd7: {  	v4 =	vld [tilespmem:$0x1FFA0];
	_ =	sdelay $0x2  }
0xbd8: {  	v3 =	vor.u32 v3, v0;
	_ =	sdelay $0x1  }
0xbd9: {  	v4 =	vor.u32 v4, v1  }
0xbda: {  	v2 =	vmul.f32 $8.000000000e+00, v2;
	_ =	sdelay $0x1  }
0xbdb: {  	[tilespmem:v3+s22+$0x0] =	vst.idx.msk $0xffff, v2;
	v3 =	vld [tilespmem:$0x1FFB0];
	_ =	sdelay $0x1  }
0xbdc: {  	v2 =	vld.idx.msk [tilespmem:v4+s15+$0x0], $0xffff  }
0xbdd: {  	v4 =	vld [tilespmem:$0x1FFC0];
	_ =	sdelay $0x1  }
0xbde: {  	v3 =	vor.u32 v3, v0;
	_ =	sdelay $0x2  }
0xbdf: {  	v1 =	vor.u32 v4, v1;
	v2 =	vmul.f32 $8.000000000e+00, v2;
	_ =	sdelay $0x1  }
0xbe0: {  	[tilespmem:v3+s22+$0x0] =	vst.idx.msk $0xffff, v2;
	v2 =	vld [tilespmem:$0x1FFD0];
	_ =	sdelay $0x2  }
0xbe1: {  	v1 =	vld.idx.msk [tilespmem:v1+s15+$0x0], $0xffff;
	_ =	sdelay $0x1  }
0xbe2: {  	v0 =	vor.u32 v2, v0;
	_ =	sdelay $0x2  }
0xbe3: {  	v1 =	vmul.f32 $8.000000000e+00, v1;
	_ =	sdelay $0x1  }
0xbe4: {  	s26 =	sadd.s32 $0x1, s26;
	[tilespmem:v0+s22+$0x0] =	vst.idx.msk $0xffff, v1  }
0xbe5: {  	[hbm4b:s10+s18] =	stream.strided.scatter [tilespmem:s22], [sflag:$0x4], $0x2000, s19, s18, $0x38;
	[tilespmem:$0xE400] =	vst v63  }
0xbe6: {  	p0 =	sne.s32 s26, s11;
	_ =	swait.ge [sflag:s24], $0x2000  }
.Ltmp7:
0xbe7: {  	[sflag:s24] =	ssyncset.done $0x0;
	(pc) =	sbr.rel @p0 .LBB2_1-.Ltmp7, $4  }
0xbe8: {  	[sflag:s24] =	ssyncadd.s32 $0xFFFFE000  }
0xbe9: {  	_ =	swait.ge [sflag:s25], $0x2000  }
0xbea: {  	[sflag:s25] =	ssyncset.done $0x0  }
0xbeb: {  	v6 =	vld [tilespmem:$0x1FFE0];
	[sflag:s25] =	ssyncadd.s32 $0xFFFFE000  }
0xbec: {  	_ =	sfence.sel $0x180000  }
0xbed: {  	[bflag:$0x0] =	sbarrier.arrive $0xFFFF  }
0xbee: {  	_ =	strace $0x90000047  }
0xbef: {  	[bflag:$0x2] =	sbarrier.arrive $0xFFFF  }
0xbf0: {  	p0 =	sne.s32 s0, $0x0;
	s0 =	rddreg [dreg:$0x2]  }
0xbf1: {  	s0 =	sadd.s32 @!p0 $0x100000, s0  }
0xbf2: {  	[sflag:s0] =	ssyncadd.tile.s32 @!p0 $0x1;
	_ =	shalt  }
.Lfunc_end2:
_tile_overlayer_lowered:
.L_overlay_start_2:
0xbf3: {  	(tag) =	ssettag $0x2  }
0xbf4: {  	s0 =	rddreg [dreg:$0x0];
	s2 =	stileid.u32  }
0xbf5: {  	s1 =	rddreg [dreg:$0x1];
	p0 =	sne.s32 s2, $0x0  }
0xbf6: {  	s3 =	rddreg [dreg:$0x2];
	[bflag:$0x3] =	sbarrier.arrive $0xFFFF;
	s2 =	simm.s32 @!p0 $0x1C05  }
0xbf7: {  	[timem:s3], [sflag:s2] =	dma.local @!p0 [hbm:s0], s1  }
0xbf8: {  	s0 =	simm.s32 @!p0 $0x5  }
0xbf9: {  	_ =	swait.ge @!p0 [sflag:s0], s1  }
0xbfa: {  	s1 =	ssub.s32 @!p0 $0x0, s1;
	[sflag:s0] =	ssyncset.done @!p0 $0x0  }
0xbfb: {  	[sflag:s0] =	ssyncadd.s32 @!p0 s1  }
0xbfc: {  	[bflag:$0x3] =	sbarrier.arrive $0xFFFF  }
0xbfd: {  	_ =	shalt  }

</sc_bundles>
